<compile_context>
chip_gen: v7x
topology: tpu7x:2x2x1
jax: 0.10.2.dev20260603
libtpu: 0.0.44.dev20260713+nightly
codegen_flags: <defaults>
</compile_context>

<pallas_src>
import functools

import jax
import jax.numpy as jnp
import numpy as np
from jax import lax
from jax.experimental import pallas as pl
from jax.experimental.pallas import tpu as pltpu

B = 1024
L = 20
DIM = 100
NUM_TOTAL = 100000
ALPHA = 0.2

BB = 8
BBL = BB * L
NBLK = B // BB
NEG = -9e15

NW = 32
DPAD = 128
SEG = B * L
ROWS_TOTAL = 3 * SEG
IDX_ROWS_PER_W = B // NW
SEG_PER_W = IDX_ROWS_PER_W * L


def _make_sc_gather(nseg):
    from jax.experimental.pallas import tpu_sc as plsc

    mesh = plsc.VectorSubcoreMesh(core_axis_name="c", subcore_axis_name="s")

    @functools.partial(
        pl.kernel,
        mesh=mesh,
        out_type=jax.ShapeDtypeStruct((nseg * SEG, DPAD), jnp.float32),
        compiler_params=pltpu.CompilerParams(use_tc_tiling_on_sc=True),
        scratch_types=[
            pltpu.VMEM((IDX_ROWS_PER_W, L), jnp.int32),
            pltpu.VMEM((SEG_PER_W, DPAD), jnp.float32),
            pltpu.SemaphoreType.DMA,
        ],
    )
    def gather_kernel(table_hbm, *args):
        idx_hbms = args[:nseg]
        out_hbm = args[nseg]
        idx_v, rows_v, sem = args[nseg + 1:]
        wid = lax.axis_index("s") * 2 + lax.axis_index("c")
        ibase = wid * IDX_ROWS_PER_W

        for seg, idx_hbm in enumerate(idx_hbms):
            pltpu.sync_copy(idx_hbm.at[pl.ds(ibase, IDX_ROWS_PER_W)], idx_v)
            copies = []
            for r in range(IDX_ROWS_PER_W):
                copies.append(pltpu.async_copy(
                    table_hbm.at[idx_v.at[r]],
                    rows_v.at[pl.ds(r * L, L)], sem))
            for cp in copies:
                cp.wait()
            pltpu.sync_copy(
                rows_v, out_hbm.at[pl.ds(seg * SEG + wid * SEG_PER_W,
                                         SEG_PER_W)])

    return gather_kernel


PAD_ROWS = 10000


def _pad_body(src_ref, dst_ref):
    blk = jnp.concatenate([
        src_ref[...],
        jnp.ones((PAD_ROWS, 1), jnp.float32),
        jnp.zeros((PAD_ROWS, DPAD - DIM - 1), jnp.float32),
    ], axis=1)
    dst_ref[...] = blk


def _pad_table(emb):
    return pl.pallas_call(
        _pad_body,
        grid=(NUM_TOTAL // PAD_ROWS,),
        in_specs=[pl.BlockSpec((PAD_ROWS, DIM), lambda i: (i, 0))],
        out_specs=pl.BlockSpec((PAD_ROWS, DPAD), lambda i: (i, 0)),
        out_shape=jax.ShapeDtypeStruct((NUM_TOTAL, DPAD), jnp.float32),
    )(emb)


def _local_agg_block(Xp, adj_small, a_t, fill, tmat):
    X = Xp[:, :DIM]
    XT = X.T
    adj_t = jnp.dot(adj_small.astype(jnp.float32), tmat,
                    preferred_element_type=jnp.float32)
    acc = jnp.zeros((BBL, BBL), jnp.float32)
    for k in range(4):
        Ek = jnp.dot(X * a_t[k][None, :], XT,
                     preferred_element_type=jnp.float32)
        acc = acc + jnp.where(adj_t == float(k + 1), Ek, 0.0)
    e = jnp.maximum(acc, ALPHA * acc)
    logits = jnp.where((adj_t > 0) & (fill > -jnp.inf), e, fill)
    m = jnp.max(logits, axis=1, keepdims=True)
    p = jnp.exp(logits - m)
    alpha = p / jnp.sum(p, axis=1, keepdims=True)
    return jnp.dot(alpha, X, preferred_element_type=jnp.float32)


def _tca_body(h1_ref, adjt_ref, la1_ref, fill_ref, tmat_ref, o1_ref):
    o1_ref[...] = _local_agg_block(h1_ref[...], adjt_ref[...], la1_ref[...],
                                   fill_ref[...], tmat_ref[...])


def _tcb_body(h2_ref, ain_ref, aout_ref, hm_ref, tadjt_ref,
              mix_ref,
              weiT_ref, bei_ref, weoT_ref, beo_ref,
              winT_r, winT_i, winT_n, woutT_r, woutT_i, woutT_n,
              whhT_r, whhT_i, whhT_n,
              bih_r, bih_i, bih_n, bhh_r, bhh_i, bhh_n,
              biah_ref, boah_ref,
              fill_ref, tmat_ref,
              o2_ref, om_ref):
    fill = fill_ref[...]
    tmat = tmat_ref[...]

    om_ref[...] = _local_agg_block(hm_ref[...], tadjt_ref[...], mix_ref[...],
                                   fill, tmat)

    X2 = h2_ref[...][:, :DIM]
    samef = (fill > -jnp.inf).astype(jnp.float32)
    dot = lambda a, b: jnp.dot(a, b, preferred_element_type=jnp.float32)
    Ain = dot(ain_ref[...], tmat) * samef
    Aout = dot(aout_ref[...], tmat) * samef
    Vi = dot(X2, weiT_ref[...]) + bei_ref[...]
    Vo = dot(X2, weoT_ref[...]) + beo_ref[...]
    input_in = dot(Ain, Vi) + biah_ref[...]
    input_out = dot(Aout, Vo) + boah_ref[...]

    def gate(winT, woutT, whhT, bih, bhh):
        return (dot(input_in, winT[...]) + dot(input_out, woutT[...])
                + bih[...] + dot(X2, whhT[...]) + bhh[...])

    resetgate = jax.nn.sigmoid(gate(winT_r, woutT_r, whhT_r, bih_r, bhh_r))
    inputgate = jax.nn.sigmoid(gate(winT_i, woutT_i, whhT_i, bih_i, bhh_i))
    gin = (dot(input_in, winT_n[...]) + dot(input_out, woutT_n[...])
           + bih_n[...])
    ghn = dot(X2, whhT_n[...]) + bhh_n[...]
    newgate = jnp.tanh(gin + resetgate * ghn)
    o2_ref[...] = newgate + inputgate * (newgate - X2)


_FILL = None
_TMAT = None


def _fill_const():
    global _FILL
    if _FILL is None:
        r = np.arange(BBL)[:, None] // L
        c = np.arange(BBL)[None, :] // L
        _FILL = jnp.asarray(np.where(r == c, NEG, -np.inf).astype(np.float32))
    return _FILL


def _tmat_const():
    global _TMAT
    if _TMAT is None:
        _TMAT = jnp.asarray(np.tile(np.eye(L, dtype=np.float32), (1, BB)))
    return _TMAT


def _expand_blockdiag(x, dtype):
    xp = x.reshape(NBLK, BB, L, L).astype(dtype)
    eye = jnp.eye(BB, dtype=dtype)
    big = xp[:, :, :, None, :] * eye[None, :, None, :, None]
    return big.reshape(B * L, BBL)


_SMALL = None


def _specs():
    small = pl.BlockSpec((BBL, L), lambda i: (i, 0))
    full = lambda a: pl.BlockSpec(a.shape, lambda i: (0,) * a.ndim)
    out = pl.BlockSpec((BBL, DIM), lambda i: (i, 0))
    oshape = jax.ShapeDtypeStruct((B * L, DIM), jnp.float32)
    return small, full, out, oshape


def _tca_call(h1r, adjt, la1t, interpret=False):
    small, full, out, oshape = _specs()
    fill, tmat = _fill_const(), _tmat_const()
    hwid = h1r.shape[1]
    s1 = pl.BlockSpec((BBL, hwid), lambda i: (i, 0))
    return pl.pallas_call(
        _tca_body,
        grid=(NBLK,),
        in_specs=[s1, small, full(la1t), full(fill), full(tmat)],
        out_specs=out,
        out_shape=oshape,
        interpret=interpret,
    )(h1r, adjt, la1t, fill, tmat)


def _tcb_call(rows23, ainb, aoutb, tadjt, weights, interpret=False):
    small, full, out, oshape = _specs()
    fill, tmat = _fill_const(), _tmat_const()
    if isinstance(rows23, tuple):
        h2r, hmr = rows23
        hwid = h2r.shape[1]
        s3 = pl.BlockSpec((BBL, hwid), lambda i: (i, 0))
    else:
        h2r = hmr = rows23
        hwid = rows23.shape[1]
        off = SEG // BBL
        s3 = pl.BlockSpec((BBL, hwid), lambda i: (i + off, 0))
    s2 = pl.BlockSpec((BBL, hwid), lambda i: (i, 0))

    in_specs = [s2, small, small, s3, small] + \
        [full(w) for w in weights] + [full(fill), full(tmat)]
    return pl.pallas_call(
        _tcb_body,
        grid=(NBLK,),
        in_specs=in_specs,
        out_specs=[out, out],
        out_shape=[oshape, oshape],
        interpret=interpret,
    )(h2r, ainb, aoutb, hmr, tadjt, *weights, fill, tmat)


def _prep_weights(la1_a, mix_a, Wei, bei, Weo, beo, w_ih, w_hh, b_ih, b_hh,
                  b_iah, b_oah):
    w_g = [w_ih[g * DIM:(g + 1) * DIM] for g in range(3)]
    row = lambda v: v.reshape(1, -1)
    return [
        la1_a.T, mix_a.T,
        Wei.T, row(bei), Weo.T, row(beo),
        w_g[0][:, :DIM].T, w_g[1][:, :DIM].T, w_g[2][:, :DIM].T,
        w_g[0][:, DIM:].T, w_g[1][:, DIM:].T, w_g[2][:, DIM:].T,
        w_hh[:DIM].T, w_hh[DIM:2 * DIM].T, w_hh[2 * DIM:].T,
        row(b_ih[:DIM]), row(b_ih[DIM:2 * DIM]), row(b_ih[2 * DIM:]),
        row(b_hh[:DIM]), row(b_hh[DIM:2 * DIM]), row(b_hh[2 * DIM:]),
        row(b_iah), row(b_oah),
    ]


def kernel(inputs, adj, mask_item, item, items_ID, adj_ID, total_items,
           total_adj, embedding, la1_a, mix_a, Wei, bei, Weo, beo,
           w_ih, w_hh, b_ih, b_hh, b_iah, b_oah):
    emb_p = _pad_table(embedding)
    rows1 = _make_sc_gather(1)(emb_p, inputs.astype(jnp.int32))
    rows23 = _make_sc_gather(2)(
        emb_p, items_ID.astype(jnp.int32), total_items.astype(jnp.int32))

    adjt = adj.reshape(B * L, L)
    ainb = adj_ID[:, :, :L].reshape(B * L, L)
    aoutb = adj_ID[:, :, L:].reshape(B * L, L)
    tadjt = total_adj.reshape(B * L, L)

    weights = _prep_weights(la1_a, mix_a, Wei, bei, Weo, beo, w_ih, w_hh,
                            b_ih, b_hh, b_iah, b_oah)

    o1 = _tca_call(rows1, adjt, weights[0])
    o2, om = _tcb_call(rows23, ainb, aoutb, tadjt, weights[1:])

    shp = (B, L, DIM)
    return (o1.reshape(shp), o2.reshape(shp), om.reshape(shp))

# --- scband reference (transcript-rebuilt; emitter-appended) ---
"""Pipeline reference for scband-combine-graph-31464930411171 (READ-ONLY COPY).

The authoritative reference and input builder live on the scoring server;
editing this copy changes nothing except your own understanding.
"""

import jax, jax.numpy as jnp
import numpy as np

B = 1024
L = 20
DIM = 100
NUM_TOTAL = 100000
ALPHA = 0.2


def setup_inputs(seed: int = 0):
    key = jax.random.key(seed)
    ks = jax.random.split(key, 24)
    stdv = 1.0 / float(np.sqrt(DIM))

    def u(k, shape):
        return jax.random.uniform(k, shape, jnp.float32, -stdv, stdv)

    return {
        "inputs": jax.random.randint(ks[0], (B, L), 0, NUM_TOTAL),
        "adj": jax.random.randint(ks[1], (B, L, L), 0, 5),
        "mask_item": jax.random.randint(ks[2], (B, L), 0, 2),
        "item": jax.random.randint(ks[3], (B, L), 0, NUM_TOTAL),
        "items_ID": jax.random.randint(ks[4], (B, L), 0, NUM_TOTAL),
        "adj_ID": jax.random.uniform(ks[5], (B, L, 2 * L), jnp.float32),
        "total_items": jax.random.randint(ks[6], (B, L), 0, NUM_TOTAL),
        "total_adj": jax.random.randint(ks[7], (B, L, L), 0, 5),
        "embedding": u(ks[8], (NUM_TOTAL, DIM)),
        "la1_a": u(ks[9], (DIM, 4)),
        "mix_a": u(ks[10], (DIM, 4)),
        "Wei": u(ks[11], (DIM, DIM)),
        "bei": u(ks[12], (DIM,)),
        "Weo": u(ks[13], (DIM, DIM)),
        "beo": u(ks[14], (DIM,)),
        "w_ih": u(ks[15], (3 * DIM, 2 * DIM)),
        "w_hh": u(ks[16], (3 * DIM, DIM)),
        "b_ih": u(ks[17], (3 * DIM,)),
        "b_hh": u(ks[18], (3 * DIM,)),
        "b_iah": u(ks[19], (DIM,)),
        "b_oah": u(ks[20], (DIM,)),
    }


def _local_agg(h, adj, a_stack):
    # a_input[b,i,j,:] = h[b,i,:] * h[b,j,:]  (faithful to torch repeat/view construction)
    a_input = h[:, :, None, :] * h[:, None, :, :]
    e = jax.nn.leaky_relu(jnp.einsum('bijd,dk->bijk', a_input, a_stack), ALPHA)
    big_neg = jnp.full(adj.shape, -9e15, jnp.float32)
    alpha = jnp.where(adj == 1, e[..., 0], big_neg)
    alpha = jnp.where(adj == 2, e[..., 1], alpha)
    alpha = jnp.where(adj == 3, e[..., 2], alpha)
    alpha = jnp.where(adj == 4, e[..., 3], alpha)
    alpha = jax.nn.softmax(alpha, axis=-1)
    return jnp.matmul(alpha, h)


def _gnn_cell(A, hidden, Wei, bei, Weo, beo, w_ih, w_hh, b_ih, b_hh, b_iah, b_oah):
    # SR-GNN gated graph cell, step=1 (GNN(100) default)
    N = hidden.shape[1]
    input_in = jnp.matmul(A[:, :, :N], hidden @ Wei.T + bei) + b_iah
    input_out = jnp.matmul(A[:, :, N:2 * N], hidden @ Weo.T + beo) + b_oah
    inputs = jnp.concatenate([input_in, input_out], axis=2)
    gi = inputs @ w_ih.T + b_ih
    gh = hidden @ w_hh.T + b_hh
    i_r, i_i, i_n = jnp.split(gi, 3, axis=2)
    h_r, h_i, h_n = jnp.split(gh, 3, axis=2)
    resetgate = jax.nn.sigmoid(i_r + h_r)
    inputgate = jax.nn.sigmoid(i_i + h_i)
    newgate = jnp.tanh(i_n + resetgate * h_n)
    return newgate + inputgate * (newgate - hidden)


def reference(inputs, adj, mask_item, item, items_ID, adj_ID, total_items, total_adj,
              embedding, la1_a, mix_a, Wei, bei, Weo, beo, w_ih, w_hh, b_ih, b_hh, b_iah, b_oah):
    h1 = jnp.take(embedding, inputs, axis=0)
    h2 = jnp.take(embedding, items_ID, axis=0)
    hm = jnp.take(embedding, total_items, axis=0)
    h1 = _local_agg(h1, adj, la1_a)
    h2 = _gnn_cell(adj_ID, h2, Wei, bei, Weo, beo, w_ih, w_hh, b_ih, b_hh, b_iah, b_oah)
    hm = _local_agg(hm, total_adj, mix_a)
    # dropout_local = 0.0 -> identity
    return (h1, h2, hm)

if __name__ == "__main__":
    import jax
    _d = setup_inputs()
    print(jax.jit(kernel)(*tuple(_d.values())))

</pallas_src>

<mosaic_0001>
#map = affine_map<(d0, d1) -> (0, 0)>
module attributes {stable_mosaic.version = 14 : i64} {
  func.func @gather_kernel(%arg0: i32, %arg1: i32, %arg2: memref<100000x128xf32, #tpu.memory_space<hbm>>, %arg3: memref<1024x20xi32, #tpu.memory_space<hbm>>, %arg4: memref<20480x128xf32, #tpu.memory_space<hbm>>, %arg5: memref<32x20xi32, #tpu.memory_space<vmem>>, %arg6: memref<640x128xf32, #tpu.memory_space<vmem>>, %arg7: memref<!tpu.dma_semaphore, #tpu.memory_space<semaphore_mem>>) attributes {dimension_semantics = [#tpu.dimension_semantics<core_parallel>, #tpu.dimension_semantics<subcore_parallel>], iteration_bounds = array<i64: 2, 16>, scalar_prefetch = 0 : i64, scratch_operands = 3 : i64, tpu.core_type = #tpu.core_type<sc_vector_subcore>, window_params = [{transform_indices = #map}, {transform_indices = #map}, {transform_indices = #map}]} {
    %mul3A = arith.constant 2 : i32
    %mul3A_0 = arith.muli %arg1, %mul3A : i32
    %add3A = arith.addi %mul3A_0, %arg0 : i32
    %mul3A_1 = arith.constant 32 : i32
    %mul3A_2 = arith.muli %add3A, %mul3A_1 : i32
    "tpu.region"() ({
      %run_scoped3A = tpu.sem_alloc : memref<!tpu.dma_semaphore, #tpu.memory_space<semaphore_mem>>
      %dma_start3A_645 = arith.constant 0 : i32
      %dma_start3A_646 = tpu.memref_slice %arg3[%mul3A_2, %dma_start3A_645] : memref<1024x20xi32, #tpu.memory_space<hbm>> -> memref<32x20xi32, #tpu.memory_space<hbm>>
      %dma_start3A_647 = arith.constant 0 : i32
      %dma_start3A_648 = tpu.memref_slice %arg3[%mul3A_2, %dma_start3A_647] : memref<1024x20xi32, #tpu.memory_space<hbm>> -> memref<32x20xi32, #tpu.memory_space<hbm>>
      tpu.enqueue_dma source(%dma_start3A_648 : memref<32x20xi32, #tpu.memory_space<hbm>>) target(%arg5 : memref<32x20xi32, #tpu.memory_space<vmem>>) target_semaphore(%run_scoped3A : memref<!tpu.dma_semaphore, #tpu.memory_space<semaphore_mem>>)
      %dma_wait3A_649 = arith.constant 0 : i32
      %dma_wait3A_650 = tpu.memref_slice %arg3[%mul3A_2, %dma_wait3A_649] : memref<1024x20xi32, #tpu.memory_space<hbm>> -> memref<32x20xi32, #tpu.memory_space<hbm>>
      %dma_wait3A_651 = arith.constant 0 : i32
      %dma_wait3A_652 = tpu.memref_slice %arg3[%mul3A_2, %dma_wait3A_651] : memref<1024x20xi32, #tpu.memory_space<hbm>> -> memref<32x20xi32, #tpu.memory_space<hbm>>
      tpu.wait_dma2 semaphore(%run_scoped3A : memref<!tpu.dma_semaphore, #tpu.memory_space<semaphore_mem>>) src(%dma_wait3A_652 : memref<32x20xi32, #tpu.memory_space<hbm>>) dst(%arg5 : memref<32x20xi32, #tpu.memory_space<vmem>>)
      tpu.yield
    }) : () -> ()
    %dma_start3A = arith.constant 0 : i32
    %dma_start3A_3 = arith.constant 0 : i32
    %dma_start3A_4 = arith.constant 0 : i32
    %dma_start3A_5 = tpu.memref_slice %arg6[%dma_start3A_3, %dma_start3A_4] : memref<640x128xf32, #tpu.memory_space<vmem>> -> memref<20x128xf32, #tpu.memory_space<vmem>>
    %dma_start3A_6 = arith.constant 0 : i32
    %dma_start3A_7 = tpu.memref_slice %arg5[%dma_start3A, %dma_start3A_6] : memref<32x20xi32, #tpu.memory_space<vmem>> -> memref<1x20xi32, #tpu.memory_space<vmem>>
    %dma_start3A_8 = tpu.memref_squeeze %dma_start3A_7 : memref<1x20xi32, #tpu.memory_space<vmem>> -> memref<20xi32, #tpu.memory_space<vmem>>
    %dma_start3A_9 = arith.constant 0 : i32
    %dma_start3A_10 = arith.constant 0 : i32
    %dma_start3A_11 = tpu.memref_slice %arg2[%dma_start3A_9, %dma_start3A_10] : memref<100000x128xf32, #tpu.memory_space<hbm>> -> memref<100000x128xf32, #tpu.memory_space<hbm>>
    tpu.enqueue_indirect_dma source(%dma_start3A_11 : memref<100000x128xf32, #tpu.memory_space<hbm>>) target(%dma_start3A_5 : memref<20x128xf32, #tpu.memory_space<vmem>>) offsets(%dma_start3A_8 : memref<20xi32, #tpu.memory_space<vmem>>) semaphore(%arg7 : memref<!tpu.dma_semaphore, #tpu.memory_space<semaphore_mem>>)
    %dma_start3A_12 = arith.constant 1 : i32
    %dma_start3A_13 = arith.constant 20 : i32
    %dma_start3A_14 = arith.constant 0 : i32
    %dma_start3A_15 = tpu.memref_slice %arg6[%dma_start3A_13, %dma_start3A_14] : memref<640x128xf32, #tpu.memory_space<vmem>> -> memref<20x128xf32, #tpu.memory_space<vmem>>
    %dma_start3A_16 = arith.constant 0 : i32
    %dma_start3A_17 = tpu.memref_slice %arg5[%dma_start3A_12, %dma_start3A_16] : memref<32x20xi32, #tpu.memory_space<vmem>> -> memref<1x20xi32, #tpu.memory_space<vmem>>
    %dma_start3A_18 = tpu.memref_squeeze %dma_start3A_17 : memref<1x20xi32, #tpu.memory_space<vmem>> -> memref<20xi32, #tpu.memory_space<vmem>>
    %dma_start3A_19 = arith.constant 0 : i32
    %dma_start3A_20 = arith.constant 0 : i32
    %dma_start3A_21 = tpu.memref_slice %arg2[%dma_start3A_19, %dma_start3A_20] : memref<100000x128xf32, #tpu.memory_space<hbm>> -> memref<100000x128xf32, #tpu.memory_space<hbm>>
    tpu.enqueue_indirect_dma source(%dma_start3A_21 : memref<100000x128xf32, #tpu.memory_space<hbm>>) target(%dma_start3A_15 : memref<20x128xf32, #tpu.memory_space<vmem>>) offsets(%dma_start3A_18 : memref<20xi32, #tpu.memory_space<vmem>>) semaphore(%arg7 : memref<!tpu.dma_semaphore, #tpu.memory_space<semaphore_mem>>)
    %dma_start3A_22 = arith.constant 2 : i32
    %dma_start3A_23 = arith.constant 40 : i32
    %dma_start3A_24 = arith.constant 0 : i32
    %dma_start3A_25 = tpu.memref_slice %arg6[%dma_start3A_23, %dma_start3A_24] : memref<640x128xf32, #tpu.memory_space<vmem>> -> memref<20x128xf32, #tpu.memory_space<vmem>>
    %dma_start3A_26 = arith.constant 0 : i32
    %dma_start3A_27 = tpu.memref_slice %arg5[%dma_start3A_22, %dma_start3A_26] : memref<32x20xi32, #tpu.memory_space<vmem>> -> memref<1x20xi32, #tpu.memory_space<vmem>>
    %dma_start3A_28 = tpu.memref_squeeze %dma_start3A_27 : memref<1x20xi32, #tpu.memory_space<vmem>> -> memref<20xi32, #tpu.memory_space<vmem>>
    %dma_start3A_29 = arith.constant 0 : i32
    %dma_start3A_30 = arith.constant 0 : i32
    %dma_start3A_31 = tpu.memref_slice %arg2[%dma_start3A_29, %dma_start3A_30] : memref<100000x128xf32, #tpu.memory_space<hbm>> -> memref<100000x128xf32, #tpu.memory_space<hbm>>
    tpu.enqueue_indirect_dma source(%dma_start3A_31 : memref<100000x128xf32, #tpu.memory_space<hbm>>) target(%dma_start3A_25 : memref<20x128xf32, #tpu.memory_space<vmem>>) offsets(%dma_start3A_28 : memref<20xi32, #tpu.memory_space<vmem>>) semaphore(%arg7 : memref<!tpu.dma_semaphore, #tpu.memory_space<semaphore_mem>>)
    %dma_start3A_32 = arith.constant 3 : i32
    %dma_start3A_33 = arith.constant 60 : i32
    %dma_start3A_34 = arith.constant 0 : i32
    %dma_start3A_35 = tpu.memref_slice %arg6[%dma_start3A_33, %dma_start3A_34] : memref<640x128xf32, #tpu.memory_space<vmem>> -> memref<20x128xf32, #tpu.memory_space<vmem>>
    %dma_start3A_36 = arith.constant 0 : i32
    %dma_start3A_37 = tpu.memref_slice %arg5[%dma_start3A_32, %dma_start3A_36] : memref<32x20xi32, #tpu.memory_space<vmem>> -> memref<1x20xi32, #tpu.memory_space<vmem>>
    %dma_start3A_38 = tpu.memref_squeeze %dma_start3A_37 : memref<1x20xi32, #tpu.memory_space<vmem>> -> memref<20xi32, #tpu.memory_space<vmem>>
    %dma_start3A_39 = arith.constant 0 : i32
    %dma_start3A_40 = arith.constant 0 : i32
    %dma_start3A_41 = tpu.memref_slice %arg2[%dma_start3A_39, %dma_start3A_40] : memref<100000x128xf32, #tpu.memory_space<hbm>> -> memref<100000x128xf32, #tpu.memory_space<hbm>>
    tpu.enqueue_indirect_dma source(%dma_start3A_41 : memref<100000x128xf32, #tpu.memory_space<hbm>>) target(%dma_start3A_35 : memref<20x128xf32, #tpu.memory_space<vmem>>) offsets(%dma_start3A_38 : memref<20xi32, #tpu.memory_space<vmem>>) semaphore(%arg7 : memref<!tpu.dma_semaphore, #tpu.memory_space<semaphore_mem>>)
    %dma_start3A_42 = arith.constant 4 : i32
    %dma_start3A_43 = arith.constant 80 : i32
    %dma_start3A_44 = arith.constant 0 : i32
    %dma_start3A_45 = tpu.memref_slice %arg6[%dma_start3A_43, %dma_start3A_44] : memref<640x128xf32, #tpu.memory_space<vmem>> -> memref<20x128xf32, #tpu.memory_space<vmem>>
    %dma_start3A_46 = arith.constant 0 : i32
    %dma_start3A_47 = tpu.memref_slice %arg5[%dma_start3A_42, %dma_start3A_46] : memref<32x20xi32, #tpu.memory_space<vmem>> -> memref<1x20xi32, #tpu.memory_space<vmem>>
    %dma_start3A_48 = tpu.memref_squeeze %dma_start3A_47 : memref<1x20xi32, #tpu.memory_space<vmem>> -> memref<20xi32, #tpu.memory_space<vmem>>
    %dma_start3A_49 = arith.constant 0 : i32
    %dma_start3A_50 = arith.constant 0 : i32
    %dma_start3A_51 = tpu.memref_slice %arg2[%dma_start3A_49, %dma_start3A_50] : memref<100000x128xf32, #tpu.memory_space<hbm>> -> memref<100000x128xf32, #tpu.memory_space<hbm>>
    tpu.enqueue_indirect_dma source(%dma_start3A_51 : memref<100000x128xf32, #tpu.memory_space<hbm>>) target(%dma_start3A_45 : memref<20x128xf32, #tpu.memory_space<vmem>>) offsets(%dma_start3A_48 : memref<20xi32, #tpu.memory_space<vmem>>) semaphore(%arg7 : memref<!tpu.dma_semaphore, #tpu.memory_space<semaphore_mem>>)
    %dma_start3A_52 = arith.constant 5 : i32
    %dma_start3A_53 = arith.constant 100 : i32
    %dma_start3A_54 = arith.constant 0 : i32
    %dma_start3A_55 = tpu.memref_slice %arg6[%dma_start3A_53, %dma_start3A_54] : memref<640x128xf32, #tpu.memory_space<vmem>> -> memref<20x128xf32, #tpu.memory_space<vmem>>
    %dma_start3A_56 = arith.constant 0 : i32
    %dma_start3A_57 = tpu.memref_slice %arg5[%dma_start3A_52, %dma_start3A_56] : memref<32x20xi32, #tpu.memory_space<vmem>> -> memref<1x20xi32, #tpu.memory_space<vmem>>
    %dma_start3A_58 = tpu.memref_squeeze %dma_start3A_57 : memref<1x20xi32, #tpu.memory_space<vmem>> -> memref<20xi32, #tpu.memory_space<vmem>>
    %dma_start3A_59 = arith.constant 0 : i32
    %dma_start3A_60 = arith.constant 0 : i32
    %dma_start3A_61 = tpu.memref_slice %arg2[%dma_start3A_59, %dma_start3A_60] : memref<100000x128xf32, #tpu.memory_space<hbm>> -> memref<100000x128xf32, #tpu.memory_space<hbm>>
    tpu.enqueue_indirect_dma source(%dma_start3A_61 : memref<100000x128xf32, #tpu.memory_space<hbm>>) target(%dma_start3A_55 : memref<20x128xf32, #tpu.memory_space<vmem>>) offsets(%dma_start3A_58 : memref<20xi32, #tpu.memory_space<vmem>>) semaphore(%arg7 : memref<!tpu.dma_semaphore, #tpu.memory_space<semaphore_mem>>)
    %dma_start3A_62 = arith.constant 6 : i32
    %dma_start3A_63 = arith.constant 120 : i32
    %dma_start3A_64 = arith.constant 0 : i32
    %dma_start3A_65 = tpu.memref_slice %arg6[%dma_start3A_63, %dma_start3A_64] : memref<640x128xf32, #tpu.memory_space<vmem>> -> memref<20x128xf32, #tpu.memory_space<vmem>>
    %dma_start3A_66 = arith.constant 0 : i32
    %dma_start3A_67 = tpu.memref_slice %arg5[%dma_start3A_62, %dma_start3A_66] : memref<32x20xi32, #tpu.memory_space<vmem>> -> memref<1x20xi32, #tpu.memory_space<vmem>>
    %dma_start3A_68 = tpu.memref_squeeze %dma_start3A_67 : memref<1x20xi32, #tpu.memory_space<vmem>> -> memref<20xi32, #tpu.memory_space<vmem>>
    %dma_start3A_69 = arith.constant 0 : i32
    %dma_start3A_70 = arith.constant 0 : i32
    %dma_start3A_71 = tpu.memref_slice %arg2[%dma_start3A_69, %dma_start3A_70] : memref<100000x128xf32, #tpu.memory_space<hbm>> -> memref<100000x128xf32, #tpu.memory_space<hbm>>
    tpu.enqueue_indirect_dma source(%dma_start3A_71 : memref<100000x128xf32, #tpu.memory_space<hbm>>) target(%dma_start3A_65 : memref<20x128xf32, #tpu.memory_space<vmem>>) offsets(%dma_start3A_68 : memref<20xi32, #tpu.memory_space<vmem>>) semaphore(%arg7 : memref<!tpu.dma_semaphore, #tpu.memory_space<semaphore_mem>>)
    %dma_start3A_72 = arith.constant 7 : i32
    %dma_start3A_73 = arith.constant 140 : i32
    %dma_start3A_74 = arith.constant 0 : i32
    %dma_start3A_75 = tpu.memref_slice %arg6[%dma_start3A_73, %dma_start3A_74] : memref<640x128xf32, #tpu.memory_space<vmem>> -> memref<20x128xf32, #tpu.memory_space<vmem>>
    %dma_start3A_76 = arith.constant 0 : i32
    %dma_start3A_77 = tpu.memref_slice %arg5[%dma_start3A_72, %dma_start3A_76] : memref<32x20xi32, #tpu.memory_space<vmem>> -> memref<1x20xi32, #tpu.memory_space<vmem>>
    %dma_start3A_78 = tpu.memref_squeeze %dma_start3A_77 : memref<1x20xi32, #tpu.memory_space<vmem>> -> memref<20xi32, #tpu.memory_space<vmem>>
    %dma_start3A_79 = arith.constant 0 : i32
    %dma_start3A_80 = arith.constant 0 : i32
    %dma_start3A_81 = tpu.memref_slice %arg2[%dma_start3A_79, %dma_start3A_80] : memref<100000x128xf32, #tpu.memory_space<hbm>> -> memref<100000x128xf32, #tpu.memory_space<hbm>>
    tpu.enqueue_indirect_dma source(%dma_start3A_81 : memref<100000x128xf32, #tpu.memory_space<hbm>>) target(%dma_start3A_75 : memref<20x128xf32, #tpu.memory_space<vmem>>) offsets(%dma_start3A_78 : memref<20xi32, #tpu.memory_space<vmem>>) semaphore(%arg7 : memref<!tpu.dma_semaphore, #tpu.memory_space<semaphore_mem>>)
    %dma_start3A_82 = arith.constant 8 : i32
    %dma_start3A_83 = arith.constant 160 : i32
    %dma_start3A_84 = arith.constant 0 : i32
    %dma_start3A_85 = tpu.memref_slice %arg6[%dma_start3A_83, %dma_start3A_84] : memref<640x128xf32, #tpu.memory_space<vmem>> -> memref<20x128xf32, #tpu.memory_space<vmem>>
    %dma_start3A_86 = arith.constant 0 : i32
    %dma_start3A_87 = tpu.memref_slice %arg5[%dma_start3A_82, %dma_start3A_86] : memref<32x20xi32, #tpu.memory_space<vmem>> -> memref<1x20xi32, #tpu.memory_space<vmem>>
    %dma_start3A_88 = tpu.memref_squeeze %dma_start3A_87 : memref<1x20xi32, #tpu.memory_space<vmem>> -> memref<20xi32, #tpu.memory_space<vmem>>
    %dma_start3A_89 = arith.constant 0 : i32
    %dma_start3A_90 = arith.constant 0 : i32
    %dma_start3A_91 = tpu.memref_slice %arg2[%dma_start3A_89, %dma_start3A_90] : memref<100000x128xf32, #tpu.memory_space<hbm>> -> memref<100000x128xf32, #tpu.memory_space<hbm>>
    tpu.enqueue_indirect_dma source(%dma_start3A_91 : memref<100000x128xf32, #tpu.memory_space<hbm>>) target(%dma_start3A_85 : memref<20x128xf32, #tpu.memory_space<vmem>>) offsets(%dma_start3A_88 : memref<20xi32, #tpu.memory_space<vmem>>) semaphore(%arg7 : memref<!tpu.dma_semaphore, #tpu.memory_space<semaphore_mem>>)
    %dma_start3A_92 = arith.constant 9 : i32
    %dma_start3A_93 = arith.constant 180 : i32
    %dma_start3A_94 = arith.constant 0 : i32
    %dma_start3A_95 = tpu.memref_slice %arg6[%dma_start3A_93, %dma_start3A_94] : memref<640x128xf32, #tpu.memory_space<vmem>> -> memref<20x128xf32, #tpu.memory_space<vmem>>
    %dma_start3A_96 = arith.constant 0 : i32
    %dma_start3A_97 = tpu.memref_slice %arg5[%dma_start3A_92, %dma_start3A_96] : memref<32x20xi32, #tpu.memory_space<vmem>> -> memref<1x20xi32, #tpu.memory_space<vmem>>
    %dma_start3A_98 = tpu.memref_squeeze %dma_start3A_97 : memref<1x20xi32, #tpu.memory_space<vmem>> -> memref<20xi32, #tpu.memory_space<vmem>>
    %dma_start3A_99 = arith.constant 0 : i32
    %dma_start3A_100 = arith.constant 0 : i32
    %dma_start3A_101 = tpu.memref_slice %arg2[%dma_start3A_99, %dma_start3A_100] : memref<100000x128xf32, #tpu.memory_space<hbm>> -> memref<100000x128xf32, #tpu.memory_space<hbm>>
    tpu.enqueue_indirect_dma source(%dma_start3A_101 : memref<100000x128xf32, #tpu.memory_space<hbm>>) target(%dma_start3A_95 : memref<20x128xf32, #tpu.memory_space<vmem>>) offsets(%dma_start3A_98 : memref<20xi32, #tpu.memory_space<vmem>>) semaphore(%arg7 : memref<!tpu.dma_semaphore, #tpu.memory_space<semaphore_mem>>)
    %dma_start3A_102 = arith.constant 10 : i32
    %dma_start3A_103 = arith.constant 200 : i32
    %dma_start3A_104 = arith.constant 0 : i32
    %dma_start3A_105 = tpu.memref_slice %arg6[%dma_start3A_103, %dma_start3A_104] : memref<640x128xf32, #tpu.memory_space<vmem>> -> memref<20x128xf32, #tpu.memory_space<vmem>>
    %dma_start3A_106 = arith.constant 0 : i32
    %dma_start3A_107 = tpu.memref_slice %arg5[%dma_start3A_102, %dma_start3A_106] : memref<32x20xi32, #tpu.memory_space<vmem>> -> memref<1x20xi32, #tpu.memory_space<vmem>>
    %dma_start3A_108 = tpu.memref_squeeze %dma_start3A_107 : memref<1x20xi32, #tpu.memory_space<vmem>> -> memref<20xi32, #tpu.memory_space<vmem>>
    %dma_start3A_109 = arith.constant 0 : i32
    %dma_start3A_110 = arith.constant 0 : i32
    %dma_start3A_111 = tpu.memref_slice %arg2[%dma_start3A_109, %dma_start3A_110] : memref<100000x128xf32, #tpu.memory_space<hbm>> -> memref<100000x128xf32, #tpu.memory_space<hbm>>
    tpu.enqueue_indirect_dma source(%dma_start3A_111 : memref<100000x128xf32, #tpu.memory_space<hbm>>) target(%dma_start3A_105 : memref<20x128xf32, #tpu.memory_space<vmem>>) offsets(%dma_start3A_108 : memref<20xi32, #tpu.memory_space<vmem>>) semaphore(%arg7 : memref<!tpu.dma_semaphore, #tpu.memory_space<semaphore_mem>>)
    %dma_start3A_112 = arith.constant 11 : i32
    %dma_start3A_113 = arith.constant 220 : i32
    %dma_start3A_114 = arith.constant 0 : i32
    %dma_start3A_115 = tpu.memref_slice %arg6[%dma_start3A_113, %dma_start3A_114] : memref<640x128xf32, #tpu.memory_space<vmem>> -> memref<20x128xf32, #tpu.memory_space<vmem>>
    %dma_start3A_116 = arith.constant 0 : i32
    %dma_start3A_117 = tpu.memref_slice %arg5[%dma_start3A_112, %dma_start3A_116] : memref<32x20xi32, #tpu.memory_space<vmem>> -> memref<1x20xi32, #tpu.memory_space<vmem>>
    %dma_start3A_118 = tpu.memref_squeeze %dma_start3A_117 : memref<1x20xi32, #tpu.memory_space<vmem>> -> memref<20xi32, #tpu.memory_space<vmem>>
    %dma_start3A_119 = arith.constant 0 : i32
    %dma_start3A_120 = arith.constant 0 : i32
    %dma_start3A_121 = tpu.memref_slice %arg2[%dma_start3A_119, %dma_start3A_120] : memref<100000x128xf32, #tpu.memory_space<hbm>> -> memref<100000x128xf32, #tpu.memory_space<hbm>>
    tpu.enqueue_indirect_dma source(%dma_start3A_121 : memref<100000x128xf32, #tpu.memory_space<hbm>>) target(%dma_start3A_115 : memref<20x128xf32, #tpu.memory_space<vmem>>) offsets(%dma_start3A_118 : memref<20xi32, #tpu.memory_space<vmem>>) semaphore(%arg7 : memref<!tpu.dma_semaphore, #tpu.memory_space<semaphore_mem>>)
    %dma_start3A_122 = arith.constant 12 : i32
    %dma_start3A_123 = arith.constant 240 : i32
    %dma_start3A_124 = arith.constant 0 : i32
    %dma_start3A_125 = tpu.memref_slice %arg6[%dma_start3A_123, %dma_start3A_124] : memref<640x128xf32, #tpu.memory_space<vmem>> -> memref<20x128xf32, #tpu.memory_space<vmem>>
    %dma_start3A_126 = arith.constant 0 : i32
    %dma_start3A_127 = tpu.memref_slice %arg5[%dma_start3A_122, %dma_start3A_126] : memref<32x20xi32, #tpu.memory_space<vmem>> -> memref<1x20xi32, #tpu.memory_space<vmem>>
    %dma_start3A_128 = tpu.memref_squeeze %dma_start3A_127 : memref<1x20xi32, #tpu.memory_space<vmem>> -> memref<20xi32, #tpu.memory_space<vmem>>
    %dma_start3A_129 = arith.constant 0 : i32
    %dma_start3A_130 = arith.constant 0 : i32
    %dma_start3A_131 = tpu.memref_slice %arg2[%dma_start3A_129, %dma_start3A_130] : memref<100000x128xf32, #tpu.memory_space<hbm>> -> memref<100000x128xf32, #tpu.memory_space<hbm>>
    tpu.enqueue_indirect_dma source(%dma_start3A_131 : memref<100000x128xf32, #tpu.memory_space<hbm>>) target(%dma_start3A_125 : memref<20x128xf32, #tpu.memory_space<vmem>>) offsets(%dma_start3A_128 : memref<20xi32, #tpu.memory_space<vmem>>) semaphore(%arg7 : memref<!tpu.dma_semaphore, #tpu.memory_space<semaphore_mem>>)
    %dma_start3A_132 = arith.constant 13 : i32
    %dma_start3A_133 = arith.constant 260 : i32
    %dma_start3A_134 = arith.constant 0 : i32
    %dma_start3A_135 = tpu.memref_slice %arg6[%dma_start3A_133, %dma_start3A_134] : memref<640x128xf32, #tpu.memory_space<vmem>> -> memref<20x128xf32, #tpu.memory_space<vmem>>
    %dma_start3A_136 = arith.constant 0 : i32
    %dma_start3A_137 = tpu.memref_slice %arg5[%dma_start3A_132, %dma_start3A_136] : memref<32x20xi32, #tpu.memory_space<vmem>> -> memref<1x20xi32, #tpu.memory_space<vmem>>
    %dma_start3A_138 = tpu.memref_squeeze %dma_start3A_137 : memref<1x20xi32, #tpu.memory_space<vmem>> -> memref<20xi32, #tpu.memory_space<vmem>>
    %dma_start3A_139 = arith.constant 0 : i32
    %dma_start3A_140 = arith.constant 0 : i32
    %dma_start3A_141 = tpu.memref_slice %arg2[%dma_start3A_139, %dma_start3A_140] : memref<100000x128xf32, #tpu.memory_space<hbm>> -> memref<100000x128xf32, #tpu.memory_space<hbm>>
    tpu.enqueue_indirect_dma source(%dma_start3A_141 : memref<100000x128xf32, #tpu.memory_space<hbm>>) target(%dma_start3A_135 : memref<20x128xf32, #tpu.memory_space<vmem>>) offsets(%dma_start3A_138 : memref<20xi32, #tpu.memory_space<vmem>>) semaphore(%arg7 : memref<!tpu.dma_semaphore, #tpu.memory_space<semaphore_mem>>)
    %dma_start3A_142 = arith.constant 14 : i32
    %dma_start3A_143 = arith.constant 280 : i32
    %dma_start3A_144 = arith.constant 0 : i32
    %dma_start3A_145 = tpu.memref_slice %arg6[%dma_start3A_143, %dma_start3A_144] : memref<640x128xf32, #tpu.memory_space<vmem>> -> memref<20x128xf32, #tpu.memory_space<vmem>>
    %dma_start3A_146 = arith.constant 0 : i32
    %dma_start3A_147 = tpu.memref_slice %arg5[%dma_start3A_142, %dma_start3A_146] : memref<32x20xi32, #tpu.memory_space<vmem>> -> memref<1x20xi32, #tpu.memory_space<vmem>>
    %dma_start3A_148 = tpu.memref_squeeze %dma_start3A_147 : memref<1x20xi32, #tpu.memory_space<vmem>> -> memref<20xi32, #tpu.memory_space<vmem>>
    %dma_start3A_149 = arith.constant 0 : i32
    %dma_start3A_150 = arith.constant 0 : i32
    %dma_start3A_151 = tpu.memref_slice %arg2[%dma_start3A_149, %dma_start3A_150] : memref<100000x128xf32, #tpu.memory_space<hbm>> -> memref<100000x128xf32, #tpu.memory_space<hbm>>
    tpu.enqueue_indirect_dma source(%dma_start3A_151 : memref<100000x128xf32, #tpu.memory_space<hbm>>) target(%dma_start3A_145 : memref<20x128xf32, #tpu.memory_space<vmem>>) offsets(%dma_start3A_148 : memref<20xi32, #tpu.memory_space<vmem>>) semaphore(%arg7 : memref<!tpu.dma_semaphore, #tpu.memory_space<semaphore_mem>>)
    %dma_start3A_152 = arith.constant 15 : i32
    %dma_start3A_153 = arith.constant 300 : i32
    %dma_start3A_154 = arith.constant 0 : i32
    %dma_start3A_155 = tpu.memref_slice %arg6[%dma_start3A_153, %dma_start3A_154] : memref<640x128xf32, #tpu.memory_space<vmem>> -> memref<20x128xf32, #tpu.memory_space<vmem>>
    %dma_start3A_156 = arith.constant 0 : i32
    %dma_start3A_157 = tpu.memref_slice %arg5[%dma_start3A_152, %dma_start3A_156] : memref<32x20xi32, #tpu.memory_space<vmem>> -> memref<1x20xi32, #tpu.memory_space<vmem>>
    %dma_start3A_158 = tpu.memref_squeeze %dma_start3A_157 : memref<1x20xi32, #tpu.memory_space<vmem>> -> memref<20xi32, #tpu.memory_space<vmem>>
    %dma_start3A_159 = arith.constant 0 : i32
    %dma_start3A_160 = arith.constant 0 : i32
    %dma_start3A_161 = tpu.memref_slice %arg2[%dma_start3A_159, %dma_start3A_160] : memref<100000x128xf32, #tpu.memory_space<hbm>> -> memref<100000x128xf32, #tpu.memory_space<hbm>>
    tpu.enqueue_indirect_dma source(%dma_start3A_161 : memref<100000x128xf32, #tpu.memory_space<hbm>>) target(%dma_start3A_155 : memref<20x128xf32, #tpu.memory_space<vmem>>) offsets(%dma_start3A_158 : memref<20xi32, #tpu.memory_space<vmem>>) semaphore(%arg7 : memref<!tpu.dma_semaphore, #tpu.memory_space<semaphore_mem>>)
    %dma_start3A_162 = arith.constant 16 : i32
    %dma_start3A_163 = arith.constant 320 : i32
    %dma_start3A_164 = arith.constant 0 : i32
    %dma_start3A_165 = tpu.memref_slice %arg6[%dma_start3A_163, %dma_start3A_164] : memref<640x128xf32, #tpu.memory_space<vmem>> -> memref<20x128xf32, #tpu.memory_space<vmem>>
    %dma_start3A_166 = arith.constant 0 : i32
    %dma_start3A_167 = tpu.memref_slice %arg5[%dma_start3A_162, %dma_start3A_166] : memref<32x20xi32, #tpu.memory_space<vmem>> -> memref<1x20xi32, #tpu.memory_space<vmem>>
    %dma_start3A_168 = tpu.memref_squeeze %dma_start3A_167 : memref<1x20xi32, #tpu.memory_space<vmem>> -> memref<20xi32, #tpu.memory_space<vmem>>
    %dma_start3A_169 = arith.constant 0 : i32
    %dma_start3A_170 = arith.constant 0 : i32
    %dma_start3A_171 = tpu.memref_slice %arg2[%dma_start3A_169, %dma_start3A_170] : memref<100000x128xf32, #tpu.memory_space<hbm>> -> memref<100000x128xf32, #tpu.memory_space<hbm>>
    tpu.enqueue_indirect_dma source(%dma_start3A_171 : memref<100000x128xf32, #tpu.memory_space<hbm>>) target(%dma_start3A_165 : memref<20x128xf32, #tpu.memory_space<vmem>>) offsets(%dma_start3A_168 : memref<20xi32, #tpu.memory_space<vmem>>) semaphore(%arg7 : memref<!tpu.dma_semaphore, #tpu.memory_space<semaphore_mem>>)
    %dma_start3A_172 = arith.constant 17 : i32
    %dma_start3A_173 = arith.constant 340 : i32
    %dma_start3A_174 = arith.constant 0 : i32
    %dma_start3A_175 = tpu.memref_slice %arg6[%dma_start3A_173, %dma_start3A_174] : memref<640x128xf32, #tpu.memory_space<vmem>> -> memref<20x128xf32, #tpu.memory_space<vmem>>
    %dma_start3A_176 = arith.constant 0 : i32
    %dma_start3A_177 = tpu.memref_slice %arg5[%dma_start3A_172, %dma_start3A_176] : memref<32x20xi32, #tpu.memory_space<vmem>> -> memref<1x20xi32, #tpu.memory_space<vmem>>
    %dma_start3A_178 = tpu.memref_squeeze %dma_start3A_177 : memref<1x20xi32, #tpu.memory_space<vmem>> -> memref<20xi32, #tpu.memory_space<vmem>>
    %dma_start3A_179 = arith.constant 0 : i32
    %dma_start3A_180 = arith.constant 0 : i32
    %dma_start3A_181 = tpu.memref_slice %arg2[%dma_start3A_179, %dma_start3A_180] : memref<100000x128xf32, #tpu.memory_space<hbm>> -> memref<100000x128xf32, #tpu.memory_space<hbm>>
    tpu.enqueue_indirect_dma source(%dma_start3A_181 : memref<100000x128xf32, #tpu.memory_space<hbm>>) target(%dma_start3A_175 : memref<20x128xf32, #tpu.memory_space<vmem>>) offsets(%dma_start3A_178 : memref<20xi32, #tpu.memory_space<vmem>>) semaphore(%arg7 : memref<!tpu.dma_semaphore, #tpu.memory_space<semaphore_mem>>)
    %dma_start3A_182 = arith.constant 18 : i32
    %dma_start3A_183 = arith.constant 360 : i32
    %dma_start3A_184 = arith.constant 0 : i32
    %dma_start3A_185 = tpu.memref_slice %arg6[%dma_start3A_183, %dma_start3A_184] : memref<640x128xf32, #tpu.memory_space<vmem>> -> memref<20x128xf32, #tpu.memory_space<vmem>>
    %dma_start3A_186 = arith.constant 0 : i32
    %dma_start3A_187 = tpu.memref_slice %arg5[%dma_start3A_182, %dma_start3A_186] : memref<32x20xi32, #tpu.memory_space<vmem>> -> memref<1x20xi32, #tpu.memory_space<vmem>>
    %dma_start3A_188 = tpu.memref_squeeze %dma_start3A_187 : memref<1x20xi32, #tpu.memory_space<vmem>> -> memref<20xi32, #tpu.memory_space<vmem>>
    %dma_start3A_189 = arith.constant 0 : i32
    %dma_start3A_190 = arith.constant 0 : i32
    %dma_start3A_191 = tpu.memref_slice %arg2[%dma_start3A_189, %dma_start3A_190] : memref<100000x128xf32, #tpu.memory_space<hbm>> -> memref<100000x128xf32, #tpu.memory_space<hbm>>
    tpu.enqueue_indirect_dma source(%dma_start3A_191 : memref<100000x128xf32, #tpu.memory_space<hbm>>) target(%dma_start3A_185 : memref<20x128xf32, #tpu.memory_space<vmem>>) offsets(%dma_start3A_188 : memref<20xi32, #tpu.memory_space<vmem>>) semaphore(%arg7 : memref<!tpu.dma_semaphore, #tpu.memory_space<semaphore_mem>>)
    %dma_start3A_192 = arith.constant 19 : i32
    %dma_start3A_193 = arith.constant 380 : i32
    %dma_start3A_194 = arith.constant 0 : i32
    %dma_start3A_195 = tpu.memref_slice %arg6[%dma_start3A_193, %dma_start3A_194] : memref<640x128xf32, #tpu.memory_space<vmem>> -> memref<20x128xf32, #tpu.memory_space<vmem>>
    %dma_start3A_196 = arith.constant 0 : i32
    %dma_start3A_197 = tpu.memref_slice %arg5[%dma_start3A_192, %dma_start3A_196] : memref<32x20xi32, #tpu.memory_space<vmem>> -> memref<1x20xi32, #tpu.memory_space<vmem>>
    %dma_start3A_198 = tpu.memref_squeeze %dma_start3A_197 : memref<1x20xi32, #tpu.memory_space<vmem>> -> memref<20xi32, #tpu.memory_space<vmem>>
    %dma_start3A_199 = arith.constant 0 : i32
    %dma_start3A_200 = arith.constant 0 : i32
    %dma_start3A_201 = tpu.memref_slice %arg2[%dma_start3A_199, %dma_start3A_200] : memref<100000x128xf32, #tpu.memory_space<hbm>> -> memref<100000x128xf32, #tpu.memory_space<hbm>>
    tpu.enqueue_indirect_dma source(%dma_start3A_201 : memref<100000x128xf32, #tpu.memory_space<hbm>>) target(%dma_start3A_195 : memref<20x128xf32, #tpu.memory_space<vmem>>) offsets(%dma_start3A_198 : memref<20xi32, #tpu.memory_space<vmem>>) semaphore(%arg7 : memref<!tpu.dma_semaphore, #tpu.memory_space<semaphore_mem>>)
    %dma_start3A_202 = arith.constant 20 : i32
    %dma_start3A_203 = arith.constant 400 : i32
    %dma_start3A_204 = arith.constant 0 : i32
    %dma_start3A_205 = tpu.memref_slice %arg6[%dma_start3A_203, %dma_start3A_204] : memref<640x128xf32, #tpu.memory_space<vmem>> -> memref<20x128xf32, #tpu.memory_space<vmem>>
    %dma_start3A_206 = arith.constant 0 : i32
    %dma_start3A_207 = tpu.memref_slice %arg5[%dma_start3A_202, %dma_start3A_206] : memref<32x20xi32, #tpu.memory_space<vmem>> -> memref<1x20xi32, #tpu.memory_space<vmem>>
    %dma_start3A_208 = tpu.memref_squeeze %dma_start3A_207 : memref<1x20xi32, #tpu.memory_space<vmem>> -> memref<20xi32, #tpu.memory_space<vmem>>
    %dma_start3A_209 = arith.constant 0 : i32
    %dma_start3A_210 = arith.constant 0 : i32
    %dma_start3A_211 = tpu.memref_slice %arg2[%dma_start3A_209, %dma_start3A_210] : memref<100000x128xf32, #tpu.memory_space<hbm>> -> memref<100000x128xf32, #tpu.memory_space<hbm>>
    tpu.enqueue_indirect_dma source(%dma_start3A_211 : memref<100000x128xf32, #tpu.memory_space<hbm>>) target(%dma_start3A_205 : memref<20x128xf32, #tpu.memory_space<vmem>>) offsets(%dma_start3A_208 : memref<20xi32, #tpu.memory_space<vmem>>) semaphore(%arg7 : memref<!tpu.dma_semaphore, #tpu.memory_space<semaphore_mem>>)
    %dma_start3A_212 = arith.constant 21 : i32
    %dma_start3A_213 = arith.constant 420 : i32
    %dma_start3A_214 = arith.constant 0 : i32
    %dma_start3A_215 = tpu.memref_slice %arg6[%dma_start3A_213, %dma_start3A_214] : memref<640x128xf32, #tpu.memory_space<vmem>> -> memref<20x128xf32, #tpu.memory_space<vmem>>
    %dma_start3A_216 = arith.constant 0 : i32
    %dma_start3A_217 = tpu.memref_slice %arg5[%dma_start3A_212, %dma_start3A_216] : memref<32x20xi32, #tpu.memory_space<vmem>> -> memref<1x20xi32, #tpu.memory_space<vmem>>
    %dma_start3A_218 = tpu.memref_squeeze %dma_start3A_217 : memref<1x20xi32, #tpu.memory_space<vmem>> -> memref<20xi32, #tpu.memory_space<vmem>>
    %dma_start3A_219 = arith.constant 0 : i32
    %dma_start3A_220 = arith.constant 0 : i32
    %dma_start3A_221 = tpu.memref_slice %arg2[%dma_start3A_219, %dma_start3A_220] : memref<100000x128xf32, #tpu.memory_space<hbm>> -> memref<100000x128xf32, #tpu.memory_space<hbm>>
    tpu.enqueue_indirect_dma source(%dma_start3A_221 : memref<100000x128xf32, #tpu.memory_space<hbm>>) target(%dma_start3A_215 : memref<20x128xf32, #tpu.memory_space<vmem>>) offsets(%dma_start3A_218 : memref<20xi32, #tpu.memory_space<vmem>>) semaphore(%arg7 : memref<!tpu.dma_semaphore, #tpu.memory_space<semaphore_mem>>)
    %dma_start3A_222 = arith.constant 22 : i32
    %dma_start3A_223 = arith.constant 440 : i32
    %dma_start3A_224 = arith.constant 0 : i32
    %dma_start3A_225 = tpu.memref_slice %arg6[%dma_start3A_223, %dma_start3A_224] : memref<640x128xf32, #tpu.memory_space<vmem>> -> memref<20x128xf32, #tpu.memory_space<vmem>>
    %dma_start3A_226 = arith.constant 0 : i32
    %dma_start3A_227 = tpu.memref_slice %arg5[%dma_start3A_222, %dma_start3A_226] : memref<32x20xi32, #tpu.memory_space<vmem>> -> memref<1x20xi32, #tpu.memory_space<vmem>>
    %dma_start3A_228 = tpu.memref_squeeze %dma_start3A_227 : memref<1x20xi32, #tpu.memory_space<vmem>> -> memref<20xi32, #tpu.memory_space<vmem>>
    %dma_start3A_229 = arith.constant 0 : i32
    %dma_start3A_230 = arith.constant 0 : i32
    %dma_start3A_231 = tpu.memref_slice %arg2[%dma_start3A_229, %dma_start3A_230] : memref<100000x128xf32, #tpu.memory_space<hbm>> -> memref<100000x128xf32, #tpu.memory_space<hbm>>
    tpu.enqueue_indirect_dma source(%dma_start3A_231 : memref<100000x128xf32, #tpu.memory_space<hbm>>) target(%dma_start3A_225 : memref<20x128xf32, #tpu.memory_space<vmem>>) offsets(%dma_start3A_228 : memref<20xi32, #tpu.memory_space<vmem>>) semaphore(%arg7 : memref<!tpu.dma_semaphore, #tpu.memory_space<semaphore_mem>>)
    %dma_start3A_232 = arith.constant 23 : i32
    %dma_start3A_233 = arith.constant 460 : i32
    %dma_start3A_234 = arith.constant 0 : i32
    %dma_start3A_235 = tpu.memref_slice %arg6[%dma_start3A_233, %dma_start3A_234] : memref<640x128xf32, #tpu.memory_space<vmem>> -> memref<20x128xf32, #tpu.memory_space<vmem>>
    %dma_start3A_236 = arith.constant 0 : i32
    %dma_start3A_237 = tpu.memref_slice %arg5[%dma_start3A_232, %dma_start3A_236] : memref<32x20xi32, #tpu.memory_space<vmem>> -> memref<1x20xi32, #tpu.memory_space<vmem>>
    %dma_start3A_238 = tpu.memref_squeeze %dma_start3A_237 : memref<1x20xi32, #tpu.memory_space<vmem>> -> memref<20xi32, #tpu.memory_space<vmem>>
    %dma_start3A_239 = arith.constant 0 : i32
    %dma_start3A_240 = arith.constant 0 : i32
    %dma_start3A_241 = tpu.memref_slice %arg2[%dma_start3A_239, %dma_start3A_240] : memref<100000x128xf32, #tpu.memory_space<hbm>> -> memref<100000x128xf32, #tpu.memory_space<hbm>>
    tpu.enqueue_indirect_dma source(%dma_start3A_241 : memref<100000x128xf32, #tpu.memory_space<hbm>>) target(%dma_start3A_235 : memref<20x128xf32, #tpu.memory_space<vmem>>) offsets(%dma_start3A_238 : memref<20xi32, #tpu.memory_space<vmem>>) semaphore(%arg7 : memref<!tpu.dma_semaphore, #tpu.memory_space<semaphore_mem>>)
    %dma_start3A_242 = arith.constant 24 : i32
    %dma_start3A_243 = arith.constant 480 : i32
    %dma_start3A_244 = arith.constant 0 : i32
    %dma_start3A_245 = tpu.memref_slice %arg6[%dma_start3A_243, %dma_start3A_244] : memref<640x128xf32, #tpu.memory_space<vmem>> -> memref<20x128xf32, #tpu.memory_space<vmem>>
    %dma_start3A_246 = arith.constant 0 : i32
    %dma_start3A_247 = tpu.memref_slice %arg5[%dma_start3A_242, %dma_start3A_246] : memref<32x20xi32, #tpu.memory_space<vmem>> -> memref<1x20xi32, #tpu.memory_space<vmem>>
    %dma_start3A_248 = tpu.memref_squeeze %dma_start3A_247 : memref<1x20xi32, #tpu.memory_space<vmem>> -> memref<20xi32, #tpu.memory_space<vmem>>
    %dma_start3A_249 = arith.constant 0 : i32
    %dma_start3A_250 = arith.constant 0 : i32
    %dma_start3A_251 = tpu.memref_slice %arg2[%dma_start3A_249, %dma_start3A_250] : memref<100000x128xf32, #tpu.memory_space<hbm>> -> memref<100000x128xf32, #tpu.memory_space<hbm>>
    tpu.enqueue_indirect_dma source(%dma_start3A_251 : memref<100000x128xf32, #tpu.memory_space<hbm>>) target(%dma_start3A_245 : memref<20x128xf32, #tpu.memory_space<vmem>>) offsets(%dma_start3A_248 : memref<20xi32, #tpu.memory_space<vmem>>) semaphore(%arg7 : memref<!tpu.dma_semaphore, #tpu.memory_space<semaphore_mem>>)
    %dma_start3A_252 = arith.constant 25 : i32
    %dma_start3A_253 = arith.constant 500 : i32
    %dma_start3A_254 = arith.constant 0 : i32
    %dma_start3A_255 = tpu.memref_slice %arg6[%dma_start3A_253, %dma_start3A_254] : memref<640x128xf32, #tpu.memory_space<vmem>> -> memref<20x128xf32, #tpu.memory_space<vmem>>
    %dma_start3A_256 = arith.constant 0 : i32
    %dma_start3A_257 = tpu.memref_slice %arg5[%dma_start3A_252, %dma_start3A_256] : memref<32x20xi32, #tpu.memory_space<vmem>> -> memref<1x20xi32, #tpu.memory_space<vmem>>
    %dma_start3A_258 = tpu.memref_squeeze %dma_start3A_257 : memref<1x20xi32, #tpu.memory_space<vmem>> -> memref<20xi32, #tpu.memory_space<vmem>>
    %dma_start3A_259 = arith.constant 0 : i32
    %dma_start3A_260 = arith.constant 0 : i32
    %dma_start3A_261 = tpu.memref_slice %arg2[%dma_start3A_259, %dma_start3A_260] : memref<100000x128xf32, #tpu.memory_space<hbm>> -> memref<100000x128xf32, #tpu.memory_space<hbm>>
    tpu.enqueue_indirect_dma source(%dma_start3A_261 : memref<100000x128xf32, #tpu.memory_space<hbm>>) target(%dma_start3A_255 : memref<20x128xf32, #tpu.memory_space<vmem>>) offsets(%dma_start3A_258 : memref<20xi32, #tpu.memory_space<vmem>>) semaphore(%arg7 : memref<!tpu.dma_semaphore, #tpu.memory_space<semaphore_mem>>)
    %dma_start3A_262 = arith.constant 26 : i32
    %dma_start3A_263 = arith.constant 520 : i32
    %dma_start3A_264 = arith.constant 0 : i32
    %dma_start3A_265 = tpu.memref_slice %arg6[%dma_start3A_263, %dma_start3A_264] : memref<640x128xf32, #tpu.memory_space<vmem>> -> memref<20x128xf32, #tpu.memory_space<vmem>>
    %dma_start3A_266 = arith.constant 0 : i32
    %dma_start3A_267 = tpu.memref_slice %arg5[%dma_start3A_262, %dma_start3A_266] : memref<32x20xi32, #tpu.memory_space<vmem>> -> memref<1x20xi32, #tpu.memory_space<vmem>>
    %dma_start3A_268 = tpu.memref_squeeze %dma_start3A_267 : memref<1x20xi32, #tpu.memory_space<vmem>> -> memref<20xi32, #tpu.memory_space<vmem>>
    %dma_start3A_269 = arith.constant 0 : i32
    %dma_start3A_270 = arith.constant 0 : i32
    %dma_start3A_271 = tpu.memref_slice %arg2[%dma_start3A_269, %dma_start3A_270] : memref<100000x128xf32, #tpu.memory_space<hbm>> -> memref<100000x128xf32, #tpu.memory_space<hbm>>
    tpu.enqueue_indirect_dma source(%dma_start3A_271 : memref<100000x128xf32, #tpu.memory_space<hbm>>) target(%dma_start3A_265 : memref<20x128xf32, #tpu.memory_space<vmem>>) offsets(%dma_start3A_268 : memref<20xi32, #tpu.memory_space<vmem>>) semaphore(%arg7 : memref<!tpu.dma_semaphore, #tpu.memory_space<semaphore_mem>>)
    %dma_start3A_272 = arith.constant 27 : i32
    %dma_start3A_273 = arith.constant 540 : i32
    %dma_start3A_274 = arith.constant 0 : i32
    %dma_start3A_275 = tpu.memref_slice %arg6[%dma_start3A_273, %dma_start3A_274] : memref<640x128xf32, #tpu.memory_space<vmem>> -> memref<20x128xf32, #tpu.memory_space<vmem>>
    %dma_start3A_276 = arith.constant 0 : i32
    %dma_start3A_277 = tpu.memref_slice %arg5[%dma_start3A_272, %dma_start3A_276] : memref<32x20xi32, #tpu.memory_space<vmem>> -> memref<1x20xi32, #tpu.memory_space<vmem>>
    %dma_start3A_278 = tpu.memref_squeeze %dma_start3A_277 : memref<1x20xi32, #tpu.memory_space<vmem>> -> memref<20xi32, #tpu.memory_space<vmem>>
    %dma_start3A_279 = arith.constant 0 : i32
    %dma_start3A_280 = arith.constant 0 : i32
    %dma_start3A_281 = tpu.memref_slice %arg2[%dma_start3A_279, %dma_start3A_280] : memref<100000x128xf32, #tpu.memory_space<hbm>> -> memref<100000x128xf32, #tpu.memory_space<hbm>>
    tpu.enqueue_indirect_dma source(%dma_start3A_281 : memref<100000x128xf32, #tpu.memory_space<hbm>>) target(%dma_start3A_275 : memref<20x128xf32, #tpu.memory_space<vmem>>) offsets(%dma_start3A_278 : memref<20xi32, #tpu.memory_space<vmem>>) semaphore(%arg7 : memref<!tpu.dma_semaphore, #tpu.memory_space<semaphore_mem>>)
    %dma_start3A_282 = arith.constant 28 : i32
    %dma_start3A_283 = arith.constant 560 : i32
    %dma_start3A_284 = arith.constant 0 : i32
    %dma_start3A_285 = tpu.memref_slice %arg6[%dma_start3A_283, %dma_start3A_284] : memref<640x128xf32, #tpu.memory_space<vmem>> -> memref<20x128xf32, #tpu.memory_space<vmem>>
    %dma_start3A_286 = arith.constant 0 : i32
    %dma_start3A_287 = tpu.memref_slice %arg5[%dma_start3A_282, %dma_start3A_286] : memref<32x20xi32, #tpu.memory_space<vmem>> -> memref<1x20xi32, #tpu.memory_space<vmem>>
    %dma_start3A_288 = tpu.memref_squeeze %dma_start3A_287 : memref<1x20xi32, #tpu.memory_space<vmem>> -> memref<20xi32, #tpu.memory_space<vmem>>
    %dma_start3A_289 = arith.constant 0 : i32
    %dma_start3A_290 = arith.constant 0 : i32
    %dma_start3A_291 = tpu.memref_slice %arg2[%dma_start3A_289, %dma_start3A_290] : memref<100000x128xf32, #tpu.memory_space<hbm>> -> memref<100000x128xf32, #tpu.memory_space<hbm>>
    tpu.enqueue_indirect_dma source(%dma_start3A_291 : memref<100000x128xf32, #tpu.memory_space<hbm>>) target(%dma_start3A_285 : memref<20x128xf32, #tpu.memory_space<vmem>>) offsets(%dma_start3A_288 : memref<20xi32, #tpu.memory_space<vmem>>) semaphore(%arg7 : memref<!tpu.dma_semaphore, #tpu.memory_space<semaphore_mem>>)
    %dma_start3A_292 = arith.constant 29 : i32
    %dma_start3A_293 = arith.constant 580 : i32
    %dma_start3A_294 = arith.constant 0 : i32
    %dma_start3A_295 = tpu.memref_slice %arg6[%dma_start3A_293, %dma_start3A_294] : memref<640x128xf32, #tpu.memory_space<vmem>> -> memref<20x128xf32, #tpu.memory_space<vmem>>
    %dma_start3A_296 = arith.constant 0 : i32
    %dma_start3A_297 = tpu.memref_slice %arg5[%dma_start3A_292, %dma_start3A_296] : memref<32x20xi32, #tpu.memory_space<vmem>> -> memref<1x20xi32, #tpu.memory_space<vmem>>
    %dma_start3A_298 = tpu.memref_squeeze %dma_start3A_297 : memref<1x20xi32, #tpu.memory_space<vmem>> -> memref<20xi32, #tpu.memory_space<vmem>>
    %dma_start3A_299 = arith.constant 0 : i32
    %dma_start3A_300 = arith.constant 0 : i32
    %dma_start3A_301 = tpu.memref_slice %arg2[%dma_start3A_299, %dma_start3A_300] : memref<100000x128xf32, #tpu.memory_space<hbm>> -> memref<100000x128xf32, #tpu.memory_space<hbm>>
    tpu.enqueue_indirect_dma source(%dma_start3A_301 : memref<100000x128xf32, #tpu.memory_space<hbm>>) target(%dma_start3A_295 : memref<20x128xf32, #tpu.memory_space<vmem>>) offsets(%dma_start3A_298 : memref<20xi32, #tpu.memory_space<vmem>>) semaphore(%arg7 : memref<!tpu.dma_semaphore, #tpu.memory_space<semaphore_mem>>)
    %dma_start3A_302 = arith.constant 30 : i32
    %dma_start3A_303 = arith.constant 600 : i32
    %dma_start3A_304 = arith.constant 0 : i32
    %dma_start3A_305 = tpu.memref_slice %arg6[%dma_start3A_303, %dma_start3A_304] : memref<640x128xf32, #tpu.memory_space<vmem>> -> memref<20x128xf32, #tpu.memory_space<vmem>>
    %dma_start3A_306 = arith.constant 0 : i32
    %dma_start3A_307 = tpu.memref_slice %arg5[%dma_start3A_302, %dma_start3A_306] : memref<32x20xi32, #tpu.memory_space<vmem>> -> memref<1x20xi32, #tpu.memory_space<vmem>>
    %dma_start3A_308 = tpu.memref_squeeze %dma_start3A_307 : memref<1x20xi32, #tpu.memory_space<vmem>> -> memref<20xi32, #tpu.memory_space<vmem>>
    %dma_start3A_309 = arith.constant 0 : i32
    %dma_start3A_310 = arith.constant 0 : i32
    %dma_start3A_311 = tpu.memref_slice %arg2[%dma_start3A_309, %dma_start3A_310] : memref<100000x128xf32, #tpu.memory_space<hbm>> -> memref<100000x128xf32, #tpu.memory_space<hbm>>
    tpu.enqueue_indirect_dma source(%dma_start3A_311 : memref<100000x128xf32, #tpu.memory_space<hbm>>) target(%dma_start3A_305 : memref<20x128xf32, #tpu.memory_space<vmem>>) offsets(%dma_start3A_308 : memref<20xi32, #tpu.memory_space<vmem>>) semaphore(%arg7 : memref<!tpu.dma_semaphore, #tpu.memory_space<semaphore_mem>>)
    %dma_start3A_312 = arith.constant 31 : i32
    %dma_start3A_313 = arith.constant 620 : i32
    %dma_start3A_314 = arith.constant 0 : i32
    %dma_start3A_315 = tpu.memref_slice %arg6[%dma_start3A_313, %dma_start3A_314] : memref<640x128xf32, #tpu.memory_space<vmem>> -> memref<20x128xf32, #tpu.memory_space<vmem>>
    %dma_start3A_316 = arith.constant 0 : i32
    %dma_start3A_317 = tpu.memref_slice %arg5[%dma_start3A_312, %dma_start3A_316] : memref<32x20xi32, #tpu.memory_space<vmem>> -> memref<1x20xi32, #tpu.memory_space<vmem>>
    %dma_start3A_318 = tpu.memref_squeeze %dma_start3A_317 : memref<1x20xi32, #tpu.memory_space<vmem>> -> memref<20xi32, #tpu.memory_space<vmem>>
    %dma_start3A_319 = arith.constant 0 : i32
    %dma_start3A_320 = arith.constant 0 : i32
    %dma_start3A_321 = tpu.memref_slice %arg2[%dma_start3A_319, %dma_start3A_320] : memref<100000x128xf32, #tpu.memory_space<hbm>> -> memref<100000x128xf32, #tpu.memory_space<hbm>>
    tpu.enqueue_indirect_dma source(%dma_start3A_321 : memref<100000x128xf32, #tpu.memory_space<hbm>>) target(%dma_start3A_315 : memref<20x128xf32, #tpu.memory_space<vmem>>) offsets(%dma_start3A_318 : memref<20xi32, #tpu.memory_space<vmem>>) semaphore(%arg7 : memref<!tpu.dma_semaphore, #tpu.memory_space<semaphore_mem>>)
    %dma_wait3A = arith.constant 0 : i32
    %dma_wait3A_322 = arith.constant 0 : i32
    %dma_wait3A_323 = arith.constant 0 : i32
    %dma_wait3A_324 = tpu.memref_slice %arg6[%dma_wait3A_322, %dma_wait3A_323] : memref<640x128xf32, #tpu.memory_space<vmem>> -> memref<20x128xf32, #tpu.memory_space<vmem>>
    %dma_wait3A_325 = arith.constant 0 : i32
    %dma_wait3A_326 = tpu.memref_slice %arg5[%dma_wait3A, %dma_wait3A_325] : memref<32x20xi32, #tpu.memory_space<vmem>> -> memref<1x20xi32, #tpu.memory_space<vmem>>
    %dma_wait3A_327 = tpu.memref_squeeze %dma_wait3A_326 : memref<1x20xi32, #tpu.memory_space<vmem>> -> memref<20xi32, #tpu.memory_space<vmem>>
    %dma_wait3A_328 = arith.constant 0 : i32
    %dma_wait3A_329 = arith.constant 0 : i32
    %dma_wait3A_330 = tpu.memref_slice %arg2[%dma_wait3A_328, %dma_wait3A_329] : memref<100000x128xf32, #tpu.memory_space<hbm>> -> memref<100000x128xf32, #tpu.memory_space<hbm>>
    tpu.wait_indirect_dma semaphore(%arg7 : memref<!tpu.dma_semaphore, #tpu.memory_space<semaphore_mem>>) src(%dma_wait3A_330 : memref<100000x128xf32, #tpu.memory_space<hbm>>) dst(%dma_wait3A_324 : memref<20x128xf32, #tpu.memory_space<vmem>>)
    %dma_wait3A_331 = arith.constant 1 : i32
    %dma_wait3A_332 = arith.constant 20 : i32
    %dma_wait3A_333 = arith.constant 0 : i32
    %dma_wait3A_334 = tpu.memref_slice %arg6[%dma_wait3A_332, %dma_wait3A_333] : memref<640x128xf32, #tpu.memory_space<vmem>> -> memref<20x128xf32, #tpu.memory_space<vmem>>
    %dma_wait3A_335 = arith.constant 0 : i32
    %dma_wait3A_336 = tpu.memref_slice %arg5[%dma_wait3A_331, %dma_wait3A_335] : memref<32x20xi32, #tpu.memory_space<vmem>> -> memref<1x20xi32, #tpu.memory_space<vmem>>
    %dma_wait3A_337 = tpu.memref_squeeze %dma_wait3A_336 : memref<1x20xi32, #tpu.memory_space<vmem>> -> memref<20xi32, #tpu.memory_space<vmem>>
    %dma_wait3A_338 = arith.constant 0 : i32
    %dma_wait3A_339 = arith.constant 0 : i32
    %dma_wait3A_340 = tpu.memref_slice %arg2[%dma_wait3A_338, %dma_wait3A_339] : memref<100000x128xf32, #tpu.memory_space<hbm>> -> memref<100000x128xf32, #tpu.memory_space<hbm>>
    tpu.wait_indirect_dma semaphore(%arg7 : memref<!tpu.dma_semaphore, #tpu.memory_space<semaphore_mem>>) src(%dma_wait3A_340 : memref<100000x128xf32, #tpu.memory_space<hbm>>) dst(%dma_wait3A_334 : memref<20x128xf32, #tpu.memory_space<vmem>>)
    %dma_wait3A_341 = arith.constant 2 : i32
    %dma_wait3A_342 = arith.constant 40 : i32
    %dma_wait3A_343 = arith.constant 0 : i32
    %dma_wait3A_344 = tpu.memref_slice %arg6[%dma_wait3A_342, %dma_wait3A_343] : memref<640x128xf32, #tpu.memory_space<vmem>> -> memref<20x128xf32, #tpu.memory_space<vmem>>
    %dma_wait3A_345 = arith.constant 0 : i32
    %dma_wait3A_346 = tpu.memref_slice %arg5[%dma_wait3A_341, %dma_wait3A_345] : memref<32x20xi32, #tpu.memory_space<vmem>> -> memref<1x20xi32, #tpu.memory_space<vmem>>
    %dma_wait3A_347 = tpu.memref_squeeze %dma_wait3A_346 : memref<1x20xi32, #tpu.memory_space<vmem>> -> memref<20xi32, #tpu.memory_space<vmem>>
    %dma_wait3A_348 = arith.constant 0 : i32
    %dma_wait3A_349 = arith.constant 0 : i32
    %dma_wait3A_350 = tpu.memref_slice %arg2[%dma_wait3A_348, %dma_wait3A_349] : memref<100000x128xf32, #tpu.memory_space<hbm>> -> memref<100000x128xf32, #tpu.memory_space<hbm>>
    tpu.wait_indirect_dma semaphore(%arg7 : memref<!tpu.dma_semaphore, #tpu.memory_space<semaphore_mem>>) src(%dma_wait3A_350 : memref<100000x128xf32, #tpu.memory_space<hbm>>) dst(%dma_wait3A_344 : memref<20x128xf32, #tpu.memory_space<vmem>>)
    %dma_wait3A_351 = arith.constant 3 : i32
    %dma_wait3A_352 = arith.constant 60 : i32
    %dma_wait3A_353 = arith.constant 0 : i32
    %dma_wait3A_354 = tpu.memref_slice %arg6[%dma_wait3A_352, %dma_wait3A_353] : memref<640x128xf32, #tpu.memory_space<vmem>> -> memref<20x128xf32, #tpu.memory_space<vmem>>
    %dma_wait3A_355 = arith.constant 0 : i32
    %dma_wait3A_356 = tpu.memref_slice %arg5[%dma_wait3A_351, %dma_wait3A_355] : memref<32x20xi32, #tpu.memory_space<vmem>> -> memref<1x20xi32, #tpu.memory_space<vmem>>
    %dma_wait3A_357 = tpu.memref_squeeze %dma_wait3A_356 : memref<1x20xi32, #tpu.memory_space<vmem>> -> memref<20xi32, #tpu.memory_space<vmem>>
    %dma_wait3A_358 = arith.constant 0 : i32
    %dma_wait3A_359 = arith.constant 0 : i32
    %dma_wait3A_360 = tpu.memref_slice %arg2[%dma_wait3A_358, %dma_wait3A_359] : memref<100000x128xf32, #tpu.memory_space<hbm>> -> memref<100000x128xf32, #tpu.memory_space<hbm>>
    tpu.wait_indirect_dma semaphore(%arg7 : memref<!tpu.dma_semaphore, #tpu.memory_space<semaphore_mem>>) src(%dma_wait3A_360 : memref<100000x128xf32, #tpu.memory_space<hbm>>) dst(%dma_wait3A_354 : memref<20x128xf32, #tpu.memory_space<vmem>>)
    %dma_wait3A_361 = arith.constant 4 : i32
    %dma_wait3A_362 = arith.constant 80 : i32
    %dma_wait3A_363 = arith.constant 0 : i32
    %dma_wait3A_364 = tpu.memref_slice %arg6[%dma_wait3A_362, %dma_wait3A_363] : memref<640x128xf32, #tpu.memory_space<vmem>> -> memref<20x128xf32, #tpu.memory_space<vmem>>
    %dma_wait3A_365 = arith.constant 0 : i32
    %dma_wait3A_366 = tpu.memref_slice %arg5[%dma_wait3A_361, %dma_wait3A_365] : memref<32x20xi32, #tpu.memory_space<vmem>> -> memref<1x20xi32, #tpu.memory_space<vmem>>
    %dma_wait3A_367 = tpu.memref_squeeze %dma_wait3A_366 : memref<1x20xi32, #tpu.memory_space<vmem>> -> memref<20xi32, #tpu.memory_space<vmem>>
    %dma_wait3A_368 = arith.constant 0 : i32
    %dma_wait3A_369 = arith.constant 0 : i32
    %dma_wait3A_370 = tpu.memref_slice %arg2[%dma_wait3A_368, %dma_wait3A_369] : memref<100000x128xf32, #tpu.memory_space<hbm>> -> memref<100000x128xf32, #tpu.memory_space<hbm>>
    tpu.wait_indirect_dma semaphore(%arg7 : memref<!tpu.dma_semaphore, #tpu.memory_space<semaphore_mem>>) src(%dma_wait3A_370 : memref<100000x128xf32, #tpu.memory_space<hbm>>) dst(%dma_wait3A_364 : memref<20x128xf32, #tpu.memory_space<vmem>>)
    %dma_wait3A_371 = arith.constant 5 : i32
    %dma_wait3A_372 = arith.constant 100 : i32
    %dma_wait3A_373 = arith.constant 0 : i32
    %dma_wait3A_374 = tpu.memref_slice %arg6[%dma_wait3A_372, %dma_wait3A_373] : memref<640x128xf32, #tpu.memory_space<vmem>> -> memref<20x128xf32, #tpu.memory_space<vmem>>
    %dma_wait3A_375 = arith.constant 0 : i32
    %dma_wait3A_376 = tpu.memref_slice %arg5[%dma_wait3A_371, %dma_wait3A_375] : memref<32x20xi32, #tpu.memory_space<vmem>> -> memref<1x20xi32, #tpu.memory_space<vmem>>
    %dma_wait3A_377 = tpu.memref_squeeze %dma_wait3A_376 : memref<1x20xi32, #tpu.memory_space<vmem>> -> memref<20xi32, #tpu.memory_space<vmem>>
    %dma_wait3A_378 = arith.constant 0 : i32
    %dma_wait3A_379 = arith.constant 0 : i32
    %dma_wait3A_380 = tpu.memref_slice %arg2[%dma_wait3A_378, %dma_wait3A_379] : memref<100000x128xf32, #tpu.memory_space<hbm>> -> memref<100000x128xf32, #tpu.memory_space<hbm>>
    tpu.wait_indirect_dma semaphore(%arg7 : memref<!tpu.dma_semaphore, #tpu.memory_space<semaphore_mem>>) src(%dma_wait3A_380 : memref<100000x128xf32, #tpu.memory_space<hbm>>) dst(%dma_wait3A_374 : memref<20x128xf32, #tpu.memory_space<vmem>>)
    %dma_wait3A_381 = arith.constant 6 : i32
    %dma_wait3A_382 = arith.constant 120 : i32
    %dma_wait3A_383 = arith.constant 0 : i32
    %dma_wait3A_384 = tpu.memref_slice %arg6[%dma_wait3A_382, %dma_wait3A_383] : memref<640x128xf32, #tpu.memory_space<vmem>> -> memref<20x128xf32, #tpu.memory_space<vmem>>
    %dma_wait3A_385 = arith.constant 0 : i32
    %dma_wait3A_386 = tpu.memref_slice %arg5[%dma_wait3A_381, %dma_wait3A_385] : memref<32x20xi32, #tpu.memory_space<vmem>> -> memref<1x20xi32, #tpu.memory_space<vmem>>
    %dma_wait3A_387 = tpu.memref_squeeze %dma_wait3A_386 : memref<1x20xi32, #tpu.memory_space<vmem>> -> memref<20xi32, #tpu.memory_space<vmem>>
    %dma_wait3A_388 = arith.constant 0 : i32
    %dma_wait3A_389 = arith.constant 0 : i32
    %dma_wait3A_390 = tpu.memref_slice %arg2[%dma_wait3A_388, %dma_wait3A_389] : memref<100000x128xf32, #tpu.memory_space<hbm>> -> memref<100000x128xf32, #tpu.memory_space<hbm>>
    tpu.wait_indirect_dma semaphore(%arg7 : memref<!tpu.dma_semaphore, #tpu.memory_space<semaphore_mem>>) src(%dma_wait3A_390 : memref<100000x128xf32, #tpu.memory_space<hbm>>) dst(%dma_wait3A_384 : memref<20x128xf32, #tpu.memory_space<vmem>>)
    %dma_wait3A_391 = arith.constant 7 : i32
    %dma_wait3A_392 = arith.constant 140 : i32
    %dma_wait3A_393 = arith.constant 0 : i32
    %dma_wait3A_394 = tpu.memref_slice %arg6[%dma_wait3A_392, %dma_wait3A_393] : memref<640x128xf32, #tpu.memory_space<vmem>> -> memref<20x128xf32, #tpu.memory_space<vmem>>
    %dma_wait3A_395 = arith.constant 0 : i32
    %dma_wait3A_396 = tpu.memref_slice %arg5[%dma_wait3A_391, %dma_wait3A_395] : memref<32x20xi32, #tpu.memory_space<vmem>> -> memref<1x20xi32, #tpu.memory_space<vmem>>
    %dma_wait3A_397 = tpu.memref_squeeze %dma_wait3A_396 : memref<1x20xi32, #tpu.memory_space<vmem>> -> memref<20xi32, #tpu.memory_space<vmem>>
    %dma_wait3A_398 = arith.constant 0 : i32
    %dma_wait3A_399 = arith.constant 0 : i32
    %dma_wait3A_400 = tpu.memref_slice %arg2[%dma_wait3A_398, %dma_wait3A_399] : memref<100000x128xf32, #tpu.memory_space<hbm>> -> memref<100000x128xf32, #tpu.memory_space<hbm>>
    tpu.wait_indirect_dma semaphore(%arg7 : memref<!tpu.dma_semaphore, #tpu.memory_space<semaphore_mem>>) src(%dma_wait3A_400 : memref<100000x128xf32, #tpu.memory_space<hbm>>) dst(%dma_wait3A_394 : memref<20x128xf32, #tpu.memory_space<vmem>>)
    %dma_wait3A_401 = arith.constant 8 : i32
    %dma_wait3A_402 = arith.constant 160 : i32
    %dma_wait3A_403 = arith.constant 0 : i32
    %dma_wait3A_404 = tpu.memref_slice %arg6[%dma_wait3A_402, %dma_wait3A_403] : memref<640x128xf32, #tpu.memory_space<vmem>> -> memref<20x128xf32, #tpu.memory_space<vmem>>
    %dma_wait3A_405 = arith.constant 0 : i32
    %dma_wait3A_406 = tpu.memref_slice %arg5[%dma_wait3A_401, %dma_wait3A_405] : memref<32x20xi32, #tpu.memory_space<vmem>> -> memref<1x20xi32, #tpu.memory_space<vmem>>
    %dma_wait3A_407 = tpu.memref_squeeze %dma_wait3A_406 : memref<1x20xi32, #tpu.memory_space<vmem>> -> memref<20xi32, #tpu.memory_space<vmem>>
    %dma_wait3A_408 = arith.constant 0 : i32
    %dma_wait3A_409 = arith.constant 0 : i32
    %dma_wait3A_410 = tpu.memref_slice %arg2[%dma_wait3A_408, %dma_wait3A_409] : memref<100000x128xf32, #tpu.memory_space<hbm>> -> memref<100000x128xf32, #tpu.memory_space<hbm>>
    tpu.wait_indirect_dma semaphore(%arg7 : memref<!tpu.dma_semaphore, #tpu.memory_space<semaphore_mem>>) src(%dma_wait3A_410 : memref<100000x128xf32, #tpu.memory_space<hbm>>) dst(%dma_wait3A_404 : memref<20x128xf32, #tpu.memory_space<vmem>>)
    %dma_wait3A_411 = arith.constant 9 : i32
    %dma_wait3A_412 = arith.constant 180 : i32
    %dma_wait3A_413 = arith.constant 0 : i32
    %dma_wait3A_414 = tpu.memref_slice %arg6[%dma_wait3A_412, %dma_wait3A_413] : memref<640x128xf32, #tpu.memory_space<vmem>> -> memref<20x128xf32, #tpu.memory_space<vmem>>
    %dma_wait3A_415 = arith.constant 0 : i32
    %dma_wait3A_416 = tpu.memref_slice %arg5[%dma_wait3A_411, %dma_wait3A_415] : memref<32x20xi32, #tpu.memory_space<vmem>> -> memref<1x20xi32, #tpu.memory_space<vmem>>
    %dma_wait3A_417 = tpu.memref_squeeze %dma_wait3A_416 : memref<1x20xi32, #tpu.memory_space<vmem>> -> memref<20xi32, #tpu.memory_space<vmem>>
    %dma_wait3A_418 = arith.constant 0 : i32
    %dma_wait3A_419 = arith.constant 0 : i32
    %dma_wait3A_420 = tpu.memref_slice %arg2[%dma_wait3A_418, %dma_wait3A_419] : memref<100000x128xf32, #tpu.memory_space<hbm>> -> memref<100000x128xf32, #tpu.memory_space<hbm>>
    tpu.wait_indirect_dma semaphore(%arg7 : memref<!tpu.dma_semaphore, #tpu.memory_space<semaphore_mem>>) src(%dma_wait3A_420 : memref<100000x128xf32, #tpu.memory_space<hbm>>) dst(%dma_wait3A_414 : memref<20x128xf32, #tpu.memory_space<vmem>>)
    %dma_wait3A_421 = arith.constant 10 : i32
    %dma_wait3A_422 = arith.constant 200 : i32
    %dma_wait3A_423 = arith.constant 0 : i32
    %dma_wait3A_424 = tpu.memref_slice %arg6[%dma_wait3A_422, %dma_wait3A_423] : memref<640x128xf32, #tpu.memory_space<vmem>> -> memref<20x128xf32, #tpu.memory_space<vmem>>
    %dma_wait3A_425 = arith.constant 0 : i32
    %dma_wait3A_426 = tpu.memref_slice %arg5[%dma_wait3A_421, %dma_wait3A_425] : memref<32x20xi32, #tpu.memory_space<vmem>> -> memref<1x20xi32, #tpu.memory_space<vmem>>
    %dma_wait3A_427 = tpu.memref_squeeze %dma_wait3A_426 : memref<1x20xi32, #tpu.memory_space<vmem>> -> memref<20xi32, #tpu.memory_space<vmem>>
    %dma_wait3A_428 = arith.constant 0 : i32
    %dma_wait3A_429 = arith.constant 0 : i32
    %dma_wait3A_430 = tpu.memref_slice %arg2[%dma_wait3A_428, %dma_wait3A_429] : memref<100000x128xf32, #tpu.memory_space<hbm>> -> memref<100000x128xf32, #tpu.memory_space<hbm>>
    tpu.wait_indirect_dma semaphore(%arg7 : memref<!tpu.dma_semaphore, #tpu.memory_space<semaphore_mem>>) src(%dma_wait3A_430 : memref<100000x128xf32, #tpu.memory_space<hbm>>) dst(%dma_wait3A_424 : memref<20x128xf32, #tpu.memory_space<vmem>>)
    %dma_wait3A_431 = arith.constant 11 : i32
    %dma_wait3A_432 = arith.constant 220 : i32
    %dma_wait3A_433 = arith.constant 0 : i32
    %dma_wait3A_434 = tpu.memref_slice %arg6[%dma_wait3A_432, %dma_wait3A_433] : memref<640x128xf32, #tpu.memory_space<vmem>> -> memref<20x128xf32, #tpu.memory_space<vmem>>
    %dma_wait3A_435 = arith.constant 0 : i32
    %dma_wait3A_436 = tpu.memref_slice %arg5[%dma_wait3A_431, %dma_wait3A_435] : memref<32x20xi32, #tpu.memory_space<vmem>> -> memref<1x20xi32, #tpu.memory_space<vmem>>
    %dma_wait3A_437 = tpu.memref_squeeze %dma_wait3A_436 : memref<1x20xi32, #tpu.memory_space<vmem>> -> memref<20xi32, #tpu.memory_space<vmem>>
    %dma_wait3A_438 = arith.constant 0 : i32
    %dma_wait3A_439 = arith.constant 0 : i32
    %dma_wait3A_440 = tpu.memref_slice %arg2[%dma_wait3A_438, %dma_wait3A_439] : memref<100000x128xf32, #tpu.memory_space<hbm>> -> memref<100000x128xf32, #tpu.memory_space<hbm>>
    tpu.wait_indirect_dma semaphore(%arg7 : memref<!tpu.dma_semaphore, #tpu.memory_space<semaphore_mem>>) src(%dma_wait3A_440 : memref<100000x128xf32, #tpu.memory_space<hbm>>) dst(%dma_wait3A_434 : memref<20x128xf32, #tpu.memory_space<vmem>>)
    %dma_wait3A_441 = arith.constant 12 : i32
    %dma_wait3A_442 = arith.constant 240 : i32
    %dma_wait3A_443 = arith.constant 0 : i32
    %dma_wait3A_444 = tpu.memref_slice %arg6[%dma_wait3A_442, %dma_wait3A_443] : memref<640x128xf32, #tpu.memory_space<vmem>> -> memref<20x128xf32, #tpu.memory_space<vmem>>
    %dma_wait3A_445 = arith.constant 0 : i32
    %dma_wait3A_446 = tpu.memref_slice %arg5[%dma_wait3A_441, %dma_wait3A_445] : memref<32x20xi32, #tpu.memory_space<vmem>> -> memref<1x20xi32, #tpu.memory_space<vmem>>
    %dma_wait3A_447 = tpu.memref_squeeze %dma_wait3A_446 : memref<1x20xi32, #tpu.memory_space<vmem>> -> memref<20xi32, #tpu.memory_space<vmem>>
    %dma_wait3A_448 = arith.constant 0 : i32
    %dma_wait3A_449 = arith.constant 0 : i32
    %dma_wait3A_450 = tpu.memref_slice %arg2[%dma_wait3A_448, %dma_wait3A_449] : memref<100000x128xf32, #tpu.memory_space<hbm>> -> memref<100000x128xf32, #tpu.memory_space<hbm>>
    tpu.wait_indirect_dma semaphore(%arg7 : memref<!tpu.dma_semaphore, #tpu.memory_space<semaphore_mem>>) src(%dma_wait3A_450 : memref<100000x128xf32, #tpu.memory_space<hbm>>) dst(%dma_wait3A_444 : memref<20x128xf32, #tpu.memory_space<vmem>>)
    %dma_wait3A_451 = arith.constant 13 : i32
    %dma_wait3A_452 = arith.constant 260 : i32
    %dma_wait3A_453 = arith.constant 0 : i32
    %dma_wait3A_454 = tpu.memref_slice %arg6[%dma_wait3A_452, %dma_wait3A_453] : memref<640x128xf32, #tpu.memory_space<vmem>> -> memref<20x128xf32, #tpu.memory_space<vmem>>
    %dma_wait3A_455 = arith.constant 0 : i32
    %dma_wait3A_456 = tpu.memref_slice %arg5[%dma_wait3A_451, %dma_wait3A_455] : memref<32x20xi32, #tpu.memory_space<vmem>> -> memref<1x20xi32, #tpu.memory_space<vmem>>
    %dma_wait3A_457 = tpu.memref_squeeze %dma_wait3A_456 : memref<1x20xi32, #tpu.memory_space<vmem>> -> memref<20xi32, #tpu.memory_space<vmem>>
    %dma_wait3A_458 = arith.constant 0 : i32
    %dma_wait3A_459 = arith.constant 0 : i32
    %dma_wait3A_460 = tpu.memref_slice %arg2[%dma_wait3A_458, %dma_wait3A_459] : memref<100000x128xf32, #tpu.memory_space<hbm>> -> memref<100000x128xf32, #tpu.memory_space<hbm>>
    tpu.wait_indirect_dma semaphore(%arg7 : memref<!tpu.dma_semaphore, #tpu.memory_space<semaphore_mem>>) src(%dma_wait3A_460 : memref<100000x128xf32, #tpu.memory_space<hbm>>) dst(%dma_wait3A_454 : memref<20x128xf32, #tpu.memory_space<vmem>>)
    %dma_wait3A_461 = arith.constant 14 : i32
    %dma_wait3A_462 = arith.constant 280 : i32
    %dma_wait3A_463 = arith.constant 0 : i32
    %dma_wait3A_464 = tpu.memref_slice %arg6[%dma_wait3A_462, %dma_wait3A_463] : memref<640x128xf32, #tpu.memory_space<vmem>> -> memref<20x128xf32, #tpu.memory_space<vmem>>
    %dma_wait3A_465 = arith.constant 0 : i32
    %dma_wait3A_466 = tpu.memref_slice %arg5[%dma_wait3A_461, %dma_wait3A_465] : memref<32x20xi32, #tpu.memory_space<vmem>> -> memref<1x20xi32, #tpu.memory_space<vmem>>
    %dma_wait3A_467 = tpu.memref_squeeze %dma_wait3A_466 : memref<1x20xi32, #tpu.memory_space<vmem>> -> memref<20xi32, #tpu.memory_space<vmem>>
    %dma_wait3A_468 = arith.constant 0 : i32
    %dma_wait3A_469 = arith.constant 0 : i32
    %dma_wait3A_470 = tpu.memref_slice %arg2[%dma_wait3A_468, %dma_wait3A_469] : memref<100000x128xf32, #tpu.memory_space<hbm>> -> memref<100000x128xf32, #tpu.memory_space<hbm>>
    tpu.wait_indirect_dma semaphore(%arg7 : memref<!tpu.dma_semaphore, #tpu.memory_space<semaphore_mem>>) src(%dma_wait3A_470 : memref<100000x128xf32, #tpu.memory_space<hbm>>) dst(%dma_wait3A_464 : memref<20x128xf32, #tpu.memory_space<vmem>>)
    %dma_wait3A_471 = arith.constant 15 : i32
    %dma_wait3A_472 = arith.constant 300 : i32
    %dma_wait3A_473 = arith.constant 0 : i32
    %dma_wait3A_474 = tpu.memref_slice %arg6[%dma_wait3A_472, %dma_wait3A_473] : memref<640x128xf32, #tpu.memory_space<vmem>> -> memref<20x128xf32, #tpu.memory_space<vmem>>
    %dma_wait3A_475 = arith.constant 0 : i32
    %dma_wait3A_476 = tpu.memref_slice %arg5[%dma_wait3A_471, %dma_wait3A_475] : memref<32x20xi32, #tpu.memory_space<vmem>> -> memref<1x20xi32, #tpu.memory_space<vmem>>
    %dma_wait3A_477 = tpu.memref_squeeze %dma_wait3A_476 : memref<1x20xi32, #tpu.memory_space<vmem>> -> memref<20xi32, #tpu.memory_space<vmem>>
    %dma_wait3A_478 = arith.constant 0 : i32
    %dma_wait3A_479 = arith.constant 0 : i32
    %dma_wait3A_480 = tpu.memref_slice %arg2[%dma_wait3A_478, %dma_wait3A_479] : memref<100000x128xf32, #tpu.memory_space<hbm>> -> memref<100000x128xf32, #tpu.memory_space<hbm>>
    tpu.wait_indirect_dma semaphore(%arg7 : memref<!tpu.dma_semaphore, #tpu.memory_space<semaphore_mem>>) src(%dma_wait3A_480 : memref<100000x128xf32, #tpu.memory_space<hbm>>) dst(%dma_wait3A_474 : memref<20x128xf32, #tpu.memory_space<vmem>>)
    %dma_wait3A_481 = arith.constant 16 : i32
    %dma_wait3A_482 = arith.constant 320 : i32
    %dma_wait3A_483 = arith.constant 0 : i32
    %dma_wait3A_484 = tpu.memref_slice %arg6[%dma_wait3A_482, %dma_wait3A_483] : memref<640x128xf32, #tpu.memory_space<vmem>> -> memref<20x128xf32, #tpu.memory_space<vmem>>
    %dma_wait3A_485 = arith.constant 0 : i32
    %dma_wait3A_486 = tpu.memref_slice %arg5[%dma_wait3A_481, %dma_wait3A_485] : memref<32x20xi32, #tpu.memory_space<vmem>> -> memref<1x20xi32, #tpu.memory_space<vmem>>
    %dma_wait3A_487 = tpu.memref_squeeze %dma_wait3A_486 : memref<1x20xi32, #tpu.memory_space<vmem>> -> memref<20xi32, #tpu.memory_space<vmem>>
    %dma_wait3A_488 = arith.constant 0 : i32
    %dma_wait3A_489 = arith.constant 0 : i32
    %dma_wait3A_490 = tpu.memref_slice %arg2[%dma_wait3A_488, %dma_wait3A_489] : memref<100000x128xf32, #tpu.memory_space<hbm>> -> memref<100000x128xf32, #tpu.memory_space<hbm>>
    tpu.wait_indirect_dma semaphore(%arg7 : memref<!tpu.dma_semaphore, #tpu.memory_space<semaphore_mem>>) src(%dma_wait3A_490 : memref<100000x128xf32, #tpu.memory_space<hbm>>) dst(%dma_wait3A_484 : memref<20x128xf32, #tpu.memory_space<vmem>>)
    %dma_wait3A_491 = arith.constant 17 : i32
    %dma_wait3A_492 = arith.constant 340 : i32
    %dma_wait3A_493 = arith.constant 0 : i32
    %dma_wait3A_494 = tpu.memref_slice %arg6[%dma_wait3A_492, %dma_wait3A_493] : memref<640x128xf32, #tpu.memory_space<vmem>> -> memref<20x128xf32, #tpu.memory_space<vmem>>
    %dma_wait3A_495 = arith.constant 0 : i32
    %dma_wait3A_496 = tpu.memref_slice %arg5[%dma_wait3A_491, %dma_wait3A_495] : memref<32x20xi32, #tpu.memory_space<vmem>> -> memref<1x20xi32, #tpu.memory_space<vmem>>
    %dma_wait3A_497 = tpu.memref_squeeze %dma_wait3A_496 : memref<1x20xi32, #tpu.memory_space<vmem>> -> memref<20xi32, #tpu.memory_space<vmem>>
    %dma_wait3A_498 = arith.constant 0 : i32
    %dma_wait3A_499 = arith.constant 0 : i32
    %dma_wait3A_500 = tpu.memref_slice %arg2[%dma_wait3A_498, %dma_wait3A_499] : memref<100000x128xf32, #tpu.memory_space<hbm>> -> memref<100000x128xf32, #tpu.memory_space<hbm>>
    tpu.wait_indirect_dma semaphore(%arg7 : memref<!tpu.dma_semaphore, #tpu.memory_space<semaphore_mem>>) src(%dma_wait3A_500 : memref<100000x128xf32, #tpu.memory_space<hbm>>) dst(%dma_wait3A_494 : memref<20x128xf32, #tpu.memory_space<vmem>>)
    %dma_wait3A_501 = arith.constant 18 : i32
    %dma_wait3A_502 = arith.constant 360 : i32
    %dma_wait3A_503 = arith.constant 0 : i32
    %dma_wait3A_504 = tpu.memref_slice %arg6[%dma_wait3A_502, %dma_wait3A_503] : memref<640x128xf32, #tpu.memory_space<vmem>> -> memref<20x128xf32, #tpu.memory_space<vmem>>
    %dma_wait3A_505 = arith.constant 0 : i32
    %dma_wait3A_506 = tpu.memref_slice %arg5[%dma_wait3A_501, %dma_wait3A_505] : memref<32x20xi32, #tpu.memory_space<vmem>> -> memref<1x20xi32, #tpu.memory_space<vmem>>
    %dma_wait3A_507 = tpu.memref_squeeze %dma_wait3A_506 : memref<1x20xi32, #tpu.memory_space<vmem>> -> memref<20xi32, #tpu.memory_space<vmem>>
    %dma_wait3A_508 = arith.constant 0 : i32
    %dma_wait3A_509 = arith.constant 0 : i32
    %dma_wait3A_510 = tpu.memref_slice %arg2[%dma_wait3A_508, %dma_wait3A_509] : memref<100000x128xf32, #tpu.memory_space<hbm>> -> memref<100000x128xf32, #tpu.memory_space<hbm>>
    tpu.wait_indirect_dma semaphore(%arg7 : memref<!tpu.dma_semaphore, #tpu.memory_space<semaphore_mem>>) src(%dma_wait3A_510 : memref<100000x128xf32, #tpu.memory_space<hbm>>) dst(%dma_wait3A_504 : memref<20x128xf32, #tpu.memory_space<vmem>>)
    %dma_wait3A_511 = arith.constant 19 : i32
    %dma_wait3A_512 = arith.constant 380 : i32
    %dma_wait3A_513 = arith.constant 0 : i32
    %dma_wait3A_514 = tpu.memref_slice %arg6[%dma_wait3A_512, %dma_wait3A_513] : memref<640x128xf32, #tpu.memory_space<vmem>> -> memref<20x128xf32, #tpu.memory_space<vmem>>
    %dma_wait3A_515 = arith.constant 0 : i32
    %dma_wait3A_516 = tpu.memref_slice %arg5[%dma_wait3A_511, %dma_wait3A_515] : memref<32x20xi32, #tpu.memory_space<vmem>> -> memref<1x20xi32, #tpu.memory_space<vmem>>
    %dma_wait3A_517 = tpu.memref_squeeze %dma_wait3A_516 : memref<1x20xi32, #tpu.memory_space<vmem>> -> memref<20xi32, #tpu.memory_space<vmem>>
    %dma_wait3A_518 = arith.constant 0 : i32
    %dma_wait3A_519 = arith.constant 0 : i32
    %dma_wait3A_520 = tpu.memref_slice %arg2[%dma_wait3A_518, %dma_wait3A_519] : memref<100000x128xf32, #tpu.memory_space<hbm>> -> memref<100000x128xf32, #tpu.memory_space<hbm>>
    tpu.wait_indirect_dma semaphore(%arg7 : memref<!tpu.dma_semaphore, #tpu.memory_space<semaphore_mem>>) src(%dma_wait3A_520 : memref<100000x128xf32, #tpu.memory_space<hbm>>) dst(%dma_wait3A_514 : memref<20x128xf32, #tpu.memory_space<vmem>>)
    %dma_wait3A_521 = arith.constant 20 : i32
    %dma_wait3A_522 = arith.constant 400 : i32
    %dma_wait3A_523 = arith.constant 0 : i32
    %dma_wait3A_524 = tpu.memref_slice %arg6[%dma_wait3A_522, %dma_wait3A_523] : memref<640x128xf32, #tpu.memory_space<vmem>> -> memref<20x128xf32, #tpu.memory_space<vmem>>
    %dma_wait3A_525 = arith.constant 0 : i32
    %dma_wait3A_526 = tpu.memref_slice %arg5[%dma_wait3A_521, %dma_wait3A_525] : memref<32x20xi32, #tpu.memory_space<vmem>> -> memref<1x20xi32, #tpu.memory_space<vmem>>
    %dma_wait3A_527 = tpu.memref_squeeze %dma_wait3A_526 : memref<1x20xi32, #tpu.memory_space<vmem>> -> memref<20xi32, #tpu.memory_space<vmem>>
    %dma_wait3A_528 = arith.constant 0 : i32
    %dma_wait3A_529 = arith.constant 0 : i32
    %dma_wait3A_530 = tpu.memref_slice %arg2[%dma_wait3A_528, %dma_wait3A_529] : memref<100000x128xf32, #tpu.memory_space<hbm>> -> memref<100000x128xf32, #tpu.memory_space<hbm>>
    tpu.wait_indirect_dma semaphore(%arg7 : memref<!tpu.dma_semaphore, #tpu.memory_space<semaphore_mem>>) src(%dma_wait3A_530 : memref<100000x128xf32, #tpu.memory_space<hbm>>) dst(%dma_wait3A_524 : memref<20x128xf32, #tpu.memory_space<vmem>>)
    %dma_wait3A_531 = arith.constant 21 : i32
    %dma_wait3A_532 = arith.constant 420 : i32
    %dma_wait3A_533 = arith.constant 0 : i32
    %dma_wait3A_534 = tpu.memref_slice %arg6[%dma_wait3A_532, %dma_wait3A_533] : memref<640x128xf32, #tpu.memory_space<vmem>> -> memref<20x128xf32, #tpu.memory_space<vmem>>
    %dma_wait3A_535 = arith.constant 0 : i32
    %dma_wait3A_536 = tpu.memref_slice %arg5[%dma_wait3A_531, %dma_wait3A_535] : memref<32x20xi32, #tpu.memory_space<vmem>> -> memref<1x20xi32, #tpu.memory_space<vmem>>
    %dma_wait3A_537 = tpu.memref_squeeze %dma_wait3A_536 : memref<1x20xi32, #tpu.memory_space<vmem>> -> memref<20xi32, #tpu.memory_space<vmem>>
    %dma_wait3A_538 = arith.constant 0 : i32
    %dma_wait3A_539 = arith.constant 0 : i32
    %dma_wait3A_540 = tpu.memref_slice %arg2[%dma_wait3A_538, %dma_wait3A_539] : memref<100000x128xf32, #tpu.memory_space<hbm>> -> memref<100000x128xf32, #tpu.memory_space<hbm>>
    tpu.wait_indirect_dma semaphore(%arg7 : memref<!tpu.dma_semaphore, #tpu.memory_space<semaphore_mem>>) src(%dma_wait3A_540 : memref<100000x128xf32, #tpu.memory_space<hbm>>) dst(%dma_wait3A_534 : memref<20x128xf32, #tpu.memory_space<vmem>>)
    %dma_wait3A_541 = arith.constant 22 : i32
    %dma_wait3A_542 = arith.constant 440 : i32
    %dma_wait3A_543 = arith.constant 0 : i32
    %dma_wait3A_544 = tpu.memref_slice %arg6[%dma_wait3A_542, %dma_wait3A_543] : memref<640x128xf32, #tpu.memory_space<vmem>> -> memref<20x128xf32, #tpu.memory_space<vmem>>
    %dma_wait3A_545 = arith.constant 0 : i32
    %dma_wait3A_546 = tpu.memref_slice %arg5[%dma_wait3A_541, %dma_wait3A_545] : memref<32x20xi32, #tpu.memory_space<vmem>> -> memref<1x20xi32, #tpu.memory_space<vmem>>
    %dma_wait3A_547 = tpu.memref_squeeze %dma_wait3A_546 : memref<1x20xi32, #tpu.memory_space<vmem>> -> memref<20xi32, #tpu.memory_space<vmem>>
    %dma_wait3A_548 = arith.constant 0 : i32
    %dma_wait3A_549 = arith.constant 0 : i32
    %dma_wait3A_550 = tpu.memref_slice %arg2[%dma_wait3A_548, %dma_wait3A_549] : memref<100000x128xf32, #tpu.memory_space<hbm>> -> memref<100000x128xf32, #tpu.memory_space<hbm>>
    tpu.wait_indirect_dma semaphore(%arg7 : memref<!tpu.dma_semaphore, #tpu.memory_space<semaphore_mem>>) src(%dma_wait3A_550 : memref<100000x128xf32, #tpu.memory_space<hbm>>) dst(%dma_wait3A_544 : memref<20x128xf32, #tpu.memory_space<vmem>>)
    %dma_wait3A_551 = arith.constant 23 : i32
    %dma_wait3A_552 = arith.constant 460 : i32
    %dma_wait3A_553 = arith.constant 0 : i32
    %dma_wait3A_554 = tpu.memref_slice %arg6[%dma_wait3A_552, %dma_wait3A_553] : memref<640x128xf32, #tpu.memory_space<vmem>> -> memref<20x128xf32, #tpu.memory_space<vmem>>
    %dma_wait3A_555 = arith.constant 0 : i32
    %dma_wait3A_556 = tpu.memref_slice %arg5[%dma_wait3A_551, %dma_wait3A_555] : memref<32x20xi32, #tpu.memory_space<vmem>> -> memref<1x20xi32, #tpu.memory_space<vmem>>
    %dma_wait3A_557 = tpu.memref_squeeze %dma_wait3A_556 : memref<1x20xi32, #tpu.memory_space<vmem>> -> memref<20xi32, #tpu.memory_space<vmem>>
    %dma_wait3A_558 = arith.constant 0 : i32
    %dma_wait3A_559 = arith.constant 0 : i32
    %dma_wait3A_560 = tpu.memref_slice %arg2[%dma_wait3A_558, %dma_wait3A_559] : memref<100000x128xf32, #tpu.memory_space<hbm>> -> memref<100000x128xf32, #tpu.memory_space<hbm>>
    tpu.wait_indirect_dma semaphore(%arg7 : memref<!tpu.dma_semaphore, #tpu.memory_space<semaphore_mem>>) src(%dma_wait3A_560 : memref<100000x128xf32, #tpu.memory_space<hbm>>) dst(%dma_wait3A_554 : memref<20x128xf32, #tpu.memory_space<vmem>>)
    %dma_wait3A_561 = arith.constant 24 : i32
    %dma_wait3A_562 = arith.constant 480 : i32
    %dma_wait3A_563 = arith.constant 0 : i32
    %dma_wait3A_564 = tpu.memref_slice %arg6[%dma_wait3A_562, %dma_wait3A_563] : memref<640x128xf32, #tpu.memory_space<vmem>> -> memref<20x128xf32, #tpu.memory_space<vmem>>
    %dma_wait3A_565 = arith.constant 0 : i32
    %dma_wait3A_566 = tpu.memref_slice %arg5[%dma_wait3A_561, %dma_wait3A_565] : memref<32x20xi32, #tpu.memory_space<vmem>> -> memref<1x20xi32, #tpu.memory_space<vmem>>
    %dma_wait3A_567 = tpu.memref_squeeze %dma_wait3A_566 : memref<1x20xi32, #tpu.memory_space<vmem>> -> memref<20xi32, #tpu.memory_space<vmem>>
    %dma_wait3A_568 = arith.constant 0 : i32
    %dma_wait3A_569 = arith.constant 0 : i32
    %dma_wait3A_570 = tpu.memref_slice %arg2[%dma_wait3A_568, %dma_wait3A_569] : memref<100000x128xf32, #tpu.memory_space<hbm>> -> memref<100000x128xf32, #tpu.memory_space<hbm>>
    tpu.wait_indirect_dma semaphore(%arg7 : memref<!tpu.dma_semaphore, #tpu.memory_space<semaphore_mem>>) src(%dma_wait3A_570 : memref<100000x128xf32, #tpu.memory_space<hbm>>) dst(%dma_wait3A_564 : memref<20x128xf32, #tpu.memory_space<vmem>>)
    %dma_wait3A_571 = arith.constant 25 : i32
    %dma_wait3A_572 = arith.constant 500 : i32
    %dma_wait3A_573 = arith.constant 0 : i32
    %dma_wait3A_574 = tpu.memref_slice %arg6[%dma_wait3A_572, %dma_wait3A_573] : memref<640x128xf32, #tpu.memory_space<vmem>> -> memref<20x128xf32, #tpu.memory_space<vmem>>
    %dma_wait3A_575 = arith.constant 0 : i32
    %dma_wait3A_576 = tpu.memref_slice %arg5[%dma_wait3A_571, %dma_wait3A_575] : memref<32x20xi32, #tpu.memory_space<vmem>> -> memref<1x20xi32, #tpu.memory_space<vmem>>
    %dma_wait3A_577 = tpu.memref_squeeze %dma_wait3A_576 : memref<1x20xi32, #tpu.memory_space<vmem>> -> memref<20xi32, #tpu.memory_space<vmem>>
    %dma_wait3A_578 = arith.constant 0 : i32
    %dma_wait3A_579 = arith.constant 0 : i32
    %dma_wait3A_580 = tpu.memref_slice %arg2[%dma_wait3A_578, %dma_wait3A_579] : memref<100000x128xf32, #tpu.memory_space<hbm>> -> memref<100000x128xf32, #tpu.memory_space<hbm>>
    tpu.wait_indirect_dma semaphore(%arg7 : memref<!tpu.dma_semaphore, #tpu.memory_space<semaphore_mem>>) src(%dma_wait3A_580 : memref<100000x128xf32, #tpu.memory_space<hbm>>) dst(%dma_wait3A_574 : memref<20x128xf32, #tpu.memory_space<vmem>>)
    %dma_wait3A_581 = arith.constant 26 : i32
    %dma_wait3A_582 = arith.constant 520 : i32
    %dma_wait3A_583 = arith.constant 0 : i32
    %dma_wait3A_584 = tpu.memref_slice %arg6[%dma_wait3A_582, %dma_wait3A_583] : memref<640x128xf32, #tpu.memory_space<vmem>> -> memref<20x128xf32, #tpu.memory_space<vmem>>
    %dma_wait3A_585 = arith.constant 0 : i32
    %dma_wait3A_586 = tpu.memref_slice %arg5[%dma_wait3A_581, %dma_wait3A_585] : memref<32x20xi32, #tpu.memory_space<vmem>> -> memref<1x20xi32, #tpu.memory_space<vmem>>
    %dma_wait3A_587 = tpu.memref_squeeze %dma_wait3A_586 : memref<1x20xi32, #tpu.memory_space<vmem>> -> memref<20xi32, #tpu.memory_space<vmem>>
    %dma_wait3A_588 = arith.constant 0 : i32
    %dma_wait3A_589 = arith.constant 0 : i32
    %dma_wait3A_590 = tpu.memref_slice %arg2[%dma_wait3A_588, %dma_wait3A_589] : memref<100000x128xf32, #tpu.memory_space<hbm>> -> memref<100000x128xf32, #tpu.memory_space<hbm>>
    tpu.wait_indirect_dma semaphore(%arg7 : memref<!tpu.dma_semaphore, #tpu.memory_space<semaphore_mem>>) src(%dma_wait3A_590 : memref<100000x128xf32, #tpu.memory_space<hbm>>) dst(%dma_wait3A_584 : memref<20x128xf32, #tpu.memory_space<vmem>>)
    %dma_wait3A_591 = arith.constant 27 : i32
    %dma_wait3A_592 = arith.constant 540 : i32
    %dma_wait3A_593 = arith.constant 0 : i32
    %dma_wait3A_594 = tpu.memref_slice %arg6[%dma_wait3A_592, %dma_wait3A_593] : memref<640x128xf32, #tpu.memory_space<vmem>> -> memref<20x128xf32, #tpu.memory_space<vmem>>
    %dma_wait3A_595 = arith.constant 0 : i32
    %dma_wait3A_596 = tpu.memref_slice %arg5[%dma_wait3A_591, %dma_wait3A_595] : memref<32x20xi32, #tpu.memory_space<vmem>> -> memref<1x20xi32, #tpu.memory_space<vmem>>
    %dma_wait3A_597 = tpu.memref_squeeze %dma_wait3A_596 : memref<1x20xi32, #tpu.memory_space<vmem>> -> memref<20xi32, #tpu.memory_space<vmem>>
    %dma_wait3A_598 = arith.constant 0 : i32
    %dma_wait3A_599 = arith.constant 0 : i32
    %dma_wait3A_600 = tpu.memref_slice %arg2[%dma_wait3A_598, %dma_wait3A_599] : memref<100000x128xf32, #tpu.memory_space<hbm>> -> memref<100000x128xf32, #tpu.memory_space<hbm>>
    tpu.wait_indirect_dma semaphore(%arg7 : memref<!tpu.dma_semaphore, #tpu.memory_space<semaphore_mem>>) src(%dma_wait3A_600 : memref<100000x128xf32, #tpu.memory_space<hbm>>) dst(%dma_wait3A_594 : memref<20x128xf32, #tpu.memory_space<vmem>>)
    %dma_wait3A_601 = arith.constant 28 : i32
    %dma_wait3A_602 = arith.constant 560 : i32
    %dma_wait3A_603 = arith.constant 0 : i32
    %dma_wait3A_604 = tpu.memref_slice %arg6[%dma_wait3A_602, %dma_wait3A_603] : memref<640x128xf32, #tpu.memory_space<vmem>> -> memref<20x128xf32, #tpu.memory_space<vmem>>
    %dma_wait3A_605 = arith.constant 0 : i32
    %dma_wait3A_606 = tpu.memref_slice %arg5[%dma_wait3A_601, %dma_wait3A_605] : memref<32x20xi32, #tpu.memory_space<vmem>> -> memref<1x20xi32, #tpu.memory_space<vmem>>
    %dma_wait3A_607 = tpu.memref_squeeze %dma_wait3A_606 : memref<1x20xi32, #tpu.memory_space<vmem>> -> memref<20xi32, #tpu.memory_space<vmem>>
    %dma_wait3A_608 = arith.constant 0 : i32
    %dma_wait3A_609 = arith.constant 0 : i32
    %dma_wait3A_610 = tpu.memref_slice %arg2[%dma_wait3A_608, %dma_wait3A_609] : memref<100000x128xf32, #tpu.memory_space<hbm>> -> memref<100000x128xf32, #tpu.memory_space<hbm>>
    tpu.wait_indirect_dma semaphore(%arg7 : memref<!tpu.dma_semaphore, #tpu.memory_space<semaphore_mem>>) src(%dma_wait3A_610 : memref<100000x128xf32, #tpu.memory_space<hbm>>) dst(%dma_wait3A_604 : memref<20x128xf32, #tpu.memory_space<vmem>>)
    %dma_wait3A_611 = arith.constant 29 : i32
    %dma_wait3A_612 = arith.constant 580 : i32
    %dma_wait3A_613 = arith.constant 0 : i32
    %dma_wait3A_614 = tpu.memref_slice %arg6[%dma_wait3A_612, %dma_wait3A_613] : memref<640x128xf32, #tpu.memory_space<vmem>> -> memref<20x128xf32, #tpu.memory_space<vmem>>
    %dma_wait3A_615 = arith.constant 0 : i32
    %dma_wait3A_616 = tpu.memref_slice %arg5[%dma_wait3A_611, %dma_wait3A_615] : memref<32x20xi32, #tpu.memory_space<vmem>> -> memref<1x20xi32, #tpu.memory_space<vmem>>
    %dma_wait3A_617 = tpu.memref_squeeze %dma_wait3A_616 : memref<1x20xi32, #tpu.memory_space<vmem>> -> memref<20xi32, #tpu.memory_space<vmem>>
    %dma_wait3A_618 = arith.constant 0 : i32
    %dma_wait3A_619 = arith.constant 0 : i32
    %dma_wait3A_620 = tpu.memref_slice %arg2[%dma_wait3A_618, %dma_wait3A_619] : memref<100000x128xf32, #tpu.memory_space<hbm>> -> memref<100000x128xf32, #tpu.memory_space<hbm>>
    tpu.wait_indirect_dma semaphore(%arg7 : memref<!tpu.dma_semaphore, #tpu.memory_space<semaphore_mem>>) src(%dma_wait3A_620 : memref<100000x128xf32, #tpu.memory_space<hbm>>) dst(%dma_wait3A_614 : memref<20x128xf32, #tpu.memory_space<vmem>>)
    %dma_wait3A_621 = arith.constant 30 : i32
    %dma_wait3A_622 = arith.constant 600 : i32
    %dma_wait3A_623 = arith.constant 0 : i32
    %dma_wait3A_624 = tpu.memref_slice %arg6[%dma_wait3A_622, %dma_wait3A_623] : memref<640x128xf32, #tpu.memory_space<vmem>> -> memref<20x128xf32, #tpu.memory_space<vmem>>
    %dma_wait3A_625 = arith.constant 0 : i32
    %dma_wait3A_626 = tpu.memref_slice %arg5[%dma_wait3A_621, %dma_wait3A_625] : memref<32x20xi32, #tpu.memory_space<vmem>> -> memref<1x20xi32, #tpu.memory_space<vmem>>
    %dma_wait3A_627 = tpu.memref_squeeze %dma_wait3A_626 : memref<1x20xi32, #tpu.memory_space<vmem>> -> memref<20xi32, #tpu.memory_space<vmem>>
    %dma_wait3A_628 = arith.constant 0 : i32
    %dma_wait3A_629 = arith.constant 0 : i32
    %dma_wait3A_630 = tpu.memref_slice %arg2[%dma_wait3A_628, %dma_wait3A_629] : memref<100000x128xf32, #tpu.memory_space<hbm>> -> memref<100000x128xf32, #tpu.memory_space<hbm>>
    tpu.wait_indirect_dma semaphore(%arg7 : memref<!tpu.dma_semaphore, #tpu.memory_space<semaphore_mem>>) src(%dma_wait3A_630 : memref<100000x128xf32, #tpu.memory_space<hbm>>) dst(%dma_wait3A_624 : memref<20x128xf32, #tpu.memory_space<vmem>>)
    %dma_wait3A_631 = arith.constant 31 : i32
    %dma_wait3A_632 = arith.constant 620 : i32
    %dma_wait3A_633 = arith.constant 0 : i32
    %dma_wait3A_634 = tpu.memref_slice %arg6[%dma_wait3A_632, %dma_wait3A_633] : memref<640x128xf32, #tpu.memory_space<vmem>> -> memref<20x128xf32, #tpu.memory_space<vmem>>
    %dma_wait3A_635 = arith.constant 0 : i32
    %dma_wait3A_636 = tpu.memref_slice %arg5[%dma_wait3A_631, %dma_wait3A_635] : memref<32x20xi32, #tpu.memory_space<vmem>> -> memref<1x20xi32, #tpu.memory_space<vmem>>
    %dma_wait3A_637 = tpu.memref_squeeze %dma_wait3A_636 : memref<1x20xi32, #tpu.memory_space<vmem>> -> memref<20xi32, #tpu.memory_space<vmem>>
    %dma_wait3A_638 = arith.constant 0 : i32
    %dma_wait3A_639 = arith.constant 0 : i32
    %dma_wait3A_640 = tpu.memref_slice %arg2[%dma_wait3A_638, %dma_wait3A_639] : memref<100000x128xf32, #tpu.memory_space<hbm>> -> memref<100000x128xf32, #tpu.memory_space<hbm>>
    tpu.wait_indirect_dma semaphore(%arg7 : memref<!tpu.dma_semaphore, #tpu.memory_space<semaphore_mem>>) src(%dma_wait3A_640 : memref<100000x128xf32, #tpu.memory_space<hbm>>) dst(%dma_wait3A_634 : memref<20x128xf32, #tpu.memory_space<vmem>>)
    %mul3A_641 = arith.constant 640 : i32
    %mul3A_642 = arith.muli %add3A, %mul3A_641 : i32
    %add3A_643 = arith.constant 0 : i32
    %add3A_644 = arith.addi %add3A_643, %mul3A_642 : i32
    "tpu.region"() ({
      %run_scoped3A = tpu.sem_alloc : memref<!tpu.dma_semaphore, #tpu.memory_space<semaphore_mem>>
      %dma_start3A_645 = arith.constant 0 : i32
      %dma_start3A_646 = tpu.memref_slice %arg4[%add3A_644, %dma_start3A_645] : memref<20480x128xf32, #tpu.memory_space<hbm>> -> memref<640x128xf32, #tpu.memory_space<hbm>>
      %dma_start3A_647 = arith.constant 0 : i32
      %dma_start3A_648 = tpu.memref_slice %arg4[%add3A_644, %dma_start3A_647] : memref<20480x128xf32, #tpu.memory_space<hbm>> -> memref<640x128xf32, #tpu.memory_space<hbm>>
      tpu.enqueue_dma source(%arg6 : memref<640x128xf32, #tpu.memory_space<vmem>>) target(%dma_start3A_648 : memref<640x128xf32, #tpu.memory_space<hbm>>) target_semaphore(%run_scoped3A : memref<!tpu.dma_semaphore, #tpu.memory_space<semaphore_mem>>)
      %dma_wait3A_649 = arith.constant 0 : i32
      %dma_wait3A_650 = tpu.memref_slice %arg4[%add3A_644, %dma_wait3A_649] : memref<20480x128xf32, #tpu.memory_space<hbm>> -> memref<640x128xf32, #tpu.memory_space<hbm>>
      %dma_wait3A_651 = arith.constant 0 : i32
      %dma_wait3A_652 = tpu.memref_slice %arg4[%add3A_644, %dma_wait3A_651] : memref<20480x128xf32, #tpu.memory_space<hbm>> -> memref<640x128xf32, #tpu.memory_space<hbm>>
      tpu.wait_dma2 semaphore(%run_scoped3A : memref<!tpu.dma_semaphore, #tpu.memory_space<semaphore_mem>>) src(%arg6 : memref<640x128xf32, #tpu.memory_space<vmem>>) dst(%dma_wait3A_652 : memref<640x128xf32, #tpu.memory_space<hbm>>)
      tpu.yield
    }) : () -> ()
    return
  }
}

#map = affine_map<(d0, d1) -> (0, 0)>
module attributes {stable_mosaic.version = 14 : i64} {
  func.func @gather_kernel(%arg0: i32, %arg1: i32, %arg2: memref<100000x128xf32, #tpu.memory_space<hbm>>, %arg3: memref<1024x20xi32, #tpu.memory_space<hbm>>, %arg4: memref<1024x20xi32, #tpu.memory_space<hbm>>, %arg5: memref<40960x128xf32, #tpu.memory_space<hbm>>, %arg6: memref<32x20xi32, #tpu.memory_space<vmem>>, %arg7: memref<640x128xf32, #tpu.memory_space<vmem>>, %arg8: memref<!tpu.dma_semaphore, #tpu.memory_space<semaphore_mem>>) attributes {dimension_semantics = [#tpu.dimension_semantics<core_parallel>, #tpu.dimension_semantics<subcore_parallel>], iteration_bounds = array<i64: 2, 16>, scalar_prefetch = 0 : i64, scratch_operands = 3 : i64, tpu.core_type = #tpu.core_type<sc_vector_subcore>, window_params = [{transform_indices = #map}, {transform_indices = #map}, {transform_indices = #map}, {transform_indices = #map}]} {
    %mul3A = arith.constant 2 : i32
    %mul3A_0 = arith.muli %arg1, %mul3A : i32
    %add3A = arith.addi %mul3A_0, %arg0 : i32
    %mul3A_1 = arith.constant 32 : i32
    %mul3A_2 = arith.muli %add3A, %mul3A_1 : i32
    "tpu.region"() ({
      %run_scoped3A = tpu.sem_alloc : memref<!tpu.dma_semaphore, #tpu.memory_space<semaphore_mem>>
      %dma_start3A_1289 = arith.constant 0 : i32
      %dma_start3A_1290 = tpu.memref_slice %arg3[%mul3A_2, %dma_start3A_1289] : memref<1024x20xi32, #tpu.memory_space<hbm>> -> memref<32x20xi32, #tpu.memory_space<hbm>>
      %dma_start3A_1291 = arith.constant 0 : i32
      %dma_start3A_1292 = tpu.memref_slice %arg3[%mul3A_2, %dma_start3A_1291] : memref<1024x20xi32, #tpu.memory_space<hbm>> -> memref<32x20xi32, #tpu.memory_space<hbm>>
      tpu.enqueue_dma source(%dma_start3A_1292 : memref<32x20xi32, #tpu.memory_space<hbm>>) target(%arg6 : memref<32x20xi32, #tpu.memory_space<vmem>>) target_semaphore(%run_scoped3A : memref<!tpu.dma_semaphore, #tpu.memory_space<semaphore_mem>>)
      %dma_wait3A_1293 = arith.constant 0 : i32
      %dma_wait3A_1294 = tpu.memref_slice %arg3[%mul3A_2, %dma_wait3A_1293] : memref<1024x20xi32, #tpu.memory_space<hbm>> -> memref<32x20xi32, #tpu.memory_space<hbm>>
      %dma_wait3A_1295 = arith.constant 0 : i32
      %dma_wait3A_1296 = tpu.memref_slice %arg3[%mul3A_2, %dma_wait3A_1295] : memref<1024x20xi32, #tpu.memory_space<hbm>> -> memref<32x20xi32, #tpu.memory_space<hbm>>
      tpu.wait_dma2 semaphore(%run_scoped3A : memref<!tpu.dma_semaphore, #tpu.memory_space<semaphore_mem>>) src(%dma_wait3A_1296 : memref<32x20xi32, #tpu.memory_space<hbm>>) dst(%arg6 : memref<32x20xi32, #tpu.memory_space<vmem>>)
      tpu.yield
    }) : () -> ()
    %dma_start3A = arith.constant 0 : i32
    %dma_start3A_3 = arith.constant 0 : i32
    %dma_start3A_4 = arith.constant 0 : i32
    %dma_start3A_5 = tpu.memref_slice %arg7[%dma_start3A_3, %dma_start3A_4] : memref<640x128xf32, #tpu.memory_space<vmem>> -> memref<20x128xf32, #tpu.memory_space<vmem>>
    %dma_start3A_6 = arith.constant 0 : i32
    %dma_start3A_7 = tpu.memref_slice %arg6[%dma_start3A, %dma_start3A_6] : memref<32x20xi32, #tpu.memory_space<vmem>> -> memref<1x20xi32, #tpu.memory_space<vmem>>
    %dma_start3A_8 = tpu.memref_squeeze %dma_start3A_7 : memref<1x20xi32, #tpu.memory_space<vmem>> -> memref<20xi32, #tpu.memory_space<vmem>>
    %dma_start3A_9 = arith.constant 0 : i32
    %dma_start3A_10 = arith.constant 0 : i32
    %dma_start3A_11 = tpu.memref_slice %arg2[%dma_start3A_9, %dma_start3A_10] : memref<100000x128xf32, #tpu.memory_space<hbm>> -> memref<100000x128xf32, #tpu.memory_space<hbm>>
    tpu.enqueue_indirect_dma source(%dma_start3A_11 : memref<100000x128xf32, #tpu.memory_space<hbm>>) target(%dma_start3A_5 : memref<20x128xf32, #tpu.memory_space<vmem>>) offsets(%dma_start3A_8 : memref<20xi32, #tpu.memory_space<vmem>>) semaphore(%arg8 : memref<!tpu.dma_semaphore, #tpu.memory_space<semaphore_mem>>)
    %dma_start3A_12 = arith.constant 1 : i32
    %dma_start3A_13 = arith.constant 20 : i32
    %dma_start3A_14 = arith.constant 0 : i32
    %dma_start3A_15 = tpu.memref_slice %arg7[%dma_start3A_13, %dma_start3A_14] : memref<640x128xf32, #tpu.memory_space<vmem>> -> memref<20x128xf32, #tpu.memory_space<vmem>>
    %dma_start3A_16 = arith.constant 0 : i32
    %dma_start3A_17 = tpu.memref_slice %arg6[%dma_start3A_12, %dma_start3A_16] : memref<32x20xi32, #tpu.memory_space<vmem>> -> memref<1x20xi32, #tpu.memory_space<vmem>>
    %dma_start3A_18 = tpu.memref_squeeze %dma_start3A_17 : memref<1x20xi32, #tpu.memory_space<vmem>> -> memref<20xi32, #tpu.memory_space<vmem>>
    %dma_start3A_19 = arith.constant 0 : i32
    %dma_start3A_20 = arith.constant 0 : i32
    %dma_start3A_21 = tpu.memref_slice %arg2[%dma_start3A_19, %dma_start3A_20] : memref<100000x128xf32, #tpu.memory_space<hbm>> -> memref<100000x128xf32, #tpu.memory_space<hbm>>
    tpu.enqueue_indirect_dma source(%dma_start3A_21 : memref<100000x128xf32, #tpu.memory_space<hbm>>) target(%dma_start3A_15 : memref<20x128xf32, #tpu.memory_space<vmem>>) offsets(%dma_start3A_18 : memref<20xi32, #tpu.memory_space<vmem>>) semaphore(%arg8 : memref<!tpu.dma_semaphore, #tpu.memory_space<semaphore_mem>>)
    %dma_start3A_22 = arith.constant 2 : i32
    %dma_start3A_23 = arith.constant 40 : i32
    %dma_start3A_24 = arith.constant 0 : i32
    %dma_start3A_25 = tpu.memref_slice %arg7[%dma_start3A_23, %dma_start3A_24] : memref<640x128xf32, #tpu.memory_space<vmem>> -> memref<20x128xf32, #tpu.memory_space<vmem>>
    %dma_start3A_26 = arith.constant 0 : i32
    %dma_start3A_27 = tpu.memref_slice %arg6[%dma_start3A_22, %dma_start3A_26] : memref<32x20xi32, #tpu.memory_space<vmem>> -> memref<1x20xi32, #tpu.memory_space<vmem>>
    %dma_start3A_28 = tpu.memref_squeeze %dma_start3A_27 : memref<1x20xi32, #tpu.memory_space<vmem>> -> memref<20xi32, #tpu.memory_space<vmem>>
    %dma_start3A_29 = arith.constant 0 : i32
    %dma_start3A_30 = arith.constant 0 : i32
    %dma_start3A_31 = tpu.memref_slice %arg2[%dma_start3A_29, %dma_start3A_30] : memref<100000x128xf32, #tpu.memory_space<hbm>> -> memref<100000x128xf32, #tpu.memory_space<hbm>>
    tpu.enqueue_indirect_dma source(%dma_start3A_31 : memref<100000x128xf32, #tpu.memory_space<hbm>>) target(%dma_start3A_25 : memref<20x128xf32, #tpu.memory_space<vmem>>) offsets(%dma_start3A_28 : memref<20xi32, #tpu.memory_space<vmem>>) semaphore(%arg8 : memref<!tpu.dma_semaphore, #tpu.memory_space<semaphore_mem>>)
    %dma_start3A_32 = arith.constant 3 : i32
    %dma_start3A_33 = arith.constant 60 : i32
    %dma_start3A_34 = arith.constant 0 : i32
    %dma_start3A_35 = tpu.memref_slice %arg7[%dma_start3A_33, %dma_start3A_34] : memref<640x128xf32, #tpu.memory_space<vmem>> -> memref<20x128xf32, #tpu.memory_space<vmem>>
    %dma_start3A_36 = arith.constant 0 : i32
    %dma_start3A_37 = tpu.memref_slice %arg6[%dma_start3A_32, %dma_start3A_36] : memref<32x20xi32, #tpu.memory_space<vmem>> -> memref<1x20xi32, #tpu.memory_space<vmem>>
    %dma_start3A_38 = tpu.memref_squeeze %dma_start3A_37 : memref<1x20xi32, #tpu.memory_space<vmem>> -> memref<20xi32, #tpu.memory_space<vmem>>
    %dma_start3A_39 = arith.constant 0 : i32
    %dma_start3A_40 = arith.constant 0 : i32
    %dma_start3A_41 = tpu.memref_slice %arg2[%dma_start3A_39, %dma_start3A_40] : memref<100000x128xf32, #tpu.memory_space<hbm>> -> memref<100000x128xf32, #tpu.memory_space<hbm>>
    tpu.enqueue_indirect_dma source(%dma_start3A_41 : memref<100000x128xf32, #tpu.memory_space<hbm>>) target(%dma_start3A_35 : memref<20x128xf32, #tpu.memory_space<vmem>>) offsets(%dma_start3A_38 : memref<20xi32, #tpu.memory_space<vmem>>) semaphore(%arg8 : memref<!tpu.dma_semaphore, #tpu.memory_space<semaphore_mem>>)
    %dma_start3A_42 = arith.constant 4 : i32
    %dma_start3A_43 = arith.constant 80 : i32
    %dma_start3A_44 = arith.constant 0 : i32
    %dma_start3A_45 = tpu.memref_slice %arg7[%dma_start3A_43, %dma_start3A_44] : memref<640x128xf32, #tpu.memory_space<vmem>> -> memref<20x128xf32, #tpu.memory_space<vmem>>
    %dma_start3A_46 = arith.constant 0 : i32
    %dma_start3A_47 = tpu.memref_slice %arg6[%dma_start3A_42, %dma_start3A_46] : memref<32x20xi32, #tpu.memory_space<vmem>> -> memref<1x20xi32, #tpu.memory_space<vmem>>
    %dma_start3A_48 = tpu.memref_squeeze %dma_start3A_47 : memref<1x20xi32, #tpu.memory_space<vmem>> -> memref<20xi32, #tpu.memory_space<vmem>>
    %dma_start3A_49 = arith.constant 0 : i32
    %dma_start3A_50 = arith.constant 0 : i32
    %dma_start3A_51 = tpu.memref_slice %arg2[%dma_start3A_49, %dma_start3A_50] : memref<100000x128xf32, #tpu.memory_space<hbm>> -> memref<100000x128xf32, #tpu.memory_space<hbm>>
    tpu.enqueue_indirect_dma source(%dma_start3A_51 : memref<100000x128xf32, #tpu.memory_space<hbm>>) target(%dma_start3A_45 : memref<20x128xf32, #tpu.memory_space<vmem>>) offsets(%dma_start3A_48 : memref<20xi32, #tpu.memory_space<vmem>>) semaphore(%arg8 : memref<!tpu.dma_semaphore, #tpu.memory_space<semaphore_mem>>)
    %dma_start3A_52 = arith.constant 5 : i32
    %dma_start3A_53 = arith.constant 100 : i32
    %dma_start3A_54 = arith.constant 0 : i32
    %dma_start3A_55 = tpu.memref_slice %arg7[%dma_start3A_53, %dma_start3A_54] : memref<640x128xf32, #tpu.memory_space<vmem>> -> memref<20x128xf32, #tpu.memory_space<vmem>>
    %dma_start3A_56 = arith.constant 0 : i32
    %dma_start3A_57 = tpu.memref_slice %arg6[%dma_start3A_52, %dma_start3A_56] : memref<32x20xi32, #tpu.memory_space<vmem>> -> memref<1x20xi32, #tpu.memory_space<vmem>>
    %dma_start3A_58 = tpu.memref_squeeze %dma_start3A_57 : memref<1x20xi32, #tpu.memory_space<vmem>> -> memref<20xi32, #tpu.memory_space<vmem>>
    %dma_start3A_59 = arith.constant 0 : i32
    %dma_start3A_60 = arith.constant 0 : i32
    %dma_start3A_61 = tpu.memref_slice %arg2[%dma_start3A_59, %dma_start3A_60] : memref<100000x128xf32, #tpu.memory_space<hbm>> -> memref<100000x128xf32, #tpu.memory_space<hbm>>
    tpu.enqueue_indirect_dma source(%dma_start3A_61 : memref<100000x128xf32, #tpu.memory_space<hbm>>) target(%dma_start3A_55 : memref<20x128xf32, #tpu.memory_space<vmem>>) offsets(%dma_start3A_58 : memref<20xi32, #tpu.memory_space<vmem>>) semaphore(%arg8 : memref<!tpu.dma_semaphore, #tpu.memory_space<semaphore_mem>>)
    %dma_start3A_62 = arith.constant 6 : i32
    %dma_start3A_63 = arith.constant 120 : i32
    %dma_start3A_64 = arith.constant 0 : i32
    %dma_start3A_65 = tpu.memref_slice %arg7[%dma_start3A_63, %dma_start3A_64] : memref<640x128xf32, #tpu.memory_space<vmem>> -> memref<20x128xf32, #tpu.memory_space<vmem>>
    %dma_start3A_66 = arith.constant 0 : i32
    %dma_start3A_67 = tpu.memref_slice %arg6[%dma_start3A_62, %dma_start3A_66] : memref<32x20xi32, #tpu.memory_space<vmem>> -> memref<1x20xi32, #tpu.memory_space<vmem>>
    %dma_start3A_68 = tpu.memref_squeeze %dma_start3A_67 : memref<1x20xi32, #tpu.memory_space<vmem>> -> memref<20xi32, #tpu.memory_space<vmem>>
    %dma_start3A_69 = arith.constant 0 : i32
    %dma_start3A_70 = arith.constant 0 : i32
    %dma_start3A_71 = tpu.memref_slice %arg2[%dma_start3A_69, %dma_start3A_70] : memref<100000x128xf32, #tpu.memory_space<hbm>> -> memref<100000x128xf32, #tpu.memory_space<hbm>>
    tpu.enqueue_indirect_dma source(%dma_start3A_71 : memref<100000x128xf32, #tpu.memory_space<hbm>>) target(%dma_start3A_65 : memref<20x128xf32, #tpu.memory_space<vmem>>) offsets(%dma_start3A_68 : memref<20xi32, #tpu.memory_space<vmem>>) semaphore(%arg8 : memref<!tpu.dma_semaphore, #tpu.memory_space<semaphore_mem>>)
    %dma_start3A_72 = arith.constant 7 : i32
    %dma_start3A_73 = arith.constant 140 : i32
    %dma_start3A_74 = arith.constant 0 : i32
    %dma_start3A_75 = tpu.memref_slice %arg7[%dma_start3A_73, %dma_start3A_74] : memref<640x128xf32, #tpu.memory_space<vmem>> -> memref<20x128xf32, #tpu.memory_space<vmem>>
    %dma_start3A_76 = arith.constant 0 : i32
    %dma_start3A_77 = tpu.memref_slice %arg6[%dma_start3A_72, %dma_start3A_76] : memref<32x20xi32, #tpu.memory_space<vmem>> -> memref<1x20xi32, #tpu.memory_space<vmem>>
    %dma_start3A_78 = tpu.memref_squeeze %dma_start3A_77 : memref<1x20xi32, #tpu.memory_space<vmem>> -> memref<20xi32, #tpu.memory_space<vmem>>
    %dma_start3A_79 = arith.constant 0 : i32
    %dma_start3A_80 = arith.constant 0 : i32
    %dma_start3A_81 = tpu.memref_slice %arg2[%dma_start3A_79, %dma_start3A_80] : memref<100000x128xf32, #tpu.memory_space<hbm>> -> memref<100000x128xf32, #tpu.memory_space<hbm>>
    tpu.enqueue_indirect_dma source(%dma_start3A_81 : memref<100000x128xf32, #tpu.memory_space<hbm>>) target(%dma_start3A_75 : memref<20x128xf32, #tpu.memory_space<vmem>>) offsets(%dma_start3A_78 : memref<20xi32, #tpu.memory_space<vmem>>) semaphore(%arg8 : memref<!tpu.dma_semaphore, #tpu.memory_space<semaphore_mem>>)
    %dma_start3A_82 = arith.constant 8 : i32
    %dma_start3A_83 = arith.constant 160 : i32
    %dma_start3A_84 = arith.constant 0 : i32
    %dma_start3A_85 = tpu.memref_slice %arg7[%dma_start3A_83, %dma_start3A_84] : memref<640x128xf32, #tpu.memory_space<vmem>> -> memref<20x128xf32, #tpu.memory_space<vmem>>
    %dma_start3A_86 = arith.constant 0 : i32
    %dma_start3A_87 = tpu.memref_slice %arg6[%dma_start3A_82, %dma_start3A_86] : memref<32x20xi32, #tpu.memory_space<vmem>> -> memref<1x20xi32, #tpu.memory_space<vmem>>
    %dma_start3A_88 = tpu.memref_squeeze %dma_start3A_87 : memref<1x20xi32, #tpu.memory_space<vmem>> -> memref<20xi32, #tpu.memory_space<vmem>>
    %dma_start3A_89 = arith.constant 0 : i32
    %dma_start3A_90 = arith.constant 0 : i32
    %dma_start3A_91 = tpu.memref_slice %arg2[%dma_start3A_89, %dma_start3A_90] : memref<100000x128xf32, #tpu.memory_space<hbm>> -> memref<100000x128xf32, #tpu.memory_space<hbm>>
    tpu.enqueue_indirect_dma source(%dma_start3A_91 : memref<100000x128xf32, #tpu.memory_space<hbm>>) target(%dma_start3A_85 : memref<20x128xf32, #tpu.memory_space<vmem>>) offsets(%dma_start3A_88 : memref<20xi32, #tpu.memory_space<vmem>>) semaphore(%arg8 : memref<!tpu.dma_semaphore, #tpu.memory_space<semaphore_mem>>)
    %dma_start3A_92 = arith.constant 9 : i32
    %dma_start3A_93 = arith.constant 180 : i32
    %dma_start3A_94 = arith.constant 0 : i32
    %dma_start3A_95 = tpu.memref_slice %arg7[%dma_start3A_93, %dma_start3A_94] : memref<640x128xf32, #tpu.memory_space<vmem>> -> memref<20x128xf32, #tpu.memory_space<vmem>>
    %dma_start3A_96 = arith.constant 0 : i32
    %dma_start3A_97 = tpu.memref_slice %arg6[%dma_start3A_92, %dma_start3A_96] : memref<32x20xi32, #tpu.memory_space<vmem>> -> memref<1x20xi32, #tpu.memory_space<vmem>>
    %dma_start3A_98 = tpu.memref_squeeze %dma_start3A_97 : memref<1x20xi32, #tpu.memory_space<vmem>> -> memref<20xi32, #tpu.memory_space<vmem>>
    %dma_start3A_99 = arith.constant 0 : i32
    %dma_start3A_100 = arith.constant 0 : i32
    %dma_start3A_101 = tpu.memref_slice %arg2[%dma_start3A_99, %dma_start3A_100] : memref<100000x128xf32, #tpu.memory_space<hbm>> -> memref<100000x128xf32, #tpu.memory_space<hbm>>
    tpu.enqueue_indirect_dma source(%dma_start3A_101 : memref<100000x128xf32, #tpu.memory_space<hbm>>) target(%dma_start3A_95 : memref<20x128xf32, #tpu.memory_space<vmem>>) offsets(%dma_start3A_98 : memref<20xi32, #tpu.memory_space<vmem>>) semaphore(%arg8 : memref<!tpu.dma_semaphore, #tpu.memory_space<semaphore_mem>>)
    %dma_start3A_102 = arith.constant 10 : i32
    %dma_start3A_103 = arith.constant 200 : i32
    %dma_start3A_104 = arith.constant 0 : i32
    %dma_start3A_105 = tpu.memref_slice %arg7[%dma_start3A_103, %dma_start3A_104] : memref<640x128xf32, #tpu.memory_space<vmem>> -> memref<20x128xf32, #tpu.memory_space<vmem>>
    %dma_start3A_106 = arith.constant 0 : i32
    %dma_start3A_107 = tpu.memref_slice %arg6[%dma_start3A_102, %dma_start3A_106] : memref<32x20xi32, #tpu.memory_space<vmem>> -> memref<1x20xi32, #tpu.memory_space<vmem>>
    %dma_start3A_108 = tpu.memref_squeeze %dma_start3A_107 : memref<1x20xi32, #tpu.memory_space<vmem>> -> memref<20xi32, #tpu.memory_space<vmem>>
    %dma_start3A_109 = arith.constant 0 : i32
    %dma_start3A_110 = arith.constant 0 : i32
    %dma_start3A_111 = tpu.memref_slice %arg2[%dma_start3A_109, %dma_start3A_110] : memref<100000x128xf32, #tpu.memory_space<hbm>> -> memref<100000x128xf32, #tpu.memory_space<hbm>>
    tpu.enqueue_indirect_dma source(%dma_start3A_111 : memref<100000x128xf32, #tpu.memory_space<hbm>>) target(%dma_start3A_105 : memref<20x128xf32, #tpu.memory_space<vmem>>) offsets(%dma_start3A_108 : memref<20xi32, #tpu.memory_space<vmem>>) semaphore(%arg8 : memref<!tpu.dma_semaphore, #tpu.memory_space<semaphore_mem>>)
    %dma_start3A_112 = arith.constant 11 : i32
    %dma_start3A_113 = arith.constant 220 : i32
    %dma_start3A_114 = arith.constant 0 : i32
    %dma_start3A_115 = tpu.memref_slice %arg7[%dma_start3A_113, %dma_start3A_114] : memref<640x128xf32, #tpu.memory_space<vmem>> -> memref<20x128xf32, #tpu.memory_space<vmem>>
    %dma_start3A_116 = arith.constant 0 : i32
    %dma_start3A_117 = tpu.memref_slice %arg6[%dma_start3A_112, %dma_start3A_116] : memref<32x20xi32, #tpu.memory_space<vmem>> -> memref<1x20xi32, #tpu.memory_space<vmem>>
    %dma_start3A_118 = tpu.memref_squeeze %dma_start3A_117 : memref<1x20xi32, #tpu.memory_space<vmem>> -> memref<20xi32, #tpu.memory_space<vmem>>
    %dma_start3A_119 = arith.constant 0 : i32
    %dma_start3A_120 = arith.constant 0 : i32
    %dma_start3A_121 = tpu.memref_slice %arg2[%dma_start3A_119, %dma_start3A_120] : memref<100000x128xf32, #tpu.memory_space<hbm>> -> memref<100000x128xf32, #tpu.memory_space<hbm>>
    tpu.enqueue_indirect_dma source(%dma_start3A_121 : memref<100000x128xf32, #tpu.memory_space<hbm>>) target(%dma_start3A_115 : memref<20x128xf32, #tpu.memory_space<vmem>>) offsets(%dma_start3A_118 : memref<20xi32, #tpu.memory_space<vmem>>) semaphore(%arg8 : memref<!tpu.dma_semaphore, #tpu.memory_space<semaphore_mem>>)
    %dma_start3A_122 = arith.constant 12 : i32
    %dma_start3A_123 = arith.constant 240 : i32
    %dma_start3A_124 = arith.constant 0 : i32
    %dma_start3A_125 = tpu.memref_slice %arg7[%dma_start3A_123, %dma_start3A_124] : memref<640x128xf32, #tpu.memory_space<vmem>> -> memref<20x128xf32, #tpu.memory_space<vmem>>
    %dma_start3A_126 = arith.constant 0 : i32
    %dma_start3A_127 = tpu.memref_slice %arg6[%dma_start3A_122, %dma_start3A_126] : memref<32x20xi32, #tpu.memory_space<vmem>> -> memref<1x20xi32, #tpu.memory_space<vmem>>
    %dma_start3A_128 = tpu.memref_squeeze %dma_start3A_127 : memref<1x20xi32, #tpu.memory_space<vmem>> -> memref<20xi32, #tpu.memory_space<vmem>>
    %dma_start3A_129 = arith.constant 0 : i32
    %dma_start3A_130 = arith.constant 0 : i32
    %dma_start3A_131 = tpu.memref_slice %arg2[%dma_start3A_129, %dma_start3A_130] : memref<100000x128xf32, #tpu.memory_space<hbm>> -> memref<100000x128xf32, #tpu.memory_space<hbm>>
    tpu.enqueue_indirect_dma source(%dma_start3A_131 : memref<100000x128xf32, #tpu.memory_space<hbm>>) target(%dma_start3A_125 : memref<20x128xf32, #tpu.memory_space<vmem>>) offsets(%dma_start3A_128 : memref<20xi32, #tpu.memory_space<vmem>>) semaphore(%arg8 : memref<!tpu.dma_semaphore, #tpu.memory_space<semaphore_mem>>)
    %dma_start3A_132 = arith.constant 13 : i32
    %dma_start3A_133 = arith.constant 260 : i32
    %dma_start3A_134 = arith.constant 0 : i32
    %dma_start3A_135 = tpu.memref_slice %arg7[%dma_start3A_133, %dma_start3A_134] : memref<640x128xf32, #tpu.memory_space<vmem>> -> memref<20x128xf32, #tpu.memory_space<vmem>>
    %dma_start3A_136 = arith.constant 0 : i32
    %dma_start3A_137 = tpu.memref_slice %arg6[%dma_start3A_132, %dma_start3A_136] : memref<32x20xi32, #tpu.memory_space<vmem>> -> memref<1x20xi32, #tpu.memory_space<vmem>>
    %dma_start3A_138 = tpu.memref_squeeze %dma_start3A_137 : memref<1x20xi32, #tpu.memory_space<vmem>> -> memref<20xi32, #tpu.memory_space<vmem>>
    %dma_start3A_139 = arith.constant 0 : i32
    %dma_start3A_140 = arith.constant 0 : i32
    %dma_start3A_141 = tpu.memref_slice %arg2[%dma_start3A_139, %dma_start3A_140] : memref<100000x128xf32, #tpu.memory_space<hbm>> -> memref<100000x128xf32, #tpu.memory_space<hbm>>
    tpu.enqueue_indirect_dma source(%dma_start3A_141 : memref<100000x128xf32, #tpu.memory_space<hbm>>) target(%dma_start3A_135 : memref<20x128xf32, #tpu.memory_space<vmem>>) offsets(%dma_start3A_138 : memref<20xi32, #tpu.memory_space<vmem>>) semaphore(%arg8 : memref<!tpu.dma_semaphore, #tpu.memory_space<semaphore_mem>>)
    %dma_start3A_142 = arith.constant 14 : i32
    %dma_start3A_143 = arith.constant 280 : i32
    %dma_start3A_144 = arith.constant 0 : i32
    %dma_start3A_145 = tpu.memref_slice %arg7[%dma_start3A_143, %dma_start3A_144] : memref<640x128xf32, #tpu.memory_space<vmem>> -> memref<20x128xf32, #tpu.memory_space<vmem>>
    %dma_start3A_146 = arith.constant 0 : i32
    %dma_start3A_147 = tpu.memref_slice %arg6[%dma_start3A_142, %dma_start3A_146] : memref<32x20xi32, #tpu.memory_space<vmem>> -> memref<1x20xi32, #tpu.memory_space<vmem>>
    %dma_start3A_148 = tpu.memref_squeeze %dma_start3A_147 : memref<1x20xi32, #tpu.memory_space<vmem>> -> memref<20xi32, #tpu.memory_space<vmem>>
    %dma_start3A_149 = arith.constant 0 : i32
    %dma_start3A_150 = arith.constant 0 : i32
    %dma_start3A_151 = tpu.memref_slice %arg2[%dma_start3A_149, %dma_start3A_150] : memref<100000x128xf32, #tpu.memory_space<hbm>> -> memref<100000x128xf32, #tpu.memory_space<hbm>>
    tpu.enqueue_indirect_dma source(%dma_start3A_151 : memref<100000x128xf32, #tpu.memory_space<hbm>>) target(%dma_start3A_145 : memref<20x128xf32, #tpu.memory_space<vmem>>) offsets(%dma_start3A_148 : memref<20xi32, #tpu.memory_space<vmem>>) semaphore(%arg8 : memref<!tpu.dma_semaphore, #tpu.memory_space<semaphore_mem>>)
    %dma_start3A_152 = arith.constant 15 : i32
    %dma_start3A_153 = arith.constant 300 : i32
    %dma_start3A_154 = arith.constant 0 : i32
    %dma_start3A_155 = tpu.memref_slice %arg7[%dma_start3A_153, %dma_start3A_154] : memref<640x128xf32, #tpu.memory_space<vmem>> -> memref<20x128xf32, #tpu.memory_space<vmem>>
    %dma_start3A_156 = arith.constant 0 : i32
    %dma_start3A_157 = tpu.memref_slice %arg6[%dma_start3A_152, %dma_start3A_156] : memref<32x20xi32, #tpu.memory_space<vmem>> -> memref<1x20xi32, #tpu.memory_space<vmem>>
    %dma_start3A_158 = tpu.memref_squeeze %dma_start3A_157 : memref<1x20xi32, #tpu.memory_space<vmem>> -> memref<20xi32, #tpu.memory_space<vmem>>
    %dma_start3A_159 = arith.constant 0 : i32
    %dma_start3A_160 = arith.constant 0 : i32
    %dma_start3A_161 = tpu.memref_slice %arg2[%dma_start3A_159, %dma_start3A_160] : memref<100000x128xf32, #tpu.memory_space<hbm>> -> memref<100000x128xf32, #tpu.memory_space<hbm>>
    tpu.enqueue_indirect_dma source(%dma_start3A_161 : memref<100000x128xf32, #tpu.memory_space<hbm>>) target(%dma_start3A_155 : memref<20x128xf32, #tpu.memory_space<vmem>>) offsets(%dma_start3A_158 : memref<20xi32, #tpu.memory_space<vmem>>) semaphore(%arg8 : memref<!tpu.dma_semaphore, #tpu.memory_space<semaphore_mem>>)
    %dma_start3A_162 = arith.constant 16 : i32
    %dma_start3A_163 = arith.constant 320 : i32
    %dma_start3A_164 = arith.constant 0 : i32
    %dma_start3A_165 = tpu.memref_slice %arg7[%dma_start3A_163, %dma_start3A_164] : memref<640x128xf32, #tpu.memory_space<vmem>> -> memref<20x128xf32, #tpu.memory_space<vmem>>
    %dma_start3A_166 = arith.constant 0 : i32
    %dma_start3A_167 = tpu.memref_slice %arg6[%dma_start3A_162, %dma_start3A_166] : memref<32x20xi32, #tpu.memory_space<vmem>> -> memref<1x20xi32, #tpu.memory_space<vmem>>
    %dma_start3A_168 = tpu.memref_squeeze %dma_start3A_167 : memref<1x20xi32, #tpu.memory_space<vmem>> -> memref<20xi32, #tpu.memory_space<vmem>>
    %dma_start3A_169 = arith.constant 0 : i32
    %dma_start3A_170 = arith.constant 0 : i32
    %dma_start3A_171 = tpu.memref_slice %arg2[%dma_start3A_169, %dma_start3A_170] : memref<100000x128xf32, #tpu.memory_space<hbm>> -> memref<100000x128xf32, #tpu.memory_space<hbm>>
    tpu.enqueue_indirect_dma source(%dma_start3A_171 : memref<100000x128xf32, #tpu.memory_space<hbm>>) target(%dma_start3A_165 : memref<20x128xf32, #tpu.memory_space<vmem>>) offsets(%dma_start3A_168 : memref<20xi32, #tpu.memory_space<vmem>>) semaphore(%arg8 : memref<!tpu.dma_semaphore, #tpu.memory_space<semaphore_mem>>)
    %dma_start3A_172 = arith.constant 17 : i32
    %dma_start3A_173 = arith.constant 340 : i32
    %dma_start3A_174 = arith.constant 0 : i32
    %dma_start3A_175 = tpu.memref_slice %arg7[%dma_start3A_173, %dma_start3A_174] : memref<640x128xf32, #tpu.memory_space<vmem>> -> memref<20x128xf32, #tpu.memory_space<vmem>>
    %dma_start3A_176 = arith.constant 0 : i32
    %dma_start3A_177 = tpu.memref_slice %arg6[%dma_start3A_172, %dma_start3A_176] : memref<32x20xi32, #tpu.memory_space<vmem>> -> memref<1x20xi32, #tpu.memory_space<vmem>>
    %dma_start3A_178 = tpu.memref_squeeze %dma_start3A_177 : memref<1x20xi32, #tpu.memory_space<vmem>> -> memref<20xi32, #tpu.memory_space<vmem>>
    %dma_start3A_179 = arith.constant 0 : i32
    %dma_start3A_180 = arith.constant 0 : i32
    %dma_start3A_181 = tpu.memref_slice %arg2[%dma_start3A_179, %dma_start3A_180] : memref<100000x128xf32, #tpu.memory_space<hbm>> -> memref<100000x128xf32, #tpu.memory_space<hbm>>
    tpu.enqueue_indirect_dma source(%dma_start3A_181 : memref<100000x128xf32, #tpu.memory_space<hbm>>) target(%dma_start3A_175 : memref<20x128xf32, #tpu.memory_space<vmem>>) offsets(%dma_start3A_178 : memref<20xi32, #tpu.memory_space<vmem>>) semaphore(%arg8 : memref<!tpu.dma_semaphore, #tpu.memory_space<semaphore_mem>>)
    %dma_start3A_182 = arith.constant 18 : i32
    %dma_start3A_183 = arith.constant 360 : i32
    %dma_start3A_184 = arith.constant 0 : i32
    %dma_start3A_185 = tpu.memref_slice %arg7[%dma_start3A_183, %dma_start3A_184] : memref<640x128xf32, #tpu.memory_space<vmem>> -> memref<20x128xf32, #tpu.memory_space<vmem>>
    %dma_start3A_186 = arith.constant 0 : i32
    %dma_start3A_187 = tpu.memref_slice %arg6[%dma_start3A_182, %dma_start3A_186] : memref<32x20xi32, #tpu.memory_space<vmem>> -> memref<1x20xi32, #tpu.memory_space<vmem>>
    %dma_start3A_188 = tpu.memref_squeeze %dma_start3A_187 : memref<1x20xi32, #tpu.memory_space<vmem>> -> memref<20xi32, #tpu.memory_space<vmem>>
    %dma_start3A_189 = arith.constant 0 : i32
    %dma_start3A_190 = arith.constant 0 : i32
    %dma_start3A_191 = tpu.memref_slice %arg2[%dma_start3A_189, %dma_start3A_190] : memref<100000x128xf32, #tpu.memory_space<hbm>> -> memref<100000x128xf32, #tpu.memory_space<hbm>>
    tpu.enqueue_indirect_dma source(%dma_start3A_191 : memref<100000x128xf32, #tpu.memory_space<hbm>>) target(%dma_start3A_185 : memref<20x128xf32, #tpu.memory_space<vmem>>) offsets(%dma_start3A_188 : memref<20xi32, #tpu.memory_space<vmem>>) semaphore(%arg8 : memref<!tpu.dma_semaphore, #tpu.memory_space<semaphore_mem>>)
    %dma_start3A_192 = arith.constant 19 : i32
    %dma_start3A_193 = arith.constant 380 : i32
    %dma_start3A_194 = arith.constant 0 : i32
    %dma_start3A_195 = tpu.memref_slice %arg7[%dma_start3A_193, %dma_start3A_194] : memref<640x128xf32, #tpu.memory_space<vmem>> -> memref<20x128xf32, #tpu.memory_space<vmem>>
    %dma_start3A_196 = arith.constant 0 : i32
    %dma_start3A_197 = tpu.memref_slice %arg6[%dma_start3A_192, %dma_start3A_196] : memref<32x20xi32, #tpu.memory_space<vmem>> -> memref<1x20xi32, #tpu.memory_space<vmem>>
    %dma_start3A_198 = tpu.memref_squeeze %dma_start3A_197 : memref<1x20xi32, #tpu.memory_space<vmem>> -> memref<20xi32, #tpu.memory_space<vmem>>
    %dma_start3A_199 = arith.constant 0 : i32
    %dma_start3A_200 = arith.constant 0 : i32
    %dma_start3A_201 = tpu.memref_slice %arg2[%dma_start3A_199, %dma_start3A_200] : memref<100000x128xf32, #tpu.memory_space<hbm>> -> memref<100000x128xf32, #tpu.memory_space<hbm>>
    tpu.enqueue_indirect_dma source(%dma_start3A_201 : memref<100000x128xf32, #tpu.memory_space<hbm>>) target(%dma_start3A_195 : memref<20x128xf32, #tpu.memory_space<vmem>>) offsets(%dma_start3A_198 : memref<20xi32, #tpu.memory_space<vmem>>) semaphore(%arg8 : memref<!tpu.dma_semaphore, #tpu.memory_space<semaphore_mem>>)
    %dma_start3A_202 = arith.constant 20 : i32
    %dma_start3A_203 = arith.constant 400 : i32
    %dma_start3A_204 = arith.constant 0 : i32
    %dma_start3A_205 = tpu.memref_slice %arg7[%dma_start3A_203, %dma_start3A_204] : memref<640x128xf32, #tpu.memory_space<vmem>> -> memref<20x128xf32, #tpu.memory_space<vmem>>
    %dma_start3A_206 = arith.constant 0 : i32
    %dma_start3A_207 = tpu.memref_slice %arg6[%dma_start3A_202, %dma_start3A_206] : memref<32x20xi32, #tpu.memory_space<vmem>> -> memref<1x20xi32, #tpu.memory_space<vmem>>
    %dma_start3A_208 = tpu.memref_squeeze %dma_start3A_207 : memref<1x20xi32, #tpu.memory_space<vmem>> -> memref<20xi32, #tpu.memory_space<vmem>>
    %dma_start3A_209 = arith.constant 0 : i32
    %dma_start3A_210 = arith.constant 0 : i32
    %dma_start3A_211 = tpu.memref_slice %arg2[%dma_start3A_209, %dma_start3A_210] : memref<100000x128xf32, #tpu.memory_space<hbm>> -> memref<100000x128xf32, #tpu.memory_space<hbm>>
    tpu.enqueue_indirect_dma source(%dma_start3A_211 : memref<100000x128xf32, #tpu.memory_space<hbm>>) target(%dma_start3A_205 : memref<20x128xf32, #tpu.memory_space<vmem>>) offsets(%dma_start3A_208 : memref<20xi32, #tpu.memory_space<vmem>>) semaphore(%arg8 : memref<!tpu.dma_semaphore, #tpu.memory_space<semaphore_mem>>)
    %dma_start3A_212 = arith.constant 21 : i32
    %dma_start3A_213 = arith.constant 420 : i32
    %dma_start3A_214 = arith.constant 0 : i32
    %dma_start3A_215 = tpu.memref_slice %arg7[%dma_start3A_213, %dma_start3A_214] : memref<640x128xf32, #tpu.memory_space<vmem>> -> memref<20x128xf32, #tpu.memory_space<vmem>>
    %dma_start3A_216 = arith.constant 0 : i32
    %dma_start3A_217 = tpu.memref_slice %arg6[%dma_start3A_212, %dma_start3A_216] : memref<32x20xi32, #tpu.memory_space<vmem>> -> memref<1x20xi32, #tpu.memory_space<vmem>>
    %dma_start3A_218 = tpu.memref_squeeze %dma_start3A_217 : memref<1x20xi32, #tpu.memory_space<vmem>> -> memref<20xi32, #tpu.memory_space<vmem>>
    %dma_start3A_219 = arith.constant 0 : i32
    %dma_start3A_220 = arith.constant 0 : i32
    %dma_start3A_221 = tpu.memref_slice %arg2[%dma_start3A_219, %dma_start3A_220] : memref<100000x128xf32, #tpu.memory_space<hbm>> -> memref<100000x128xf32, #tpu.memory_space<hbm>>
    tpu.enqueue_indirect_dma source(%dma_start3A_221 : memref<100000x128xf32, #tpu.memory_space<hbm>>) target(%dma_start3A_215 : memref<20x128xf32, #tpu.memory_space<vmem>>) offsets(%dma_start3A_218 : memref<20xi32, #tpu.memory_space<vmem>>) semaphore(%arg8 : memref<!tpu.dma_semaphore, #tpu.memory_space<semaphore_mem>>)
    %dma_start3A_222 = arith.constant 22 : i32
    %dma_start3A_223 = arith.constant 440 : i32
    %dma_start3A_224 = arith.constant 0 : i32
    %dma_start3A_225 = tpu.memref_slice %arg7[%dma_start3A_223, %dma_start3A_224] : memref<640x128xf32, #tpu.memory_space<vmem>> -> memref<20x128xf32, #tpu.memory_space<vmem>>
    %dma_start3A_226 = arith.constant 0 : i32
    %dma_start3A_227 = tpu.memref_slice %arg6[%dma_start3A_222, %dma_start3A_226] : memref<32x20xi32, #tpu.memory_space<vmem>> -> memref<1x20xi32, #tpu.memory_space<vmem>>
    %dma_start3A_228 = tpu.memref_squeeze %dma_start3A_227 : memref<1x20xi32, #tpu.memory_space<vmem>> -> memref<20xi32, #tpu.memory_space<vmem>>
    %dma_start3A_229 = arith.constant 0 : i32
    %dma_start3A_230 = arith.constant 0 : i32
    %dma_start3A_231 = tpu.memref_slice %arg2[%dma_start3A_229, %dma_start3A_230] : memref<100000x128xf32, #tpu.memory_space<hbm>> -> memref<100000x128xf32, #tpu.memory_space<hbm>>
    tpu.enqueue_indirect_dma source(%dma_start3A_231 : memref<100000x128xf32, #tpu.memory_space<hbm>>) target(%dma_start3A_225 : memref<20x128xf32, #tpu.memory_space<vmem>>) offsets(%dma_start3A_228 : memref<20xi32, #tpu.memory_space<vmem>>) semaphore(%arg8 : memref<!tpu.dma_semaphore, #tpu.memory_space<semaphore_mem>>)
    %dma_start3A_232 = arith.constant 23 : i32
    %dma_start3A_233 = arith.constant 460 : i32
    %dma_start3A_234 = arith.constant 0 : i32
    %dma_start3A_235 = tpu.memref_slice %arg7[%dma_start3A_233, %dma_start3A_234] : memref<640x128xf32, #tpu.memory_space<vmem>> -> memref<20x128xf32, #tpu.memory_space<vmem>>
    %dma_start3A_236 = arith.constant 0 : i32
    %dma_start3A_237 = tpu.memref_slice %arg6[%dma_start3A_232, %dma_start3A_236] : memref<32x20xi32, #tpu.memory_space<vmem>> -> memref<1x20xi32, #tpu.memory_space<vmem>>
    %dma_start3A_238 = tpu.memref_squeeze %dma_start3A_237 : memref<1x20xi32, #tpu.memory_space<vmem>> -> memref<20xi32, #tpu.memory_space<vmem>>
    %dma_start3A_239 = arith.constant 0 : i32
    %dma_start3A_240 = arith.constant 0 : i32
    %dma_start3A_241 = tpu.memref_slice %arg2[%dma_start3A_239, %dma_start3A_240] : memref<100000x128xf32, #tpu.memory_space<hbm>> -> memref<100000x128xf32, #tpu.memory_space<hbm>>
    tpu.enqueue_indirect_dma source(%dma_start3A_241 : memref<100000x128xf32, #tpu.memory_space<hbm>>) target(%dma_start3A_235 : memref<20x128xf32, #tpu.memory_space<vmem>>) offsets(%dma_start3A_238 : memref<20xi32, #tpu.memory_space<vmem>>) semaphore(%arg8 : memref<!tpu.dma_semaphore, #tpu.memory_space<semaphore_mem>>)
    %dma_start3A_242 = arith.constant 24 : i32
    %dma_start3A_243 = arith.constant 480 : i32
    %dma_start3A_244 = arith.constant 0 : i32
    %dma_start3A_245 = tpu.memref_slice %arg7[%dma_start3A_243, %dma_start3A_244] : memref<640x128xf32, #tpu.memory_space<vmem>> -> memref<20x128xf32, #tpu.memory_space<vmem>>
    %dma_start3A_246 = arith.constant 0 : i32
    %dma_start3A_247 = tpu.memref_slice %arg6[%dma_start3A_242, %dma_start3A_246] : memref<32x20xi32, #tpu.memory_space<vmem>> -> memref<1x20xi32, #tpu.memory_space<vmem>>
    %dma_start3A_248 = tpu.memref_squeeze %dma_start3A_247 : memref<1x20xi32, #tpu.memory_space<vmem>> -> memref<20xi32, #tpu.memory_space<vmem>>
    %dma_start3A_249 = arith.constant 0 : i32
    %dma_start3A_250 = arith.constant 0 : i32
    %dma_start3A_251 = tpu.memref_slice %arg2[%dma_start3A_249, %dma_start3A_250] : memref<100000x128xf32, #tpu.memory_space<hbm>> -> memref<100000x128xf32, #tpu.memory_space<hbm>>
    tpu.enqueue_indirect_dma source(%dma_start3A_251 : memref<100000x128xf32, #tpu.memory_space<hbm>>) target(%dma_start3A_245 : memref<20x128xf32, #tpu.memory_space<vmem>>) offsets(%dma_start3A_248 : memref<20xi32, #tpu.memory_space<vmem>>) semaphore(%arg8 : memref<!tpu.dma_semaphore, #tpu.memory_space<semaphore_mem>>)
    %dma_start3A_252 = arith.constant 25 : i32
    %dma_start3A_253 = arith.constant 500 : i32
    %dma_start3A_254 = arith.constant 0 : i32
    %dma_start3A_255 = tpu.memref_slice %arg7[%dma_start3A_253, %dma_start3A_254] : memref<640x128xf32, #tpu.memory_space<vmem>> -> memref<20x128xf32, #tpu.memory_space<vmem>>
    %dma_start3A_256 = arith.constant 0 : i32
    %dma_start3A_257 = tpu.memref_slice %arg6[%dma_start3A_252, %dma_start3A_256] : memref<32x20xi32, #tpu.memory_space<vmem>> -> memref<1x20xi32, #tpu.memory_space<vmem>>
    %dma_start3A_258 = tpu.memref_squeeze %dma_start3A_257 : memref<1x20xi32, #tpu.memory_space<vmem>> -> memref<20xi32, #tpu.memory_space<vmem>>
    %dma_start3A_259 = arith.constant 0 : i32
    %dma_start3A_260 = arith.constant 0 : i32
    %dma_start3A_261 = tpu.memref_slice %arg2[%dma_start3A_259, %dma_start3A_260] : memref<100000x128xf32, #tpu.memory_space<hbm>> -> memref<100000x128xf32, #tpu.memory_space<hbm>>
    tpu.enqueue_indirect_dma source(%dma_start3A_261 : memref<100000x128xf32, #tpu.memory_space<hbm>>) target(%dma_start3A_255 : memref<20x128xf32, #tpu.memory_space<vmem>>) offsets(%dma_start3A_258 : memref<20xi32, #tpu.memory_space<vmem>>) semaphore(%arg8 : memref<!tpu.dma_semaphore, #tpu.memory_space<semaphore_mem>>)
    %dma_start3A_262 = arith.constant 26 : i32
    %dma_start3A_263 = arith.constant 520 : i32
    %dma_start3A_264 = arith.constant 0 : i32
    %dma_start3A_265 = tpu.memref_slice %arg7[%dma_start3A_263, %dma_start3A_264] : memref<640x128xf32, #tpu.memory_space<vmem>> -> memref<20x128xf32, #tpu.memory_space<vmem>>
    %dma_start3A_266 = arith.constant 0 : i32
    %dma_start3A_267 = tpu.memref_slice %arg6[%dma_start3A_262, %dma_start3A_266] : memref<32x20xi32, #tpu.memory_space<vmem>> -> memref<1x20xi32, #tpu.memory_space<vmem>>
    %dma_start3A_268 = tpu.memref_squeeze %dma_start3A_267 : memref<1x20xi32, #tpu.memory_space<vmem>> -> memref<20xi32, #tpu.memory_space<vmem>>
    %dma_start3A_269 = arith.constant 0 : i32
    %dma_start3A_270 = arith.constant 0 : i32
    %dma_start3A_271 = tpu.memref_slice %arg2[%dma_start3A_269, %dma_start3A_270] : memref<100000x128xf32, #tpu.memory_space<hbm>> -> memref<100000x128xf32, #tpu.memory_space<hbm>>
    tpu.enqueue_indirect_dma source(%dma_start3A_271 : memref<100000x128xf32, #tpu.memory_space<hbm>>) target(%dma_start3A_265 : memref<20x128xf32, #tpu.memory_space<vmem>>) offsets(%dma_start3A_268 : memref<20xi32, #tpu.memory_space<vmem>>) semaphore(%arg8 : memref<!tpu.dma_semaphore, #tpu.memory_space<semaphore_mem>>)
    %dma_start3A_272 = arith.constant 27 : i32
    %dma_start3A_273 = arith.constant 540 : i32
    %dma_start3A_274 = arith.constant 0 : i32
    %dma_start3A_275 = tpu.memref_slice %arg7[%dma_start3A_273, %dma_start3A_274] : memref<640x128xf32, #tpu.memory_space<vmem>> -> memref<20x128xf32, #tpu.memory_space<vmem>>
    %dma_start3A_276 = arith.constant 0 : i32
    %dma_start3A_277 = tpu.memref_slice %arg6[%dma_start3A_272, %dma_start3A_276] : memref<32x20xi32, #tpu.memory_space<vmem>> -> memref<1x20xi32, #tpu.memory_space<vmem>>
    %dma_start3A_278 = tpu.memref_squeeze %dma_start3A_277 : memref<1x20xi32, #tpu.memory_space<vmem>> -> memref<20xi32, #tpu.memory_space<vmem>>
    %dma_start3A_279 = arith.constant 0 : i32
    %dma_start3A_280 = arith.constant 0 : i32
    %dma_start3A_281 = tpu.memref_slice %arg2[%dma_start3A_279, %dma_start3A_280] : memref<100000x128xf32, #tpu.memory_space<hbm>> -> memref<100000x128xf32, #tpu.memory_space<hbm>>
    tpu.enqueue_indirect_dma source(%dma_start3A_281 : memref<100000x128xf32, #tpu.memory_space<hbm>>) target(%dma_start3A_275 : memref<20x128xf32, #tpu.memory_space<vmem>>) offsets(%dma_start3A_278 : memref<20xi32, #tpu.memory_space<vmem>>) semaphore(%arg8 : memref<!tpu.dma_semaphore, #tpu.memory_space<semaphore_mem>>)
    %dma_start3A_282 = arith.constant 28 : i32
    %dma_start3A_283 = arith.constant 560 : i32
    %dma_start3A_284 = arith.constant 0 : i32
    %dma_start3A_285 = tpu.memref_slice %arg7[%dma_start3A_283, %dma_start3A_284] : memref<640x128xf32, #tpu.memory_space<vmem>> -> memref<20x128xf32, #tpu.memory_space<vmem>>
    %dma_start3A_286 = arith.constant 0 : i32
    %dma_start3A_287 = tpu.memref_slice %arg6[%dma_start3A_282, %dma_start3A_286] : memref<32x20xi32, #tpu.memory_space<vmem>> -> memref<1x20xi32, #tpu.memory_space<vmem>>
    %dma_start3A_288 = tpu.memref_squeeze %dma_start3A_287 : memref<1x20xi32, #tpu.memory_space<vmem>> -> memref<20xi32, #tpu.memory_space<vmem>>
    %dma_start3A_289 = arith.constant 0 : i32
    %dma_start3A_290 = arith.constant 0 : i32
    %dma_start3A_291 = tpu.memref_slice %arg2[%dma_start3A_289, %dma_start3A_290] : memref<100000x128xf32, #tpu.memory_space<hbm>> -> memref<100000x128xf32, #tpu.memory_space<hbm>>
    tpu.enqueue_indirect_dma source(%dma_start3A_291 : memref<100000x128xf32, #tpu.memory_space<hbm>>) target(%dma_start3A_285 : memref<20x128xf32, #tpu.memory_space<vmem>>) offsets(%dma_start3A_288 : memref<20xi32, #tpu.memory_space<vmem>>) semaphore(%arg8 : memref<!tpu.dma_semaphore, #tpu.memory_space<semaphore_mem>>)
    %dma_start3A_292 = arith.constant 29 : i32
    %dma_start3A_293 = arith.constant 580 : i32
    %dma_start3A_294 = arith.constant 0 : i32
    %dma_start3A_295 = tpu.memref_slice %arg7[%dma_start3A_293, %dma_start3A_294] : memref<640x128xf32, #tpu.memory_space<vmem>> -> memref<20x128xf32, #tpu.memory_space<vmem>>
    %dma_start3A_296 = arith.constant 0 : i32
    %dma_start3A_297 = tpu.memref_slice %arg6[%dma_start3A_292, %dma_start3A_296] : memref<32x20xi32, #tpu.memory_space<vmem>> -> memref<1x20xi32, #tpu.memory_space<vmem>>
    %dma_start3A_298 = tpu.memref_squeeze %dma_start3A_297 : memref<1x20xi32, #tpu.memory_space<vmem>> -> memref<20xi32, #tpu.memory_space<vmem>>
    %dma_start3A_299 = arith.constant 0 : i32
    %dma_start3A_300 = arith.constant 0 : i32
    %dma_start3A_301 = tpu.memref_slice %arg2[%dma_start3A_299, %dma_start3A_300] : memref<100000x128xf32, #tpu.memory_space<hbm>> -> memref<100000x128xf32, #tpu.memory_space<hbm>>
    tpu.enqueue_indirect_dma source(%dma_start3A_301 : memref<100000x128xf32, #tpu.memory_space<hbm>>) target(%dma_start3A_295 : memref<20x128xf32, #tpu.memory_space<vmem>>) offsets(%dma_start3A_298 : memref<20xi32, #tpu.memory_space<vmem>>) semaphore(%arg8 : memref<!tpu.dma_semaphore, #tpu.memory_space<semaphore_mem>>)
    %dma_start3A_302 = arith.constant 30 : i32
    %dma_start3A_303 = arith.constant 600 : i32
    %dma_start3A_304 = arith.constant 0 : i32
    %dma_start3A_305 = tpu.memref_slice %arg7[%dma_start3A_303, %dma_start3A_304] : memref<640x128xf32, #tpu.memory_space<vmem>> -> memref<20x128xf32, #tpu.memory_space<vmem>>
    %dma_start3A_306 = arith.constant 0 : i32
    %dma_start3A_307 = tpu.memref_slice %arg6[%dma_start3A_302, %dma_start3A_306] : memref<32x20xi32, #tpu.memory_space<vmem>> -> memref<1x20xi32, #tpu.memory_space<vmem>>
    %dma_start3A_308 = tpu.memref_squeeze %dma_start3A_307 : memref<1x20xi32, #tpu.memory_space<vmem>> -> memref<20xi32, #tpu.memory_space<vmem>>
    %dma_start3A_309 = arith.constant 0 : i32
    %dma_start3A_310 = arith.constant 0 : i32
    %dma_start3A_311 = tpu.memref_slice %arg2[%dma_start3A_309, %dma_start3A_310] : memref<100000x128xf32, #tpu.memory_space<hbm>> -> memref<100000x128xf32, #tpu.memory_space<hbm>>
    tpu.enqueue_indirect_dma source(%dma_start3A_311 : memref<100000x128xf32, #tpu.memory_space<hbm>>) target(%dma_start3A_305 : memref<20x128xf32, #tpu.memory_space<vmem>>) offsets(%dma_start3A_308 : memref<20xi32, #tpu.memory_space<vmem>>) semaphore(%arg8 : memref<!tpu.dma_semaphore, #tpu.memory_space<semaphore_mem>>)
    %dma_start3A_312 = arith.constant 31 : i32
    %dma_start3A_313 = arith.constant 620 : i32
    %dma_start3A_314 = arith.constant 0 : i32
    %dma_start3A_315 = tpu.memref_slice %arg7[%dma_start3A_313, %dma_start3A_314] : memref<640x128xf32, #tpu.memory_space<vmem>> -> memref<20x128xf32, #tpu.memory_space<vmem>>
    %dma_start3A_316 = arith.constant 0 : i32
    %dma_start3A_317 = tpu.memref_slice %arg6[%dma_start3A_312, %dma_start3A_316] : memref<32x20xi32, #tpu.memory_space<vmem>> -> memref<1x20xi32, #tpu.memory_space<vmem>>
    %dma_start3A_318 = tpu.memref_squeeze %dma_start3A_317 : memref<1x20xi32, #tpu.memory_space<vmem>> -> memref<20xi32, #tpu.memory_space<vmem>>
    %dma_start3A_319 = arith.constant 0 : i32
    %dma_start3A_320 = arith.constant 0 : i32
    %dma_start3A_321 = tpu.memref_slice %arg2[%dma_start3A_319, %dma_start3A_320] : memref<100000x128xf32, #tpu.memory_space<hbm>> -> memref<100000x128xf32, #tpu.memory_space<hbm>>
    tpu.enqueue_indirect_dma source(%dma_start3A_321 : memref<100000x128xf32, #tpu.memory_space<hbm>>) target(%dma_start3A_315 : memref<20x128xf32, #tpu.memory_space<vmem>>) offsets(%dma_start3A_318 : memref<20xi32, #tpu.memory_space<vmem>>) semaphore(%arg8 : memref<!tpu.dma_semaphore, #tpu.memory_space<semaphore_mem>>)
    %dma_wait3A = arith.constant 0 : i32
    %dma_wait3A_322 = arith.constant 0 : i32
    %dma_wait3A_323 = arith.constant 0 : i32
    %dma_wait3A_324 = tpu.memref_slice %arg7[%dma_wait3A_322, %dma_wait3A_323] : memref<640x128xf32, #tpu.memory_space<vmem>> -> memref<20x128xf32, #tpu.memory_space<vmem>>
    %dma_wait3A_325 = arith.constant 0 : i32
    %dma_wait3A_326 = tpu.memref_slice %arg6[%dma_wait3A, %dma_wait3A_325] : memref<32x20xi32, #tpu.memory_space<vmem>> -> memref<1x20xi32, #tpu.memory_space<vmem>>
    %dma_wait3A_327 = tpu.memref_squeeze %dma_wait3A_326 : memref<1x20xi32, #tpu.memory_space<vmem>> -> memref<20xi32, #tpu.memory_space<vmem>>
    %dma_wait3A_328 = arith.constant 0 : i32
    %dma_wait3A_329 = arith.constant 0 : i32
    %dma_wait3A_330 = tpu.memref_slice %arg2[%dma_wait3A_328, %dma_wait3A_329] : memref<100000x128xf32, #tpu.memory_space<hbm>> -> memref<100000x128xf32, #tpu.memory_space<hbm>>
    tpu.wait_indirect_dma semaphore(%arg8 : memref<!tpu.dma_semaphore, #tpu.memory_space<semaphore_mem>>) src(%dma_wait3A_330 : memref<100000x128xf32, #tpu.memory_space<hbm>>) dst(%dma_wait3A_324 : memref<20x128xf32, #tpu.memory_space<vmem>>)
    %dma_wait3A_331 = arith.constant 1 : i32
    %dma_wait3A_332 = arith.constant 20 : i32
    %dma_wait3A_333 = arith.constant 0 : i32
    %dma_wait3A_334 = tpu.memref_slice %arg7[%dma_wait3A_332, %dma_wait3A_333] : memref<640x128xf32, #tpu.memory_space<vmem>> -> memref<20x128xf32, #tpu.memory_space<vmem>>
    %dma_wait3A_335 = arith.constant 0 : i32
    %dma_wait3A_336 = tpu.memref_slice %arg6[%dma_wait3A_331, %dma_wait3A_335] : memref<32x20xi32, #tpu.memory_space<vmem>> -> memref<1x20xi32, #tpu.memory_space<vmem>>
    %dma_wait3A_337 = tpu.memref_squeeze %dma_wait3A_336 : memref<1x20xi32, #tpu.memory_space<vmem>> -> memref<20xi32, #tpu.memory_space<vmem>>
    %dma_wait3A_338 = arith.constant 0 : i32
    %dma_wait3A_339 = arith.constant 0 : i32
    %dma_wait3A_340 = tpu.memref_slice %arg2[%dma_wait3A_338, %dma_wait3A_339] : memref<100000x128xf32, #tpu.memory_space<hbm>> -> memref<100000x128xf32, #tpu.memory_space<hbm>>
    tpu.wait_indirect_dma semaphore(%arg8 : memref<!tpu.dma_semaphore, #tpu.memory_space<semaphore_mem>>) src(%dma_wait3A_340 : memref<100000x128xf32, #tpu.memory_space<hbm>>) dst(%dma_wait3A_334 : memref<20x128xf32, #tpu.memory_space<vmem>>)
    %dma_wait3A_341 = arith.constant 2 : i32
    %dma_wait3A_342 = arith.constant 40 : i32
    %dma_wait3A_343 = arith.constant 0 : i32
    %dma_wait3A_344 = tpu.memref_slice %arg7[%dma_wait3A_342, %dma_wait3A_343] : memref<640x128xf32, #tpu.memory_space<vmem>> -> memref<20x128xf32, #tpu.memory_space<vmem>>
    %dma_wait3A_345 = arith.constant 0 : i32
    %dma_wait3A_346 = tpu.memref_slice %arg6[%dma_wait3A_341, %dma_wait3A_345] : memref<32x20xi32, #tpu.memory_space<vmem>> -> memref<1x20xi32, #tpu.memory_space<vmem>>
    %dma_wait3A_347 = tpu.memref_squeeze %dma_wait3A_346 : memref<1x20xi32, #tpu.memory_space<vmem>> -> memref<20xi32, #tpu.memory_space<vmem>>
    %dma_wait3A_348 = arith.constant 0 : i32
    %dma_wait3A_349 = arith.constant 0 : i32
    %dma_wait3A_350 = tpu.memref_slice %arg2[%dma_wait3A_348, %dma_wait3A_349] : memref<100000x128xf32, #tpu.memory_space<hbm>> -> memref<100000x128xf32, #tpu.memory_space<hbm>>
    tpu.wait_indirect_dma semaphore(%arg8 : memref<!tpu.dma_semaphore, #tpu.memory_space<semaphore_mem>>) src(%dma_wait3A_350 : memref<100000x128xf32, #tpu.memory_space<hbm>>) dst(%dma_wait3A_344 : memref<20x128xf32, #tpu.memory_space<vmem>>)
    %dma_wait3A_351 = arith.constant 3 : i32
    %dma_wait3A_352 = arith.constant 60 : i32
    %dma_wait3A_353 = arith.constant 0 : i32
    %dma_wait3A_354 = tpu.memref_slice %arg7[%dma_wait3A_352, %dma_wait3A_353] : memref<640x128xf32, #tpu.memory_space<vmem>> -> memref<20x128xf32, #tpu.memory_space<vmem>>
    %dma_wait3A_355 = arith.constant 0 : i32
    %dma_wait3A_356 = tpu.memref_slice %arg6[%dma_wait3A_351, %dma_wait3A_355] : memref<32x20xi32, #tpu.memory_space<vmem>> -> memref<1x20xi32, #tpu.memory_space<vmem>>
    %dma_wait3A_357 = tpu.memref_squeeze %dma_wait3A_356 : memref<1x20xi32, #tpu.memory_space<vmem>> -> memref<20xi32, #tpu.memory_space<vmem>>
    %dma_wait3A_358 = arith.constant 0 : i32
    %dma_wait3A_359 = arith.constant 0 : i32
    %dma_wait3A_360 = tpu.memref_slice %arg2[%dma_wait3A_358, %dma_wait3A_359] : memref<100000x128xf32, #tpu.memory_space<hbm>> -> memref<100000x128xf32, #tpu.memory_space<hbm>>
    tpu.wait_indirect_dma semaphore(%arg8 : memref<!tpu.dma_semaphore, #tpu.memory_space<semaphore_mem>>) src(%dma_wait3A_360 : memref<100000x128xf32, #tpu.memory_space<hbm>>) dst(%dma_wait3A_354 : memref<20x128xf32, #tpu.memory_space<vmem>>)
    %dma_wait3A_361 = arith.constant 4 : i32
    %dma_wait3A_362 = arith.constant 80 : i32
    %dma_wait3A_363 = arith.constant 0 : i32
    %dma_wait3A_364 = tpu.memref_slice %arg7[%dma_wait3A_362, %dma_wait3A_363] : memref<640x128xf32, #tpu.memory_space<vmem>> -> memref<20x128xf32, #tpu.memory_space<vmem>>
    %dma_wait3A_365 = arith.constant 0 : i32
    %dma_wait3A_366 = tpu.memref_slice %arg6[%dma_wait3A_361, %dma_wait3A_365] : memref<32x20xi32, #tpu.memory_space<vmem>> -> memref<1x20xi32, #tpu.memory_space<vmem>>
    %dma_wait3A_367 = tpu.memref_squeeze %dma_wait3A_366 : memref<1x20xi32, #tpu.memory_space<vmem>> -> memref<20xi32, #tpu.memory_space<vmem>>
    %dma_wait3A_368 = arith.constant 0 : i32
    %dma_wait3A_369 = arith.constant 0 : i32
    %dma_wait3A_370 = tpu.memref_slice %arg2[%dma_wait3A_368, %dma_wait3A_369] : memref<100000x128xf32, #tpu.memory_space<hbm>> -> memref<100000x128xf32, #tpu.memory_space<hbm>>
    tpu.wait_indirect_dma semaphore(%arg8 : memref<!tpu.dma_semaphore, #tpu.memory_space<semaphore_mem>>) src(%dma_wait3A_370 : memref<100000x128xf32, #tpu.memory_space<hbm>>) dst(%dma_wait3A_364 : memref<20x128xf32, #tpu.memory_space<vmem>>)
    %dma_wait3A_371 = arith.constant 5 : i32
    %dma_wait3A_372 = arith.constant 100 : i32
    %dma_wait3A_373 = arith.constant 0 : i32
    %dma_wait3A_374 = tpu.memref_slice %arg7[%dma_wait3A_372, %dma_wait3A_373] : memref<640x128xf32, #tpu.memory_space<vmem>> -> memref<20x128xf32, #tpu.memory_space<vmem>>
    %dma_wait3A_375 = arith.constant 0 : i32
    %dma_wait3A_376 = tpu.memref_slice %arg6[%dma_wait3A_371, %dma_wait3A_375] : memref<32x20xi32, #tpu.memory_space<vmem>> -> memref<1x20xi32, #tpu.memory_space<vmem>>
    %dma_wait3A_377 = tpu.memref_squeeze %dma_wait3A_376 : memref<1x20xi32, #tpu.memory_space<vmem>> -> memref<20xi32, #tpu.memory_space<vmem>>
    %dma_wait3A_378 = arith.constant 0 : i32
    %dma_wait3A_379 = arith.constant 0 : i32
    %dma_wait3A_380 = tpu.memref_slice %arg2[%dma_wait3A_378, %dma_wait3A_379] : memref<100000x128xf32, #tpu.memory_space<hbm>> -> memref<100000x128xf32, #tpu.memory_space<hbm>>
    tpu.wait_indirect_dma semaphore(%arg8 : memref<!tpu.dma_semaphore, #tpu.memory_space<semaphore_mem>>) src(%dma_wait3A_380 : memref<100000x128xf32, #tpu.memory_space<hbm>>) dst(%dma_wait3A_374 : memref<20x128xf32, #tpu.memory_space<vmem>>)
    %dma_wait3A_381 = arith.constant 6 : i32
    %dma_wait3A_382 = arith.constant 120 : i32
    %dma_wait3A_383 = arith.constant 0 : i32
    %dma_wait3A_384 = tpu.memref_slice %arg7[%dma_wait3A_382, %dma_wait3A_383] : memref<640x128xf32, #tpu.memory_space<vmem>> -> memref<20x128xf32, #tpu.memory_space<vmem>>
    %dma_wait3A_385 = arith.constant 0 : i32
    %dma_wait3A_386 = tpu.memref_slice %arg6[%dma_wait3A_381, %dma_wait3A_385] : memref<32x20xi32, #tpu.memory_space<vmem>> -> memref<1x20xi32, #tpu.memory_space<vmem>>
    %dma_wait3A_387 = tpu.memref_squeeze %dma_wait3A_386 : memref<1x20xi32, #tpu.memory_space<vmem>> -> memref<20xi32, #tpu.memory_space<vmem>>
    %dma_wait3A_388 = arith.constant 0 : i32
    %dma_wait3A_389 = arith.constant 0 : i32
    %dma_wait3A_390 = tpu.memref_slice %arg2[%dma_wait3A_388, %dma_wait3A_389] : memref<100000x128xf32, #tpu.memory_space<hbm>> -> memref<100000x128xf32, #tpu.memory_space<hbm>>
    tpu.wait_indirect_dma semaphore(%arg8 : memref<!tpu.dma_semaphore, #tpu.memory_space<semaphore_mem>>) src(%dma_wait3A_390 : memref<100000x128xf32, #tpu.memory_space<hbm>>) dst(%dma_wait3A_384 : memref<20x128xf32, #tpu.memory_space<vmem>>)
    %dma_wait3A_391 = arith.constant 7 : i32
    %dma_wait3A_392 = arith.constant 140 : i32
    %dma_wait3A_393 = arith.constant 0 : i32
    %dma_wait3A_394 = tpu.memref_slice %arg7[%dma_wait3A_392, %dma_wait3A_393] : memref<640x128xf32, #tpu.memory_space<vmem>> -> memref<20x128xf32, #tpu.memory_space<vmem>>
    %dma_wait3A_395 = arith.constant 0 : i32
    %dma_wait3A_396 = tpu.memref_slice %arg6[%dma_wait3A_391, %dma_wait3A_395] : memref<32x20xi32, #tpu.memory_space<vmem>> -> memref<1x20xi32, #tpu.memory_space<vmem>>
    %dma_wait3A_397 = tpu.memref_squeeze %dma_wait3A_396 : memref<1x20xi32, #tpu.memory_space<vmem>> -> memref<20xi32, #tpu.memory_space<vmem>>
    %dma_wait3A_398 = arith.constant 0 : i32
    %dma_wait3A_399 = arith.constant 0 : i32
    %dma_wait3A_400 = tpu.memref_slice %arg2[%dma_wait3A_398, %dma_wait3A_399] : memref<100000x128xf32, #tpu.memory_space<hbm>> -> memref<100000x128xf32, #tpu.memory_space<hbm>>
    tpu.wait_indirect_dma semaphore(%arg8 : memref<!tpu.dma_semaphore, #tpu.memory_space<semaphore_mem>>) src(%dma_wait3A_400 : memref<100000x128xf32, #tpu.memory_space<hbm>>) dst(%dma_wait3A_394 : memref<20x128xf32, #tpu.memory_space<vmem>>)
    %dma_wait3A_401 = arith.constant 8 : i32
    %dma_wait3A_402 = arith.constant 160 : i32
    %dma_wait3A_403 = arith.constant 0 : i32
    %dma_wait3A_404 = tpu.memref_slice %arg7[%dma_wait3A_402, %dma_wait3A_403] : memref<640x128xf32, #tpu.memory_space<vmem>> -> memref<20x128xf32, #tpu.memory_space<vmem>>
    %dma_wait3A_405 = arith.constant 0 : i32
    %dma_wait3A_406 = tpu.memref_slice %arg6[%dma_wait3A_401, %dma_wait3A_405] : memref<32x20xi32, #tpu.memory_space<vmem>> -> memref<1x20xi32, #tpu.memory_space<vmem>>
    %dma_wait3A_407 = tpu.memref_squeeze %dma_wait3A_406 : memref<1x20xi32, #tpu.memory_space<vmem>> -> memref<20xi32, #tpu.memory_space<vmem>>
    %dma_wait3A_408 = arith.constant 0 : i32
    %dma_wait3A_409 = arith.constant 0 : i32
    %dma_wait3A_410 = tpu.memref_slice %arg2[%dma_wait3A_408, %dma_wait3A_409] : memref<100000x128xf32, #tpu.memory_space<hbm>> -> memref<100000x128xf32, #tpu.memory_space<hbm>>
    tpu.wait_indirect_dma semaphore(%arg8 : memref<!tpu.dma_semaphore, #tpu.memory_space<semaphore_mem>>) src(%dma_wait3A_410 : memref<100000x128xf32, #tpu.memory_space<hbm>>) dst(%dma_wait3A_404 : memref<20x128xf32, #tpu.memory_space<vmem>>)
    %dma_wait3A_411 = arith.constant 9 : i32
    %dma_wait3A_412 = arith.constant 180 : i32
    %dma_wait3A_413 = arith.constant 0 : i32
    %dma_wait3A_414 = tpu.memref_slice %arg7[%dma_wait3A_412, %dma_wait3A_413] : memref<640x128xf32, #tpu.memory_space<vmem>> -> memref<20x128xf32, #tpu.memory_space<vmem>>
    %dma_wait3A_415 = arith.constant 0 : i32
    %dma_wait3A_416 = tpu.memref_slice %arg6[%dma_wait3A_411, %dma_wait3A_415] : memref<32x20xi32, #tpu.memory_space<vmem>> -> memref<1x20xi32, #tpu.memory_space<vmem>>
    %dma_wait3A_417 = tpu.memref_squeeze %dma_wait3A_416 : memref<1x20xi32, #tpu.memory_space<vmem>> -> memref<20xi32, #tpu.memory_space<vmem>>
    %dma_wait3A_418 = arith.constant 0 : i32
    %dma_wait3A_419 = arith.constant 0 : i32
    %dma_wait3A_420 = tpu.memref_slice %arg2[%dma_wait3A_418, %dma_wait3A_419] : memref<100000x128xf32, #tpu.memory_space<hbm>> -> memref<100000x128xf32, #tpu.memory_space<hbm>>
    tpu.wait_indirect_dma semaphore(%arg8 : memref<!tpu.dma_semaphore, #tpu.memory_space<semaphore_mem>>) src(%dma_wait3A_420 : memref<100000x128xf32, #tpu.memory_space<hbm>>) dst(%dma_wait3A_414 : memref<20x128xf32, #tpu.memory_space<vmem>>)
    %dma_wait3A_421 = arith.constant 10 : i32
    %dma_wait3A_422 = arith.constant 200 : i32
    %dma_wait3A_423 = arith.constant 0 : i32
    %dma_wait3A_424 = tpu.memref_slice %arg7[%dma_wait3A_422, %dma_wait3A_423] : memref<640x128xf32, #tpu.memory_space<vmem>> -> memref<20x128xf32, #tpu.memory_space<vmem>>
    %dma_wait3A_425 = arith.constant 0 : i32
    %dma_wait3A_426 = tpu.memref_slice %arg6[%dma_wait3A_421, %dma_wait3A_425] : memref<32x20xi32, #tpu.memory_space<vmem>> -> memref<1x20xi32, #tpu.memory_space<vmem>>
    %dma_wait3A_427 = tpu.memref_squeeze %dma_wait3A_426 : memref<1x20xi32, #tpu.memory_space<vmem>> -> memref<20xi32, #tpu.memory_space<vmem>>
    %dma_wait3A_428 = arith.constant 0 : i32
    %dma_wait3A_429 = arith.constant 0 : i32
    %dma_wait3A_430 = tpu.memref_slice %arg2[%dma_wait3A_428, %dma_wait3A_429] : memref<100000x128xf32, #tpu.memory_space<hbm>> -> memref<100000x128xf32, #tpu.memory_space<hbm>>
    tpu.wait_indirect_dma semaphore(%arg8 : memref<!tpu.dma_semaphore, #tpu.memory_space<semaphore_mem>>) src(%dma_wait3A_430 : memref<100000x128xf32, #tpu.memory_space<hbm>>) dst(%dma_wait3A_424 : memref<20x128xf32, #tpu.memory_space<vmem>>)
    %dma_wait3A_431 = arith.constant 11 : i32
    %dma_wait3A_432 = arith.constant 220 : i32
    %dma_wait3A_433 = arith.constant 0 : i32
    %dma_wait3A_434 = tpu.memref_slice %arg7[%dma_wait3A_432, %dma_wait3A_433] : memref<640x128xf32, #tpu.memory_space<vmem>> -> memref<20x128xf32, #tpu.memory_space<vmem>>
    %dma_wait3A_435 = arith.constant 0 : i32
    %dma_wait3A_436 = tpu.memref_slice %arg6[%dma_wait3A_431, %dma_wait3A_435] : memref<32x20xi32, #tpu.memory_space<vmem>> -> memref<1x20xi32, #tpu.memory_space<vmem>>
    %dma_wait3A_437 = tpu.memref_squeeze %dma_wait3A_436 : memref<1x20xi32, #tpu.memory_space<vmem>> -> memref<20xi32, #tpu.memory_space<vmem>>
    %dma_wait3A_438 = arith.constant 0 : i32
    %dma_wait3A_439 = arith.constant 0 : i32
    %dma_wait3A_440 = tpu.memref_slice %arg2[%dma_wait3A_438, %dma_wait3A_439] : memref<100000x128xf32, #tpu.memory_space<hbm>> -> memref<100000x128xf32, #tpu.memory_space<hbm>>
    tpu.wait_indirect_dma semaphore(%arg8 : memref<!tpu.dma_semaphore, #tpu.memory_space<semaphore_mem>>) src(%dma_wait3A_440 : memref<100000x128xf32, #tpu.memory_space<hbm>>) dst(%dma_wait3A_434 : memref<20x128xf32, #tpu.memory_space<vmem>>)
    %dma_wait3A_441 = arith.constant 12 : i32
    %dma_wait3A_442 = arith.constant 240 : i32
    %dma_wait3A_443 = arith.constant 0 : i32
    %dma_wait3A_444 = tpu.memref_slice %arg7[%dma_wait3A_442, %dma_wait3A_443] : memref<640x128xf32, #tpu.memory_space<vmem>> -> memref<20x128xf32, #tpu.memory_space<vmem>>
    %dma_wait3A_445 = arith.constant 0 : i32
    %dma_wait3A_446 = tpu.memref_slice %arg6[%dma_wait3A_441, %dma_wait3A_445] : memref<32x20xi32, #tpu.memory_space<vmem>> -> memref<1x20xi32, #tpu.memory_space<vmem>>
    %dma_wait3A_447 = tpu.memref_squeeze %dma_wait3A_446 : memref<1x20xi32, #tpu.memory_space<vmem>> -> memref<20xi32, #tpu.memory_space<vmem>>
    %dma_wait3A_448 = arith.constant 0 : i32
    %dma_wait3A_449 = arith.constant 0 : i32
    %dma_wait3A_450 = tpu.memref_slice %arg2[%dma_wait3A_448, %dma_wait3A_449] : memref<100000x128xf32, #tpu.memory_space<hbm>> -> memref<100000x128xf32, #tpu.memory_space<hbm>>
    tpu.wait_indirect_dma semaphore(%arg8 : memref<!tpu.dma_semaphore, #tpu.memory_space<semaphore_mem>>) src(%dma_wait3A_450 : memref<100000x128xf32, #tpu.memory_space<hbm>>) dst(%dma_wait3A_444 : memref<20x128xf32, #tpu.memory_space<vmem>>)
    %dma_wait3A_451 = arith.constant 13 : i32
    %dma_wait3A_452 = arith.constant 260 : i32
    %dma_wait3A_453 = arith.constant 0 : i32
    %dma_wait3A_454 = tpu.memref_slice %arg7[%dma_wait3A_452, %dma_wait3A_453] : memref<640x128xf32, #tpu.memory_space<vmem>> -> memref<20x128xf32, #tpu.memory_space<vmem>>
    %dma_wait3A_455 = arith.constant 0 : i32
    %dma_wait3A_456 = tpu.memref_slice %arg6[%dma_wait3A_451, %dma_wait3A_455] : memref<32x20xi32, #tpu.memory_space<vmem>> -> memref<1x20xi32, #tpu.memory_space<vmem>>
    %dma_wait3A_457 = tpu.memref_squeeze %dma_wait3A_456 : memref<1x20xi32, #tpu.memory_space<vmem>> -> memref<20xi32, #tpu.memory_space<vmem>>
    %dma_wait3A_458 = arith.constant 0 : i32
    %dma_wait3A_459 = arith.constant 0 : i32
    %dma_wait3A_460 = tpu.memref_slice %arg2[%dma_wait3A_458, %dma_wait3A_459] : memref<100000x128xf32, #tpu.memory_space<hbm>> -> memref<100000x128xf32, #tpu.memory_space<hbm>>
    tpu.wait_indirect_dma semaphore(%arg8 : memref<!tpu.dma_semaphore, #tpu.memory_space<semaphore_mem>>) src(%dma_wait3A_460 : memref<100000x128xf32, #tpu.memory_space<hbm>>) dst(%dma_wait3A_454 : memref<20x128xf32, #tpu.memory_space<vmem>>)
    %dma_wait3A_461 = arith.constant 14 : i32
    %dma_wait3A_462 = arith.constant 280 : i32
    %dma_wait3A_463 = arith.constant 0 : i32
    %dma_wait3A_464 = tpu.memref_slice %arg7[%dma_wait3A_462, %dma_wait3A_463] : memref<640x128xf32, #tpu.memory_space<vmem>> -> memref<20x128xf32, #tpu.memory_space<vmem>>
    %dma_wait3A_465 = arith.constant 0 : i32
    %dma_wait3A_466 = tpu.memref_slice %arg6[%dma_wait3A_461, %dma_wait3A_465] : memref<32x20xi32, #tpu.memory_space<vmem>> -> memref<1x20xi32, #tpu.memory_space<vmem>>
    %dma_wait3A_467 = tpu.memref_squeeze %dma_wait3A_466 : memref<1x20xi32, #tpu.memory_space<vmem>> -> memref<20xi32, #tpu.memory_space<vmem>>
    %dma_wait3A_468 = arith.constant 0 : i32
    %dma_wait3A_469 = arith.constant 0 : i32
    %dma_wait3A_470 = tpu.memref_slice %arg2[%dma_wait3A_468, %dma_wait3A_469] : memref<100000x128xf32, #tpu.memory_space<hbm>> -> memref<100000x128xf32, #tpu.memory_space<hbm>>
    tpu.wait_indirect_dma semaphore(%arg8 : memref<!tpu.dma_semaphore, #tpu.memory_space<semaphore_mem>>) src(%dma_wait3A_470 : memref<100000x128xf32, #tpu.memory_space<hbm>>) dst(%dma_wait3A_464 : memref<20x128xf32, #tpu.memory_space<vmem>>)
    %dma_wait3A_471 = arith.constant 15 : i32
    %dma_wait3A_472 = arith.constant 300 : i32
    %dma_wait3A_473 = arith.constant 0 : i32
    %dma_wait3A_474 = tpu.memref_slice %arg7[%dma_wait3A_472, %dma_wait3A_473] : memref<640x128xf32, #tpu.memory_space<vmem>> -> memref<20x128xf32, #tpu.memory_space<vmem>>
    %dma_wait3A_475 = arith.constant 0 : i32
    %dma_wait3A_476 = tpu.memref_slice %arg6[%dma_wait3A_471, %dma_wait3A_475] : memref<32x20xi32, #tpu.memory_space<vmem>> -> memref<1x20xi32, #tpu.memory_space<vmem>>
    %dma_wait3A_477 = tpu.memref_squeeze %dma_wait3A_476 : memref<1x20xi32, #tpu.memory_space<vmem>> -> memref<20xi32, #tpu.memory_space<vmem>>
    %dma_wait3A_478 = arith.constant 0 : i32
    %dma_wait3A_479 = arith.constant 0 : i32
    %dma_wait3A_480 = tpu.memref_slice %arg2[%dma_wait3A_478, %dma_wait3A_479] : memref<100000x128xf32, #tpu.memory_space<hbm>> -> memref<100000x128xf32, #tpu.memory_space<hbm>>
    tpu.wait_indirect_dma semaphore(%arg8 : memref<!tpu.dma_semaphore, #tpu.memory_space<semaphore_mem>>) src(%dma_wait3A_480 : memref<100000x128xf32, #tpu.memory_space<hbm>>) dst(%dma_wait3A_474 : memref<20x128xf32, #tpu.memory_space<vmem>>)
    %dma_wait3A_481 = arith.constant 16 : i32
    %dma_wait3A_482 = arith.constant 320 : i32
    %dma_wait3A_483 = arith.constant 0 : i32
    %dma_wait3A_484 = tpu.memref_slice %arg7[%dma_wait3A_482, %dma_wait3A_483] : memref<640x128xf32, #tpu.memory_space<vmem>> -> memref<20x128xf32, #tpu.memory_space<vmem>>
    %dma_wait3A_485 = arith.constant 0 : i32
    %dma_wait3A_486 = tpu.memref_slice %arg6[%dma_wait3A_481, %dma_wait3A_485] : memref<32x20xi32, #tpu.memory_space<vmem>> -> memref<1x20xi32, #tpu.memory_space<vmem>>
    %dma_wait3A_487 = tpu.memref_squeeze %dma_wait3A_486 : memref<1x20xi32, #tpu.memory_space<vmem>> -> memref<20xi32, #tpu.memory_space<vmem>>
    %dma_wait3A_488 = arith.constant 0 : i32
    %dma_wait3A_489 = arith.constant 0 : i32
    %dma_wait3A_490 = tpu.memref_slice %arg2[%dma_wait3A_488, %dma_wait3A_489] : memref<100000x128xf32, #tpu.memory_space<hbm>> -> memref<100000x128xf32, #tpu.memory_space<hbm>>
    tpu.wait_indirect_dma semaphore(%arg8 : memref<!tpu.dma_semaphore, #tpu.memory_space<semaphore_mem>>) src(%dma_wait3A_490 : memref<100000x128xf32, #tpu.memory_space<hbm>>) dst(%dma_wait3A_484 : memref<20x128xf32, #tpu.memory_space<vmem>>)
    %dma_wait3A_491 = arith.constant 17 : i32
    %dma_wait3A_492 = arith.constant 340 : i32
    %dma_wait3A_493 = arith.constant 0 : i32
    %dma_wait3A_494 = tpu.memref_slice %arg7[%dma_wait3A_492, %dma_wait3A_493] : memref<640x128xf32, #tpu.memory_space<vmem>> -> memref<20x128xf32, #tpu.memory_space<vmem>>
    %dma_wait3A_495 = arith.constant 0 : i32
    %dma_wait3A_496 = tpu.memref_slice %arg6[%dma_wait3A_491, %dma_wait3A_495] : memref<32x20xi32, #tpu.memory_space<vmem>> -> memref<1x20xi32, #tpu.memory_space<vmem>>
    %dma_wait3A_497 = tpu.memref_squeeze %dma_wait3A_496 : memref<1x20xi32, #tpu.memory_space<vmem>> -> memref<20xi32, #tpu.memory_space<vmem>>
    %dma_wait3A_498 = arith.constant 0 : i32
    %dma_wait3A_499 = arith.constant 0 : i32
    %dma_wait3A_500 = tpu.memref_slice %arg2[%dma_wait3A_498, %dma_wait3A_499] : memref<100000x128xf32, #tpu.memory_space<hbm>> -> memref<100000x128xf32, #tpu.memory_space<hbm>>
    tpu.wait_indirect_dma semaphore(%arg8 : memref<!tpu.dma_semaphore, #tpu.memory_space<semaphore_mem>>) src(%dma_wait3A_500 : memref<100000x128xf32, #tpu.memory_space<hbm>>) dst(%dma_wait3A_494 : memref<20x128xf32, #tpu.memory_space<vmem>>)
    %dma_wait3A_501 = arith.constant 18 : i32
    %dma_wait3A_502 = arith.constant 360 : i32
    %dma_wait3A_503 = arith.constant 0 : i32
    %dma_wait3A_504 = tpu.memref_slice %arg7[%dma_wait3A_502, %dma_wait3A_503] : memref<640x128xf32, #tpu.memory_space<vmem>> -> memref<20x128xf32, #tpu.memory_space<vmem>>
    %dma_wait3A_505 = arith.constant 0 : i32
    %dma_wait3A_506 = tpu.memref_slice %arg6[%dma_wait3A_501, %dma_wait3A_505] : memref<32x20xi32, #tpu.memory_space<vmem>> -> memref<1x20xi32, #tpu.memory_space<vmem>>
    %dma_wait3A_507 = tpu.memref_squeeze %dma_wait3A_506 : memref<1x20xi32, #tpu.memory_space<vmem>> -> memref<20xi32, #tpu.memory_space<vmem>>
    %dma_wait3A_508 = arith.constant 0 : i32
    %dma_wait3A_509 = arith.constant 0 : i32
    %dma_wait3A_510 = tpu.memref_slice %arg2[%dma_wait3A_508, %dma_wait3A_509] : memref<100000x128xf32, #tpu.memory_space<hbm>> -> memref<100000x128xf32, #tpu.memory_space<hbm>>
    tpu.wait_indirect_dma semaphore(%arg8 : memref<!tpu.dma_semaphore, #tpu.memory_space<semaphore_mem>>) src(%dma_wait3A_510 : memref<100000x128xf32, #tpu.memory_space<hbm>>) dst(%dma_wait3A_504 : memref<20x128xf32, #tpu.memory_space<vmem>>)
    %dma_wait3A_511 = arith.constant 19 : i32
    %dma_wait3A_512 = arith.constant 380 : i32
    %dma_wait3A_513 = arith.constant 0 : i32
    %dma_wait3A_514 = tpu.memref_slice %arg7[%dma_wait3A_512, %dma_wait3A_513] : memref<640x128xf32, #tpu.memory_space<vmem>> -> memref<20x128xf32, #tpu.memory_space<vmem>>
    %dma_wait3A_515 = arith.constant 0 : i32
    %dma_wait3A_516 = tpu.memref_slice %arg6[%dma_wait3A_511, %dma_wait3A_515] : memref<32x20xi32, #tpu.memory_space<vmem>> -> memref<1x20xi32, #tpu.memory_space<vmem>>
    %dma_wait3A_517 = tpu.memref_squeeze %dma_wait3A_516 : memref<1x20xi32, #tpu.memory_space<vmem>> -> memref<20xi32, #tpu.memory_space<vmem>>
    %dma_wait3A_518 = arith.constant 0 : i32
    %dma_wait3A_519 = arith.constant 0 : i32
    %dma_wait3A_520 = tpu.memref_slice %arg2[%dma_wait3A_518, %dma_wait3A_519] : memref<100000x128xf32, #tpu.memory_space<hbm>> -> memref<100000x128xf32, #tpu.memory_space<hbm>>
    tpu.wait_indirect_dma semaphore(%arg8 : memref<!tpu.dma_semaphore, #tpu.memory_space<semaphore_mem>>) src(%dma_wait3A_520 : memref<100000x128xf32, #tpu.memory_space<hbm>>) dst(%dma_wait3A_514 : memref<20x128xf32, #tpu.memory_space<vmem>>)
    %dma_wait3A_521 = arith.constant 20 : i32
    %dma_wait3A_522 = arith.constant 400 : i32
    %dma_wait3A_523 = arith.constant 0 : i32
    %dma_wait3A_524 = tpu.memref_slice %arg7[%dma_wait3A_522, %dma_wait3A_523] : memref<640x128xf32, #tpu.memory_space<vmem>> -> memref<20x128xf32, #tpu.memory_space<vmem>>
    %dma_wait3A_525 = arith.constant 0 : i32
    %dma_wait3A_526 = tpu.memref_slice %arg6[%dma_wait3A_521, %dma_wait3A_525] : memref<32x20xi32, #tpu.memory_space<vmem>> -> memref<1x20xi32, #tpu.memory_space<vmem>>
    %dma_wait3A_527 = tpu.memref_squeeze %dma_wait3A_526 : memref<1x20xi32, #tpu.memory_space<vmem>> -> memref<20xi32, #tpu.memory_space<vmem>>
    %dma_wait3A_528 = arith.constant 0 : i32
    %dma_wait3A_529 = arith.constant 0 : i32
    %dma_wait3A_530 = tpu.memref_slice %arg2[%dma_wait3A_528, %dma_wait3A_529] : memref<100000x128xf32, #tpu.memory_space<hbm>> -> memref<100000x128xf32, #tpu.memory_space<hbm>>
    tpu.wait_indirect_dma semaphore(%arg8 : memref<!tpu.dma_semaphore, #tpu.memory_space<semaphore_mem>>) src(%dma_wait3A_530 : memref<100000x128xf32, #tpu.memory_space<hbm>>) dst(%dma_wait3A_524 : memref<20x128xf32, #tpu.memory_space<vmem>>)
    %dma_wait3A_531 = arith.constant 21 : i32
    %dma_wait3A_532 = arith.constant 420 : i32
    %dma_wait3A_533 = arith.constant 0 : i32
    %dma_wait3A_534 = tpu.memref_slice %arg7[%dma_wait3A_532, %dma_wait3A_533] : memref<640x128xf32, #tpu.memory_space<vmem>> -> memref<20x128xf32, #tpu.memory_space<vmem>>
    %dma_wait3A_535 = arith.constant 0 : i32
    %dma_wait3A_536 = tpu.memref_slice %arg6[%dma_wait3A_531, %dma_wait3A_535] : memref<32x20xi32, #tpu.memory_space<vmem>> -> memref<1x20xi32, #tpu.memory_space<vmem>>
    %dma_wait3A_537 = tpu.memref_squeeze %dma_wait3A_536 : memref<1x20xi32, #tpu.memory_space<vmem>> -> memref<20xi32, #tpu.memory_space<vmem>>
    %dma_wait3A_538 = arith.constant 0 : i32
    %dma_wait3A_539 = arith.constant 0 : i32
    %dma_wait3A_540 = tpu.memref_slice %arg2[%dma_wait3A_538, %dma_wait3A_539] : memref<100000x128xf32, #tpu.memory_space<hbm>> -> memref<100000x128xf32, #tpu.memory_space<hbm>>
    tpu.wait_indirect_dma semaphore(%arg8 : memref<!tpu.dma_semaphore, #tpu.memory_space<semaphore_mem>>) src(%dma_wait3A_540 : memref<100000x128xf32, #tpu.memory_space<hbm>>) dst(%dma_wait3A_534 : memref<20x128xf32, #tpu.memory_space<vmem>>)
    %dma_wait3A_541 = arith.constant 22 : i32
    %dma_wait3A_542 = arith.constant 440 : i32
    %dma_wait3A_543 = arith.constant 0 : i32
    %dma_wait3A_544 = tpu.memref_slice %arg7[%dma_wait3A_542, %dma_wait3A_543] : memref<640x128xf32, #tpu.memory_space<vmem>> -> memref<20x128xf32, #tpu.memory_space<vmem>>
    %dma_wait3A_545 = arith.constant 0 : i32
    %dma_wait3A_546 = tpu.memref_slice %arg6[%dma_wait3A_541, %dma_wait3A_545] : memref<32x20xi32, #tpu.memory_space<vmem>> -> memref<1x20xi32, #tpu.memory_space<vmem>>
    %dma_wait3A_547 = tpu.memref_squeeze %dma_wait3A_546 : memref<1x20xi32, #tpu.memory_space<vmem>> -> memref<20xi32, #tpu.memory_space<vmem>>
    %dma_wait3A_548 = arith.constant 0 : i32
    %dma_wait3A_549 = arith.constant 0 : i32
    %dma_wait3A_550 = tpu.memref_slice %arg2[%dma_wait3A_548, %dma_wait3A_549] : memref<100000x128xf32, #tpu.memory_space<hbm>> -> memref<100000x128xf32, #tpu.memory_space<hbm>>
    tpu.wait_indirect_dma semaphore(%arg8 : memref<!tpu.dma_semaphore, #tpu.memory_space<semaphore_mem>>) src(%dma_wait3A_550 : memref<100000x128xf32, #tpu.memory_space<hbm>>) dst(%dma_wait3A_544 : memref<20x128xf32, #tpu.memory_space<vmem>>)
    %dma_wait3A_551 = arith.constant 23 : i32
    %dma_wait3A_552 = arith.constant 460 : i32
    %dma_wait3A_553 = arith.constant 0 : i32
    %dma_wait3A_554 = tpu.memref_slice %arg7[%dma_wait3A_552, %dma_wait3A_553] : memref<640x128xf32, #tpu.memory_space<vmem>> -> memref<20x128xf32, #tpu.memory_space<vmem>>
    %dma_wait3A_555 = arith.constant 0 : i32
    %dma_wait3A_556 = tpu.memref_slice %arg6[%dma_wait3A_551, %dma_wait3A_555] : memref<32x20xi32, #tpu.memory_space<vmem>> -> memref<1x20xi32, #tpu.memory_space<vmem>>
    %dma_wait3A_557 = tpu.memref_squeeze %dma_wait3A_556 : memref<1x20xi32, #tpu.memory_space<vmem>> -> memref<20xi32, #tpu.memory_space<vmem>>
    %dma_wait3A_558 = arith.constant 0 : i32
    %dma_wait3A_559 = arith.constant 0 : i32
    %dma_wait3A_560 = tpu.memref_slice %arg2[%dma_wait3A_558, %dma_wait3A_559] : memref<100000x128xf32, #tpu.memory_space<hbm>> -> memref<100000x128xf32, #tpu.memory_space<hbm>>
    tpu.wait_indirect_dma semaphore(%arg8 : memref<!tpu.dma_semaphore, #tpu.memory_space<semaphore_mem>>) src(%dma_wait3A_560 : memref<100000x128xf32, #tpu.memory_space<hbm>>) dst(%dma_wait3A_554 : memref<20x128xf32, #tpu.memory_space<vmem>>)
    %dma_wait3A_561 = arith.constant 24 : i32
    %dma_wait3A_562 = arith.constant 480 : i32
    %dma_wait3A_563 = arith.constant 0 : i32
    %dma_wait3A_564 = tpu.memref_slice %arg7[%dma_wait3A_562, %dma_wait3A_563] : memref<640x128xf32, #tpu.memory_space<vmem>> -> memref<20x128xf32, #tpu.memory_space<vmem>>
    %dma_wait3A_565 = arith.constant 0 : i32
    %dma_wait3A_566 = tpu.memref_slice %arg6[%dma_wait3A_561, %dma_wait3A_565] : memref<32x20xi32, #tpu.memory_space<vmem>> -> memref<1x20xi32, #tpu.memory_space<vmem>>
    %dma_wait3A_567 = tpu.memref_squeeze %dma_wait3A_566 : memref<1x20xi32, #tpu.memory_space<vmem>> -> memref<20xi32, #tpu.memory_space<vmem>>
    %dma_wait3A_568 = arith.constant 0 : i32
    %dma_wait3A_569 = arith.constant 0 : i32
    %dma_wait3A_570 = tpu.memref_slice %arg2[%dma_wait3A_568, %dma_wait3A_569] : memref<100000x128xf32, #tpu.memory_space<hbm>> -> memref<100000x128xf32, #tpu.memory_space<hbm>>
    tpu.wait_indirect_dma semaphore(%arg8 : memref<!tpu.dma_semaphore, #tpu.memory_space<semaphore_mem>>) src(%dma_wait3A_570 : memref<100000x128xf32, #tpu.memory_space<hbm>>) dst(%dma_wait3A_564 : memref<20x128xf32, #tpu.memory_space<vmem>>)
    %dma_wait3A_571 = arith.constant 25 : i32
    %dma_wait3A_572 = arith.constant 500 : i32
    %dma_wait3A_573 = arith.constant 0 : i32
    %dma_wait3A_574 = tpu.memref_slice %arg7[%dma_wait3A_572, %dma_wait3A_573] : memref<640x128xf32, #tpu.memory_space<vmem>> -> memref<20x128xf32, #tpu.memory_space<vmem>>
    %dma_wait3A_575 = arith.constant 0 : i32
    %dma_wait3A_576 = tpu.memref_slice %arg6[%dma_wait3A_571, %dma_wait3A_575] : memref<32x20xi32, #tpu.memory_space<vmem>> -> memref<1x20xi32, #tpu.memory_space<vmem>>
    %dma_wait3A_577 = tpu.memref_squeeze %dma_wait3A_576 : memref<1x20xi32, #tpu.memory_space<vmem>> -> memref<20xi32, #tpu.memory_space<vmem>>
    %dma_wait3A_578 = arith.constant 0 : i32
    %dma_wait3A_579 = arith.constant 0 : i32
    %dma_wait3A_580 = tpu.memref_slice %arg2[%dma_wait3A_578, %dma_wait3A_579] : memref<100000x128xf32, #tpu.memory_space<hbm>> -> memref<100000x128xf32, #tpu.memory_space<hbm>>
    tpu.wait_indirect_dma semaphore(%arg8 : memref<!tpu.dma_semaphore, #tpu.memory_space<semaphore_mem>>) src(%dma_wait3A_580 : memref<100000x128xf32, #tpu.memory_space<hbm>>) dst(%dma_wait3A_574 : memref<20x128xf32, #tpu.memory_space<vmem>>)
    %dma_wait3A_581 = arith.constant 26 : i32
    %dma_wait3A_582 = arith.constant 520 : i32
    %dma_wait3A_583 = arith.constant 0 : i32
    %dma_wait3A_584 = tpu.memref_slice %arg7[%dma_wait3A_582, %dma_wait3A_583] : memref<640x128xf32, #tpu.memory_space<vmem>> -> memref<20x128xf32, #tpu.memory_space<vmem>>
    %dma_wait3A_585 = arith.constant 0 : i32
    %dma_wait3A_586 = tpu.memref_slice %arg6[%dma_wait3A_581, %dma_wait3A_585] : memref<32x20xi32, #tpu.memory_space<vmem>> -> memref<1x20xi32, #tpu.memory_space<vmem>>
    %dma_wait3A_587 = tpu.memref_squeeze %dma_wait3A_586 : memref<1x20xi32, #tpu.memory_space<vmem>> -> memref<20xi32, #tpu.memory_space<vmem>>
    %dma_wait3A_588 = arith.constant 0 : i32
    %dma_wait3A_589 = arith.constant 0 : i32
    %dma_wait3A_590 = tpu.memref_slice %arg2[%dma_wait3A_588, %dma_wait3A_589] : memref<100000x128xf32, #tpu.memory_space<hbm>> -> memref<100000x128xf32, #tpu.memory_space<hbm>>
    tpu.wait_indirect_dma semaphore(%arg8 : memref<!tpu.dma_semaphore, #tpu.memory_space<semaphore_mem>>) src(%dma_wait3A_590 : memref<100000x128xf32, #tpu.memory_space<hbm>>) dst(%dma_wait3A_584 : memref<20x128xf32, #tpu.memory_space<vmem>>)
    %dma_wait3A_591 = arith.constant 27 : i32
    %dma_wait3A_592 = arith.constant 540 : i32
    %dma_wait3A_593 = arith.constant 0 : i32
    %dma_wait3A_594 = tpu.memref_slice %arg7[%dma_wait3A_592, %dma_wait3A_593] : memref<640x128xf32, #tpu.memory_space<vmem>> -> memref<20x128xf32, #tpu.memory_space<vmem>>
    %dma_wait3A_595 = arith.constant 0 : i32
    %dma_wait3A_596 = tpu.memref_slice %arg6[%dma_wait3A_591, %dma_wait3A_595] : memref<32x20xi32, #tpu.memory_space<vmem>> -> memref<1x20xi32, #tpu.memory_space<vmem>>
    %dma_wait3A_597 = tpu.memref_squeeze %dma_wait3A_596 : memref<1x20xi32, #tpu.memory_space<vmem>> -> memref<20xi32, #tpu.memory_space<vmem>>
    %dma_wait3A_598 = arith.constant 0 : i32
    %dma_wait3A_599 = arith.constant 0 : i32
    %dma_wait3A_600 = tpu.memref_slice %arg2[%dma_wait3A_598, %dma_wait3A_599] : memref<100000x128xf32, #tpu.memory_space<hbm>> -> memref<100000x128xf32, #tpu.memory_space<hbm>>
    tpu.wait_indirect_dma semaphore(%arg8 : memref<!tpu.dma_semaphore, #tpu.memory_space<semaphore_mem>>) src(%dma_wait3A_600 : memref<100000x128xf32, #tpu.memory_space<hbm>>) dst(%dma_wait3A_594 : memref<20x128xf32, #tpu.memory_space<vmem>>)
    %dma_wait3A_601 = arith.constant 28 : i32
    %dma_wait3A_602 = arith.constant 560 : i32
    %dma_wait3A_603 = arith.constant 0 : i32
    %dma_wait3A_604 = tpu.memref_slice %arg7[%dma_wait3A_602, %dma_wait3A_603] : memref<640x128xf32, #tpu.memory_space<vmem>> -> memref<20x128xf32, #tpu.memory_space<vmem>>
    %dma_wait3A_605 = arith.constant 0 : i32
    %dma_wait3A_606 = tpu.memref_slice %arg6[%dma_wait3A_601, %dma_wait3A_605] : memref<32x20xi32, #tpu.memory_space<vmem>> -> memref<1x20xi32, #tpu.memory_space<vmem>>
    %dma_wait3A_607 = tpu.memref_squeeze %dma_wait3A_606 : memref<1x20xi32, #tpu.memory_space<vmem>> -> memref<20xi32, #tpu.memory_space<vmem>>
    %dma_wait3A_608 = arith.constant 0 : i32
    %dma_wait3A_609 = arith.constant 0 : i32
    %dma_wait3A_610 = tpu.memref_slice %arg2[%dma_wait3A_608, %dma_wait3A_609] : memref<100000x128xf32, #tpu.memory_space<hbm>> -> memref<100000x128xf32, #tpu.memory_space<hbm>>
    tpu.wait_indirect_dma semaphore(%arg8 : memref<!tpu.dma_semaphore, #tpu.memory_space<semaphore_mem>>) src(%dma_wait3A_610 : memref<100000x128xf32, #tpu.memory_space<hbm>>) dst(%dma_wait3A_604 : memref<20x128xf32, #tpu.memory_space<vmem>>)
    %dma_wait3A_611 = arith.constant 29 : i32
    %dma_wait3A_612 = arith.constant 580 : i32
    %dma_wait3A_613 = arith.constant 0 : i32
    %dma_wait3A_614 = tpu.memref_slice %arg7[%dma_wait3A_612, %dma_wait3A_613] : memref<640x128xf32, #tpu.memory_space<vmem>> -> memref<20x128xf32, #tpu.memory_space<vmem>>
    %dma_wait3A_615 = arith.constant 0 : i32
    %dma_wait3A_616 = tpu.memref_slice %arg6[%dma_wait3A_611, %dma_wait3A_615] : memref<32x20xi32, #tpu.memory_space<vmem>> -> memref<1x20xi32, #tpu.memory_space<vmem>>
    %dma_wait3A_617 = tpu.memref_squeeze %dma_wait3A_616 : memref<1x20xi32, #tpu.memory_space<vmem>> -> memref<20xi32, #tpu.memory_space<vmem>>
    %dma_wait3A_618 = arith.constant 0 : i32
    %dma_wait3A_619 = arith.constant 0 : i32
    %dma_wait3A_620 = tpu.memref_slice %arg2[%dma_wait3A_618, %dma_wait3A_619] : memref<100000x128xf32, #tpu.memory_space<hbm>> -> memref<100000x128xf32, #tpu.memory_space<hbm>>
    tpu.wait_indirect_dma semaphore(%arg8 : memref<!tpu.dma_semaphore, #tpu.memory_space<semaphore_mem>>) src(%dma_wait3A_620 : memref<100000x128xf32, #tpu.memory_space<hbm>>) dst(%dma_wait3A_614 : memref<20x128xf32, #tpu.memory_space<vmem>>)
    %dma_wait3A_621 = arith.constant 30 : i32
    %dma_wait3A_622 = arith.constant 600 : i32
    %dma_wait3A_623 = arith.constant 0 : i32
    %dma_wait3A_624 = tpu.memref_slice %arg7[%dma_wait3A_622, %dma_wait3A_623] : memref<640x128xf32, #tpu.memory_space<vmem>> -> memref<20x128xf32, #tpu.memory_space<vmem>>
    %dma_wait3A_625 = arith.constant 0 : i32
    %dma_wait3A_626 = tpu.memref_slice %arg6[%dma_wait3A_621, %dma_wait3A_625] : memref<32x20xi32, #tpu.memory_space<vmem>> -> memref<1x20xi32, #tpu.memory_space<vmem>>
    %dma_wait3A_627 = tpu.memref_squeeze %dma_wait3A_626 : memref<1x20xi32, #tpu.memory_space<vmem>> -> memref<20xi32, #tpu.memory_space<vmem>>
    %dma_wait3A_628 = arith.constant 0 : i32
    %dma_wait3A_629 = arith.constant 0 : i32
    %dma_wait3A_630 = tpu.memref_slice %arg2[%dma_wait3A_628, %dma_wait3A_629] : memref<100000x128xf32, #tpu.memory_space<hbm>> -> memref<100000x128xf32, #tpu.memory_space<hbm>>
    tpu.wait_indirect_dma semaphore(%arg8 : memref<!tpu.dma_semaphore, #tpu.memory_space<semaphore_mem>>) src(%dma_wait3A_630 : memref<100000x128xf32, #tpu.memory_space<hbm>>) dst(%dma_wait3A_624 : memref<20x128xf32, #tpu.memory_space<vmem>>)
    %dma_wait3A_631 = arith.constant 31 : i32
    %dma_wait3A_632 = arith.constant 620 : i32
    %dma_wait3A_633 = arith.constant 0 : i32
    %dma_wait3A_634 = tpu.memref_slice %arg7[%dma_wait3A_632, %dma_wait3A_633] : memref<640x128xf32, #tpu.memory_space<vmem>> -> memref<20x128xf32, #tpu.memory_space<vmem>>
    %dma_wait3A_635 = arith.constant 0 : i32
    %dma_wait3A_636 = tpu.memref_slice %arg6[%dma_wait3A_631, %dma_wait3A_635] : memref<32x20xi32, #tpu.memory_space<vmem>> -> memref<1x20xi32, #tpu.memory_space<vmem>>
    %dma_wait3A_637 = tpu.memref_squeeze %dma_wait3A_636 : memref<1x20xi32, #tpu.memory_space<vmem>> -> memref<20xi32, #tpu.memory_space<vmem>>
    %dma_wait3A_638 = arith.constant 0 : i32
    %dma_wait3A_639 = arith.constant 0 : i32
    %dma_wait3A_640 = tpu.memref_slice %arg2[%dma_wait3A_638, %dma_wait3A_639] : memref<100000x128xf32, #tpu.memory_space<hbm>> -> memref<100000x128xf32, #tpu.memory_space<hbm>>
    tpu.wait_indirect_dma semaphore(%arg8 : memref<!tpu.dma_semaphore, #tpu.memory_space<semaphore_mem>>) src(%dma_wait3A_640 : memref<100000x128xf32, #tpu.memory_space<hbm>>) dst(%dma_wait3A_634 : memref<20x128xf32, #tpu.memory_space<vmem>>)
    %mul3A_641 = arith.constant 640 : i32
    %mul3A_642 = arith.muli %add3A, %mul3A_641 : i32
    %add3A_643 = arith.constant 0 : i32
    %add3A_644 = arith.addi %add3A_643, %mul3A_642 : i32
    "tpu.region"() ({
      %run_scoped3A = tpu.sem_alloc : memref<!tpu.dma_semaphore, #tpu.memory_space<semaphore_mem>>
      %dma_start3A_1289 = arith.constant 0 : i32
      %dma_start3A_1290 = tpu.memref_slice %arg5[%add3A_644, %dma_start3A_1289] : memref<40960x128xf32, #tpu.memory_space<hbm>> -> memref<640x128xf32, #tpu.memory_space<hbm>>
      %dma_start3A_1291 = arith.constant 0 : i32
      %dma_start3A_1292 = tpu.memref_slice %arg5[%add3A_644, %dma_start3A_1291] : memref<40960x128xf32, #tpu.memory_space<hbm>> -> memref<640x128xf32, #tpu.memory_space<hbm>>
      tpu.enqueue_dma source(%arg7 : memref<640x128xf32, #tpu.memory_space<vmem>>) target(%dma_start3A_1292 : memref<640x128xf32, #tpu.memory_space<hbm>>) target_semaphore(%run_scoped3A : memref<!tpu.dma_semaphore, #tpu.memory_space<semaphore_mem>>)
      %dma_wait3A_1293 = arith.constant 0 : i32
      %dma_wait3A_1294 = tpu.memref_slice %arg5[%add3A_644, %dma_wait3A_1293] : memref<40960x128xf32, #tpu.memory_space<hbm>> -> memref<640x128xf32, #tpu.memory_space<hbm>>
      %dma_wait3A_1295 = arith.constant 0 : i32
      %dma_wait3A_1296 = tpu.memref_slice %arg5[%add3A_644, %dma_wait3A_1295] : memref<40960x128xf32, #tpu.memory_space<hbm>> -> memref<640x128xf32, #tpu.memory_space<hbm>>
      tpu.wait_dma2 semaphore(%run_scoped3A : memref<!tpu.dma_semaphore, #tpu.memory_space<semaphore_mem>>) src(%arg7 : memref<640x128xf32, #tpu.memory_space<vmem>>) dst(%dma_wait3A_1296 : memref<640x128xf32, #tpu.memory_space<hbm>>)
      tpu.yield
    }) : () -> ()
    "tpu.region"() ({
      %run_scoped3A = tpu.sem_alloc : memref<!tpu.dma_semaphore, #tpu.memory_space<semaphore_mem>>
      %dma_start3A_1289 = arith.constant 0 : i32
      %dma_start3A_1290 = tpu.memref_slice %arg4[%mul3A_2, %dma_start3A_1289] : memref<1024x20xi32, #tpu.memory_space<hbm>> -> memref<32x20xi32, #tpu.memory_space<hbm>>
      %dma_start3A_1291 = arith.constant 0 : i32
      %dma_start3A_1292 = tpu.memref_slice %arg4[%mul3A_2, %dma_start3A_1291] : memref<1024x20xi32, #tpu.memory_space<hbm>> -> memref<32x20xi32, #tpu.memory_space<hbm>>
      tpu.enqueue_dma source(%dma_start3A_1292 : memref<32x20xi32, #tpu.memory_space<hbm>>) target(%arg6 : memref<32x20xi32, #tpu.memory_space<vmem>>) target_semaphore(%run_scoped3A : memref<!tpu.dma_semaphore, #tpu.memory_space<semaphore_mem>>)
      %dma_wait3A_1293 = arith.constant 0 : i32
      %dma_wait3A_1294 = tpu.memref_slice %arg4[%mul3A_2, %dma_wait3A_1293] : memref<1024x20xi32, #tpu.memory_space<hbm>> -> memref<32x20xi32, #tpu.memory_space<hbm>>
      %dma_wait3A_1295 = arith.constant 0 : i32
      %dma_wait3A_1296 = tpu.memref_slice %arg4[%mul3A_2, %dma_wait3A_1295] : memref<1024x20xi32, #tpu.memory_space<hbm>> -> memref<32x20xi32, #tpu.memory_space<hbm>>
      tpu.wait_dma2 semaphore(%run_scoped3A : memref<!tpu.dma_semaphore, #tpu.memory_space<semaphore_mem>>) src(%dma_wait3A_1296 : memref<32x20xi32, #tpu.memory_space<hbm>>) dst(%arg6 : memref<32x20xi32, #tpu.memory_space<vmem>>)
      tpu.yield
    }) : () -> ()
    %dma_start3A_645 = arith.constant 0 : i32
    %dma_start3A_646 = arith.constant 0 : i32
    %dma_start3A_647 = arith.constant 0 : i32
    %dma_start3A_648 = tpu.memref_slice %arg7[%dma_start3A_646, %dma_start3A_647] : memref<640x128xf32, #tpu.memory_space<vmem>> -> memref<20x128xf32, #tpu.memory_space<vmem>>
    %dma_start3A_649 = arith.constant 0 : i32
    %dma_start3A_650 = tpu.memref_slice %arg6[%dma_start3A_645, %dma_start3A_649] : memref<32x20xi32, #tpu.memory_space<vmem>> -> memref<1x20xi32, #tpu.memory_space<vmem>>
    %dma_start3A_651 = tpu.memref_squeeze %dma_start3A_650 : memref<1x20xi32, #tpu.memory_space<vmem>> -> memref<20xi32, #tpu.memory_space<vmem>>
    %dma_start3A_652 = arith.constant 0 : i32
    %dma_start3A_653 = arith.constant 0 : i32
    %dma_start3A_654 = tpu.memref_slice %arg2[%dma_start3A_652, %dma_start3A_653] : memref<100000x128xf32, #tpu.memory_space<hbm>> -> memref<100000x128xf32, #tpu.memory_space<hbm>>
    tpu.enqueue_indirect_dma source(%dma_start3A_654 : memref<100000x128xf32, #tpu.memory_space<hbm>>) target(%dma_start3A_648 : memref<20x128xf32, #tpu.memory_space<vmem>>) offsets(%dma_start3A_651 : memref<20xi32, #tpu.memory_space<vmem>>) semaphore(%arg8 : memref<!tpu.dma_semaphore, #tpu.memory_space<semaphore_mem>>)
    %dma_start3A_655 = arith.constant 1 : i32
    %dma_start3A_656 = arith.constant 20 : i32
    %dma_start3A_657 = arith.constant 0 : i32
    %dma_start3A_658 = tpu.memref_slice %arg7[%dma_start3A_656, %dma_start3A_657] : memref<640x128xf32, #tpu.memory_space<vmem>> -> memref<20x128xf32, #tpu.memory_space<vmem>>
    %dma_start3A_659 = arith.constant 0 : i32
    %dma_start3A_660 = tpu.memref_slice %arg6[%dma_start3A_655, %dma_start3A_659] : memref<32x20xi32, #tpu.memory_space<vmem>> -> memref<1x20xi32, #tpu.memory_space<vmem>>
    %dma_start3A_661 = tpu.memref_squeeze %dma_start3A_660 : memref<1x20xi32, #tpu.memory_space<vmem>> -> memref<20xi32, #tpu.memory_space<vmem>>
    %dma_start3A_662 = arith.constant 0 : i32
    %dma_start3A_663 = arith.constant 0 : i32
    %dma_start3A_664 = tpu.memref_slice %arg2[%dma_start3A_662, %dma_start3A_663] : memref<100000x128xf32, #tpu.memory_space<hbm>> -> memref<100000x128xf32, #tpu.memory_space<hbm>>
    tpu.enqueue_indirect_dma source(%dma_start3A_664 : memref<100000x128xf32, #tpu.memory_space<hbm>>) target(%dma_start3A_658 : memref<20x128xf32, #tpu.memory_space<vmem>>) offsets(%dma_start3A_661 : memref<20xi32, #tpu.memory_space<vmem>>) semaphore(%arg8 : memref<!tpu.dma_semaphore, #tpu.memory_space<semaphore_mem>>)
    %dma_start3A_665 = arith.constant 2 : i32
    %dma_start3A_666 = arith.constant 40 : i32
    %dma_start3A_667 = arith.constant 0 : i32
    %dma_start3A_668 = tpu.memref_slice %arg7[%dma_start3A_666, %dma_start3A_667] : memref<640x128xf32, #tpu.memory_space<vmem>> -> memref<20x128xf32, #tpu.memory_space<vmem>>
    %dma_start3A_669 = arith.constant 0 : i32
    %dma_start3A_670 = tpu.memref_slice %arg6[%dma_start3A_665, %dma_start3A_669] : memref<32x20xi32, #tpu.memory_space<vmem>> -> memref<1x20xi32, #tpu.memory_space<vmem>>
    %dma_start3A_671 = tpu.memref_squeeze %dma_start3A_670 : memref<1x20xi32, #tpu.memory_space<vmem>> -> memref<20xi32, #tpu.memory_space<vmem>>
    %dma_start3A_672 = arith.constant 0 : i32
    %dma_start3A_673 = arith.constant 0 : i32
    %dma_start3A_674 = tpu.memref_slice %arg2[%dma_start3A_672, %dma_start3A_673] : memref<100000x128xf32, #tpu.memory_space<hbm>> -> memref<100000x128xf32, #tpu.memory_space<hbm>>
    tpu.enqueue_indirect_dma source(%dma_start3A_674 : memref<100000x128xf32, #tpu.memory_space<hbm>>) target(%dma_start3A_668 : memref<20x128xf32, #tpu.memory_space<vmem>>) offsets(%dma_start3A_671 : memref<20xi32, #tpu.memory_space<vmem>>) semaphore(%arg8 : memref<!tpu.dma_semaphore, #tpu.memory_space<semaphore_mem>>)
    %dma_start3A_675 = arith.constant 3 : i32
    %dma_start3A_676 = arith.constant 60 : i32
    %dma_start3A_677 = arith.constant 0 : i32
    %dma_start3A_678 = tpu.memref_slice %arg7[%dma_start3A_676, %dma_start3A_677] : memref<640x128xf32, #tpu.memory_space<vmem>> -> memref<20x128xf32, #tpu.memory_space<vmem>>
    %dma_start3A_679 = arith.constant 0 : i32
    %dma_start3A_680 = tpu.memref_slice %arg6[%dma_start3A_675, %dma_start3A_679] : memref<32x20xi32, #tpu.memory_space<vmem>> -> memref<1x20xi32, #tpu.memory_space<vmem>>
    %dma_start3A_681 = tpu.memref_squeeze %dma_start3A_680 : memref<1x20xi32, #tpu.memory_space<vmem>> -> memref<20xi32, #tpu.memory_space<vmem>>
    %dma_start3A_682 = arith.constant 0 : i32
    %dma_start3A_683 = arith.constant 0 : i32
    %dma_start3A_684 = tpu.memref_slice %arg2[%dma_start3A_682, %dma_start3A_683] : memref<100000x128xf32, #tpu.memory_space<hbm>> -> memref<100000x128xf32, #tpu.memory_space<hbm>>
    tpu.enqueue_indirect_dma source(%dma_start3A_684 : memref<100000x128xf32, #tpu.memory_space<hbm>>) target(%dma_start3A_678 : memref<20x128xf32, #tpu.memory_space<vmem>>) offsets(%dma_start3A_681 : memref<20xi32, #tpu.memory_space<vmem>>) semaphore(%arg8 : memref<!tpu.dma_semaphore, #tpu.memory_space<semaphore_mem>>)
    %dma_start3A_685 = arith.constant 4 : i32
    %dma_start3A_686 = arith.constant 80 : i32
    %dma_start3A_687 = arith.constant 0 : i32
    %dma_start3A_688 = tpu.memref_slice %arg7[%dma_start3A_686, %dma_start3A_687] : memref<640x128xf32, #tpu.memory_space<vmem>> -> memref<20x128xf32, #tpu.memory_space<vmem>>
    %dma_start3A_689 = arith.constant 0 : i32
    %dma_start3A_690 = tpu.memref_slice %arg6[%dma_start3A_685, %dma_start3A_689] : memref<32x20xi32, #tpu.memory_space<vmem>> -> memref<1x20xi32, #tpu.memory_space<vmem>>
    %dma_start3A_691 = tpu.memref_squeeze %dma_start3A_690 : memref<1x20xi32, #tpu.memory_space<vmem>> -> memref<20xi32, #tpu.memory_space<vmem>>
    %dma_start3A_692 = arith.constant 0 : i32
    %dma_start3A_693 = arith.constant 0 : i32
    %dma_start3A_694 = tpu.memref_slice %arg2[%dma_start3A_692, %dma_start3A_693] : memref<100000x128xf32, #tpu.memory_space<hbm>> -> memref<100000x128xf32, #tpu.memory_space<hbm>>
    tpu.enqueue_indirect_dma source(%dma_start3A_694 : memref<100000x128xf32, #tpu.memory_space<hbm>>) target(%dma_start3A_688 : memref<20x128xf32, #tpu.memory_space<vmem>>) offsets(%dma_start3A_691 : memref<20xi32, #tpu.memory_space<vmem>>) semaphore(%arg8 : memref<!tpu.dma_semaphore, #tpu.memory_space<semaphore_mem>>)
    %dma_start3A_695 = arith.constant 5 : i32
    %dma_start3A_696 = arith.constant 100 : i32
    %dma_start3A_697 = arith.constant 0 : i32
    %dma_start3A_698 = tpu.memref_slice %arg7[%dma_start3A_696, %dma_start3A_697] : memref<640x128xf32, #tpu.memory_space<vmem>> -> memref<20x128xf32, #tpu.memory_space<vmem>>
    %dma_start3A_699 = arith.constant 0 : i32
    %dma_start3A_700 = tpu.memref_slice %arg6[%dma_start3A_695, %dma_start3A_699] : memref<32x20xi32, #tpu.memory_space<vmem>> -> memref<1x20xi32, #tpu.memory_space<vmem>>
    %dma_start3A_701 = tpu.memref_squeeze %dma_start3A_700 : memref<1x20xi32, #tpu.memory_space<vmem>> -> memref<20xi32, #tpu.memory_space<vmem>>
    %dma_start3A_702 = arith.constant 0 : i32
    %dma_start3A_703 = arith.constant 0 : i32
    %dma_start3A_704 = tpu.memref_slice %arg2[%dma_start3A_702, %dma_start3A_703] : memref<100000x128xf32, #tpu.memory_space<hbm>> -> memref<100000x128xf32, #tpu.memory_space<hbm>>
    tpu.enqueue_indirect_dma source(%dma_start3A_704 : memref<100000x128xf32, #tpu.memory_space<hbm>>) target(%dma_start3A_698 : memref<20x128xf32, #tpu.memory_space<vmem>>) offsets(%dma_start3A_701 : memref<20xi32, #tpu.memory_space<vmem>>) semaphore(%arg8 : memref<!tpu.dma_semaphore, #tpu.memory_space<semaphore_mem>>)
    %dma_start3A_705 = arith.constant 6 : i32
    %dma_start3A_706 = arith.constant 120 : i32
    %dma_start3A_707 = arith.constant 0 : i32
    %dma_start3A_708 = tpu.memref_slice %arg7[%dma_start3A_706, %dma_start3A_707] : memref<640x128xf32, #tpu.memory_space<vmem>> -> memref<20x128xf32, #tpu.memory_space<vmem>>
    %dma_start3A_709 = arith.constant 0 : i32
    %dma_start3A_710 = tpu.memref_slice %arg6[%dma_start3A_705, %dma_start3A_709] : memref<32x20xi32, #tpu.memory_space<vmem>> -> memref<1x20xi32, #tpu.memory_space<vmem>>
    %dma_start3A_711 = tpu.memref_squeeze %dma_start3A_710 : memref<1x20xi32, #tpu.memory_space<vmem>> -> memref<20xi32, #tpu.memory_space<vmem>>
    %dma_start3A_712 = arith.constant 0 : i32
    %dma_start3A_713 = arith.constant 0 : i32
    %dma_start3A_714 = tpu.memref_slice %arg2[%dma_start3A_712, %dma_start3A_713] : memref<100000x128xf32, #tpu.memory_space<hbm>> -> memref<100000x128xf32, #tpu.memory_space<hbm>>
    tpu.enqueue_indirect_dma source(%dma_start3A_714 : memref<100000x128xf32, #tpu.memory_space<hbm>>) target(%dma_start3A_708 : memref<20x128xf32, #tpu.memory_space<vmem>>) offsets(%dma_start3A_711 : memref<20xi32, #tpu.memory_space<vmem>>) semaphore(%arg8 : memref<!tpu.dma_semaphore, #tpu.memory_space<semaphore_mem>>)
    %dma_start3A_715 = arith.constant 7 : i32
    %dma_start3A_716 = arith.constant 140 : i32
    %dma_start3A_717 = arith.constant 0 : i32
    %dma_start3A_718 = tpu.memref_slice %arg7[%dma_start3A_716, %dma_start3A_717] : memref<640x128xf32, #tpu.memory_space<vmem>> -> memref<20x128xf32, #tpu.memory_space<vmem>>
    %dma_start3A_719 = arith.constant 0 : i32
    %dma_start3A_720 = tpu.memref_slice %arg6[%dma_start3A_715, %dma_start3A_719] : memref<32x20xi32, #tpu.memory_space<vmem>> -> memref<1x20xi32, #tpu.memory_space<vmem>>
    %dma_start3A_721 = tpu.memref_squeeze %dma_start3A_720 : memref<1x20xi32, #tpu.memory_space<vmem>> -> memref<20xi32, #tpu.memory_space<vmem>>
    %dma_start3A_722 = arith.constant 0 : i32
    %dma_start3A_723 = arith.constant 0 : i32
    %dma_start3A_724 = tpu.memref_slice %arg2[%dma_start3A_722, %dma_start3A_723] : memref<100000x128xf32, #tpu.memory_space<hbm>> -> memref<100000x128xf32, #tpu.memory_space<hbm>>
    tpu.enqueue_indirect_dma source(%dma_start3A_724 : memref<100000x128xf32, #tpu.memory_space<hbm>>) target(%dma_start3A_718 : memref<20x128xf32, #tpu.memory_space<vmem>>) offsets(%dma_start3A_721 : memref<20xi32, #tpu.memory_space<vmem>>) semaphore(%arg8 : memref<!tpu.dma_semaphore, #tpu.memory_space<semaphore_mem>>)
    %dma_start3A_725 = arith.constant 8 : i32
    %dma_start3A_726 = arith.constant 160 : i32
    %dma_start3A_727 = arith.constant 0 : i32
    %dma_start3A_728 = tpu.memref_slice %arg7[%dma_start3A_726, %dma_start3A_727] : memref<640x128xf32, #tpu.memory_space<vmem>> -> memref<20x128xf32, #tpu.memory_space<vmem>>
    %dma_start3A_729 = arith.constant 0 : i32
    %dma_start3A_730 = tpu.memref_slice %arg6[%dma_start3A_725, %dma_start3A_729] : memref<32x20xi32, #tpu.memory_space<vmem>> -> memref<1x20xi32, #tpu.memory_space<vmem>>
    %dma_start3A_731 = tpu.memref_squeeze %dma_start3A_730 : memref<1x20xi32, #tpu.memory_space<vmem>> -> memref<20xi32, #tpu.memory_space<vmem>>
    %dma_start3A_732 = arith.constant 0 : i32
    %dma_start3A_733 = arith.constant 0 : i32
    %dma_start3A_734 = tpu.memref_slice %arg2[%dma_start3A_732, %dma_start3A_733] : memref<100000x128xf32, #tpu.memory_space<hbm>> -> memref<100000x128xf32, #tpu.memory_space<hbm>>
    tpu.enqueue_indirect_dma source(%dma_start3A_734 : memref<100000x128xf32, #tpu.memory_space<hbm>>) target(%dma_start3A_728 : memref<20x128xf32, #tpu.memory_space<vmem>>) offsets(%dma_start3A_731 : memref<20xi32, #tpu.memory_space<vmem>>) semaphore(%arg8 : memref<!tpu.dma_semaphore, #tpu.memory_space<semaphore_mem>>)
    %dma_start3A_735 = arith.constant 9 : i32
    %dma_start3A_736 = arith.constant 180 : i32
    %dma_start3A_737 = arith.constant 0 : i32
    %dma_start3A_738 = tpu.memref_slice %arg7[%dma_start3A_736, %dma_start3A_737] : memref<640x128xf32, #tpu.memory_space<vmem>> -> memref<20x128xf32, #tpu.memory_space<vmem>>
    %dma_start3A_739 = arith.constant 0 : i32
    %dma_start3A_740 = tpu.memref_slice %arg6[%dma_start3A_735, %dma_start3A_739] : memref<32x20xi32, #tpu.memory_space<vmem>> -> memref<1x20xi32, #tpu.memory_space<vmem>>
    %dma_start3A_741 = tpu.memref_squeeze %dma_start3A_740 : memref<1x20xi32, #tpu.memory_space<vmem>> -> memref<20xi32, #tpu.memory_space<vmem>>
    %dma_start3A_742 = arith.constant 0 : i32
    %dma_start3A_743 = arith.constant 0 : i32
    %dma_start3A_744 = tpu.memref_slice %arg2[%dma_start3A_742, %dma_start3A_743] : memref<100000x128xf32, #tpu.memory_space<hbm>> -> memref<100000x128xf32, #tpu.memory_space<hbm>>
    tpu.enqueue_indirect_dma source(%dma_start3A_744 : memref<100000x128xf32, #tpu.memory_space<hbm>>) target(%dma_start3A_738 : memref<20x128xf32, #tpu.memory_space<vmem>>) offsets(%dma_start3A_741 : memref<20xi32, #tpu.memory_space<vmem>>) semaphore(%arg8 : memref<!tpu.dma_semaphore, #tpu.memory_space<semaphore_mem>>)
    %dma_start3A_745 = arith.constant 10 : i32
    %dma_start3A_746 = arith.constant 200 : i32
    %dma_start3A_747 = arith.constant 0 : i32
    %dma_start3A_748 = tpu.memref_slice %arg7[%dma_start3A_746, %dma_start3A_747] : memref<640x128xf32, #tpu.memory_space<vmem>> -> memref<20x128xf32, #tpu.memory_space<vmem>>
    %dma_start3A_749 = arith.constant 0 : i32
    %dma_start3A_750 = tpu.memref_slice %arg6[%dma_start3A_745, %dma_start3A_749] : memref<32x20xi32, #tpu.memory_space<vmem>> -> memref<1x20xi32, #tpu.memory_space<vmem>>
    %dma_start3A_751 = tpu.memref_squeeze %dma_start3A_750 : memref<1x20xi32, #tpu.memory_space<vmem>> -> memref<20xi32, #tpu.memory_space<vmem>>
    %dma_start3A_752 = arith.constant 0 : i32
    %dma_start3A_753 = arith.constant 0 : i32
    %dma_start3A_754 = tpu.memref_slice %arg2[%dma_start3A_752, %dma_start3A_753] : memref<100000x128xf32, #tpu.memory_space<hbm>> -> memref<100000x128xf32, #tpu.memory_space<hbm>>
    tpu.enqueue_indirect_dma source(%dma_start3A_754 : memref<100000x128xf32, #tpu.memory_space<hbm>>) target(%dma_start3A_748 : memref<20x128xf32, #tpu.memory_space<vmem>>) offsets(%dma_start3A_751 : memref<20xi32, #tpu.memory_space<vmem>>) semaphore(%arg8 : memref<!tpu.dma_semaphore, #tpu.memory_space<semaphore_mem>>)
    %dma_start3A_755 = arith.constant 11 : i32
    %dma_start3A_756 = arith.constant 220 : i32
    %dma_start3A_757 = arith.constant 0 : i32
    %dma_start3A_758 = tpu.memref_slice %arg7[%dma_start3A_756, %dma_start3A_757] : memref<640x128xf32, #tpu.memory_space<vmem>> -> memref<20x128xf32, #tpu.memory_space<vmem>>
    %dma_start3A_759 = arith.constant 0 : i32
    %dma_start3A_760 = tpu.memref_slice %arg6[%dma_start3A_755, %dma_start3A_759] : memref<32x20xi32, #tpu.memory_space<vmem>> -> memref<1x20xi32, #tpu.memory_space<vmem>>
    %dma_start3A_761 = tpu.memref_squeeze %dma_start3A_760 : memref<1x20xi32, #tpu.memory_space<vmem>> -> memref<20xi32, #tpu.memory_space<vmem>>
    %dma_start3A_762 = arith.constant 0 : i32
    %dma_start3A_763 = arith.constant 0 : i32
    %dma_start3A_764 = tpu.memref_slice %arg2[%dma_start3A_762, %dma_start3A_763] : memref<100000x128xf32, #tpu.memory_space<hbm>> -> memref<100000x128xf32, #tpu.memory_space<hbm>>
    tpu.enqueue_indirect_dma source(%dma_start3A_764 : memref<100000x128xf32, #tpu.memory_space<hbm>>) target(%dma_start3A_758 : memref<20x128xf32, #tpu.memory_space<vmem>>) offsets(%dma_start3A_761 : memref<20xi32, #tpu.memory_space<vmem>>) semaphore(%arg8 : memref<!tpu.dma_semaphore, #tpu.memory_space<semaphore_mem>>)
    %dma_start3A_765 = arith.constant 12 : i32
    %dma_start3A_766 = arith.constant 240 : i32
    %dma_start3A_767 = arith.constant 0 : i32
    %dma_start3A_768 = tpu.memref_slice %arg7[%dma_start3A_766, %dma_start3A_767] : memref<640x128xf32, #tpu.memory_space<vmem>> -> memref<20x128xf32, #tpu.memory_space<vmem>>
    %dma_start3A_769 = arith.constant 0 : i32
    %dma_start3A_770 = tpu.memref_slice %arg6[%dma_start3A_765, %dma_start3A_769] : memref<32x20xi32, #tpu.memory_space<vmem>> -> memref<1x20xi32, #tpu.memory_space<vmem>>
    %dma_start3A_771 = tpu.memref_squeeze %dma_start3A_770 : memref<1x20xi32, #tpu.memory_space<vmem>> -> memref<20xi32, #tpu.memory_space<vmem>>
    %dma_start3A_772 = arith.constant 0 : i32
    %dma_start3A_773 = arith.constant 0 : i32
    %dma_start3A_774 = tpu.memref_slice %arg2[%dma_start3A_772, %dma_start3A_773] : memref<100000x128xf32, #tpu.memory_space<hbm>> -> memref<100000x128xf32, #tpu.memory_space<hbm>>
    tpu.enqueue_indirect_dma source(%dma_start3A_774 : memref<100000x128xf32, #tpu.memory_space<hbm>>) target(%dma_start3A_768 : memref<20x128xf32, #tpu.memory_space<vmem>>) offsets(%dma_start3A_771 : memref<20xi32, #tpu.memory_space<vmem>>) semaphore(%arg8 : memref<!tpu.dma_semaphore, #tpu.memory_space<semaphore_mem>>)
    %dma_start3A_775 = arith.constant 13 : i32
    %dma_start3A_776 = arith.constant 260 : i32
    %dma_start3A_777 = arith.constant 0 : i32
    %dma_start3A_778 = tpu.memref_slice %arg7[%dma_start3A_776, %dma_start3A_777] : memref<640x128xf32, #tpu.memory_space<vmem>> -> memref<20x128xf32, #tpu.memory_space<vmem>>
    %dma_start3A_779 = arith.constant 0 : i32
    %dma_start3A_780 = tpu.memref_slice %arg6[%dma_start3A_775, %dma_start3A_779] : memref<32x20xi32, #tpu.memory_space<vmem>> -> memref<1x20xi32, #tpu.memory_space<vmem>>
    %dma_start3A_781 = tpu.memref_squeeze %dma_start3A_780 : memref<1x20xi32, #tpu.memory_space<vmem>> -> memref<20xi32, #tpu.memory_space<vmem>>
    %dma_start3A_782 = arith.constant 0 : i32
    %dma_start3A_783 = arith.constant 0 : i32
    %dma_start3A_784 = tpu.memref_slice %arg2[%dma_start3A_782, %dma_start3A_783] : memref<100000x128xf32, #tpu.memory_space<hbm>> -> memref<100000x128xf32, #tpu.memory_space<hbm>>
    tpu.enqueue_indirect_dma source(%dma_start3A_784 : memref<100000x128xf32, #tpu.memory_space<hbm>>) target(%dma_start3A_778 : memref<20x128xf32, #tpu.memory_space<vmem>>) offsets(%dma_start3A_781 : memref<20xi32, #tpu.memory_space<vmem>>) semaphore(%arg8 : memref<!tpu.dma_semaphore, #tpu.memory_space<semaphore_mem>>)
    %dma_start3A_785 = arith.constant 14 : i32
    %dma_start3A_786 = arith.constant 280 : i32
    %dma_start3A_787 = arith.constant 0 : i32
    %dma_start3A_788 = tpu.memref_slice %arg7[%dma_start3A_786, %dma_start3A_787] : memref<640x128xf32, #tpu.memory_space<vmem>> -> memref<20x128xf32, #tpu.memory_space<vmem>>
    %dma_start3A_789 = arith.constant 0 : i32
    %dma_start3A_790 = tpu.memref_slice %arg6[%dma_start3A_785, %dma_start3A_789] : memref<32x20xi32, #tpu.memory_space<vmem>> -> memref<1x20xi32, #tpu.memory_space<vmem>>
    %dma_start3A_791 = tpu.memref_squeeze %dma_start3A_790 : memref<1x20xi32, #tpu.memory_space<vmem>> -> memref<20xi32, #tpu.memory_space<vmem>>
    %dma_start3A_792 = arith.constant 0 : i32
    %dma_start3A_793 = arith.constant 0 : i32
    %dma_start3A_794 = tpu.memref_slice %arg2[%dma_start3A_792, %dma_start3A_793] : memref<100000x128xf32, #tpu.memory_space<hbm>> -> memref<100000x128xf32, #tpu.memory_space<hbm>>
    tpu.enqueue_indirect_dma source(%dma_start3A_794 : memref<100000x128xf32, #tpu.memory_space<hbm>>) target(%dma_start3A_788 : memref<20x128xf32, #tpu.memory_space<vmem>>) offsets(%dma_start3A_791 : memref<20xi32, #tpu.memory_space<vmem>>) semaphore(%arg8 : memref<!tpu.dma_semaphore, #tpu.memory_space<semaphore_mem>>)
    %dma_start3A_795 = arith.constant 15 : i32
    %dma_start3A_796 = arith.constant 300 : i32
    %dma_start3A_797 = arith.constant 0 : i32
    %dma_start3A_798 = tpu.memref_slice %arg7[%dma_start3A_796, %dma_start3A_797] : memref<640x128xf32, #tpu.memory_space<vmem>> -> memref<20x128xf32, #tpu.memory_space<vmem>>
    %dma_start3A_799 = arith.constant 0 : i32
    %dma_start3A_800 = tpu.memref_slice %arg6[%dma_start3A_795, %dma_start3A_799] : memref<32x20xi32, #tpu.memory_space<vmem>> -> memref<1x20xi32, #tpu.memory_space<vmem>>
    %dma_start3A_801 = tpu.memref_squeeze %dma_start3A_800 : memref<1x20xi32, #tpu.memory_space<vmem>> -> memref<20xi32, #tpu.memory_space<vmem>>
    %dma_start3A_802 = arith.constant 0 : i32
    %dma_start3A_803 = arith.constant 0 : i32
    %dma_start3A_804 = tpu.memref_slice %arg2[%dma_start3A_802, %dma_start3A_803] : memref<100000x128xf32, #tpu.memory_space<hbm>> -> memref<100000x128xf32, #tpu.memory_space<hbm>>
    tpu.enqueue_indirect_dma source(%dma_start3A_804 : memref<100000x128xf32, #tpu.memory_space<hbm>>) target(%dma_start3A_798 : memref<20x128xf32, #tpu.memory_space<vmem>>) offsets(%dma_start3A_801 : memref<20xi32, #tpu.memory_space<vmem>>) semaphore(%arg8 : memref<!tpu.dma_semaphore, #tpu.memory_space<semaphore_mem>>)
    %dma_start3A_805 = arith.constant 16 : i32
    %dma_start3A_806 = arith.constant 320 : i32
    %dma_start3A_807 = arith.constant 0 : i32
    %dma_start3A_808 = tpu.memref_slice %arg7[%dma_start3A_806, %dma_start3A_807] : memref<640x128xf32, #tpu.memory_space<vmem>> -> memref<20x128xf32, #tpu.memory_space<vmem>>
    %dma_start3A_809 = arith.constant 0 : i32
    %dma_start3A_810 = tpu.memref_slice %arg6[%dma_start3A_805, %dma_start3A_809] : memref<32x20xi32, #tpu.memory_space<vmem>> -> memref<1x20xi32, #tpu.memory_space<vmem>>
    %dma_start3A_811 = tpu.memref_squeeze %dma_start3A_810 : memref<1x20xi32, #tpu.memory_space<vmem>> -> memref<20xi32, #tpu.memory_space<vmem>>
    %dma_start3A_812 = arith.constant 0 : i32
    %dma_start3A_813 = arith.constant 0 : i32
    %dma_start3A_814 = tpu.memref_slice %arg2[%dma_start3A_812, %dma_start3A_813] : memref<100000x128xf32, #tpu.memory_space<hbm>> -> memref<100000x128xf32, #tpu.memory_space<hbm>>
    tpu.enqueue_indirect_dma source(%dma_start3A_814 : memref<100000x128xf32, #tpu.memory_space<hbm>>) target(%dma_start3A_808 : memref<20x128xf32, #tpu.memory_space<vmem>>) offsets(%dma_start3A_811 : memref<20xi32, #tpu.memory_space<vmem>>) semaphore(%arg8 : memref<!tpu.dma_semaphore, #tpu.memory_space<semaphore_mem>>)
    %dma_start3A_815 = arith.constant 17 : i32
    %dma_start3A_816 = arith.constant 340 : i32
    %dma_start3A_817 = arith.constant 0 : i32
    %dma_start3A_818 = tpu.memref_slice %arg7[%dma_start3A_816, %dma_start3A_817] : memref<640x128xf32, #tpu.memory_space<vmem>> -> memref<20x128xf32, #tpu.memory_space<vmem>>
    %dma_start3A_819 = arith.constant 0 : i32
    %dma_start3A_820 = tpu.memref_slice %arg6[%dma_start3A_815, %dma_start3A_819] : memref<32x20xi32, #tpu.memory_space<vmem>> -> memref<1x20xi32, #tpu.memory_space<vmem>>
    %dma_start3A_821 = tpu.memref_squeeze %dma_start3A_820 : memref<1x20xi32, #tpu.memory_space<vmem>> -> memref<20xi32, #tpu.memory_space<vmem>>
    %dma_start3A_822 = arith.constant 0 : i32
    %dma_start3A_823 = arith.constant 0 : i32
    %dma_start3A_824 = tpu.memref_slice %arg2[%dma_start3A_822, %dma_start3A_823] : memref<100000x128xf32, #tpu.memory_space<hbm>> -> memref<100000x128xf32, #tpu.memory_space<hbm>>
    tpu.enqueue_indirect_dma source(%dma_start3A_824 : memref<100000x128xf32, #tpu.memory_space<hbm>>) target(%dma_start3A_818 : memref<20x128xf32, #tpu.memory_space<vmem>>) offsets(%dma_start3A_821 : memref<20xi32, #tpu.memory_space<vmem>>) semaphore(%arg8 : memref<!tpu.dma_semaphore, #tpu.memory_space<semaphore_mem>>)
    %dma_start3A_825 = arith.constant 18 : i32
    %dma_start3A_826 = arith.constant 360 : i32
    %dma_start3A_827 = arith.constant 0 : i32
    %dma_start3A_828 = tpu.memref_slice %arg7[%dma_start3A_826, %dma_start3A_827] : memref<640x128xf32, #tpu.memory_space<vmem>> -> memref<20x128xf32, #tpu.memory_space<vmem>>
    %dma_start3A_829 = arith.constant 0 : i32
    %dma_start3A_830 = tpu.memref_slice %arg6[%dma_start3A_825, %dma_start3A_829] : memref<32x20xi32, #tpu.memory_space<vmem>> -> memref<1x20xi32, #tpu.memory_space<vmem>>
    %dma_start3A_831 = tpu.memref_squeeze %dma_start3A_830 : memref<1x20xi32, #tpu.memory_space<vmem>> -> memref<20xi32, #tpu.memory_space<vmem>>
    %dma_start3A_832 = arith.constant 0 : i32
    %dma_start3A_833 = arith.constant 0 : i32
    %dma_start3A_834 = tpu.memref_slice %arg2[%dma_start3A_832, %dma_start3A_833] : memref<100000x128xf32, #tpu.memory_space<hbm>> -> memref<100000x128xf32, #tpu.memory_space<hbm>>
    tpu.enqueue_indirect_dma source(%dma_start3A_834 : memref<100000x128xf32, #tpu.memory_space<hbm>>) target(%dma_start3A_828 : memref<20x128xf32, #tpu.memory_space<vmem>>) offsets(%dma_start3A_831 : memref<20xi32, #tpu.memory_space<vmem>>) semaphore(%arg8 : memref<!tpu.dma_semaphore, #tpu.memory_space<semaphore_mem>>)
    %dma_start3A_835 = arith.constant 19 : i32
    %dma_start3A_836 = arith.constant 380 : i32
    %dma_start3A_837 = arith.constant 0 : i32
    %dma_start3A_838 = tpu.memref_slice %arg7[%dma_start3A_836, %dma_start3A_837] : memref<640x128xf32, #tpu.memory_space<vmem>> -> memref<20x128xf32, #tpu.memory_space<vmem>>
    %dma_start3A_839 = arith.constant 0 : i32
    %dma_start3A_840 = tpu.memref_slice %arg6[%dma_start3A_835, %dma_start3A_839] : memref<32x20xi32, #tpu.memory_space<vmem>> -> memref<1x20xi32, #tpu.memory_space<vmem>>
    %dma_start3A_841 = tpu.memref_squeeze %dma_start3A_840 : memref<1x20xi32, #tpu.memory_space<vmem>> -> memref<20xi32, #tpu.memory_space<vmem>>
    %dma_start3A_842 = arith.constant 0 : i32
    %dma_start3A_843 = arith.constant 0 : i32
    %dma_start3A_844 = tpu.memref_slice %arg2[%dma_start3A_842, %dma_start3A_843] : memref<100000x128xf32, #tpu.memory_space<hbm>> -> memref<100000x128xf32, #tpu.memory_space<hbm>>
    tpu.enqueue_indirect_dma source(%dma_start3A_844 : memref<100000x128xf32, #tpu.memory_space<hbm>>) target(%dma_start3A_838 : memref<20x128xf32, #tpu.memory_space<vmem>>) offsets(%dma_start3A_841 : memref<20xi32, #tpu.memory_space<vmem>>) semaphore(%arg8 : memref<!tpu.dma_semaphore, #tpu.memory_space<semaphore_mem>>)
    %dma_start3A_845 = arith.constant 20 : i32
    %dma_start3A_846 = arith.constant 400 : i32
    %dma_start3A_847 = arith.constant 0 : i32
    %dma_start3A_848 = tpu.memref_slice %arg7[%dma_start3A_846, %dma_start3A_847] : memref<640x128xf32, #tpu.memory_space<vmem>> -> memref<20x128xf32, #tpu.memory_space<vmem>>
    %dma_start3A_849 = arith.constant 0 : i32
    %dma_start3A_850 = tpu.memref_slice %arg6[%dma_start3A_845, %dma_start3A_849] : memref<32x20xi32, #tpu.memory_space<vmem>> -> memref<1x20xi32, #tpu.memory_space<vmem>>
    %dma_start3A_851 = tpu.memref_squeeze %dma_start3A_850 : memref<1x20xi32, #tpu.memory_space<vmem>> -> memref<20xi32, #tpu.memory_space<vmem>>
    %dma_start3A_852 = arith.constant 0 : i32
    %dma_start3A_853 = arith.constant 0 : i32
    %dma_start3A_854 = tpu.memref_slice %arg2[%dma_start3A_852, %dma_start3A_853] : memref<100000x128xf32, #tpu.memory_space<hbm>> -> memref<100000x128xf32, #tpu.memory_space<hbm>>
    tpu.enqueue_indirect_dma source(%dma_start3A_854 : memref<100000x128xf32, #tpu.memory_space<hbm>>) target(%dma_start3A_848 : memref<20x128xf32, #tpu.memory_space<vmem>>) offsets(%dma_start3A_851 : memref<20xi32, #tpu.memory_space<vmem>>) semaphore(%arg8 : memref<!tpu.dma_semaphore, #tpu.memory_space<semaphore_mem>>)
    %dma_start3A_855 = arith.constant 21 : i32
    %dma_start3A_856 = arith.constant 420 : i32
    %dma_start3A_857 = arith.constant 0 : i32
    %dma_start3A_858 = tpu.memref_slice %arg7[%dma_start3A_856, %dma_start3A_857] : memref<640x128xf32, #tpu.memory_space<vmem>> -> memref<20x128xf32, #tpu.memory_space<vmem>>
    %dma_start3A_859 = arith.constant 0 : i32
    %dma_start3A_860 = tpu.memref_slice %arg6[%dma_start3A_855, %dma_start3A_859] : memref<32x20xi32, #tpu.memory_space<vmem>> -> memref<1x20xi32, #tpu.memory_space<vmem>>
    %dma_start3A_861 = tpu.memref_squeeze %dma_start3A_860 : memref<1x20xi32, #tpu.memory_space<vmem>> -> memref<20xi32, #tpu.memory_space<vmem>>
    %dma_start3A_862 = arith.constant 0 : i32
    %dma_start3A_863 = arith.constant 0 : i32
    %dma_start3A_864 = tpu.memref_slice %arg2[%dma_start3A_862, %dma_start3A_863] : memref<100000x128xf32, #tpu.memory_space<hbm>> -> memref<100000x128xf32, #tpu.memory_space<hbm>>
    tpu.enqueue_indirect_dma source(%dma_start3A_864 : memref<100000x128xf32, #tpu.memory_space<hbm>>) target(%dma_start3A_858 : memref<20x128xf32, #tpu.memory_space<vmem>>) offsets(%dma_start3A_861 : memref<20xi32, #tpu.memory_space<vmem>>) semaphore(%arg8 : memref<!tpu.dma_semaphore, #tpu.memory_space<semaphore_mem>>)
    %dma_start3A_865 = arith.constant 22 : i32
    %dma_start3A_866 = arith.constant 440 : i32
    %dma_start3A_867 = arith.constant 0 : i32
    %dma_start3A_868 = tpu.memref_slice %arg7[%dma_start3A_866, %dma_start3A_867] : memref<640x128xf32, #tpu.memory_space<vmem>> -> memref<20x128xf32, #tpu.memory_space<vmem>>
    %dma_start3A_869 = arith.constant 0 : i32
    %dma_start3A_870 = tpu.memref_slice %arg6[%dma_start3A_865, %dma_start3A_869] : memref<32x20xi32, #tpu.memory_space<vmem>> -> memref<1x20xi32, #tpu.memory_space<vmem>>
    %dma_start3A_871 = tpu.memref_squeeze %dma_start3A_870 : memref<1x20xi32, #tpu.memory_space<vmem>> -> memref<20xi32, #tpu.memory_space<vmem>>
    %dma_start3A_872 = arith.constant 0 : i32
    %dma_start3A_873 = arith.constant 0 : i32
    %dma_start3A_874 = tpu.memref_slice %arg2[%dma_start3A_872, %dma_start3A_873] : memref<100000x128xf32, #tpu.memory_space<hbm>> -> memref<100000x128xf32, #tpu.memory_space<hbm>>
    tpu.enqueue_indirect_dma source(%dma_start3A_874 : memref<100000x128xf32, #tpu.memory_space<hbm>>) target(%dma_start3A_868 : memref<20x128xf32, #tpu.memory_space<vmem>>) offsets(%dma_start3A_871 : memref<20xi32, #tpu.memory_space<vmem>>) semaphore(%arg8 : memref<!tpu.dma_semaphore, #tpu.memory_space<semaphore_mem>>)
    %dma_start3A_875 = arith.constant 23 : i32
    %dma_start3A_876 = arith.constant 460 : i32
    %dma_start3A_877 = arith.constant 0 : i32
    %dma_start3A_878 = tpu.memref_slice %arg7[%dma_start3A_876, %dma_start3A_877] : memref<640x128xf32, #tpu.memory_space<vmem>> -> memref<20x128xf32, #tpu.memory_space<vmem>>
    %dma_start3A_879 = arith.constant 0 : i32
    %dma_start3A_880 = tpu.memref_slice %arg6[%dma_start3A_875, %dma_start3A_879] : memref<32x20xi32, #tpu.memory_space<vmem>> -> memref<1x20xi32, #tpu.memory_space<vmem>>
    %dma_start3A_881 = tpu.memref_squeeze %dma_start3A_880 : memref<1x20xi32, #tpu.memory_space<vmem>> -> memref<20xi32, #tpu.memory_space<vmem>>
    %dma_start3A_882 = arith.constant 0 : i32
    %dma_start3A_883 = arith.constant 0 : i32
    %dma_start3A_884 = tpu.memref_slice %arg2[%dma_start3A_882, %dma_start3A_883] : memref<100000x128xf32, #tpu.memory_space<hbm>> -> memref<100000x128xf32, #tpu.memory_space<hbm>>
    tpu.enqueue_indirect_dma source(%dma_start3A_884 : memref<100000x128xf32, #tpu.memory_space<hbm>>) target(%dma_start3A_878 : memref<20x128xf32, #tpu.memory_space<vmem>>) offsets(%dma_start3A_881 : memref<20xi32, #tpu.memory_space<vmem>>) semaphore(%arg8 : memref<!tpu.dma_semaphore, #tpu.memory_space<semaphore_mem>>)
    %dma_start3A_885 = arith.constant 24 : i32
    %dma_start3A_886 = arith.constant 480 : i32
    %dma_start3A_887 = arith.constant 0 : i32
    %dma_start3A_888 = tpu.memref_slice %arg7[%dma_start3A_886, %dma_start3A_887] : memref<640x128xf32, #tpu.memory_space<vmem>> -> memref<20x128xf32, #tpu.memory_space<vmem>>
    %dma_start3A_889 = arith.constant 0 : i32
    %dma_start3A_890 = tpu.memref_slice %arg6[%dma_start3A_885, %dma_start3A_889] : memref<32x20xi32, #tpu.memory_space<vmem>> -> memref<1x20xi32, #tpu.memory_space<vmem>>
    %dma_start3A_891 = tpu.memref_squeeze %dma_start3A_890 : memref<1x20xi32, #tpu.memory_space<vmem>> -> memref<20xi32, #tpu.memory_space<vmem>>
    %dma_start3A_892 = arith.constant 0 : i32
    %dma_start3A_893 = arith.constant 0 : i32
    %dma_start3A_894 = tpu.memref_slice %arg2[%dma_start3A_892, %dma_start3A_893] : memref<100000x128xf32, #tpu.memory_space<hbm>> -> memref<100000x128xf32, #tpu.memory_space<hbm>>
    tpu.enqueue_indirect_dma source(%dma_start3A_894 : memref<100000x128xf32, #tpu.memory_space<hbm>>) target(%dma_start3A_888 : memref<20x128xf32, #tpu.memory_space<vmem>>) offsets(%dma_start3A_891 : memref<20xi32, #tpu.memory_space<vmem>>) semaphore(%arg8 : memref<!tpu.dma_semaphore, #tpu.memory_space<semaphore_mem>>)
    %dma_start3A_895 = arith.constant 25 : i32
    %dma_start3A_896 = arith.constant 500 : i32
    %dma_start3A_897 = arith.constant 0 : i32
    %dma_start3A_898 = tpu.memref_slice %arg7[%dma_start3A_896, %dma_start3A_897] : memref<640x128xf32, #tpu.memory_space<vmem>> -> memref<20x128xf32, #tpu.memory_space<vmem>>
    %dma_start3A_899 = arith.constant 0 : i32
    %dma_start3A_900 = tpu.memref_slice %arg6[%dma_start3A_895, %dma_start3A_899] : memref<32x20xi32, #tpu.memory_space<vmem>> -> memref<1x20xi32, #tpu.memory_space<vmem>>
    %dma_start3A_901 = tpu.memref_squeeze %dma_start3A_900 : memref<1x20xi32, #tpu.memory_space<vmem>> -> memref<20xi32, #tpu.memory_space<vmem>>
    %dma_start3A_902 = arith.constant 0 : i32
    %dma_start3A_903 = arith.constant 0 : i32
    %dma_start3A_904 = tpu.memref_slice %arg2[%dma_start3A_902, %dma_start3A_903] : memref<100000x128xf32, #tpu.memory_space<hbm>> -> memref<100000x128xf32, #tpu.memory_space<hbm>>
    tpu.enqueue_indirect_dma source(%dma_start3A_904 : memref<100000x128xf32, #tpu.memory_space<hbm>>) target(%dma_start3A_898 : memref<20x128xf32, #tpu.memory_space<vmem>>) offsets(%dma_start3A_901 : memref<20xi32, #tpu.memory_space<vmem>>) semaphore(%arg8 : memref<!tpu.dma_semaphore, #tpu.memory_space<semaphore_mem>>)
    %dma_start3A_905 = arith.constant 26 : i32
    %dma_start3A_906 = arith.constant 520 : i32
    %dma_start3A_907 = arith.constant 0 : i32
    %dma_start3A_908 = tpu.memref_slice %arg7[%dma_start3A_906, %dma_start3A_907] : memref<640x128xf32, #tpu.memory_space<vmem>> -> memref<20x128xf32, #tpu.memory_space<vmem>>
    %dma_start3A_909 = arith.constant 0 : i32
    %dma_start3A_910 = tpu.memref_slice %arg6[%dma_start3A_905, %dma_start3A_909] : memref<32x20xi32, #tpu.memory_space<vmem>> -> memref<1x20xi32, #tpu.memory_space<vmem>>
    %dma_start3A_911 = tpu.memref_squeeze %dma_start3A_910 : memref<1x20xi32, #tpu.memory_space<vmem>> -> memref<20xi32, #tpu.memory_space<vmem>>
    %dma_start3A_912 = arith.constant 0 : i32
    %dma_start3A_913 = arith.constant 0 : i32
    %dma_start3A_914 = tpu.memref_slice %arg2[%dma_start3A_912, %dma_start3A_913] : memref<100000x128xf32, #tpu.memory_space<hbm>> -> memref<100000x128xf32, #tpu.memory_space<hbm>>
    tpu.enqueue_indirect_dma source(%dma_start3A_914 : memref<100000x128xf32, #tpu.memory_space<hbm>>) target(%dma_start3A_908 : memref<20x128xf32, #tpu.memory_space<vmem>>) offsets(%dma_start3A_911 : memref<20xi32, #tpu.memory_space<vmem>>) semaphore(%arg8 : memref<!tpu.dma_semaphore, #tpu.memory_space<semaphore_mem>>)
    %dma_start3A_915 = arith.constant 27 : i32
    %dma_start3A_916 = arith.constant 540 : i32
    %dma_start3A_917 = arith.constant 0 : i32
    %dma_start3A_918 = tpu.memref_slice %arg7[%dma_start3A_916, %dma_start3A_917] : memref<640x128xf32, #tpu.memory_space<vmem>> -> memref<20x128xf32, #tpu.memory_space<vmem>>
    %dma_start3A_919 = arith.constant 0 : i32
    %dma_start3A_920 = tpu.memref_slice %arg6[%dma_start3A_915, %dma_start3A_919] : memref<32x20xi32, #tpu.memory_space<vmem>> -> memref<1x20xi32, #tpu.memory_space<vmem>>
    %dma_start3A_921 = tpu.memref_squeeze %dma_start3A_920 : memref<1x20xi32, #tpu.memory_space<vmem>> -> memref<20xi32, #tpu.memory_space<vmem>>
    %dma_start3A_922 = arith.constant 0 : i32
    %dma_start3A_923 = arith.constant 0 : i32
    %dma_start3A_924 = tpu.memref_slice %arg2[%dma_start3A_922, %dma_start3A_923] : memref<100000x128xf32, #tpu.memory_space<hbm>> -> memref<100000x128xf32, #tpu.memory_space<hbm>>
    tpu.enqueue_indirect_dma source(%dma_start3A_924 : memref<100000x128xf32, #tpu.memory_space<hbm>>) target(%dma_start3A_918 : memref<20x128xf32, #tpu.memory_space<vmem>>) offsets(%dma_start3A_921 : memref<20xi32, #tpu.memory_space<vmem>>) semaphore(%arg8 : memref<!tpu.dma_semaphore, #tpu.memory_space<semaphore_mem>>)
    %dma_start3A_925 = arith.constant 28 : i32
    %dma_start3A_926 = arith.constant 560 : i32
    %dma_start3A_927 = arith.constant 0 : i32
    %dma_start3A_928 = tpu.memref_slice %arg7[%dma_start3A_926, %dma_start3A_927] : memref<640x128xf32, #tpu.memory_space<vmem>> -> memref<20x128xf32, #tpu.memory_space<vmem>>
    %dma_start3A_929 = arith.constant 0 : i32
    %dma_start3A_930 = tpu.memref_slice %arg6[%dma_start3A_925, %dma_start3A_929] : memref<32x20xi32, #tpu.memory_space<vmem>> -> memref<1x20xi32, #tpu.memory_space<vmem>>
    %dma_start3A_931 = tpu.memref_squeeze %dma_start3A_930 : memref<1x20xi32, #tpu.memory_space<vmem>> -> memref<20xi32, #tpu.memory_space<vmem>>
    %dma_start3A_932 = arith.constant 0 : i32
    %dma_start3A_933 = arith.constant 0 : i32
    %dma_start3A_934 = tpu.memref_slice %arg2[%dma_start3A_932, %dma_start3A_933] : memref<100000x128xf32, #tpu.memory_space<hbm>> -> memref<100000x128xf32, #tpu.memory_space<hbm>>
    tpu.enqueue_indirect_dma source(%dma_start3A_934 : memref<100000x128xf32, #tpu.memory_space<hbm>>) target(%dma_start3A_928 : memref<20x128xf32, #tpu.memory_space<vmem>>) offsets(%dma_start3A_931 : memref<20xi32, #tpu.memory_space<vmem>>) semaphore(%arg8 : memref<!tpu.dma_semaphore, #tpu.memory_space<semaphore_mem>>)
    %dma_start3A_935 = arith.constant 29 : i32
    %dma_start3A_936 = arith.constant 580 : i32
    %dma_start3A_937 = arith.constant 0 : i32
    %dma_start3A_938 = tpu.memref_slice %arg7[%dma_start3A_936, %dma_start3A_937] : memref<640x128xf32, #tpu.memory_space<vmem>> -> memref<20x128xf32, #tpu.memory_space<vmem>>
    %dma_start3A_939 = arith.constant 0 : i32
    %dma_start3A_940 = tpu.memref_slice %arg6[%dma_start3A_935, %dma_start3A_939] : memref<32x20xi32, #tpu.memory_space<vmem>> -> memref<1x20xi32, #tpu.memory_space<vmem>>
    %dma_start3A_941 = tpu.memref_squeeze %dma_start3A_940 : memref<1x20xi32, #tpu.memory_space<vmem>> -> memref<20xi32, #tpu.memory_space<vmem>>
    %dma_start3A_942 = arith.constant 0 : i32
    %dma_start3A_943 = arith.constant 0 : i32
    %dma_start3A_944 = tpu.memref_slice %arg2[%dma_start3A_942, %dma_start3A_943] : memref<100000x128xf32, #tpu.memory_space<hbm>> -> memref<100000x128xf32, #tpu.memory_space<hbm>>
    tpu.enqueue_indirect_dma source(%dma_start3A_944 : memref<100000x128xf32, #tpu.memory_space<hbm>>) target(%dma_start3A_938 : memref<20x128xf32, #tpu.memory_space<vmem>>) offsets(%dma_start3A_941 : memref<20xi32, #tpu.memory_space<vmem>>) semaphore(%arg8 : memref<!tpu.dma_semaphore, #tpu.memory_space<semaphore_mem>>)
    %dma_start3A_945 = arith.constant 30 : i32
    %dma_start3A_946 = arith.constant 600 : i32
    %dma_start3A_947 = arith.constant 0 : i32
    %dma_start3A_948 = tpu.memref_slice %arg7[%dma_start3A_946, %dma_start3A_947] : memref<640x128xf32, #tpu.memory_space<vmem>> -> memref<20x128xf32, #tpu.memory_space<vmem>>
    %dma_start3A_949 = arith.constant 0 : i32
    %dma_start3A_950 = tpu.memref_slice %arg6[%dma_start3A_945, %dma_start3A_949] : memref<32x20xi32, #tpu.memory_space<vmem>> -> memref<1x20xi32, #tpu.memory_space<vmem>>
    %dma_start3A_951 = tpu.memref_squeeze %dma_start3A_950 : memref<1x20xi32, #tpu.memory_space<vmem>> -> memref<20xi32, #tpu.memory_space<vmem>>
    %dma_start3A_952 = arith.constant 0 : i32
    %dma_start3A_953 = arith.constant 0 : i32
    %dma_start3A_954 = tpu.memref_slice %arg2[%dma_start3A_952, %dma_start3A_953] : memref<100000x128xf32, #tpu.memory_space<hbm>> -> memref<100000x128xf32, #tpu.memory_space<hbm>>
    tpu.enqueue_indirect_dma source(%dma_start3A_954 : memref<100000x128xf32, #tpu.memory_space<hbm>>) target(%dma_start3A_948 : memref<20x128xf32, #tpu.memory_space<vmem>>) offsets(%dma_start3A_951 : memref<20xi32, #tpu.memory_space<vmem>>) semaphore(%arg8 : memref<!tpu.dma_semaphore, #tpu.memory_space<semaphore_mem>>)
    %dma_start3A_955 = arith.constant 31 : i32
    %dma_start3A_956 = arith.constant 620 : i32
    %dma_start3A_957 = arith.constant 0 : i32
    %dma_start3A_958 = tpu.memref_slice %arg7[%dma_start3A_956, %dma_start3A_957] : memref<640x128xf32, #tpu.memory_space<vmem>> -> memref<20x128xf32, #tpu.memory_space<vmem>>
    %dma_start3A_959 = arith.constant 0 : i32
    %dma_start3A_960 = tpu.memref_slice %arg6[%dma_start3A_955, %dma_start3A_959] : memref<32x20xi32, #tpu.memory_space<vmem>> -> memref<1x20xi32, #tpu.memory_space<vmem>>
    %dma_start3A_961 = tpu.memref_squeeze %dma_start3A_960 : memref<1x20xi32, #tpu.memory_space<vmem>> -> memref<20xi32, #tpu.memory_space<vmem>>
    %dma_start3A_962 = arith.constant 0 : i32
    %dma_start3A_963 = arith.constant 0 : i32
    %dma_start3A_964 = tpu.memref_slice %arg2[%dma_start3A_962, %dma_start3A_963] : memref<100000x128xf32, #tpu.memory_space<hbm>> -> memref<100000x128xf32, #tpu.memory_space<hbm>>
    tpu.enqueue_indirect_dma source(%dma_start3A_964 : memref<100000x128xf32, #tpu.memory_space<hbm>>) target(%dma_start3A_958 : memref<20x128xf32, #tpu.memory_space<vmem>>) offsets(%dma_start3A_961 : memref<20xi32, #tpu.memory_space<vmem>>) semaphore(%arg8 : memref<!tpu.dma_semaphore, #tpu.memory_space<semaphore_mem>>)
    %dma_wait3A_965 = arith.constant 0 : i32
    %dma_wait3A_966 = arith.constant 0 : i32
    %dma_wait3A_967 = arith.constant 0 : i32
    %dma_wait3A_968 = tpu.memref_slice %arg7[%dma_wait3A_966, %dma_wait3A_967] : memref<640x128xf32, #tpu.memory_space<vmem>> -> memref<20x128xf32, #tpu.memory_space<vmem>>
    %dma_wait3A_969 = arith.constant 0 : i32
    %dma_wait3A_970 = tpu.memref_slice %arg6[%dma_wait3A_965, %dma_wait3A_969] : memref<32x20xi32, #tpu.memory_space<vmem>> -> memref<1x20xi32, #tpu.memory_space<vmem>>
    %dma_wait3A_971 = tpu.memref_squeeze %dma_wait3A_970 : memref<1x20xi32, #tpu.memory_space<vmem>> -> memref<20xi32, #tpu.memory_space<vmem>>
    %dma_wait3A_972 = arith.constant 0 : i32
    %dma_wait3A_973 = arith.constant 0 : i32
    %dma_wait3A_974 = tpu.memref_slice %arg2[%dma_wait3A_972, %dma_wait3A_973] : memref<100000x128xf32, #tpu.memory_space<hbm>> -> memref<100000x128xf32, #tpu.memory_space<hbm>>
    tpu.wait_indirect_dma semaphore(%arg8 : memref<!tpu.dma_semaphore, #tpu.memory_space<semaphore_mem>>) src(%dma_wait3A_974 : memref<100000x128xf32, #tpu.memory_space<hbm>>) dst(%dma_wait3A_968 : memref<20x128xf32, #tpu.memory_space<vmem>>)
    %dma_wait3A_975 = arith.constant 1 : i32
    %dma_wait3A_976 = arith.constant 20 : i32
    %dma_wait3A_977 = arith.constant 0 : i32
    %dma_wait3A_978 = tpu.memref_slice %arg7[%dma_wait3A_976, %dma_wait3A_977] : memref<640x128xf32, #tpu.memory_space<vmem>> -> memref<20x128xf32, #tpu.memory_space<vmem>>
    %dma_wait3A_979 = arith.constant 0 : i32
    %dma_wait3A_980 = tpu.memref_slice %arg6[%dma_wait3A_975, %dma_wait3A_979] : memref<32x20xi32, #tpu.memory_space<vmem>> -> memref<1x20xi32, #tpu.memory_space<vmem>>
    %dma_wait3A_981 = tpu.memref_squeeze %dma_wait3A_980 : memref<1x20xi32, #tpu.memory_space<vmem>> -> memref<20xi32, #tpu.memory_space<vmem>>
    %dma_wait3A_982 = arith.constant 0 : i32
    %dma_wait3A_983 = arith.constant 0 : i32
    %dma_wait3A_984 = tpu.memref_slice %arg2[%dma_wait3A_982, %dma_wait3A_983] : memref<100000x128xf32, #tpu.memory_space<hbm>> -> memref<100000x128xf32, #tpu.memory_space<hbm>>
    tpu.wait_indirect_dma semaphore(%arg8 : memref<!tpu.dma_semaphore, #tpu.memory_space<semaphore_mem>>) src(%dma_wait3A_984 : memref<100000x128xf32, #tpu.memory_space<hbm>>) dst(%dma_wait3A_978 : memref<20x128xf32, #tpu.memory_space<vmem>>)
    %dma_wait3A_985 = arith.constant 2 : i32
    %dma_wait3A_986 = arith.constant 40 : i32
    %dma_wait3A_987 = arith.constant 0 : i32
    %dma_wait3A_988 = tpu.memref_slice %arg7[%dma_wait3A_986, %dma_wait3A_987] : memref<640x128xf32, #tpu.memory_space<vmem>> -> memref<20x128xf32, #tpu.memory_space<vmem>>
    %dma_wait3A_989 = arith.constant 0 : i32
    %dma_wait3A_990 = tpu.memref_slice %arg6[%dma_wait3A_985, %dma_wait3A_989] : memref<32x20xi32, #tpu.memory_space<vmem>> -> memref<1x20xi32, #tpu.memory_space<vmem>>
    %dma_wait3A_991 = tpu.memref_squeeze %dma_wait3A_990 : memref<1x20xi32, #tpu.memory_space<vmem>> -> memref<20xi32, #tpu.memory_space<vmem>>
    %dma_wait3A_992 = arith.constant 0 : i32
    %dma_wait3A_993 = arith.constant 0 : i32
    %dma_wait3A_994 = tpu.memref_slice %arg2[%dma_wait3A_992, %dma_wait3A_993] : memref<100000x128xf32, #tpu.memory_space<hbm>> -> memref<100000x128xf32, #tpu.memory_space<hbm>>
    tpu.wait_indirect_dma semaphore(%arg8 : memref<!tpu.dma_semaphore, #tpu.memory_space<semaphore_mem>>) src(%dma_wait3A_994 : memref<100000x128xf32, #tpu.memory_space<hbm>>) dst(%dma_wait3A_988 : memref<20x128xf32, #tpu.memory_space<vmem>>)
    %dma_wait3A_995 = arith.constant 3 : i32
    %dma_wait3A_996 = arith.constant 60 : i32
    %dma_wait3A_997 = arith.constant 0 : i32
    %dma_wait3A_998 = tpu.memref_slice %arg7[%dma_wait3A_996, %dma_wait3A_997] : memref<640x128xf32, #tpu.memory_space<vmem>> -> memref<20x128xf32, #tpu.memory_space<vmem>>
    %dma_wait3A_999 = arith.constant 0 : i32
    %dma_wait3A_1000 = tpu.memref_slice %arg6[%dma_wait3A_995, %dma_wait3A_999] : memref<32x20xi32, #tpu.memory_space<vmem>> -> memref<1x20xi32, #tpu.memory_space<vmem>>
    %dma_wait3A_1001 = tpu.memref_squeeze %dma_wait3A_1000 : memref<1x20xi32, #tpu.memory_space<vmem>> -> memref<20xi32, #tpu.memory_space<vmem>>
    %dma_wait3A_1002 = arith.constant 0 : i32
    %dma_wait3A_1003 = arith.constant 0 : i32
    %dma_wait3A_1004 = tpu.memref_slice %arg2[%dma_wait3A_1002, %dma_wait3A_1003] : memref<100000x128xf32, #tpu.memory_space<hbm>> -> memref<100000x128xf32, #tpu.memory_space<hbm>>
    tpu.wait_indirect_dma semaphore(%arg8 : memref<!tpu.dma_semaphore, #tpu.memory_space<semaphore_mem>>) src(%dma_wait3A_1004 : memref<100000x128xf32, #tpu.memory_space<hbm>>) dst(%dma_wait3A_998 : memref<20x128xf32, #tpu.memory_space<vmem>>)
    %dma_wait3A_1005 = arith.constant 4 : i32
    %dma_wait3A_1006 = arith.constant 80 : i32
    %dma_wait3A_1007 = arith.constant 0 : i32
    %dma_wait3A_1008 = tpu.memref_slice %arg7[%dma_wait3A_1006, %dma_wait3A_1007] : memref<640x128xf32, #tpu.memory_space<vmem>> -> memref<20x128xf32, #tpu.memory_space<vmem>>
    %dma_wait3A_1009 = arith.constant 0 : i32
    %dma_wait3A_1010 = tpu.memref_slice %arg6[%dma_wait3A_1005, %dma_wait3A_1009] : memref<32x20xi32, #tpu.memory_space<vmem>> -> memref<1x20xi32, #tpu.memory_space<vmem>>
    %dma_wait3A_1011 = tpu.memref_squeeze %dma_wait3A_1010 : memref<1x20xi32, #tpu.memory_space<vmem>> -> memref<20xi32, #tpu.memory_space<vmem>>
    %dma_wait3A_1012 = arith.constant 0 : i32
    %dma_wait3A_1013 = arith.constant 0 : i32
    %dma_wait3A_1014 = tpu.memref_slice %arg2[%dma_wait3A_1012, %dma_wait3A_1013] : memref<100000x128xf32, #tpu.memory_space<hbm>> -> memref<100000x128xf32, #tpu.memory_space<hbm>>
    tpu.wait_indirect_dma semaphore(%arg8 : memref<!tpu.dma_semaphore, #tpu.memory_space<semaphore_mem>>) src(%dma_wait3A_1014 : memref<100000x128xf32, #tpu.memory_space<hbm>>) dst(%dma_wait3A_1008 : memref<20x128xf32, #tpu.memory_space<vmem>>)
    %dma_wait3A_1015 = arith.constant 5 : i32
    %dma_wait3A_1016 = arith.constant 100 : i32
    %dma_wait3A_1017 = arith.constant 0 : i32
    %dma_wait3A_1018 = tpu.memref_slice %arg7[%dma_wait3A_1016, %dma_wait3A_1017] : memref<640x128xf32, #tpu.memory_space<vmem>> -> memref<20x128xf32, #tpu.memory_space<vmem>>
    %dma_wait3A_1019 = arith.constant 0 : i32
    %dma_wait3A_1020 = tpu.memref_slice %arg6[%dma_wait3A_1015, %dma_wait3A_1019] : memref<32x20xi32, #tpu.memory_space<vmem>> -> memref<1x20xi32, #tpu.memory_space<vmem>>
    %dma_wait3A_1021 = tpu.memref_squeeze %dma_wait3A_1020 : memref<1x20xi32, #tpu.memory_space<vmem>> -> memref<20xi32, #tpu.memory_space<vmem>>
    %dma_wait3A_1022 = arith.constant 0 : i32
    %dma_wait3A_1023 = arith.constant 0 : i32
    %dma_wait3A_1024 = tpu.memref_slice %arg2[%dma_wait3A_1022, %dma_wait3A_1023] : memref<100000x128xf32, #tpu.memory_space<hbm>> -> memref<100000x128xf32, #tpu.memory_space<hbm>>
    tpu.wait_indirect_dma semaphore(%arg8 : memref<!tpu.dma_semaphore, #tpu.memory_space<semaphore_mem>>) src(%dma_wait3A_1024 : memref<100000x128xf32, #tpu.memory_space<hbm>>) dst(%dma_wait3A_1018 : memref<20x128xf32, #tpu.memory_space<vmem>>)
    %dma_wait3A_1025 = arith.constant 6 : i32
    %dma_wait3A_1026 = arith.constant 120 : i32
    %dma_wait3A_1027 = arith.constant 0 : i32
    %dma_wait3A_1028 = tpu.memref_slice %arg7[%dma_wait3A_1026, %dma_wait3A_1027] : memref<640x128xf32, #tpu.memory_space<vmem>> -> memref<20x128xf32, #tpu.memory_space<vmem>>
    %dma_wait3A_1029 = arith.constant 0 : i32
    %dma_wait3A_1030 = tpu.memref_slice %arg6[%dma_wait3A_1025, %dma_wait3A_1029] : memref<32x20xi32, #tpu.memory_space<vmem>> -> memref<1x20xi32, #tpu.memory_space<vmem>>
    %dma_wait3A_1031 = tpu.memref_squeeze %dma_wait3A_1030 : memref<1x20xi32, #tpu.memory_space<vmem>> -> memref<20xi32, #tpu.memory_space<vmem>>
    %dma_wait3A_1032 = arith.constant 0 : i32
    %dma_wait3A_1033 = arith.constant 0 : i32
    %dma_wait3A_1034 = tpu.memref_slice %arg2[%dma_wait3A_1032, %dma_wait3A_1033] : memref<100000x128xf32, #tpu.memory_space<hbm>> -> memref<100000x128xf32, #tpu.memory_space<hbm>>
    tpu.wait_indirect_dma semaphore(%arg8 : memref<!tpu.dma_semaphore, #tpu.memory_space<semaphore_mem>>) src(%dma_wait3A_1034 : memref<100000x128xf32, #tpu.memory_space<hbm>>) dst(%dma_wait3A_1028 : memref<20x128xf32, #tpu.memory_space<vmem>>)
    %dma_wait3A_1035 = arith.constant 7 : i32
    %dma_wait3A_1036 = arith.constant 140 : i32
    %dma_wait3A_1037 = arith.constant 0 : i32
    %dma_wait3A_1038 = tpu.memref_slice %arg7[%dma_wait3A_1036, %dma_wait3A_1037] : memref<640x128xf32, #tpu.memory_space<vmem>> -> memref<20x128xf32, #tpu.memory_space<vmem>>
    %dma_wait3A_1039 = arith.constant 0 : i32
    %dma_wait3A_1040 = tpu.memref_slice %arg6[%dma_wait3A_1035, %dma_wait3A_1039] : memref<32x20xi32, #tpu.memory_space<vmem>> -> memref<1x20xi32, #tpu.memory_space<vmem>>
    %dma_wait3A_1041 = tpu.memref_squeeze %dma_wait3A_1040 : memref<1x20xi32, #tpu.memory_space<vmem>> -> memref<20xi32, #tpu.memory_space<vmem>>
    %dma_wait3A_1042 = arith.constant 0 : i32
    %dma_wait3A_1043 = arith.constant 0 : i32
    %dma_wait3A_1044 = tpu.memref_slice %arg2[%dma_wait3A_1042, %dma_wait3A_1043] : memref<100000x128xf32, #tpu.memory_space<hbm>> -> memref<100000x128xf32, #tpu.memory_space<hbm>>
    tpu.wait_indirect_dma semaphore(%arg8 : memref<!tpu.dma_semaphore, #tpu.memory_space<semaphore_mem>>) src(%dma_wait3A_1044 : memref<100000x128xf32, #tpu.memory_space<hbm>>) dst(%dma_wait3A_1038 : memref<20x128xf32, #tpu.memory_space<vmem>>)
    %dma_wait3A_1045 = arith.constant 8 : i32
    %dma_wait3A_1046 = arith.constant 160 : i32
    %dma_wait3A_1047 = arith.constant 0 : i32
    %dma_wait3A_1048 = tpu.memref_slice %arg7[%dma_wait3A_1046, %dma_wait3A_1047] : memref<640x128xf32, #tpu.memory_space<vmem>> -> memref<20x128xf32, #tpu.memory_space<vmem>>
    %dma_wait3A_1049 = arith.constant 0 : i32
    %dma_wait3A_1050 = tpu.memref_slice %arg6[%dma_wait3A_1045, %dma_wait3A_1049] : memref<32x20xi32, #tpu.memory_space<vmem>> -> memref<1x20xi32, #tpu.memory_space<vmem>>
    %dma_wait3A_1051 = tpu.memref_squeeze %dma_wait3A_1050 : memref<1x20xi32, #tpu.memory_space<vmem>> -> memref<20xi32, #tpu.memory_space<vmem>>
    %dma_wait3A_1052 = arith.constant 0 : i32
    %dma_wait3A_1053 = arith.constant 0 : i32
    %dma_wait3A_1054 = tpu.memref_slice %arg2[%dma_wait3A_1052, %dma_wait3A_1053] : memref<100000x128xf32, #tpu.memory_space<hbm>> -> memref<100000x128xf32, #tpu.memory_space<hbm>>
    tpu.wait_indirect_dma semaphore(%arg8 : memref<!tpu.dma_semaphore, #tpu.memory_space<semaphore_mem>>) src(%dma_wait3A_1054 : memref<100000x128xf32, #tpu.memory_space<hbm>>) dst(%dma_wait3A_1048 : memref<20x128xf32, #tpu.memory_space<vmem>>)
    %dma_wait3A_1055 = arith.constant 9 : i32
    %dma_wait3A_1056 = arith.constant 180 : i32
    %dma_wait3A_1057 = arith.constant 0 : i32
    %dma_wait3A_1058 = tpu.memref_slice %arg7[%dma_wait3A_1056, %dma_wait3A_1057] : memref<640x128xf32, #tpu.memory_space<vmem>> -> memref<20x128xf32, #tpu.memory_space<vmem>>
    %dma_wait3A_1059 = arith.constant 0 : i32
    %dma_wait3A_1060 = tpu.memref_slice %arg6[%dma_wait3A_1055, %dma_wait3A_1059] : memref<32x20xi32, #tpu.memory_space<vmem>> -> memref<1x20xi32, #tpu.memory_space<vmem>>
    %dma_wait3A_1061 = tpu.memref_squeeze %dma_wait3A_1060 : memref<1x20xi32, #tpu.memory_space<vmem>> -> memref<20xi32, #tpu.memory_space<vmem>>
    %dma_wait3A_1062 = arith.constant 0 : i32
    %dma_wait3A_1063 = arith.constant 0 : i32
    %dma_wait3A_1064 = tpu.memref_slice %arg2[%dma_wait3A_1062, %dma_wait3A_1063] : memref<100000x128xf32, #tpu.memory_space<hbm>> -> memref<100000x128xf32, #tpu.memory_space<hbm>>
    tpu.wait_indirect_dma semaphore(%arg8 : memref<!tpu.dma_semaphore, #tpu.memory_space<semaphore_mem>>) src(%dma_wait3A_1064 : memref<100000x128xf32, #tpu.memory_space<hbm>>) dst(%dma_wait3A_1058 : memref<20x128xf32, #tpu.memory_space<vmem>>)
    %dma_wait3A_1065 = arith.constant 10 : i32
    %dma_wait3A_1066 = arith.constant 200 : i32
    %dma_wait3A_1067 = arith.constant 0 : i32
    %dma_wait3A_1068 = tpu.memref_slice %arg7[%dma_wait3A_1066, %dma_wait3A_1067] : memref<640x128xf32, #tpu.memory_space<vmem>> -> memref<20x128xf32, #tpu.memory_space<vmem>>
    %dma_wait3A_1069 = arith.constant 0 : i32
    %dma_wait3A_1070 = tpu.memref_slice %arg6[%dma_wait3A_1065, %dma_wait3A_1069] : memref<32x20xi32, #tpu.memory_space<vmem>> -> memref<1x20xi32, #tpu.memory_space<vmem>>
    %dma_wait3A_1071 = tpu.memref_squeeze %dma_wait3A_1070 : memref<1x20xi32, #tpu.memory_space<vmem>> -> memref<20xi32, #tpu.memory_space<vmem>>
    %dma_wait3A_1072 = arith.constant 0 : i32
    %dma_wait3A_1073 = arith.constant 0 : i32
    %dma_wait3A_1074 = tpu.memref_slice %arg2[%dma_wait3A_1072, %dma_wait3A_1073] : memref<100000x128xf32, #tpu.memory_space<hbm>> -> memref<100000x128xf32, #tpu.memory_space<hbm>>
    tpu.wait_indirect_dma semaphore(%arg8 : memref<!tpu.dma_semaphore, #tpu.memory_space<semaphore_mem>>) src(%dma_wait3A_1074 : memref<100000x128xf32, #tpu.memory_space<hbm>>) dst(%dma_wait3A_1068 : memref<20x128xf32, #tpu.memory_space<vmem>>)
    %dma_wait3A_1075 = arith.constant 11 : i32
    %dma_wait3A_1076 = arith.constant 220 : i32
    %dma_wait3A_1077 = arith.constant 0 : i32
    %dma_wait3A_1078 = tpu.memref_slice %arg7[%dma_wait3A_1076, %dma_wait3A_1077] : memref<640x128xf32, #tpu.memory_space<vmem>> -> memref<20x128xf32, #tpu.memory_space<vmem>>
    %dma_wait3A_1079 = arith.constant 0 : i32
    %dma_wait3A_1080 = tpu.memref_slice %arg6[%dma_wait3A_1075, %dma_wait3A_1079] : memref<32x20xi32, #tpu.memory_space<vmem>> -> memref<1x20xi32, #tpu.memory_space<vmem>>
    %dma_wait3A_1081 = tpu.memref_squeeze %dma_wait3A_1080 : memref<1x20xi32, #tpu.memory_space<vmem>> -> memref<20xi32, #tpu.memory_space<vmem>>
    %dma_wait3A_1082 = arith.constant 0 : i32
    %dma_wait3A_1083 = arith.constant 0 : i32
    %dma_wait3A_1084 = tpu.memref_slice %arg2[%dma_wait3A_1082, %dma_wait3A_1083] : memref<100000x128xf32, #tpu.memory_space<hbm>> -> memref<100000x128xf32, #tpu.memory_space<hbm>>
    tpu.wait_indirect_dma semaphore(%arg8 : memref<!tpu.dma_semaphore, #tpu.memory_space<semaphore_mem>>) src(%dma_wait3A_1084 : memref<100000x128xf32, #tpu.memory_space<hbm>>) dst(%dma_wait3A_1078 : memref<20x128xf32, #tpu.memory_space<vmem>>)
    %dma_wait3A_1085 = arith.constant 12 : i32
    %dma_wait3A_1086 = arith.constant 240 : i32
    %dma_wait3A_1087 = arith.constant 0 : i32
    %dma_wait3A_1088 = tpu.memref_slice %arg7[%dma_wait3A_1086, %dma_wait3A_1087] : memref<640x128xf32, #tpu.memory_space<vmem>> -> memref<20x128xf32, #tpu.memory_space<vmem>>
    %dma_wait3A_1089 = arith.constant 0 : i32
    %dma_wait3A_1090 = tpu.memref_slice %arg6[%dma_wait3A_1085, %dma_wait3A_1089] : memref<32x20xi32, #tpu.memory_space<vmem>> -> memref<1x20xi32, #tpu.memory_space<vmem>>
    %dma_wait3A_1091 = tpu.memref_squeeze %dma_wait3A_1090 : memref<1x20xi32, #tpu.memory_space<vmem>> -> memref<20xi32, #tpu.memory_space<vmem>>
    %dma_wait3A_1092 = arith.constant 0 : i32
    %dma_wait3A_1093 = arith.constant 0 : i32
    %dma_wait3A_1094 = tpu.memref_slice %arg2[%dma_wait3A_1092, %dma_wait3A_1093] : memref<100000x128xf32, #tpu.memory_space<hbm>> -> memref<100000x128xf32, #tpu.memory_space<hbm>>
    tpu.wait_indirect_dma semaphore(%arg8 : memref<!tpu.dma_semaphore, #tpu.memory_space<semaphore_mem>>) src(%dma_wait3A_1094 : memref<100000x128xf32, #tpu.memory_space<hbm>>) dst(%dma_wait3A_1088 : memref<20x128xf32, #tpu.memory_space<vmem>>)
    %dma_wait3A_1095 = arith.constant 13 : i32
    %dma_wait3A_1096 = arith.constant 260 : i32
    %dma_wait3A_1097 = arith.constant 0 : i32
    %dma_wait3A_1098 = tpu.memref_slice %arg7[%dma_wait3A_1096, %dma_wait3A_1097] : memref<640x128xf32, #tpu.memory_space<vmem>> -> memref<20x128xf32, #tpu.memory_space<vmem>>
    %dma_wait3A_1099 = arith.constant 0 : i32
    %dma_wait3A_1100 = tpu.memref_slice %arg6[%dma_wait3A_1095, %dma_wait3A_1099] : memref<32x20xi32, #tpu.memory_space<vmem>> -> memref<1x20xi32, #tpu.memory_space<vmem>>
    %dma_wait3A_1101 = tpu.memref_squeeze %dma_wait3A_1100 : memref<1x20xi32, #tpu.memory_space<vmem>> -> memref<20xi32, #tpu.memory_space<vmem>>
    %dma_wait3A_1102 = arith.constant 0 : i32
    %dma_wait3A_1103 = arith.constant 0 : i32
    %dma_wait3A_1104 = tpu.memref_slice %arg2[%dma_wait3A_1102, %dma_wait3A_1103] : memref<100000x128xf32, #tpu.memory_space<hbm>> -> memref<100000x128xf32, #tpu.memory_space<hbm>>
    tpu.wait_indirect_dma semaphore(%arg8 : memref<!tpu.dma_semaphore, #tpu.memory_space<semaphore_mem>>) src(%dma_wait3A_1104 : memref<100000x128xf32, #tpu.memory_space<hbm>>) dst(%dma_wait3A_1098 : memref<20x128xf32, #tpu.memory_space<vmem>>)
    %dma_wait3A_1105 = arith.constant 14 : i32
    %dma_wait3A_1106 = arith.constant 280 : i32
    %dma_wait3A_1107 = arith.constant 0 : i32
    %dma_wait3A_1108 = tpu.memref_slice %arg7[%dma_wait3A_1106, %dma_wait3A_1107] : memref<640x128xf32, #tpu.memory_space<vmem>> -> memref<20x128xf32, #tpu.memory_space<vmem>>
    %dma_wait3A_1109 = arith.constant 0 : i32
    %dma_wait3A_1110 = tpu.memref_slice %arg6[%dma_wait3A_1105, %dma_wait3A_1109] : memref<32x20xi32, #tpu.memory_space<vmem>> -> memref<1x20xi32, #tpu.memory_space<vmem>>
    %dma_wait3A_1111 = tpu.memref_squeeze %dma_wait3A_1110 : memref<1x20xi32, #tpu.memory_space<vmem>> -> memref<20xi32, #tpu.memory_space<vmem>>
    %dma_wait3A_1112 = arith.constant 0 : i32
    %dma_wait3A_1113 = arith.constant 0 : i32
    %dma_wait3A_1114 = tpu.memref_slice %arg2[%dma_wait3A_1112, %dma_wait3A_1113] : memref<100000x128xf32, #tpu.memory_space<hbm>> -> memref<100000x128xf32, #tpu.memory_space<hbm>>
    tpu.wait_indirect_dma semaphore(%arg8 : memref<!tpu.dma_semaphore, #tpu.memory_space<semaphore_mem>>) src(%dma_wait3A_1114 : memref<100000x128xf32, #tpu.memory_space<hbm>>) dst(%dma_wait3A_1108 : memref<20x128xf32, #tpu.memory_space<vmem>>)
    %dma_wait3A_1115 = arith.constant 15 : i32
    %dma_wait3A_1116 = arith.constant 300 : i32
    %dma_wait3A_1117 = arith.constant 0 : i32
    %dma_wait3A_1118 = tpu.memref_slice %arg7[%dma_wait3A_1116, %dma_wait3A_1117] : memref<640x128xf32, #tpu.memory_space<vmem>> -> memref<20x128xf32, #tpu.memory_space<vmem>>
    %dma_wait3A_1119 = arith.constant 0 : i32
    %dma_wait3A_1120 = tpu.memref_slice %arg6[%dma_wait3A_1115, %dma_wait3A_1119] : memref<32x20xi32, #tpu.memory_space<vmem>> -> memref<1x20xi32, #tpu.memory_space<vmem>>
    %dma_wait3A_1121 = tpu.memref_squeeze %dma_wait3A_1120 : memref<1x20xi32, #tpu.memory_space<vmem>> -> memref<20xi32, #tpu.memory_space<vmem>>
    %dma_wait3A_1122 = arith.constant 0 : i32
    %dma_wait3A_1123 = arith.constant 0 : i32
    %dma_wait3A_1124 = tpu.memref_slice %arg2[%dma_wait3A_1122, %dma_wait3A_1123] : memref<100000x128xf32, #tpu.memory_space<hbm>> -> memref<100000x128xf32, #tpu.memory_space<hbm>>
    tpu.wait_indirect_dma semaphore(%arg8 : memref<!tpu.dma_semaphore, #tpu.memory_space<semaphore_mem>>) src(%dma_wait3A_1124 : memref<100000x128xf32, #tpu.memory_space<hbm>>) dst(%dma_wait3A_1118 : memref<20x128xf32, #tpu.memory_space<vmem>>)
    %dma_wait3A_1125 = arith.constant 16 : i32
    %dma_wait3A_1126 = arith.constant 320 : i32
    %dma_wait3A_1127 = arith.constant 0 : i32
    %dma_wait3A_1128 = tpu.memref_slice %arg7[%dma_wait3A_1126, %dma_wait3A_1127] : memref<640x128xf32, #tpu.memory_space<vmem>> -> memref<20x128xf32, #tpu.memory_space<vmem>>
    %dma_wait3A_1129 = arith.constant 0 : i32
    %dma_wait3A_1130 = tpu.memref_slice %arg6[%dma_wait3A_1125, %dma_wait3A_1129] : memref<32x20xi32, #tpu.memory_space<vmem>> -> memref<1x20xi32, #tpu.memory_space<vmem>>
    %dma_wait3A_1131 = tpu.memref_squeeze %dma_wait3A_1130 : memref<1x20xi32, #tpu.memory_space<vmem>> -> memref<20xi32, #tpu.memory_space<vmem>>
    %dma_wait3A_1132 = arith.constant 0 : i32
    %dma_wait3A_1133 = arith.constant 0 : i32
    %dma_wait3A_1134 = tpu.memref_slice %arg2[%dma_wait3A_1132, %dma_wait3A_1133] : memref<100000x128xf32, #tpu.memory_space<hbm>> -> memref<100000x128xf32, #tpu.memory_space<hbm>>
    tpu.wait_indirect_dma semaphore(%arg8 : memref<!tpu.dma_semaphore, #tpu.memory_space<semaphore_mem>>) src(%dma_wait3A_1134 : memref<100000x128xf32, #tpu.memory_space<hbm>>) dst(%dma_wait3A_1128 : memref<20x128xf32, #tpu.memory_space<vmem>>)
    %dma_wait3A_1135 = arith.constant 17 : i32
    %dma_wait3A_1136 = arith.constant 340 : i32
    %dma_wait3A_1137 = arith.constant 0 : i32
    %dma_wait3A_1138 = tpu.memref_slice %arg7[%dma_wait3A_1136, %dma_wait3A_1137] : memref<640x128xf32, #tpu.memory_space<vmem>> -> memref<20x128xf32, #tpu.memory_space<vmem>>
    %dma_wait3A_1139 = arith.constant 0 : i32
    %dma_wait3A_1140 = tpu.memref_slice %arg6[%dma_wait3A_1135, %dma_wait3A_1139] : memref<32x20xi32, #tpu.memory_space<vmem>> -> memref<1x20xi32, #tpu.memory_space<vmem>>
    %dma_wait3A_1141 = tpu.memref_squeeze %dma_wait3A_1140 : memref<1x20xi32, #tpu.memory_space<vmem>> -> memref<20xi32, #tpu.memory_space<vmem>>
    %dma_wait3A_1142 = arith.constant 0 : i32
    %dma_wait3A_1143 = arith.constant 0 : i32
    %dma_wait3A_1144 = tpu.memref_slice %arg2[%dma_wait3A_1142, %dma_wait3A_1143] : memref<100000x128xf32, #tpu.memory_space<hbm>> -> memref<100000x128xf32, #tpu.memory_space<hbm>>
    tpu.wait_indirect_dma semaphore(%arg8 : memref<!tpu.dma_semaphore, #tpu.memory_space<semaphore_mem>>) src(%dma_wait3A_1144 : memref<100000x128xf32, #tpu.memory_space<hbm>>) dst(%dma_wait3A_1138 : memref<20x128xf32, #tpu.memory_space<vmem>>)
    %dma_wait3A_1145 = arith.constant 18 : i32
    %dma_wait3A_1146 = arith.constant 360 : i32
    %dma_wait3A_1147 = arith.constant 0 : i32
    %dma_wait3A_1148 = tpu.memref_slice %arg7[%dma_wait3A_1146, %dma_wait3A_1147] : memref<640x128xf32, #tpu.memory_space<vmem>> -> memref<20x128xf32, #tpu.memory_space<vmem>>
    %dma_wait3A_1149 = arith.constant 0 : i32
    %dma_wait3A_1150 = tpu.memref_slice %arg6[%dma_wait3A_1145, %dma_wait3A_1149] : memref<32x20xi32, #tpu.memory_space<vmem>> -> memref<1x20xi32, #tpu.memory_space<vmem>>
    %dma_wait3A_1151 = tpu.memref_squeeze %dma_wait3A_1150 : memref<1x20xi32, #tpu.memory_space<vmem>> -> memref<20xi32, #tpu.memory_space<vmem>>
    %dma_wait3A_1152 = arith.constant 0 : i32
    %dma_wait3A_1153 = arith.constant 0 : i32
    %dma_wait3A_1154 = tpu.memref_slice %arg2[%dma_wait3A_1152, %dma_wait3A_1153] : memref<100000x128xf32, #tpu.memory_space<hbm>> -> memref<100000x128xf32, #tpu.memory_space<hbm>>
    tpu.wait_indirect_dma semaphore(%arg8 : memref<!tpu.dma_semaphore, #tpu.memory_space<semaphore_mem>>) src(%dma_wait3A_1154 : memref<100000x128xf32, #tpu.memory_space<hbm>>) dst(%dma_wait3A_1148 : memref<20x128xf32, #tpu.memory_space<vmem>>)
    %dma_wait3A_1155 = arith.constant 19 : i32
    %dma_wait3A_1156 = arith.constant 380 : i32
    %dma_wait3A_1157 = arith.constant 0 : i32
    %dma_wait3A_1158 = tpu.memref_slice %arg7[%dma_wait3A_1156, %dma_wait3A_1157] : memref<640x128xf32, #tpu.memory_space<vmem>> -> memref<20x128xf32, #tpu.memory_space<vmem>>
    %dma_wait3A_1159 = arith.constant 0 : i32
    %dma_wait3A_1160 = tpu.memref_slice %arg6[%dma_wait3A_1155, %dma_wait3A_1159] : memref<32x20xi32, #tpu.memory_space<vmem>> -> memref<1x20xi32, #tpu.memory_space<vmem>>
    %dma_wait3A_1161 = tpu.memref_squeeze %dma_wait3A_1160 : memref<1x20xi32, #tpu.memory_space<vmem>> -> memref<20xi32, #tpu.memory_space<vmem>>
    %dma_wait3A_1162 = arith.constant 0 : i32
    %dma_wait3A_1163 = arith.constant 0 : i32
    %dma_wait3A_1164 = tpu.memref_slice %arg2[%dma_wait3A_1162, %dma_wait3A_1163] : memref<100000x128xf32, #tpu.memory_space<hbm>> -> memref<100000x128xf32, #tpu.memory_space<hbm>>
    tpu.wait_indirect_dma semaphore(%arg8 : memref<!tpu.dma_semaphore, #tpu.memory_space<semaphore_mem>>) src(%dma_wait3A_1164 : memref<100000x128xf32, #tpu.memory_space<hbm>>) dst(%dma_wait3A_1158 : memref<20x128xf32, #tpu.memory_space<vmem>>)
    %dma_wait3A_1165 = arith.constant 20 : i32
    %dma_wait3A_1166 = arith.constant 400 : i32
    %dma_wait3A_1167 = arith.constant 0 : i32
    %dma_wait3A_1168 = tpu.memref_slice %arg7[%dma_wait3A_1166, %dma_wait3A_1167] : memref<640x128xf32, #tpu.memory_space<vmem>> -> memref<20x128xf32, #tpu.memory_space<vmem>>
    %dma_wait3A_1169 = arith.constant 0 : i32
    %dma_wait3A_1170 = tpu.memref_slice %arg6[%dma_wait3A_1165, %dma_wait3A_1169] : memref<32x20xi32, #tpu.memory_space<vmem>> -> memref<1x20xi32, #tpu.memory_space<vmem>>
    %dma_wait3A_1171 = tpu.memref_squeeze %dma_wait3A_1170 : memref<1x20xi32, #tpu.memory_space<vmem>> -> memref<20xi32, #tpu.memory_space<vmem>>
    %dma_wait3A_1172 = arith.constant 0 : i32
    %dma_wait3A_1173 = arith.constant 0 : i32
    %dma_wait3A_1174 = tpu.memref_slice %arg2[%dma_wait3A_1172, %dma_wait3A_1173] : memref<100000x128xf32, #tpu.memory_space<hbm>> -> memref<100000x128xf32, #tpu.memory_space<hbm>>
    tpu.wait_indirect_dma semaphore(%arg8 : memref<!tpu.dma_semaphore, #tpu.memory_space<semaphore_mem>>) src(%dma_wait3A_1174 : memref<100000x128xf32, #tpu.memory_space<hbm>>) dst(%dma_wait3A_1168 : memref<20x128xf32, #tpu.memory_space<vmem>>)
    %dma_wait3A_1175 = arith.constant 21 : i32
    %dma_wait3A_1176 = arith.constant 420 : i32
    %dma_wait3A_1177 = arith.constant 0 : i32
    %dma_wait3A_1178 = tpu.memref_slice %arg7[%dma_wait3A_1176, %dma_wait3A_1177] : memref<640x128xf32, #tpu.memory_space<vmem>> -> memref<20x128xf32, #tpu.memory_space<vmem>>
    %dma_wait3A_1179 = arith.constant 0 : i32
    %dma_wait3A_1180 = tpu.memref_slice %arg6[%dma_wait3A_1175, %dma_wait3A_1179] : memref<32x20xi32, #tpu.memory_space<vmem>> -> memref<1x20xi32, #tpu.memory_space<vmem>>
    %dma_wait3A_1181 = tpu.memref_squeeze %dma_wait3A_1180 : memref<1x20xi32, #tpu.memory_space<vmem>> -> memref<20xi32, #tpu.memory_space<vmem>>
    %dma_wait3A_1182 = arith.constant 0 : i32
    %dma_wait3A_1183 = arith.constant 0 : i32
    %dma_wait3A_1184 = tpu.memref_slice %arg2[%dma_wait3A_1182, %dma_wait3A_1183] : memref<100000x128xf32, #tpu.memory_space<hbm>> -> memref<100000x128xf32, #tpu.memory_space<hbm>>
    tpu.wait_indirect_dma semaphore(%arg8 : memref<!tpu.dma_semaphore, #tpu.memory_space<semaphore_mem>>) src(%dma_wait3A_1184 : memref<100000x128xf32, #tpu.memory_space<hbm>>) dst(%dma_wait3A_1178 : memref<20x128xf32, #tpu.memory_space<vmem>>)
    %dma_wait3A_1185 = arith.constant 22 : i32
    %dma_wait3A_1186 = arith.constant 440 : i32
    %dma_wait3A_1187 = arith.constant 0 : i32
    %dma_wait3A_1188 = tpu.memref_slice %arg7[%dma_wait3A_1186, %dma_wait3A_1187] : memref<640x128xf32, #tpu.memory_space<vmem>> -> memref<20x128xf32, #tpu.memory_space<vmem>>
    %dma_wait3A_1189 = arith.constant 0 : i32
    %dma_wait3A_1190 = tpu.memref_slice %arg6[%dma_wait3A_1185, %dma_wait3A_1189] : memref<32x20xi32, #tpu.memory_space<vmem>> -> memref<1x20xi32, #tpu.memory_space<vmem>>
    %dma_wait3A_1191 = tpu.memref_squeeze %dma_wait3A_1190 : memref<1x20xi32, #tpu.memory_space<vmem>> -> memref<20xi32, #tpu.memory_space<vmem>>
    %dma_wait3A_1192 = arith.constant 0 : i32
    %dma_wait3A_1193 = arith.constant 0 : i32
    %dma_wait3A_1194 = tpu.memref_slice %arg2[%dma_wait3A_1192, %dma_wait3A_1193] : memref<100000x128xf32, #tpu.memory_space<hbm>> -> memref<100000x128xf32, #tpu.memory_space<hbm>>
    tpu.wait_indirect_dma semaphore(%arg8 : memref<!tpu.dma_semaphore, #tpu.memory_space<semaphore_mem>>) src(%dma_wait3A_1194 : memref<100000x128xf32, #tpu.memory_space<hbm>>) dst(%dma_wait3A_1188 : memref<20x128xf32, #tpu.memory_space<vmem>>)
    %dma_wait3A_1195 = arith.constant 23 : i32
    %dma_wait3A_1196 = arith.constant 460 : i32
    %dma_wait3A_1197 = arith.constant 0 : i32
    %dma_wait3A_1198 = tpu.memref_slice %arg7[%dma_wait3A_1196, %dma_wait3A_1197] : memref<640x128xf32, #tpu.memory_space<vmem>> -> memref<20x128xf32, #tpu.memory_space<vmem>>
    %dma_wait3A_1199 = arith.constant 0 : i32
    %dma_wait3A_1200 = tpu.memref_slice %arg6[%dma_wait3A_1195, %dma_wait3A_1199] : memref<32x20xi32, #tpu.memory_space<vmem>> -> memref<1x20xi32, #tpu.memory_space<vmem>>
    %dma_wait3A_1201 = tpu.memref_squeeze %dma_wait3A_1200 : memref<1x20xi32, #tpu.memory_space<vmem>> -> memref<20xi32, #tpu.memory_space<vmem>>
    %dma_wait3A_1202 = arith.constant 0 : i32
    %dma_wait3A_1203 = arith.constant 0 : i32
    %dma_wait3A_1204 = tpu.memref_slice %arg2[%dma_wait3A_1202, %dma_wait3A_1203] : memref<100000x128xf32, #tpu.memory_space<hbm>> -> memref<100000x128xf32, #tpu.memory_space<hbm>>
    tpu.wait_indirect_dma semaphore(%arg8 : memref<!tpu.dma_semaphore, #tpu.memory_space<semaphore_mem>>) src(%dma_wait3A_1204 : memref<100000x128xf32, #tpu.memory_space<hbm>>) dst(%dma_wait3A_1198 : memref<20x128xf32, #tpu.memory_space<vmem>>)
    %dma_wait3A_1205 = arith.constant 24 : i32
    %dma_wait3A_1206 = arith.constant 480 : i32
    %dma_wait3A_1207 = arith.constant 0 : i32
    %dma_wait3A_1208 = tpu.memref_slice %arg7[%dma_wait3A_1206, %dma_wait3A_1207] : memref<640x128xf32, #tpu.memory_space<vmem>> -> memref<20x128xf32, #tpu.memory_space<vmem>>
    %dma_wait3A_1209 = arith.constant 0 : i32
    %dma_wait3A_1210 = tpu.memref_slice %arg6[%dma_wait3A_1205, %dma_wait3A_1209] : memref<32x20xi32, #tpu.memory_space<vmem>> -> memref<1x20xi32, #tpu.memory_space<vmem>>
    %dma_wait3A_1211 = tpu.memref_squeeze %dma_wait3A_1210 : memref<1x20xi32, #tpu.memory_space<vmem>> -> memref<20xi32, #tpu.memory_space<vmem>>
    %dma_wait3A_1212 = arith.constant 0 : i32
    %dma_wait3A_1213 = arith.constant 0 : i32
    %dma_wait3A_1214 = tpu.memref_slice %arg2[%dma_wait3A_1212, %dma_wait3A_1213] : memref<100000x128xf32, #tpu.memory_space<hbm>> -> memref<100000x128xf32, #tpu.memory_space<hbm>>
    tpu.wait_indirect_dma semaphore(%arg8 : memref<!tpu.dma_semaphore, #tpu.memory_space<semaphore_mem>>) src(%dma_wait3A_1214 : memref<100000x128xf32, #tpu.memory_space<hbm>>) dst(%dma_wait3A_1208 : memref<20x128xf32, #tpu.memory_space<vmem>>)
    %dma_wait3A_1215 = arith.constant 25 : i32
    %dma_wait3A_1216 = arith.constant 500 : i32
    %dma_wait3A_1217 = arith.constant 0 : i32
    %dma_wait3A_1218 = tpu.memref_slice %arg7[%dma_wait3A_1216, %dma_wait3A_1217] : memref<640x128xf32, #tpu.memory_space<vmem>> -> memref<20x128xf32, #tpu.memory_space<vmem>>
    %dma_wait3A_1219 = arith.constant 0 : i32
    %dma_wait3A_1220 = tpu.memref_slice %arg6[%dma_wait3A_1215, %dma_wait3A_1219] : memref<32x20xi32, #tpu.memory_space<vmem>> -> memref<1x20xi32, #tpu.memory_space<vmem>>
    %dma_wait3A_1221 = tpu.memref_squeeze %dma_wait3A_1220 : memref<1x20xi32, #tpu.memory_space<vmem>> -> memref<20xi32, #tpu.memory_space<vmem>>
    %dma_wait3A_1222 = arith.constant 0 : i32
    %dma_wait3A_1223 = arith.constant 0 : i32
    %dma_wait3A_1224 = tpu.memref_slice %arg2[%dma_wait3A_1222, %dma_wait3A_1223] : memref<100000x128xf32, #tpu.memory_space<hbm>> -> memref<100000x128xf32, #tpu.memory_space<hbm>>
    tpu.wait_indirect_dma semaphore(%arg8 : memref<!tpu.dma_semaphore, #tpu.memory_space<semaphore_mem>>) src(%dma_wait3A_1224 : memref<100000x128xf32, #tpu.memory_space<hbm>>) dst(%dma_wait3A_1218 : memref<20x128xf32, #tpu.memory_space<vmem>>)
    %dma_wait3A_1225 = arith.constant 26 : i32
    %dma_wait3A_1226 = arith.constant 520 : i32
    %dma_wait3A_1227 = arith.constant 0 : i32
    %dma_wait3A_1228 = tpu.memref_slice %arg7[%dma_wait3A_1226, %dma_wait3A_1227] : memref<640x128xf32, #tpu.memory_space<vmem>> -> memref<20x128xf32, #tpu.memory_space<vmem>>
    %dma_wait3A_1229 = arith.constant 0 : i32
    %dma_wait3A_1230 = tpu.memref_slice %arg6[%dma_wait3A_1225, %dma_wait3A_1229] : memref<32x20xi32, #tpu.memory_space<vmem>> -> memref<1x20xi32, #tpu.memory_space<vmem>>
    %dma_wait3A_1231 = tpu.memref_squeeze %dma_wait3A_1230 : memref<1x20xi32, #tpu.memory_space<vmem>> -> memref<20xi32, #tpu.memory_space<vmem>>
    %dma_wait3A_1232 = arith.constant 0 : i32
    %dma_wait3A_1233 = arith.constant 0 : i32
    %dma_wait3A_1234 = tpu.memref_slice %arg2[%dma_wait3A_1232, %dma_wait3A_1233] : memref<100000x128xf32, #tpu.memory_space<hbm>> -> memref<100000x128xf32, #tpu.memory_space<hbm>>
    tpu.wait_indirect_dma semaphore(%arg8 : memref<!tpu.dma_semaphore, #tpu.memory_space<semaphore_mem>>) src(%dma_wait3A_1234 : memref<100000x128xf32, #tpu.memory_space<hbm>>) dst(%dma_wait3A_1228 : memref<20x128xf32, #tpu.memory_space<vmem>>)
    %dma_wait3A_1235 = arith.constant 27 : i32
    %dma_wait3A_1236 = arith.constant 540 : i32
    %dma_wait3A_1237 = arith.constant 0 : i32
    %dma_wait3A_1238 = tpu.memref_slice %arg7[%dma_wait3A_1236, %dma_wait3A_1237] : memref<640x128xf32, #tpu.memory_space<vmem>> -> memref<20x128xf32, #tpu.memory_space<vmem>>
    %dma_wait3A_1239 = arith.constant 0 : i32
    %dma_wait3A_1240 = tpu.memref_slice %arg6[%dma_wait3A_1235, %dma_wait3A_1239] : memref<32x20xi32, #tpu.memory_space<vmem>> -> memref<1x20xi32, #tpu.memory_space<vmem>>
    %dma_wait3A_1241 = tpu.memref_squeeze %dma_wait3A_1240 : memref<1x20xi32, #tpu.memory_space<vmem>> -> memref<20xi32, #tpu.memory_space<vmem>>
    %dma_wait3A_1242 = arith.constant 0 : i32
    %dma_wait3A_1243 = arith.constant 0 : i32
    %dma_wait3A_1244 = tpu.memref_slice %arg2[%dma_wait3A_1242, %dma_wait3A_1243] : memref<100000x128xf32, #tpu.memory_space<hbm>> -> memref<100000x128xf32, #tpu.memory_space<hbm>>
    tpu.wait_indirect_dma semaphore(%arg8 : memref<!tpu.dma_semaphore, #tpu.memory_space<semaphore_mem>>) src(%dma_wait3A_1244 : memref<100000x128xf32, #tpu.memory_space<hbm>>) dst(%dma_wait3A_1238 : memref<20x128xf32, #tpu.memory_space<vmem>>)
    %dma_wait3A_1245 = arith.constant 28 : i32
    %dma_wait3A_1246 = arith.constant 560 : i32
    %dma_wait3A_1247 = arith.constant 0 : i32
    %dma_wait3A_1248 = tpu.memref_slice %arg7[%dma_wait3A_1246, %dma_wait3A_1247] : memref<640x128xf32, #tpu.memory_space<vmem>> -> memref<20x128xf32, #tpu.memory_space<vmem>>
    %dma_wait3A_1249 = arith.constant 0 : i32
    %dma_wait3A_1250 = tpu.memref_slice %arg6[%dma_wait3A_1245, %dma_wait3A_1249] : memref<32x20xi32, #tpu.memory_space<vmem>> -> memref<1x20xi32, #tpu.memory_space<vmem>>
    %dma_wait3A_1251 = tpu.memref_squeeze %dma_wait3A_1250 : memref<1x20xi32, #tpu.memory_space<vmem>> -> memref<20xi32, #tpu.memory_space<vmem>>
    %dma_wait3A_1252 = arith.constant 0 : i32
    %dma_wait3A_1253 = arith.constant 0 : i32
    %dma_wait3A_1254 = tpu.memref_slice %arg2[%dma_wait3A_1252, %dma_wait3A_1253] : memref<100000x128xf32, #tpu.memory_space<hbm>> -> memref<100000x128xf32, #tpu.memory_space<hbm>>
    tpu.wait_indirect_dma semaphore(%arg8 : memref<!tpu.dma_semaphore, #tpu.memory_space<semaphore_mem>>) src(%dma_wait3A_1254 : memref<100000x128xf32, #tpu.memory_space<hbm>>) dst(%dma_wait3A_1248 : memref<20x128xf32, #tpu.memory_space<vmem>>)
    %dma_wait3A_1255 = arith.constant 29 : i32
    %dma_wait3A_1256 = arith.constant 580 : i32
    %dma_wait3A_1257 = arith.constant 0 : i32
    %dma_wait3A_1258 = tpu.memref_slice %arg7[%dma_wait3A_1256, %dma_wait3A_1257] : memref<640x128xf32, #tpu.memory_space<vmem>> -> memref<20x128xf32, #tpu.memory_space<vmem>>
    %dma_wait3A_1259 = arith.constant 0 : i32
    %dma_wait3A_1260 = tpu.memref_slice %arg6[%dma_wait3A_1255, %dma_wait3A_1259] : memref<32x20xi32, #tpu.memory_space<vmem>> -> memref<1x20xi32, #tpu.memory_space<vmem>>
    %dma_wait3A_1261 = tpu.memref_squeeze %dma_wait3A_1260 : memref<1x20xi32, #tpu.memory_space<vmem>> -> memref<20xi32, #tpu.memory_space<vmem>>
    %dma_wait3A_1262 = arith.constant 0 : i32
    %dma_wait3A_1263 = arith.constant 0 : i32
    %dma_wait3A_1264 = tpu.memref_slice %arg2[%dma_wait3A_1262, %dma_wait3A_1263] : memref<100000x128xf32, #tpu.memory_space<hbm>> -> memref<100000x128xf32, #tpu.memory_space<hbm>>
    tpu.wait_indirect_dma semaphore(%arg8 : memref<!tpu.dma_semaphore, #tpu.memory_space<semaphore_mem>>) src(%dma_wait3A_1264 : memref<100000x128xf32, #tpu.memory_space<hbm>>) dst(%dma_wait3A_1258 : memref<20x128xf32, #tpu.memory_space<vmem>>)
    %dma_wait3A_1265 = arith.constant 30 : i32
    %dma_wait3A_1266 = arith.constant 600 : i32
    %dma_wait3A_1267 = arith.constant 0 : i32
    %dma_wait3A_1268 = tpu.memref_slice %arg7[%dma_wait3A_1266, %dma_wait3A_1267] : memref<640x128xf32, #tpu.memory_space<vmem>> -> memref<20x128xf32, #tpu.memory_space<vmem>>
    %dma_wait3A_1269 = arith.constant 0 : i32
    %dma_wait3A_1270 = tpu.memref_slice %arg6[%dma_wait3A_1265, %dma_wait3A_1269] : memref<32x20xi32, #tpu.memory_space<vmem>> -> memref<1x20xi32, #tpu.memory_space<vmem>>
    %dma_wait3A_1271 = tpu.memref_squeeze %dma_wait3A_1270 : memref<1x20xi32, #tpu.memory_space<vmem>> -> memref<20xi32, #tpu.memory_space<vmem>>
    %dma_wait3A_1272 = arith.constant 0 : i32
    %dma_wait3A_1273 = arith.constant 0 : i32
    %dma_wait3A_1274 = tpu.memref_slice %arg2[%dma_wait3A_1272, %dma_wait3A_1273] : memref<100000x128xf32, #tpu.memory_space<hbm>> -> memref<100000x128xf32, #tpu.memory_space<hbm>>
    tpu.wait_indirect_dma semaphore(%arg8 : memref<!tpu.dma_semaphore, #tpu.memory_space<semaphore_mem>>) src(%dma_wait3A_1274 : memref<100000x128xf32, #tpu.memory_space<hbm>>) dst(%dma_wait3A_1268 : memref<20x128xf32, #tpu.memory_space<vmem>>)
    %dma_wait3A_1275 = arith.constant 31 : i32
    %dma_wait3A_1276 = arith.constant 620 : i32
    %dma_wait3A_1277 = arith.constant 0 : i32
    %dma_wait3A_1278 = tpu.memref_slice %arg7[%dma_wait3A_1276, %dma_wait3A_1277] : memref<640x128xf32, #tpu.memory_space<vmem>> -> memref<20x128xf32, #tpu.memory_space<vmem>>
    %dma_wait3A_1279 = arith.constant 0 : i32
    %dma_wait3A_1280 = tpu.memref_slice %arg6[%dma_wait3A_1275, %dma_wait3A_1279] : memref<32x20xi32, #tpu.memory_space<vmem>> -> memref<1x20xi32, #tpu.memory_space<vmem>>
    %dma_wait3A_1281 = tpu.memref_squeeze %dma_wait3A_1280 : memref<1x20xi32, #tpu.memory_space<vmem>> -> memref<20xi32, #tpu.memory_space<vmem>>
    %dma_wait3A_1282 = arith.constant 0 : i32
    %dma_wait3A_1283 = arith.constant 0 : i32
    %dma_wait3A_1284 = tpu.memref_slice %arg2[%dma_wait3A_1282, %dma_wait3A_1283] : memref<100000x128xf32, #tpu.memory_space<hbm>> -> memref<100000x128xf32, #tpu.memory_space<hbm>>
    tpu.wait_indirect_dma semaphore(%arg8 : memref<!tpu.dma_semaphore, #tpu.memory_space<semaphore_mem>>) src(%dma_wait3A_1284 : memref<100000x128xf32, #tpu.memory_space<hbm>>) dst(%dma_wait3A_1278 : memref<20x128xf32, #tpu.memory_space<vmem>>)
    %mul3A_1285 = arith.constant 640 : i32
    %mul3A_1286 = arith.muli %add3A, %mul3A_1285 : i32
    %add3A_1287 = arith.constant 20480 : i32
    %add3A_1288 = arith.addi %add3A_1287, %mul3A_1286 : i32
    "tpu.region"() ({
      %run_scoped3A = tpu.sem_alloc : memref<!tpu.dma_semaphore, #tpu.memory_space<semaphore_mem>>
      %dma_start3A_1289 = arith.constant 0 : i32
      %dma_start3A_1290 = tpu.memref_slice %arg5[%add3A_1288, %dma_start3A_1289] : memref<40960x128xf32, #tpu.memory_space<hbm>> -> memref<640x128xf32, #tpu.memory_space<hbm>>
      %dma_start3A_1291 = arith.constant 0 : i32
      %dma_start3A_1292 = tpu.memref_slice %arg5[%add3A_1288, %dma_start3A_1291] : memref<40960x128xf32, #tpu.memory_space<hbm>> -> memref<640x128xf32, #tpu.memory_space<hbm>>
      tpu.enqueue_dma source(%arg7 : memref<640x128xf32, #tpu.memory_space<vmem>>) target(%dma_start3A_1292 : memref<640x128xf32, #tpu.memory_space<hbm>>) target_semaphore(%run_scoped3A : memref<!tpu.dma_semaphore, #tpu.memory_space<semaphore_mem>>)
      %dma_wait3A_1293 = arith.constant 0 : i32
      %dma_wait3A_1294 = tpu.memref_slice %arg5[%add3A_1288, %dma_wait3A_1293] : memref<40960x128xf32, #tpu.memory_space<hbm>> -> memref<640x128xf32, #tpu.memory_space<hbm>>
      %dma_wait3A_1295 = arith.constant 0 : i32
      %dma_wait3A_1296 = tpu.memref_slice %arg5[%add3A_1288, %dma_wait3A_1295] : memref<40960x128xf32, #tpu.memory_space<hbm>> -> memref<640x128xf32, #tpu.memory_space<hbm>>
      tpu.wait_dma2 semaphore(%run_scoped3A : memref<!tpu.dma_semaphore, #tpu.memory_space<semaphore_mem>>) src(%arg7 : memref<640x128xf32, #tpu.memory_space<vmem>>) dst(%dma_wait3A_1296 : memref<640x128xf32, #tpu.memory_space<hbm>>)
      tpu.yield
    }) : () -> ()
    return
  }
}

module attributes {stable_mosaic.version = 14 : i64} {
  func.func @_pad_body(%arg0: i32, %arg1: memref<10000x100xf32, #tpu.memory_space<vmem>>, %arg2: memref<10000x128xf32, #tpu.memory_space<vmem>>) attributes {dimension_semantics = [#tpu.dimension_semantics<arbitrary>], iteration_bounds = array<i64: 10>, scalar_prefetch = 0 : i64, scratch_operands = 0 : i64, tpu.core_type = #tpu.core_type<tc>, window_params = [{transform_indices = @transform_0, window_bounds = array<i64: 10000, 100>}, {transform_indices = @transform_1, window_bounds = array<i64: 10000, 128>}]} {
    %get3A = arith.constant 0 : index
    %get3A_0 = arith.constant 0 : index
    %get3A_1 = vector.load %arg1[%get3A, %get3A_0] : memref<10000x100xf32, #tpu.memory_space<vmem>>, vector<10000x100xf32>
    %broadcast_in_dim3A = arith.constant 1.000000e+00 : f32
    %broadcast_in_dim3A_2 = vector.broadcast %broadcast_in_dim3A : f32 to vector<10000x1xf32>
    %broadcast_in_dim3A_3 = arith.constant 0.000000e+00 : f32
    %broadcast_in_dim3A_4 = vector.broadcast %broadcast_in_dim3A_3 : f32 to vector<10000x27xf32>
    %concatenate3A = tpu.concatenate %get3A_1, %broadcast_in_dim3A_2, %broadcast_in_dim3A_4 in 1 : vector<10000x100xf32>, vector<10000x1xf32>, vector<10000x27xf32> -> vector<10000x128xf32>
    %swap3A = arith.constant 0 : index
    %swap3A_5 = arith.constant 0 : index
    %swap3A_6 = vector.load %arg2[%swap3A, %swap3A_5] : memref<10000x128xf32, #tpu.memory_space<vmem>>, vector<10000x128xf32>
    tpu.vector_store %arg2[%swap3A, %swap3A_5], %concatenate3A {strides = array<i32>} : memref<10000x128xf32, #tpu.memory_space<vmem>>, vector<10000x128xf32>,
    return
  }
  func.func @transform_0(%arg0: i32) -> (i32, i32) {
    %c0_i32 = arith.constant 0 : i32
    %c0_i32_0 = arith.constant 0 : i32
    return %arg0, %c0_i32 : i32, i32
  }
  func.func @transform_1(%arg0: i32) -> (i32, i32) {
    %c0_i32 = arith.constant 0 : i32
    %c0_i32_0 = arith.constant 0 : i32
    return %arg0, %c0_i32 : i32, i32
  }
}

module attributes {stable_mosaic.version = 14 : i64} {
  func.func @_tca_body(%arg0: i32, %arg1: memref<160x128xf32, #tpu.memory_space<vmem>>, %arg2: memref<160x20xi32, #tpu.memory_space<vmem>>, %arg3: memref<4x100xf32, #tpu.memory_space<vmem>>, %arg4: memref<160x160xf32, #tpu.memory_space<vmem>>, %arg5: memref<20x160xf32, #tpu.memory_space<vmem>>, %arg6: memref<160x100xf32, #tpu.memory_space<vmem>>) attributes {dimension_semantics = [#tpu.dimension_semantics<arbitrary>], iteration_bounds = array<i64: 128>, scalar_prefetch = 0 : i64, scratch_operands = 0 : i64, tpu.core_type = #tpu.core_type<tc>, window_params = [{transform_indices = @transform_0, window_bounds = array<i64: 160, 128>}, {transform_indices = @transform_1, window_bounds = array<i64: 160, 20>}, {pipeline_mode = #tpu.pipeline_mode<synchronous>, transform_indices = @transform_2, window_bounds = array<i64: 4, 100>}, {pipeline_mode = #tpu.pipeline_mode<synchronous>, transform_indices = @transform_3, window_bounds = array<i64: 160, 160>}, {pipeline_mode = #tpu.pipeline_mode<synchronous>, transform_indices = @transform_4, window_bounds = array<i64: 20, 160>}, {transform_indices = @transform_5, window_bounds = array<i64: 160, 100>}]} {
    %get3A = arith.constant 0 : index
    %get3A_0 = arith.constant 0 : index
    %get3A_1 = vector.load %arg1[%get3A, %get3A_0] : memref<160x128xf32, #tpu.memory_space<vmem>>, vector<160x128xf32>
    %get3A_2 = arith.constant 0 : index
    %get3A_3 = arith.constant 0 : index
    %get3A_4 = vector.load %arg2[%get3A_2, %get3A_3] : memref<160x20xi32, #tpu.memory_space<vmem>>, vector<160x20xi32>
    %get3A_5 = arith.constant 0 : index
    %get3A_6 = arith.constant 0 : index
    %get3A_7 = vector.load %arg3[%get3A_5, %get3A_6] : memref<4x100xf32, #tpu.memory_space<vmem>>, vector<4x100xf32>
    %get3A_8 = arith.constant 0 : index
    %get3A_9 = arith.constant 0 : index
    %get3A_10 = vector.load %arg4[%get3A_8, %get3A_9] : memref<160x160xf32, #tpu.memory_space<vmem>>, vector<160x160xf32>
    %get3A_11 = arith.constant 0 : index
    %get3A_12 = arith.constant 0 : index
    %get3A_13 = vector.load %arg5[%get3A_11, %get3A_12] : memref<20x160xf32, #tpu.memory_space<vmem>>, vector<20x160xf32>
    %slice3A = vector.extract_strided_slice %get3A_1 {offsets = [0, 0], sizes = [160, 100], strides = [1, 1]} : vector<160x128xf32> to vector<160x100xf32>
    %transpose3A = tpu.transpose %slice3A, [1, 0] : vector<160x100xf32> -> vector<100x160xf32>
    %convert_element_type3A = arith.sitofp %get3A_4 : vector<160x20xi32> to vector<160x20xf32>
    %dot_general3A = arith.constant dense<0.000000e+00> : vector<160x160xf32>
    %dot_general3A_14 = tpu.matmul %convert_element_type3A, %get3A_13, %dot_general3A {dimension_numbers = #tpu.dot_dimension_numbers<[1], [0], [0], [1], [0, 0, 1, 1], [], []>, transpose_lhs_hint = false} : vector<160x20xf32>, vector<20x160xf32>, vector<160x160xf32> -> vector<160x160xf32>
    %broadcast_in_dim3A = arith.constant 0.000000e+00 : f32
    %broadcast_in_dim3A_15 = vector.broadcast %broadcast_in_dim3A : f32 to vector<160x160xf32>
    %slice3A_16 = vector.extract_strided_slice %get3A_7 {offsets = [0, 0], sizes = [1, 100], strides = [1, 1]} : vector<4x100xf32> to vector<1x100xf32>
    %squeeze3A = vector.shape_cast %slice3A_16 : vector<1x100xf32> to vector<100xf32>
    %broadcast_in_dim3A_17 = vector.shape_cast %squeeze3A : vector<100xf32> to vector<1x100xf32>
    %mul3A = vector.broadcast %broadcast_in_dim3A_17 : vector<1x100xf32> to vector<160x100xf32>
    %mul3A_18 = arith.mulf %slice3A, %mul3A : vector<160x100xf32>
    %dot_general3A_19 = arith.constant dense<0.000000e+00> : vector<160x160xf32>
    %dot_general3A_20 = tpu.matmul %mul3A_18, %transpose3A, %dot_general3A_19 {dimension_numbers = #tpu.dot_dimension_numbers<[1], [0], [0], [1], [0, 0, 1, 1], [], []>, transpose_lhs_hint = false} : vector<160x100xf32>, vector<100x160xf32>, vector<160x160xf32> -> vector<160x160xf32>
    %eq3A = arith.constant 1.000000e+00 : f32
    %eq3A_21 = vector.broadcast %eq3A : f32 to vector<160x160xf32>
    %eq3A_22 = arith.cmpf oeq, %dot_general3A_14, %eq3A_21 : vector<160x160xf32>
    %jit3A = arith.constant 0.000000e+00 : f32
    %broadcast_in_dim3A_23 = vector.broadcast %jit3A : f32 to vector<160x160xf32>
    %select_n3A = arith.select %eq3A_22, %dot_general3A_20, %broadcast_in_dim3A_23 : vector<160x160xi1>, vector<160x160xf32>
    %add3A = arith.addf %broadcast_in_dim3A_15, %select_n3A : vector<160x160xf32>
    %slice3A_24 = vector.extract_strided_slice %get3A_7 {offsets = [1, 0], sizes = [1, 100], strides = [1, 1]} : vector<4x100xf32> to vector<1x100xf32>
    %squeeze3A_25 = vector.shape_cast %slice3A_24 : vector<1x100xf32> to vector<100xf32>
    %broadcast_in_dim3A_26 = vector.shape_cast %squeeze3A_25 : vector<100xf32> to vector<1x100xf32>
    %mul3A_27 = vector.broadcast %broadcast_in_dim3A_26 : vector<1x100xf32> to vector<160x100xf32>
    %mul3A_28 = arith.mulf %slice3A, %mul3A_27 : vector<160x100xf32>
    %dot_general3A_29 = arith.constant dense<0.000000e+00> : vector<160x160xf32>
    %dot_general3A_30 = tpu.matmul %mul3A_28, %transpose3A, %dot_general3A_29 {dimension_numbers = #tpu.dot_dimension_numbers<[1], [0], [0], [1], [0, 0, 1, 1], [], []>, transpose_lhs_hint = false} : vector<160x100xf32>, vector<100x160xf32>, vector<160x160xf32> -> vector<160x160xf32>
    %eq3A_31 = arith.constant 2.000000e+00 : f32
    %eq3A_32 = vector.broadcast %eq3A_31 : f32 to vector<160x160xf32>
    %eq3A_33 = arith.cmpf oeq, %dot_general3A_14, %eq3A_32 : vector<160x160xf32>
    %jit3A_34 = arith.constant 0.000000e+00 : f32
    %broadcast_in_dim3A_35 = vector.broadcast %jit3A_34 : f32 to vector<160x160xf32>
    %select_n3A_36 = arith.select %eq3A_33, %dot_general3A_30, %broadcast_in_dim3A_35 : vector<160x160xi1>, vector<160x160xf32>
    %add3A_37 = arith.addf %add3A, %select_n3A_36 : vector<160x160xf32>
    %slice3A_38 = vector.extract_strided_slice %get3A_7 {offsets = [2, 0], sizes = [1, 100], strides = [1, 1]} : vector<4x100xf32> to vector<1x100xf32>
    %squeeze3A_39 = vector.shape_cast %slice3A_38 : vector<1x100xf32> to vector<100xf32>
    %broadcast_in_dim3A_40 = vector.shape_cast %squeeze3A_39 : vector<100xf32> to vector<1x100xf32>
    %mul3A_41 = vector.broadcast %broadcast_in_dim3A_40 : vector<1x100xf32> to vector<160x100xf32>
    %mul3A_42 = arith.mulf %slice3A, %mul3A_41 : vector<160x100xf32>
    %dot_general3A_43 = arith.constant dense<0.000000e+00> : vector<160x160xf32>
    %dot_general3A_44 = tpu.matmul %mul3A_42, %transpose3A, %dot_general3A_43 {dimension_numbers = #tpu.dot_dimension_numbers<[1], [0], [0], [1], [0, 0, 1, 1], [], []>, transpose_lhs_hint = false} : vector<160x100xf32>, vector<100x160xf32>, vector<160x160xf32> -> vector<160x160xf32>
    %eq3A_45 = arith.constant 3.000000e+00 : f32
    %eq3A_46 = vector.broadcast %eq3A_45 : f32 to vector<160x160xf32>
    %eq3A_47 = arith.cmpf oeq, %dot_general3A_14, %eq3A_46 : vector<160x160xf32>
    %jit3A_48 = arith.constant 0.000000e+00 : f32
    %broadcast_in_dim3A_49 = vector.broadcast %jit3A_48 : f32 to vector<160x160xf32>
    %select_n3A_50 = arith.select %eq3A_47, %dot_general3A_44, %broadcast_in_dim3A_49 : vector<160x160xi1>, vector<160x160xf32>
    %add3A_51 = arith.addf %add3A_37, %select_n3A_50 : vector<160x160xf32>
    %slice3A_52 = vector.extract_strided_slice %get3A_7 {offsets = [3, 0], sizes = [1, 100], strides = [1, 1]} : vector<4x100xf32> to vector<1x100xf32>
    %squeeze3A_53 = vector.shape_cast %slice3A_52 : vector<1x100xf32> to vector<100xf32>
    %broadcast_in_dim3A_54 = vector.shape_cast %squeeze3A_53 : vector<100xf32> to vector<1x100xf32>
    %mul3A_55 = vector.broadcast %broadcast_in_dim3A_54 : vector<1x100xf32> to vector<160x100xf32>
    %mul3A_56 = arith.mulf %slice3A, %mul3A_55 : vector<160x100xf32>
    %dot_general3A_57 = arith.constant dense<0.000000e+00> : vector<160x160xf32>
    %dot_general3A_58 = tpu.matmul %mul3A_56, %transpose3A, %dot_general3A_57 {dimension_numbers = #tpu.dot_dimension_numbers<[1], [0], [0], [1], [0, 0, 1, 1], [], []>, transpose_lhs_hint = false} : vector<160x100xf32>, vector<100x160xf32>, vector<160x160xf32> -> vector<160x160xf32>
    %eq3A_59 = arith.constant 4.000000e+00 : f32
    %eq3A_60 = vector.broadcast %eq3A_59 : f32 to vector<160x160xf32>
    %eq3A_61 = arith.cmpf oeq, %dot_general3A_14, %eq3A_60 : vector<160x160xf32>
    %jit3A_62 = arith.constant 0.000000e+00 : f32
    %broadcast_in_dim3A_63 = vector.broadcast %jit3A_62 : f32 to vector<160x160xf32>
    %select_n3A_64 = arith.select %eq3A_61, %dot_general3A_58, %broadcast_in_dim3A_63 : vector<160x160xi1>, vector<160x160xf32>
    %add3A_65 = arith.addf %add3A_51, %select_n3A_64 : vector<160x160xf32>
    %mul3A_66 = arith.constant 2.000000e-01 : f32
    %mul3A_67 = vector.broadcast %mul3A_66 : f32 to vector<160x160xf32>
    %mul3A_68 = arith.mulf %mul3A_67, %add3A_65 : vector<160x160xf32>
    %max3A = arith.maximumf %add3A_65, %mul3A_68 : vector<160x160xf32>
    %gt3A = arith.constant 0.000000e+00 : f32
    %gt3A_69 = vector.broadcast %gt3A : f32 to vector<160x160xf32>
    %gt3A_70 = arith.cmpf ogt, %dot_general3A_14, %gt3A_69 : vector<160x160xf32>
    %gt3A_71 = arith.constant 0xFF800000 : f32
    %gt3A_72 = vector.broadcast %gt3A_71 : f32 to vector<160x160xf32>
    %gt3A_73 = arith.cmpf ogt, %get3A_10, %gt3A_72 : vector<160x160xf32>
    %and3A = arith.andi %gt3A_70, %gt3A_73 : vector<160x160xi1>
    %select_n3A_74 = arith.select %and3A, %max3A, %get3A_10 : vector<160x160xi1>, vector<160x160xf32>
    %reduce_max3A = arith.constant dense<0xFF800000> : vector<160xf32>
    %reduce_max3A_75 = vector.multi_reduction <maximumf>, %select_n3A_74, %reduce_max3A [1] : vector<160x160xf32> to vector<160xf32>
    %broadcast_in_dim3A_76 = vector.shape_cast %reduce_max3A_75 : vector<160xf32> to vector<160x1xf32>
    %sub3A = vector.broadcast %broadcast_in_dim3A_76 : vector<160x1xf32> to vector<160x160xf32>
    %sub3A_77 = arith.subf %select_n3A_74, %sub3A : vector<160x160xf32>
    %exp3A = math.exp %sub3A_77 : vector<160x160xf32>
    %reduce_sum3A = arith.constant dense<0.000000e+00> : vector<160xf32>
    %reduce_sum3A_78 = vector.multi_reduction <add>, %exp3A, %reduce_sum3A [1] : vector<160x160xf32> to vector<160xf32>
    %broadcast_in_dim3A_79 = vector.shape_cast %reduce_sum3A_78 : vector<160xf32> to vector<160x1xf32>
    %div3A = vector.broadcast %broadcast_in_dim3A_79 : vector<160x1xf32> to vector<160x160xf32>
    %div3A_80 = arith.divf %exp3A, %div3A : vector<160x160xf32>
    %dot_general3A_81 = arith.constant dense<0.000000e+00> : vector<160x100xf32>
    %dot_general3A_82 = tpu.matmul %div3A_80, %slice3A, %dot_general3A_81 {dimension_numbers = #tpu.dot_dimension_numbers<[1], [0], [0], [1], [0, 0, 1, 1], [], []>, transpose_lhs_hint = false} : vector<160x160xf32>, vector<160x100xf32>, vector<160x100xf32> -> vector<160x100xf32>
    %swap3A = arith.constant 0 : index
    %swap3A_83 = arith.constant 0 : index
    %swap3A_84 = vector.load %arg6[%swap3A, %swap3A_83] : memref<160x100xf32, #tpu.memory_space<vmem>>, vector<160x100xf32>
    tpu.vector_store %arg6[%swap3A, %swap3A_83], %dot_general3A_82 {strides = array<i32>} : memref<160x100xf32, #tpu.memory_space<vmem>>, vector<160x100xf32>,
    return
  }
  func.func @transform_0(%arg0: i32) -> (i32, i32) {
    %c0_i32 = arith.constant 0 : i32
    %c0_i32_0 = arith.constant 0 : i32
    return %arg0, %c0_i32 : i32, i32
  }
  func.func @transform_1(%arg0: i32) -> (i32, i32) {
    %c0_i32 = arith.constant 0 : i32
    %c0_i32_0 = arith.constant 0 : i32
    return %arg0, %c0_i32 : i32, i32
  }
  func.func @transform_2(%arg0: i32) -> (i32, i32) {
    %c0_i32 = arith.constant 0 : i32
    %c0_i32_0 = arith.constant 0 : i32
    %c0_i32_1 = arith.constant 0 : i32
    return %c0_i32, %c0_i32_0 : i32, i32
  }
  func.func @transform_3(%arg0: i32) -> (i32, i32) {
    %c0_i32 = arith.constant 0 : i32
    %c0_i32_0 = arith.constant 0 : i32
    %c0_i32_1 = arith.constant 0 : i32
    return %c0_i32, %c0_i32_0 : i32, i32
  }
  func.func @transform_4(%arg0: i32) -> (i32, i32) {
    %c0_i32 = arith.constant 0 : i32
    %c0_i32_0 = arith.constant 0 : i32
    %c0_i32_1 = arith.constant 0 : i32
    return %c0_i32, %c0_i32_0 : i32, i32
  }
  func.func @transform_5(%arg0: i32) -> (i32, i32) {
    %c0_i32 = arith.constant 0 : i32
    %c0_i32_0 = arith.constant 0 : i32
    return %arg0, %c0_i32 : i32, i32
  }
}

module attributes {stable_mosaic.version = 14 : i64} {
  func.func @_tcb_body(%arg0: i32, %arg1: memref<160x128xf32, #tpu.memory_space<vmem>>, %arg2: memref<160x20xf32, #tpu.memory_space<vmem>>, %arg3: memref<160x20xf32, #tpu.memory_space<vmem>>, %arg4: memref<160x128xf32, #tpu.memory_space<vmem>>, %arg5: memref<160x20xi32, #tpu.memory_space<vmem>>, %arg6: memref<4x100xf32, #tpu.memory_space<vmem>>, %arg7: memref<100x100xf32, #tpu.memory_space<vmem>>, %arg8: memref<1x100xf32, #tpu.memory_space<vmem>>, %arg9: memref<100x100xf32, #tpu.memory_space<vmem>>, %arg10: memref<1x100xf32, #tpu.memory_space<vmem>>, %arg11: memref<100x100xf32, #tpu.memory_space<vmem>>, %arg12: memref<100x100xf32, #tpu.memory_space<vmem>>, %arg13: memref<100x100xf32, #tpu.memory_space<vmem>>, %arg14: memref<100x100xf32, #tpu.memory_space<vmem>>, %arg15: memref<100x100xf32, #tpu.memory_space<vmem>>, %arg16: memref<100x100xf32, #tpu.memory_space<vmem>>, %arg17: memref<100x100xf32, #tpu.memory_space<vmem>>, %arg18: memref<100x100xf32, #tpu.memory_space<vmem>>, %arg19: memref<100x100xf32, #tpu.memory_space<vmem>>, %arg20: memref<1x100xf32, #tpu.memory_space<vmem>>, %arg21: memref<1x100xf32, #tpu.memory_space<vmem>>, %arg22: memref<1x100xf32, #tpu.memory_space<vmem>>, %arg23: memref<1x100xf32, #tpu.memory_space<vmem>>, %arg24: memref<1x100xf32, #tpu.memory_space<vmem>>, %arg25: memref<1x100xf32, #tpu.memory_space<vmem>>, %arg26: memref<1x100xf32, #tpu.memory_space<vmem>>, %arg27: memref<1x100xf32, #tpu.memory_space<vmem>>, %arg28: memref<160x160xf32, #tpu.memory_space<vmem>>, %arg29: memref<20x160xf32, #tpu.memory_space<vmem>>, %arg30: memref<160x100xf32, #tpu.memory_space<vmem>>, %arg31: memref<160x100xf32, #tpu.memory_space<vmem>>) attributes {dimension_semantics = [#tpu.dimension_semantics<arbitrary>], iteration_bounds = array<i64: 128>, scalar_prefetch = 0 : i64, scratch_operands = 0 : i64, tpu.core_type = #tpu.core_type<tc>, window_params = [{transform_indices = @transform_0, window_bounds = array<i64: 160, 128>}, {transform_indices = @transform_1, window_bounds = array<i64: 160, 20>}, {transform_indices = @transform_2, window_bounds = array<i64: 160, 20>}, {transform_indices = @transform_3, window_bounds = array<i64: 160, 128>}, {transform_indices = @transform_4, window_bounds = array<i64: 160, 20>}, {pipeline_mode = #tpu.pipeline_mode<synchronous>, transform_indices = @transform_5, window_bounds = array<i64: 4, 100>}, {pipeline_mode = #tpu.pipeline_mode<synchronous>, transform_indices = @transform_6, window_bounds = array<i64: 100, 100>}, {pipeline_mode = #tpu.pipeline_mode<synchronous>, transform_indices = @transform_7, window_bounds = array<i64: 1, 100>}, {pipeline_mode = #tpu.pipeline_mode<synchronous>, transform_indices = @transform_8, window_bounds = array<i64: 100, 100>}, {pipeline_mode = #tpu.pipeline_mode<synchronous>, transform_indices = @transform_9, window_bounds = array<i64: 1, 100>}, {pipeline_mode = #tpu.pipeline_mode<synchronous>, transform_indices = @transform_10, window_bounds = array<i64: 100, 100>}, {pipeline_mode = #tpu.pipeline_mode<synchronous>, transform_indices = @transform_11, window_bounds = array<i64: 100, 100>}, {pipeline_mode = #tpu.pipeline_mode<synchronous>, transform_indices = @transform_12, window_bounds = array<i64: 100, 100>}, {pipeline_mode = #tpu.pipeline_mode<synchronous>, transform_indices = @transform_13, window_bounds = array<i64: 100, 100>}, {pipeline_mode = #tpu.pipeline_mode<synchronous>, transform_indices = @transform_14, window_bounds = array<i64: 100, 100>}, {pipeline_mode = #tpu.pipeline_mode<synchronous>, transform_indices = @transform_15, window_bounds = array<i64: 100, 100>}, {pipeline_mode = #tpu.pipeline_mode<synchronous>, transform_indices = @transform_16, window_bounds = array<i64: 100, 100>}, {pipeline_mode = #tpu.pipeline_mode<synchronous>, transform_indices = @transform_17, window_bounds = array<i64: 100, 100>}, {pipeline_mode = #tpu.pipeline_mode<synchronous>, transform_indices = @transform_18, window_bounds = array<i64: 100, 100>}, {pipeline_mode = #tpu.pipeline_mode<synchronous>, transform_indices = @transform_19, window_bounds = array<i64: 1, 100>}, {pipeline_mode = #tpu.pipeline_mode<synchronous>, transform_indices = @transform_20, window_bounds = array<i64: 1, 100>}, {pipeline_mode = #tpu.pipeline_mode<synchronous>, transform_indices = @transform_21, window_bounds = array<i64: 1, 100>}, {pipeline_mode = #tpu.pipeline_mode<synchronous>, transform_indices = @transform_22, window_bounds = array<i64: 1, 100>}, {pipeline_mode = #tpu.pipeline_mode<synchronous>, transform_indices = @transform_23, window_bounds = array<i64: 1, 100>}, {pipeline_mode = #tpu.pipeline_mode<synchronous>, transform_indices = @transform_24, window_bounds = array<i64: 1, 100>}, {pipeline_mode = #tpu.pipeline_mode<synchronous>, transform_indices = @transform_25, window_bounds = array<i64: 1, 100>}, {pipeline_mode = #tpu.pipeline_mode<synchronous>, transform_indices = @transform_26, window_bounds = array<i64: 1, 100>}, {pipeline_mode = #tpu.pipeline_mode<synchronous>, transform_indices = @transform_27, window_bounds = array<i64: 160, 160>}, {pipeline_mode = #tpu.pipeline_mode<synchronous>, transform_indices = @transform_28, window_bounds = array<i64: 20, 160>}, {transform_indices = @transform_29, window_bounds = array<i64: 160, 100>}, {transform_indices = @transform_30, window_bounds = array<i64: 160, 100>}]} {
    %get3A = arith.constant 0 : index
    %get3A_0 = arith.constant 0 : index
    %get3A_1 = vector.load %arg28[%get3A, %get3A_0] : memref<160x160xf32, #tpu.memory_space<vmem>>, vector<160x160xf32>
    %get3A_2 = arith.constant 0 : index
    %get3A_3 = arith.constant 0 : index
    %get3A_4 = vector.load %arg29[%get3A_2, %get3A_3] : memref<20x160xf32, #tpu.memory_space<vmem>>, vector<20x160xf32>
    %get3A_5 = arith.constant 0 : index
    %get3A_6 = arith.constant 0 : index
    %get3A_7 = vector.load %arg4[%get3A_5, %get3A_6] : memref<160x128xf32, #tpu.memory_space<vmem>>, vector<160x128xf32>
    %get3A_8 = arith.constant 0 : index
    %get3A_9 = arith.constant 0 : index
    %get3A_10 = vector.load %arg5[%get3A_8, %get3A_9] : memref<160x20xi32, #tpu.memory_space<vmem>>, vector<160x20xi32>
    %get3A_11 = arith.constant 0 : index
    %get3A_12 = arith.constant 0 : index
    %get3A_13 = vector.load %arg6[%get3A_11, %get3A_12] : memref<4x100xf32, #tpu.memory_space<vmem>>, vector<4x100xf32>
    %slice3A = vector.extract_strided_slice %get3A_7 {offsets = [0, 0], sizes = [160, 100], strides = [1, 1]} : vector<160x128xf32> to vector<160x100xf32>
    %transpose3A = tpu.transpose %slice3A, [1, 0] : vector<160x100xf32> -> vector<100x160xf32>
    %convert_element_type3A = arith.sitofp %get3A_10 : vector<160x20xi32> to vector<160x20xf32>
    %dot_general3A = arith.constant dense<0.000000e+00> : vector<160x160xf32>
    %dot_general3A_14 = tpu.matmul %convert_element_type3A, %get3A_4, %dot_general3A {dimension_numbers = #tpu.dot_dimension_numbers<[1], [0], [0], [1], [0, 0, 1, 1], [], []>, transpose_lhs_hint = false} : vector<160x20xf32>, vector<20x160xf32>, vector<160x160xf32> -> vector<160x160xf32>
    %broadcast_in_dim3A = arith.constant 0.000000e+00 : f32
    %broadcast_in_dim3A_15 = vector.broadcast %broadcast_in_dim3A : f32 to vector<160x160xf32>
    %slice3A_16 = vector.extract_strided_slice %get3A_13 {offsets = [0, 0], sizes = [1, 100], strides = [1, 1]} : vector<4x100xf32> to vector<1x100xf32>
    %squeeze3A = vector.shape_cast %slice3A_16 : vector<1x100xf32> to vector<100xf32>
    %broadcast_in_dim3A_17 = vector.shape_cast %squeeze3A : vector<100xf32> to vector<1x100xf32>
    %mul3A = vector.broadcast %broadcast_in_dim3A_17 : vector<1x100xf32> to vector<160x100xf32>
    %mul3A_18 = arith.mulf %slice3A, %mul3A : vector<160x100xf32>
    %dot_general3A_19 = arith.constant dense<0.000000e+00> : vector<160x160xf32>
    %dot_general3A_20 = tpu.matmul %mul3A_18, %transpose3A, %dot_general3A_19 {dimension_numbers = #tpu.dot_dimension_numbers<[1], [0], [0], [1], [0, 0, 1, 1], [], []>, transpose_lhs_hint = false} : vector<160x100xf32>, vector<100x160xf32>, vector<160x160xf32> -> vector<160x160xf32>
    %eq3A = arith.constant 1.000000e+00 : f32
    %eq3A_21 = vector.broadcast %eq3A : f32 to vector<160x160xf32>
    %eq3A_22 = arith.cmpf oeq, %dot_general3A_14, %eq3A_21 : vector<160x160xf32>
    %jit3A = arith.constant 0.000000e+00 : f32
    %broadcast_in_dim3A_23 = vector.broadcast %jit3A : f32 to vector<160x160xf32>
    %select_n3A = arith.select %eq3A_22, %dot_general3A_20, %broadcast_in_dim3A_23 : vector<160x160xi1>, vector<160x160xf32>
    %add3A = arith.addf %broadcast_in_dim3A_15, %select_n3A : vector<160x160xf32>
    %slice3A_24 = vector.extract_strided_slice %get3A_13 {offsets = [1, 0], sizes = [1, 100], strides = [1, 1]} : vector<4x100xf32> to vector<1x100xf32>
    %squeeze3A_25 = vector.shape_cast %slice3A_24 : vector<1x100xf32> to vector<100xf32>
    %broadcast_in_dim3A_26 = vector.shape_cast %squeeze3A_25 : vector<100xf32> to vector<1x100xf32>
    %mul3A_27 = vector.broadcast %broadcast_in_dim3A_26 : vector<1x100xf32> to vector<160x100xf32>
    %mul3A_28 = arith.mulf %slice3A, %mul3A_27 : vector<160x100xf32>
    %dot_general3A_29 = arith.constant dense<0.000000e+00> : vector<160x160xf32>
    %dot_general3A_30 = tpu.matmul %mul3A_28, %transpose3A, %dot_general3A_29 {dimension_numbers = #tpu.dot_dimension_numbers<[1], [0], [0], [1], [0, 0, 1, 1], [], []>, transpose_lhs_hint = false} : vector<160x100xf32>, vector<100x160xf32>, vector<160x160xf32> -> vector<160x160xf32>
    %eq3A_31 = arith.constant 2.000000e+00 : f32
    %eq3A_32 = vector.broadcast %eq3A_31 : f32 to vector<160x160xf32>
    %eq3A_33 = arith.cmpf oeq, %dot_general3A_14, %eq3A_32 : vector<160x160xf32>
    %jit3A_34 = arith.constant 0.000000e+00 : f32
    %broadcast_in_dim3A_35 = vector.broadcast %jit3A_34 : f32 to vector<160x160xf32>
    %select_n3A_36 = arith.select %eq3A_33, %dot_general3A_30, %broadcast_in_dim3A_35 : vector<160x160xi1>, vector<160x160xf32>
    %add3A_37 = arith.addf %add3A, %select_n3A_36 : vector<160x160xf32>
    %slice3A_38 = vector.extract_strided_slice %get3A_13 {offsets = [2, 0], sizes = [1, 100], strides = [1, 1]} : vector<4x100xf32> to vector<1x100xf32>
    %squeeze3A_39 = vector.shape_cast %slice3A_38 : vector<1x100xf32> to vector<100xf32>
    %broadcast_in_dim3A_40 = vector.shape_cast %squeeze3A_39 : vector<100xf32> to vector<1x100xf32>
    %mul3A_41 = vector.broadcast %broadcast_in_dim3A_40 : vector<1x100xf32> to vector<160x100xf32>
    %mul3A_42 = arith.mulf %slice3A, %mul3A_41 : vector<160x100xf32>
    %dot_general3A_43 = arith.constant dense<0.000000e+00> : vector<160x160xf32>
    %dot_general3A_44 = tpu.matmul %mul3A_42, %transpose3A, %dot_general3A_43 {dimension_numbers = #tpu.dot_dimension_numbers<[1], [0], [0], [1], [0, 0, 1, 1], [], []>, transpose_lhs_hint = false} : vector<160x100xf32>, vector<100x160xf32>, vector<160x160xf32> -> vector<160x160xf32>
    %eq3A_45 = arith.constant 3.000000e+00 : f32
    %eq3A_46 = vector.broadcast %eq3A_45 : f32 to vector<160x160xf32>
    %eq3A_47 = arith.cmpf oeq, %dot_general3A_14, %eq3A_46 : vector<160x160xf32>
    %jit3A_48 = arith.constant 0.000000e+00 : f32
    %broadcast_in_dim3A_49 = vector.broadcast %jit3A_48 : f32 to vector<160x160xf32>
    %select_n3A_50 = arith.select %eq3A_47, %dot_general3A_44, %broadcast_in_dim3A_49 : vector<160x160xi1>, vector<160x160xf32>
    %add3A_51 = arith.addf %add3A_37, %select_n3A_50 : vector<160x160xf32>
    %slice3A_52 = vector.extract_strided_slice %get3A_13 {offsets = [3, 0], sizes = [1, 100], strides = [1, 1]} : vector<4x100xf32> to vector<1x100xf32>
    %squeeze3A_53 = vector.shape_cast %slice3A_52 : vector<1x100xf32> to vector<100xf32>
    %broadcast_in_dim3A_54 = vector.shape_cast %squeeze3A_53 : vector<100xf32> to vector<1x100xf32>
    %mul3A_55 = vector.broadcast %broadcast_in_dim3A_54 : vector<1x100xf32> to vector<160x100xf32>
    %mul3A_56 = arith.mulf %slice3A, %mul3A_55 : vector<160x100xf32>
    %dot_general3A_57 = arith.constant dense<0.000000e+00> : vector<160x160xf32>
    %dot_general3A_58 = tpu.matmul %mul3A_56, %transpose3A, %dot_general3A_57 {dimension_numbers = #tpu.dot_dimension_numbers<[1], [0], [0], [1], [0, 0, 1, 1], [], []>, transpose_lhs_hint = false} : vector<160x100xf32>, vector<100x160xf32>, vector<160x160xf32> -> vector<160x160xf32>
    %eq3A_59 = arith.constant 4.000000e+00 : f32
    %eq3A_60 = vector.broadcast %eq3A_59 : f32 to vector<160x160xf32>
    %eq3A_61 = arith.cmpf oeq, %dot_general3A_14, %eq3A_60 : vector<160x160xf32>
    %jit3A_62 = arith.constant 0.000000e+00 : f32
    %broadcast_in_dim3A_63 = vector.broadcast %jit3A_62 : f32 to vector<160x160xf32>
    %select_n3A_64 = arith.select %eq3A_61, %dot_general3A_58, %broadcast_in_dim3A_63 : vector<160x160xi1>, vector<160x160xf32>
    %add3A_65 = arith.addf %add3A_51, %select_n3A_64 : vector<160x160xf32>
    %mul3A_66 = arith.constant 2.000000e-01 : f32
    %mul3A_67 = vector.broadcast %mul3A_66 : f32 to vector<160x160xf32>
    %mul3A_68 = arith.mulf %mul3A_67, %add3A_65 : vector<160x160xf32>
    %max3A = arith.maximumf %add3A_65, %mul3A_68 : vector<160x160xf32>
    %gt3A = arith.constant 0.000000e+00 : f32
    %gt3A_69 = vector.broadcast %gt3A : f32 to vector<160x160xf32>
    %gt3A_70 = arith.cmpf ogt, %dot_general3A_14, %gt3A_69 : vector<160x160xf32>
    %gt3A_71 = arith.constant 0xFF800000 : f32
    %gt3A_72 = vector.broadcast %gt3A_71 : f32 to vector<160x160xf32>
    %gt3A_73 = arith.cmpf ogt, %get3A_1, %gt3A_72 : vector<160x160xf32>
    %and3A = arith.andi %gt3A_70, %gt3A_73 : vector<160x160xi1>
    %select_n3A_74 = arith.select %and3A, %max3A, %get3A_1 : vector<160x160xi1>, vector<160x160xf32>
    %reduce_max3A = arith.constant dense<0xFF800000> : vector<160xf32>
    %reduce_max3A_75 = vector.multi_reduction <maximumf>, %select_n3A_74, %reduce_max3A [1] : vector<160x160xf32> to vector<160xf32>
    %broadcast_in_dim3A_76 = vector.shape_cast %reduce_max3A_75 : vector<160xf32> to vector<160x1xf32>
    %sub3A = vector.broadcast %broadcast_in_dim3A_76 : vector<160x1xf32> to vector<160x160xf32>
    %sub3A_77 = arith.subf %select_n3A_74, %sub3A : vector<160x160xf32>
    %exp3A = math.exp %sub3A_77 : vector<160x160xf32>
    %reduce_sum3A = arith.constant dense<0.000000e+00> : vector<160xf32>
    %reduce_sum3A_78 = vector.multi_reduction <add>, %exp3A, %reduce_sum3A [1] : vector<160x160xf32> to vector<160xf32>
    %broadcast_in_dim3A_79 = vector.shape_cast %reduce_sum3A_78 : vector<160xf32> to vector<160x1xf32>
    %div3A = vector.broadcast %broadcast_in_dim3A_79 : vector<160x1xf32> to vector<160x160xf32>
    %div3A_80 = arith.divf %exp3A, %div3A : vector<160x160xf32>
    %dot_general3A_81 = arith.constant dense<0.000000e+00> : vector<160x100xf32>
    %dot_general3A_82 = tpu.matmul %div3A_80, %slice3A, %dot_general3A_81 {dimension_numbers = #tpu.dot_dimension_numbers<[1], [0], [0], [1], [0, 0, 1, 1], [], []>, transpose_lhs_hint = false} : vector<160x160xf32>, vector<160x100xf32>, vector<160x100xf32> -> vector<160x100xf32>
    %swap3A = arith.constant 0 : index
    %swap3A_83 = arith.constant 0 : index
    %swap3A_84 = vector.load %arg31[%swap3A, %swap3A_83] : memref<160x100xf32, #tpu.memory_space<vmem>>, vector<160x100xf32>
    tpu.vector_store %arg31[%swap3A, %swap3A_83], %dot_general3A_82 {strides = array<i32>} : memref<160x100xf32, #tpu.memory_space<vmem>>, vector<160x100xf32>,
    %get3A_85 = arith.constant 0 : index
    %get3A_86 = arith.constant 0 : index
    %get3A_87 = vector.load %arg1[%get3A_85, %get3A_86] : memref<160x128xf32, #tpu.memory_space<vmem>>, vector<160x128xf32>
    %slice3A_88 = vector.extract_strided_slice %get3A_87 {offsets = [0, 0], sizes = [160, 100], strides = [1, 1]} : vector<160x128xf32> to vector<160x100xf32>
    %gt3A_89 = arith.constant 0xFF800000 : f32
    %gt3A_90 = vector.broadcast %gt3A_89 : f32 to vector<160x160xf32>
    %gt3A_91 = arith.cmpf ogt, %get3A_1, %gt3A_90 : vector<160x160xf32>
    %convert_element_type3A_92 = arith.extui %gt3A_91 : vector<160x160xi1> to vector<160x160xi32>
    %convert_element_type3A_93 = arith.sitofp %convert_element_type3A_92 : vector<160x160xi32> to vector<160x160xf32>
    %get3A_94 = arith.constant 0 : index
    %get3A_95 = arith.constant 0 : index
    %get3A_96 = vector.load %arg2[%get3A_94, %get3A_95] : memref<160x20xf32, #tpu.memory_space<vmem>>, vector<160x20xf32>
    %dot_general3A_97 = arith.constant dense<0.000000e+00> : vector<160x160xf32>
    %dot_general3A_98 = tpu.matmul %get3A_96, %get3A_4, %dot_general3A_97 {dimension_numbers = #tpu.dot_dimension_numbers<[1], [0], [0], [1], [0, 0, 1, 1], [], []>, transpose_lhs_hint = false} : vector<160x20xf32>, vector<20x160xf32>, vector<160x160xf32> -> vector<160x160xf32>
    %mul3A_99 = arith.mulf %dot_general3A_98, %convert_element_type3A_93 : vector<160x160xf32>
    %get3A_100 = arith.constant 0 : index
    %get3A_101 = arith.constant 0 : index
    %get3A_102 = vector.load %arg3[%get3A_100, %get3A_101] : memref<160x20xf32, #tpu.memory_space<vmem>>, vector<160x20xf32>
    %dot_general3A_103 = arith.constant dense<0.000000e+00> : vector<160x160xf32>
    %dot_general3A_104 = tpu.matmul %get3A_102, %get3A_4, %dot_general3A_103 {dimension_numbers = #tpu.dot_dimension_numbers<[1], [0], [0], [1], [0, 0, 1, 1], [], []>, transpose_lhs_hint = false} : vector<160x20xf32>, vector<20x160xf32>, vector<160x160xf32> -> vector<160x160xf32>
    %mul3A_105 = arith.mulf %dot_general3A_104, %convert_element_type3A_93 : vector<160x160xf32>
    %get3A_106 = arith.constant 0 : index
    %get3A_107 = arith.constant 0 : index
    %get3A_108 = vector.load %arg7[%get3A_106, %get3A_107] : memref<100x100xf32, #tpu.memory_space<vmem>>, vector<100x100xf32>
    %dot_general3A_109 = arith.constant dense<0.000000e+00> : vector<160x100xf32>
    %dot_general3A_110 = tpu.matmul %slice3A_88, %get3A_108, %dot_general3A_109 {dimension_numbers = #tpu.dot_dimension_numbers<[1], [0], [0], [1], [0, 0, 1, 1], [], []>, transpose_lhs_hint = false} : vector<160x100xf32>, vector<100x100xf32>, vector<160x100xf32> -> vector<160x100xf32>
    %get3A_111 = arith.constant 0 : index
    %get3A_112 = arith.constant 0 : index
    %get3A_113 = vector.load %arg8[%get3A_111, %get3A_112] : memref<1x100xf32, #tpu.memory_space<vmem>>, vector<1x100xf32>
    %add3A_114 = vector.broadcast %get3A_113 : vector<1x100xf32> to vector<160x100xf32>
    %add3A_115 = arith.addf %dot_general3A_110, %add3A_114 : vector<160x100xf32>
    %get3A_116 = arith.constant 0 : index
    %get3A_117 = arith.constant 0 : index
    %get3A_118 = vector.load %arg9[%get3A_116, %get3A_117] : memref<100x100xf32, #tpu.memory_space<vmem>>, vector<100x100xf32>
    %dot_general3A_119 = arith.constant dense<0.000000e+00> : vector<160x100xf32>
    %dot_general3A_120 = tpu.matmul %slice3A_88, %get3A_118, %dot_general3A_119 {dimension_numbers = #tpu.dot_dimension_numbers<[1], [0], [0], [1], [0, 0, 1, 1], [], []>, transpose_lhs_hint = false} : vector<160x100xf32>, vector<100x100xf32>, vector<160x100xf32> -> vector<160x100xf32>
    %get3A_121 = arith.constant 0 : index
    %get3A_122 = arith.constant 0 : index
    %get3A_123 = vector.load %arg10[%get3A_121, %get3A_122] : memref<1x100xf32, #tpu.memory_space<vmem>>, vector<1x100xf32>
    %add3A_124 = vector.broadcast %get3A_123 : vector<1x100xf32> to vector<160x100xf32>
    %add3A_125 = arith.addf %dot_general3A_120, %add3A_124 : vector<160x100xf32>
    %dot_general3A_126 = arith.constant dense<0.000000e+00> : vector<160x100xf32>
    %dot_general3A_127 = tpu.matmul %mul3A_99, %add3A_115, %dot_general3A_126 {dimension_numbers = #tpu.dot_dimension_numbers<[1], [0], [0], [1], [0, 0, 1, 1], [], []>, transpose_lhs_hint = false} : vector<160x160xf32>, vector<160x100xf32>, vector<160x100xf32> -> vector<160x100xf32>
    %get3A_128 = arith.constant 0 : index
    %get3A_129 = arith.constant 0 : index
    %get3A_130 = vector.load %arg26[%get3A_128, %get3A_129] : memref<1x100xf32, #tpu.memory_space<vmem>>, vector<1x100xf32>
    %add3A_131 = vector.broadcast %get3A_130 : vector<1x100xf32> to vector<160x100xf32>
    %add3A_132 = arith.addf %dot_general3A_127, %add3A_131 : vector<160x100xf32>
    %dot_general3A_133 = arith.constant dense<0.000000e+00> : vector<160x100xf32>
    %dot_general3A_134 = tpu.matmul %mul3A_105, %add3A_125, %dot_general3A_133 {dimension_numbers = #tpu.dot_dimension_numbers<[1], [0], [0], [1], [0, 0, 1, 1], [], []>, transpose_lhs_hint = false} : vector<160x160xf32>, vector<160x100xf32>, vector<160x100xf32> -> vector<160x100xf32>
    %get3A_135 = arith.constant 0 : index
    %get3A_136 = arith.constant 0 : index
    %get3A_137 = vector.load %arg27[%get3A_135, %get3A_136] : memref<1x100xf32, #tpu.memory_space<vmem>>, vector<1x100xf32>
    %add3A_138 = vector.broadcast %get3A_137 : vector<1x100xf32> to vector<160x100xf32>
    %add3A_139 = arith.addf %dot_general3A_134, %add3A_138 : vector<160x100xf32>
    %get3A_140 = arith.constant 0 : index
    %get3A_141 = arith.constant 0 : index
    %get3A_142 = vector.load %arg11[%get3A_140, %get3A_141] : memref<100x100xf32, #tpu.memory_space<vmem>>, vector<100x100xf32>
    %dot_general3A_143 = arith.constant dense<0.000000e+00> : vector<160x100xf32>
    %dot_general3A_144 = tpu.matmul %add3A_132, %get3A_142, %dot_general3A_143 {dimension_numbers = #tpu.dot_dimension_numbers<[1], [0], [0], [1], [0, 0, 1, 1], [], []>, transpose_lhs_hint = false} : vector<160x100xf32>, vector<100x100xf32>, vector<160x100xf32> -> vector<160x100xf32>
    %get3A_145 = arith.constant 0 : index
    %get3A_146 = arith.constant 0 : index
    %get3A_147 = vector.load %arg14[%get3A_145, %get3A_146] : memref<100x100xf32, #tpu.memory_space<vmem>>, vector<100x100xf32>
    %dot_general3A_148 = arith.constant dense<0.000000e+00> : vector<160x100xf32>
    %dot_general3A_149 = tpu.matmul %add3A_139, %get3A_147, %dot_general3A_148 {dimension_numbers = #tpu.dot_dimension_numbers<[1], [0], [0], [1], [0, 0, 1, 1], [], []>, transpose_lhs_hint = false} : vector<160x100xf32>, vector<100x100xf32>, vector<160x100xf32> -> vector<160x100xf32>
    %add3A_150 = arith.addf %dot_general3A_144, %dot_general3A_149 : vector<160x100xf32>
    %get3A_151 = arith.constant 0 : index
    %get3A_152 = arith.constant 0 : index
    %get3A_153 = vector.load %arg20[%get3A_151, %get3A_152] : memref<1x100xf32, #tpu.memory_space<vmem>>, vector<1x100xf32>
    %add3A_154 = vector.broadcast %get3A_153 : vector<1x100xf32> to vector<160x100xf32>
    %add3A_155 = arith.addf %add3A_150, %add3A_154 : vector<160x100xf32>
    %get3A_156 = arith.constant 0 : index
    %get3A_157 = arith.constant 0 : index
    %get3A_158 = vector.load %arg17[%get3A_156, %get3A_157] : memref<100x100xf32, #tpu.memory_space<vmem>>, vector<100x100xf32>
    %dot_general3A_159 = arith.constant dense<0.000000e+00> : vector<160x100xf32>
    %dot_general3A_160 = tpu.matmul %slice3A_88, %get3A_158, %dot_general3A_159 {dimension_numbers = #tpu.dot_dimension_numbers<[1], [0], [0], [1], [0, 0, 1, 1], [], []>, transpose_lhs_hint = false} : vector<160x100xf32>, vector<100x100xf32>, vector<160x100xf32> -> vector<160x100xf32>
    %add3A_161 = arith.addf %add3A_155, %dot_general3A_160 : vector<160x100xf32>
    %get3A_162 = arith.constant 0 : index
    %get3A_163 = arith.constant 0 : index
    %get3A_164 = vector.load %arg23[%get3A_162, %get3A_163] : memref<1x100xf32, #tpu.memory_space<vmem>>, vector<1x100xf32>
    %add3A_165 = vector.broadcast %get3A_164 : vector<1x100xf32> to vector<160x100xf32>
    %add3A_166 = arith.addf %add3A_161, %add3A_165 : vector<160x100xf32>
    %logistic3A = arith.negf %add3A_166 : vector<160x100xf32>
    %logistic3A_167 = math.exp %logistic3A : vector<160x100xf32>
    %logistic3A_168 = arith.constant 1.000000e+00 : f32
    %logistic3A_169 = vector.broadcast %logistic3A_168 : f32 to vector<160x100xf32>
    %logistic3A_170 = arith.addf %logistic3A_169, %logistic3A_167 : vector<160x100xf32>
    %logistic3A_171 = arith.divf %logistic3A_169, %logistic3A_170 : vector<160x100xf32>
    %get3A_172 = arith.constant 0 : index
    %get3A_173 = arith.constant 0 : index
    %get3A_174 = vector.load %arg12[%get3A_172, %get3A_173] : memref<100x100xf32, #tpu.memory_space<vmem>>, vector<100x100xf32>
    %dot_general3A_175 = arith.constant dense<0.000000e+00> : vector<160x100xf32>
    %dot_general3A_176 = tpu.matmul %add3A_132, %get3A_174, %dot_general3A_175 {dimension_numbers = #tpu.dot_dimension_numbers<[1], [0], [0], [1], [0, 0, 1, 1], [], []>, transpose_lhs_hint = false} : vector<160x100xf32>, vector<100x100xf32>, vector<160x100xf32> -> vector<160x100xf32>
    %get3A_177 = arith.constant 0 : index
    %get3A_178 = arith.constant 0 : index
    %get3A_179 = vector.load %arg15[%get3A_177, %get3A_178] : memref<100x100xf32, #tpu.memory_space<vmem>>, vector<100x100xf32>
    %dot_general3A_180 = arith.constant dense<0.000000e+00> : vector<160x100xf32>
    %dot_general3A_181 = tpu.matmul %add3A_139, %get3A_179, %dot_general3A_180 {dimension_numbers = #tpu.dot_dimension_numbers<[1], [0], [0], [1], [0, 0, 1, 1], [], []>, transpose_lhs_hint = false} : vector<160x100xf32>, vector<100x100xf32>, vector<160x100xf32> -> vector<160x100xf32>
    %add3A_182 = arith.addf %dot_general3A_176, %dot_general3A_181 : vector<160x100xf32>
    %get3A_183 = arith.constant 0 : index
    %get3A_184 = arith.constant 0 : index
    %get3A_185 = vector.load %arg21[%get3A_183, %get3A_184] : memref<1x100xf32, #tpu.memory_space<vmem>>, vector<1x100xf32>
    %add3A_186 = vector.broadcast %get3A_185 : vector<1x100xf32> to vector<160x100xf32>
    %add3A_187 = arith.addf %add3A_182, %add3A_186 : vector<160x100xf32>
    %get3A_188 = arith.constant 0 : index
    %get3A_189 = arith.constant 0 : index
    %get3A_190 = vector.load %arg18[%get3A_188, %get3A_189] : memref<100x100xf32, #tpu.memory_space<vmem>>, vector<100x100xf32>
    %dot_general3A_191 = arith.constant dense<0.000000e+00> : vector<160x100xf32>
    %dot_general3A_192 = tpu.matmul %slice3A_88, %get3A_190, %dot_general3A_191 {dimension_numbers = #tpu.dot_dimension_numbers<[1], [0], [0], [1], [0, 0, 1, 1], [], []>, transpose_lhs_hint = false} : vector<160x100xf32>, vector<100x100xf32>, vector<160x100xf32> -> vector<160x100xf32>
    %add3A_193 = arith.addf %add3A_187, %dot_general3A_192 : vector<160x100xf32>
    %get3A_194 = arith.constant 0 : index
    %get3A_195 = arith.constant 0 : index
    %get3A_196 = vector.load %arg24[%get3A_194, %get3A_195] : memref<1x100xf32, #tpu.memory_space<vmem>>, vector<1x100xf32>
    %add3A_197 = vector.broadcast %get3A_196 : vector<1x100xf32> to vector<160x100xf32>
    %add3A_198 = arith.addf %add3A_193, %add3A_197 : vector<160x100xf32>
    %logistic3A_199 = arith.negf %add3A_198 : vector<160x100xf32>
    %logistic3A_200 = math.exp %logistic3A_199 : vector<160x100xf32>
    %logistic3A_201 = arith.constant 1.000000e+00 : f32
    %logistic3A_202 = vector.broadcast %logistic3A_201 : f32 to vector<160x100xf32>
    %logistic3A_203 = arith.addf %logistic3A_202, %logistic3A_200 : vector<160x100xf32>
    %logistic3A_204 = arith.divf %logistic3A_202, %logistic3A_203 : vector<160x100xf32>
    %get3A_205 = arith.constant 0 : index
    %get3A_206 = arith.constant 0 : index
    %get3A_207 = vector.load %arg13[%get3A_205, %get3A_206] : memref<100x100xf32, #tpu.memory_space<vmem>>, vector<100x100xf32>
    %dot_general3A_208 = arith.constant dense<0.000000e+00> : vector<160x100xf32>
    %dot_general3A_209 = tpu.matmul %add3A_132, %get3A_207, %dot_general3A_208 {dimension_numbers = #tpu.dot_dimension_numbers<[1], [0], [0], [1], [0, 0, 1, 1], [], []>, transpose_lhs_hint = false} : vector<160x100xf32>, vector<100x100xf32>, vector<160x100xf32> -> vector<160x100xf32>
    %get3A_210 = arith.constant 0 : index
    %get3A_211 = arith.constant 0 : index
    %get3A_212 = vector.load %arg16[%get3A_210, %get3A_211] : memref<100x100xf32, #tpu.memory_space<vmem>>, vector<100x100xf32>
    %dot_general3A_213 = arith.constant dense<0.000000e+00> : vector<160x100xf32>
    %dot_general3A_214 = tpu.matmul %add3A_139, %get3A_212, %dot_general3A_213 {dimension_numbers = #tpu.dot_dimension_numbers<[1], [0], [0], [1], [0, 0, 1, 1], [], []>, transpose_lhs_hint = false} : vector<160x100xf32>, vector<100x100xf32>, vector<160x100xf32> -> vector<160x100xf32>
    %add3A_215 = arith.addf %dot_general3A_209, %dot_general3A_214 : vector<160x100xf32>
    %get3A_216 = arith.constant 0 : index
    %get3A_217 = arith.constant 0 : index
    %get3A_218 = vector.load %arg22[%get3A_216, %get3A_217] : memref<1x100xf32, #tpu.memory_space<vmem>>, vector<1x100xf32>
    %add3A_219 = vector.broadcast %get3A_218 : vector<1x100xf32> to vector<160x100xf32>
    %add3A_220 = arith.addf %add3A_215, %add3A_219 : vector<160x100xf32>
    %get3A_221 = arith.constant 0 : index
    %get3A_222 = arith.constant 0 : index
    %get3A_223 = vector.load %arg19[%get3A_221, %get3A_222] : memref<100x100xf32, #tpu.memory_space<vmem>>, vector<100x100xf32>
    %dot_general3A_224 = arith.constant dense<0.000000e+00> : vector<160x100xf32>
    %dot_general3A_225 = tpu.matmul %slice3A_88, %get3A_223, %dot_general3A_224 {dimension_numbers = #tpu.dot_dimension_numbers<[1], [0], [0], [1], [0, 0, 1, 1], [], []>, transpose_lhs_hint = false} : vector<160x100xf32>, vector<100x100xf32>, vector<160x100xf32> -> vector<160x100xf32>
    %get3A_226 = arith.constant 0 : index
    %get3A_227 = arith.constant 0 : index
    %get3A_228 = vector.load %arg25[%get3A_226, %get3A_227] : memref<1x100xf32, #tpu.memory_space<vmem>>, vector<1x100xf32>
    %add3A_229 = vector.broadcast %get3A_228 : vector<1x100xf32> to vector<160x100xf32>
    %add3A_230 = arith.addf %dot_general3A_225, %add3A_229 : vector<160x100xf32>
    %mul3A_231 = arith.mulf %logistic3A_171, %add3A_230 : vector<160x100xf32>
    %add3A_232 = arith.addf %add3A_220, %mul3A_231 : vector<160x100xf32>
    %tanh3A = math.tanh %add3A_232 : vector<160x100xf32>
    %sub3A_233 = arith.subf %tanh3A, %slice3A_88 : vector<160x100xf32>
    %mul3A_234 = arith.mulf %logistic3A_204, %sub3A_233 : vector<160x100xf32>
    %add3A_235 = arith.addf %tanh3A, %mul3A_234 : vector<160x100xf32>
    %swap3A_236 = arith.constant 0 : index
    %swap3A_237 = arith.constant 0 : index
    %swap3A_238 = vector.load %arg30[%swap3A_236, %swap3A_237] : memref<160x100xf32, #tpu.memory_space<vmem>>, vector<160x100xf32>
    tpu.vector_store %arg30[%swap3A_236, %swap3A_237], %add3A_235 {strides = array<i32>} : memref<160x100xf32, #tpu.memory_space<vmem>>, vector<160x100xf32>,
    return
  }
  func.func @transform_0(%arg0: i32) -> (i32, i32) {
    %c0_i32 = arith.constant 0 : i32
    %c0_i32_0 = arith.constant 0 : i32
    return %arg0, %c0_i32 : i32, i32
  }
  func.func @transform_1(%arg0: i32) -> (i32, i32) {
    %c0_i32 = arith.constant 0 : i32
    %c0_i32_0 = arith.constant 0 : i32
    return %arg0, %c0_i32 : i32, i32
  }
  func.func @transform_2(%arg0: i32) -> (i32, i32) {
    %c0_i32 = arith.constant 0 : i32
    %c0_i32_0 = arith.constant 0 : i32
    return %arg0, %c0_i32 : i32, i32
  }
  func.func @transform_3(%arg0: i32) -> (i32, i32) {
    %add3A = arith.constant 128 : i32
    %add3A_0 = arith.addi %arg0, %add3A : i32
    %c0_i32 = arith.constant 0 : i32
    %c0_i32_1 = arith.constant 0 : i32
    return %add3A_0, %c0_i32 : i32, i32
  }
  func.func @transform_4(%arg0: i32) -> (i32, i32) {
    %c0_i32 = arith.constant 0 : i32
    %c0_i32_0 = arith.constant 0 : i32
    return %arg0, %c0_i32 : i32, i32
  }
  func.func @transform_5(%arg0: i32) -> (i32, i32) {
    %c0_i32 = arith.constant 0 : i32
    %c0_i32_0 = arith.constant 0 : i32
    %c0_i32_1 = arith.constant 0 : i32
    return %c0_i32, %c0_i32_0 : i32, i32
  }
  func.func @transform_6(%arg0: i32) -> (i32, i32) {
    %c0_i32 = arith.constant 0 : i32
    %c0_i32_0 = arith.constant 0 : i32
    %c0_i32_1 = arith.constant 0 : i32
    return %c0_i32, %c0_i32_0 : i32, i32
  }
  func.func @transform_7(%arg0: i32) -> (i32, i32) {
    %c0_i32 = arith.constant 0 : i32
    %c0_i32_0 = arith.constant 0 : i32
    %c0_i32_1 = arith.constant 0 : i32
    return %c0_i32, %c0_i32_0 : i32, i32
  }
  func.func @transform_8(%arg0: i32) -> (i32, i32) {
    %c0_i32 = arith.constant 0 : i32
    %c0_i32_0 = arith.constant 0 : i32
    %c0_i32_1 = arith.constant 0 : i32
    return %c0_i32, %c0_i32_0 : i32, i32
  }
  func.func @transform_9(%arg0: i32) -> (i32, i32) {
    %c0_i32 = arith.constant 0 : i32
    %c0_i32_0 = arith.constant 0 : i32
    %c0_i32_1 = arith.constant 0 : i32
    return %c0_i32, %c0_i32_0 : i32, i32
  }
  func.func @transform_10(%arg0: i32) -> (i32, i32) {
    %c0_i32 = arith.constant 0 : i32
    %c0_i32_0 = arith.constant 0 : i32
    %c0_i32_1 = arith.constant 0 : i32
    return %c0_i32, %c0_i32_0 : i32, i32
  }
  func.func @transform_11(%arg0: i32) -> (i32, i32) {
    %c0_i32 = arith.constant 0 : i32
    %c0_i32_0 = arith.constant 0 : i32
    %c0_i32_1 = arith.constant 0 : i32
    return %c0_i32, %c0_i32_0 : i32, i32
  }
  func.func @transform_12(%arg0: i32) -> (i32, i32) {
    %c0_i32 = arith.constant 0 : i32
    %c0_i32_0 = arith.constant 0 : i32
    %c0_i32_1 = arith.constant 0 : i32
    return %c0_i32, %c0_i32_0 : i32, i32
  }
  func.func @transform_13(%arg0: i32) -> (i32, i32) {
    %c0_i32 = arith.constant 0 : i32
    %c0_i32_0 = arith.constant 0 : i32
    %c0_i32_1 = arith.constant 0 : i32
    return %c0_i32, %c0_i32_0 : i32, i32
  }
  func.func @transform_14(%arg0: i32) -> (i32, i32) {
    %c0_i32 = arith.constant 0 : i32
    %c0_i32_0 = arith.constant 0 : i32
    %c0_i32_1 = arith.constant 0 : i32
    return %c0_i32, %c0_i32_0 : i32, i32
  }
  func.func @transform_15(%arg0: i32) -> (i32, i32) {
    %c0_i32 = arith.constant 0 : i32
    %c0_i32_0 = arith.constant 0 : i32
    %c0_i32_1 = arith.constant 0 : i32
    return %c0_i32, %c0_i32_0 : i32, i32
  }
  func.func @transform_16(%arg0: i32) -> (i32, i32) {
    %c0_i32 = arith.constant 0 : i32
    %c0_i32_0 = arith.constant 0 : i32
    %c0_i32_1 = arith.constant 0 : i32
    return %c0_i32, %c0_i32_0 : i32, i32
  }
  func.func @transform_17(%arg0: i32) -> (i32, i32) {
    %c0_i32 = arith.constant 0 : i32
    %c0_i32_0 = arith.constant 0 : i32
    %c0_i32_1 = arith.constant 0 : i32
    return %c0_i32, %c0_i32_0 : i32, i32
  }
  func.func @transform_18(%arg0: i32) -> (i32, i32) {
    %c0_i32 = arith.constant 0 : i32
    %c0_i32_0 = arith.constant 0 : i32
    %c0_i32_1 = arith.constant 0 : i32
    return %c0_i32, %c0_i32_0 : i32, i32
  }
  func.func @transform_19(%arg0: i32) -> (i32, i32) {
    %c0_i32 = arith.constant 0 : i32
    %c0_i32_0 = arith.constant 0 : i32
    %c0_i32_1 = arith.constant 0 : i32
    return %c0_i32, %c0_i32_0 : i32, i32
  }
  func.func @transform_20(%arg0: i32) -> (i32, i32) {
    %c0_i32 = arith.constant 0 : i32
    %c0_i32_0 = arith.constant 0 : i32
    %c0_i32_1 = arith.constant 0 : i32
    return %c0_i32, %c0_i32_0 : i32, i32
  }
  func.func @transform_21(%arg0: i32) -> (i32, i32) {
    %c0_i32 = arith.constant 0 : i32
    %c0_i32_0 = arith.constant 0 : i32
    %c0_i32_1 = arith.constant 0 : i32
    return %c0_i32, %c0_i32_0 : i32, i32
  }
  func.func @transform_22(%arg0: i32) -> (i32, i32) {
    %c0_i32 = arith.constant 0 : i32
    %c0_i32_0 = arith.constant 0 : i32
    %c0_i32_1 = arith.constant 0 : i32
    return %c0_i32, %c0_i32_0 : i32, i32
  }
  func.func @transform_23(%arg0: i32) -> (i32, i32) {
    %c0_i32 = arith.constant 0 : i32
    %c0_i32_0 = arith.constant 0 : i32
    %c0_i32_1 = arith.constant 0 : i32
    return %c0_i32, %c0_i32_0 : i32, i32
  }
  func.func @transform_24(%arg0: i32) -> (i32, i32) {
    %c0_i32 = arith.constant 0 : i32
    %c0_i32_0 = arith.constant 0 : i32
    %c0_i32_1 = arith.constant 0 : i32
    return %c0_i32, %c0_i32_0 : i32, i32
  }
  func.func @transform_25(%arg0: i32) -> (i32, i32) {
    %c0_i32 = arith.constant 0 : i32
    %c0_i32_0 = arith.constant 0 : i32
    %c0_i32_1 = arith.constant 0 : i32
    return %c0_i32, %c0_i32_0 : i32, i32
  }
  func.func @transform_26(%arg0: i32) -> (i32, i32) {
    %c0_i32 = arith.constant 0 : i32
    %c0_i32_0 = arith.constant 0 : i32
    %c0_i32_1 = arith.constant 0 : i32
    return %c0_i32, %c0_i32_0 : i32, i32
  }
  func.func @transform_27(%arg0: i32) -> (i32, i32) {
    %c0_i32 = arith.constant 0 : i32
    %c0_i32_0 = arith.constant 0 : i32
    %c0_i32_1 = arith.constant 0 : i32
    return %c0_i32, %c0_i32_0 : i32, i32
  }
  func.func @transform_28(%arg0: i32) -> (i32, i32) {
    %c0_i32 = arith.constant 0 : i32
    %c0_i32_0 = arith.constant 0 : i32
    %c0_i32_1 = arith.constant 0 : i32
    return %c0_i32, %c0_i32_0 : i32, i32
  }
  func.func @transform_29(%arg0: i32) -> (i32, i32) {
    %c0_i32 = arith.constant 0 : i32
    %c0_i32_0 = arith.constant 0 : i32
    return %arg0, %c0_i32 : i32, i32
  }
  func.func @transform_30(%arg0: i32) -> (i32, i32) {
    %c0_i32 = arith.constant 0 : i32
    %c0_i32_0 = arith.constant 0 : i32
    return %arg0, %c0_i32 : i32, i32
  }
}

</mosaic_0001>

<sc_bundles>
// kernel: kernel.10.cloned.1.call-start
scs
__scs_entry_jumppad:
0x0: {  	(pc) =	sbr.rel $0x88, $3  }
0x1: {  	(tag) =	ssettag $0x0;
	lr =	simm.s32 $0x1  }
0x2: {  	[smem:$0x3F8E] =	sst lr;
	_ =	strace $0xD0000000  }
0x3: {  	_ = 	snop  }
0x4: {  	_ = 	snop  }
0x5: {  	_ = 	snop  }
0x6: {  	_ = 	snop  }
0x7: {  	_ = 	snop  }
__scs_overlays_trampoline_lowered:
0x8: {  	[smem:$0x3F9D] =	sst s0  }
0x9: {  	[smem:$0x3F9E] =	sst s1  }
0xa: {  	[smem:$0x3F9F] =	sst s2  }
0xb: {  	[smem:$0x3FA0] =	sst s3  }
0xc: {  	[smem:$0x3FA1] =	sst s4  }
0xd: {  	[smem:$0x3FA2] =	sst s5  }
0xe: {  	[smem:$0x3FA3] =	sst s6  }
0xf: {  	[smem:$0x3FA4] =	sst s7  }
0x10: {  	[smem:$0x3FA5] =	sst s8  }
0x11: {  	[smem:$0x3FA6] =	sst s9;
	s0 =	simm.s32 @!p0 $0x0  }
0x12: {  	s1 =	sld [smem:$0x3F8C];
	s0 =	simm.s32 @p0 $0x1  }
0x13: {  	[smem:$0x3FA7] =	sst s0;
	s0 =	simm.s32 @!p1 $0x0  }
0x14: {  	s2 =	sld [smem:$0x3F8B];
	s0 =	simm.s32 @p1 $0x1  }
0x15: {  	[smem:$0x3FA8] =	sst s0;
	s0 =	simm.s32 @!p2 $0x0  }
0x16: {  	s3 =	sld [smem:$0x3FDB];
	s0 =	simm.s32 @p2 $0x1  }
0x17: {  	s4 =	simm.s32 $0x1BF5;
	[smem:$0x3FAA] =	sst s0  }
0x18: {  	s0 =	sld [smem:$0x3F8D];
	_ =	swait.ge [sflag:s4], $0x0  }
0x19: {  	s7 =	sld [smem:$0x3F8E]  }
0x1a: {  	s8 =	sadd.s32 $0xFFFFE003, lr  }
0x1b: {  	s9 =	sadd.s32 $0xFFFFFEF7, lr;
	s5 =	simm.s32 $0xFFFFFFFF;
	p2 =	slt.u32 s8, $0xFFFFF086  }
0x1c: {  	p1 =	slt.u32 s9, $0xF7A;
	s5 =	simm.s32 @!p2 $0x0  }
0x1d: {  	s5 =	simm.s32 @p1 $0x1;
	p0 =	seq.s32 s7, s2  }
0x1e: {  	s7 =	smul.u32 @!p0 $0xF7A, s2;
	p2 =	seq.s32 @!p0 s5, $0x0  }
0x1f: {  	s9 =	smul.u32 $0xF7A, s1;
	s8 =	simm.s32 @!p0 $0x1BF5;
	p2 =	por !p2, p0  }
0x20: {  	[sflag:s8] =	ssyncset.s32 @!p0 $0xFFFFF086;
	s6 =	sadd.s32 @!p0 s3, s7;
	s7 =	simm.s32 @!p0 $0x108  }
0x21: {  	s3 =	sadd.s32 s3, s9;
	s6 =	sadd.s32 @!p0 $0x88, s6;
	s7 =	simm.s32 @p2 $0x1082  }
0x22: {  	[simem:s7], [sflag:s8] =	dma.local @!p0 [hbm:s6], $0xF7A  }
0x23: {  	s9 =	sor.u32 $0xD0000000, s2;
	s6 =	simm.s32 $0x108;
	_ =	swait.ge @!p0 [sflag:s8], $0x0  }
0x24: {  	s3 =	sadd.s32 $0x88, s3;
	s6 =	simm.s32 @!p1 $0x1082;
	[sflag:s4] =	ssyncset.s32 $0xFFFFF086  }
0x25: {  	[simem:s6], [sflag:s4] =	dma.local [hbm:s3], $0xF7A  }
0x26: {  	[smem:$0x3F8E] =	sst s1;
	(tag) =	ssettag s2;
	_ =	strace s9  }
0x27: {  	s1 =	sld [smem:$0x3F9E]  }
0x28: {  	s2 =	sld [smem:$0x3F9F]  }
0x29: {  	s4 =	sld [smem:$0x3FA1]  }
0x2a: {  	p0 =	seq.s32 s5, $0x0;
	s5 =	sld [smem:$0x3FA2]  }
0x2b: {  	s6 =	sld [smem:$0x3FA3]  }
0x2c: {  	s7 =	sld [smem:$0x3FA4]  }
0x2d: {  	s3 =	simm.s32 $0x108;
	s8 =	sld [smem:$0x3FA5]  }
0x2e: {  	s3 =	simm.s32 @!p0 $0x1082;
	s9 =	sld [smem:$0x3FA6]  }
0x2f: {  	lr =	sadd.s32 s0, s3;
	s0 =	sld [smem:$0x3F9D]  }
0x30: {  	s3 =	sld [smem:$0x3FA0]  }
0x31: {  	[smem:$0x3FA9] =	sst s10  }
0x32: {  	s10 =	sld [smem:$0x3FA7];
	_ =	sdelay $0x3  }
0x33: {  	p0 =	seq.s32 s10, $0x1;
	s10 =	sld [smem:$0x3FA9];
	_ =	sdelay $0x3  }
0x34: {  	[smem:$0x3FA9] =	sst s10  }
0x35: {  	s10 =	sld [smem:$0x3FA8];
	_ =	sdelay $0x3  }
0x36: {  	p1 =	seq.s32 s10, $0x1;
	s10 =	sld [smem:$0x3FA9];
	_ =	sdelay $0x3  }
0x37: {  	[smem:$0x3FA9] =	sst s10  }
0x38: {  	s10 =	sld [smem:$0x3FAA]  }
0x39: {  	_ = 	snop;
	(pc) =	sbr.ind lr, $3  }
0x3a: {  	_ = 	snop  }
0x3b: {  	_ = 	snop  }
0x3c: {  	p2 =	seq.s32 s10, $0x1;
	s10 =	sld [smem:$0x3FA9]  }
0x3d: {  	_ =	shalt  }
0x3e: {  	_ =	shalt  }
0x3f: {  	_ =	shalt  }
0x40: {  	_ =	shalt  }
0x41: {  	_ =	shalt  }
0x42: {  	_ =	shalt  }
0x43: {  	_ =	shalt  }
0x44: {  	_ =	shalt  }
0x45: {  	_ =	shalt  }
0x46: {  	_ =	shalt  }
0x47: {  	_ =	shalt  }
0x48: {  	_ =	shalt  }
0x49: {  	_ =	shalt  }
0x4a: {  	_ =	shalt  }
0x4b: {  	_ =	shalt  }
0x4c: {  	_ =	shalt  }
0x4d: {  	_ =	shalt  }
0x4e: {  	_ =	shalt  }
0x4f: {  	_ =	shalt  }
0x50: {  	_ =	shalt  }
0x51: {  	_ =	shalt  }
0x52: {  	_ =	shalt  }
0x53: {  	_ =	shalt  }
0x54: {  	_ =	shalt  }
0x55: {  	_ =	shalt  }
0x56: {  	_ =	shalt  }
0x57: {  	_ =	shalt  }
0x58: {  	_ =	shalt  }
0x59: {  	_ =	shalt  }
0x5a: {  	_ =	shalt  }
0x5b: {  	_ =	shalt  }
0x5c: {  	_ =	shalt  }
0x5d: {  	_ =	shalt  }
0x5e: {  	_ =	shalt  }
0x5f: {  	_ =	shalt  }
0x60: {  	_ =	shalt  }
0x61: {  	_ =	shalt  }
0x62: {  	_ =	shalt  }
0x63: {  	_ =	shalt  }
0x64: {  	_ =	shalt  }
0x65: {  	_ =	shalt  }
0x66: {  	_ =	shalt  }
0x67: {  	_ =	shalt  }
0x68: {  	_ =	shalt  }
0x69: {  	_ =	shalt  }
0x6a: {  	_ =	shalt  }
0x6b: {  	_ =	shalt  }
0x6c: {  	_ =	shalt  }
0x6d: {  	_ =	shalt  }
0x6e: {  	_ =	shalt  }
0x6f: {  	_ =	shalt  }
0x70: {  	_ =	shalt  }
0x71: {  	_ =	shalt  }
0x72: {  	_ =	shalt  }
0x73: {  	_ =	shalt  }
0x74: {  	_ =	shalt  }
0x75: {  	_ =	shalt  }
0x76: {  	_ =	shalt  }
0x77: {  	_ =	shalt  }
0x78: {  	_ =	shalt  }
0x79: {  	_ =	shalt  }
0x7a: {  	_ =	shalt  }
0x7b: {  	_ =	shalt  }
0x7c: {  	_ =	shalt  }
0x7d: {  	_ =	shalt  }
0x7e: {  	_ =	shalt  }
0x7f: {  	_ =	shalt  }
0x80: {  	_ =	shalt  }
0x81: {  	_ =	shalt  }
0x82: {  	_ =	shalt  }
0x83: {  	_ =	shalt  }
0x84: {  	_ =	shalt  }
0x85: {  	_ =	shalt  }
0x86: {  	_ =	shalt  }
0x87: {  	_ =	shalt  }
.Lfunc_end0:
.L_simem_size_0:
called_computation.1_lowered:
.L_overlay_start_0:
0x88: {  	s2 =	sld [smem:$0x3FD9]  }
0x89: {  	s3 =	sld [smem:$0x3FFE];
	_ =	sdelay $0x1  }
0x8a: {  	s1 =	srdreg.scid  }
0x8b: {  	s0 =	sand.u32 $0x1, s1  }
0x8c: {  	s15 =	sshll.u32 s0, $0xA;
	s2 =	sadd.s32 s3, s2  }
0x8d: {  	s2 =	sadd.s32 s2, s15  }
0x8e: {  	[smem:$0x3FB5] =	sst s2  }
0x8f: {  	_ = 	snop  }
0x90: {  	s2 =	sld [smem:$0x3FD0];
	_ =	sdelay $0x2  }
0x91: {  	s16 =	simm.s32 $0xB;
	s4 =	simm.s32 $0x10  }
0x92: {  	[smem:s4], [sflag:s16] =	dma.local [hbm:s2], $0x1  }
0x93: {  	_ =	swait.eq [sflag:s16], $0x1  }
0x94: {  	[sflag:s16] =	ssyncset.done $0x0  }
0x95: {  	[sflag:s16] =	ssyncadd.s32 $0xFFFFFFFF  }
0x96: {  	s17 =	sld [smem:$0x11];
	(tm) =	ssettm $0x1  }
0x97: {  	s18 =	sld [smem:$0x3FFB];
	_ =	sdelay $0x3  }
0x98: {  	_ =	strace s18  }
0x99: {  	s2 =	sld [smem:$0x3FFC];
	_ =	sdelay $0x3  }
0x9a: {  	_ =	strace s2  }
0x9b: {  	s2 =	sld [smem:$0x3FFD];
	_ =	sdelay $0x3  }
0x9c: {  	_ =	strace s2  }
0x9d: {  	_ =	strace $0x8FFFFFFF  }
0x9e: {  	s19 =	sld [smem:$0x3FDB];
	_ =	sdelay $0x1  }
0x9f: {  	s20 =	simm.s32 $_scs_section_size  }
0xa0: {  	s5 =	simm.s32 $_size__tile_overlayer_lowered;
	s6 =	simm.s32 $_tile_overlayer_lowered  }
0xa1: {  	s7 =	simm.s32 $0x1BFF;
	s21 =	sshll.u32 s6, $0x1;
	s4 =	sadd.s32 s20, s19  }
0xa2: {  	s22 =	simm.s32 $0x0;
	s5 =	sshll.u32 s5, $0x1;
	s6 =	sadd.s32 s21, s4  }
0xa3: {  	[timem:s22], [sflag:s7] =	dma.local [hbm:s6], s5  }
0xa4: {  	_ =	swait.ge [sflag:s7], s5  }
0xa5: {  	s5 =	ssub.s32 $0x0, s5;
	[sflag:s7] =	ssyncset.done $0x0  }
0xa6: {  	[sflag:s7] =	ssyncadd.s32 s5;
	_ =	sdelay $0x1  }
0xa7: {  	s23 =	simm.s32 $0x1B8B  }
0xa8: {  	_ =	swait.ge [sflag:s23], $0x1  }
0xa9: {  	[sflag:s23] =	ssyncset.done $0x0  }
0xaa: {  	[sflag:s23] =	ssyncadd.s32 $0xFFFFFFFF  }
0xab: {  	s5 =	sld [smem:$0x0]  }
0xac: {  	s6 =	sand.u32 $0xFFFFFFFE, s1  }
0xad: {  	p0 =	sne.s32 s1, s6  }
0xae: {  	s6 =	sshll.u32 @p0 s6, $0xE  }
0xaf: {  	s6 =	sadd.s32 @p0 $0x11B8D, s6;
	s7 =	sshll.u32 @p0 s5, $0x11  }
0xb0: {  	s6 =	sor.u32 @p0 s7, s6  }
0xb1: {  	[sflag:s6] =	ssyncadd.remote.s32 @p0 $0x1;
	_ =	sdelay $0x1  }
0xb2: {  	s6 =	simm.s32 @p0 $0x1B8D  }
0xb3: {  	_ =	swait.eq @p0 [sflag:s6], $0x1  }
0xb4: {  	[sflag:s6] =	ssyncadd.s32 @p0 $0xFFFFFFFF  }
0xb5: {  	s7 =	sshll.u32 @!p0 s1, $0xE  }
0xb6: {  	s7 =	sor.u32 @!p0 $0x4000, s7;
	s6 =	simm.s32 @!p0 $0x1B8D  }
0xb7: {  	s5 =	sshll.u32 @!p0 s5, $0x11;
	s7 =	sadd.s32 @!p0 $0x11B8D, s7;
	_ =	swait.eq @!p0 [sflag:s6], $0x1  }
0xb8: {  	s5 =	sor.u32 @!p0 s5, s7;
	[sflag:s6] =	ssyncadd.s32 @!p0 $0xFFFFFFFF  }
0xb9: {  	s25 =	simm.s32 $0x1B8E;
	s24 =	sld [smem:$0x3FFE];
	[sflag:s5] =	ssyncadd.remote.s32 @!p0 $0x1  }
0xba: {  	s26 =	simm.s32 $execute0_lowered;
	[smem:$0x3FD2] =	sst s25  }
0xbb: {  	s6 =	sshll.u32 s26, $0x1;
	_ =	strace $0x80000049;
	[dreg:$0x1] =	wrdreg $0xFFFFFFFF  }
0xbc: {  	s28 =	simm.s32 $_size_execute0_lowered;
	s4 =	sadd.s32 s4, s6;
	[dreg:$0x0] =	wrdreg $0x0  }
0xbd: {  	s6 =	sshll.u32 s28, $0x1;
	[dreg:$0x2] =	wrdreg s4  }
0xbe: {  	[dreg:$0x3] =	wrdreg s6  }
0xbf: {  	[dreg:$0x4] =	wrdreg $0xC0  }
0xc0: {  	_ =	task [dreg:s22], $0x5FFFF  }
0xc1: {  	[dreg:$0x1] =	wrdreg $0xFFFFFFFF  }
0xc2: {  	[dreg:$0x0] =	wrdreg $0x60  }
0xc3: {  	[dreg:$0x2] =	wrdreg s24  }
0xc4: {  	[dreg:$0x3] =	wrdreg s17  }
0xc5: {  	[dreg:$0x4] =	wrdreg $0xA  }
0xc6: {  	_ =	task.clear_ibuf [dreg:s22], $0x5FFFF;
	_ =	strace $0x90000049  }
0xc7: {  	s29 =	simm.s32 $0xA;
	_ =	strace $0x8000004B  }
0xc8: {  	_ =	swait.ge [sflag:s29], $0x1  }
0xc9: {  	[sflag:s29] =	ssyncadd.s32 $0xFFFFFFFF  }
0xca: {  	_ =	strace $0x9000004B  }
0xcb: {  	_ =	sfence  }
0xcc: {  	s30 =	sld [smem:$0x0];
	_ =	sdelay $0x2  }
0xcd: {  	s31 =	sshll.u32 s1, $0xD;
	s1 =	sshrl.u32 s1, $0x2  }
0xce: {  	s4 =	sand.u32 $0x4000, s31;
	s1 =	sadd.s32 s1, s30  }
0xcf: {  	s0 =	sor.u32 s4, s0;
	s1 =	sshll.u32 s1, $0x11  }
0xd0: {  	s0 =	sor.u32 s1, s0  }
0xd1: {  	s0 =	sadd.s32 $0x8F2B, s0  }
0xd2: {  	[sflag:s0] =	ssyncadd.remote.s32 $0x1  }
0xd3: {  	_ =	sfence.sel $0xFFFF  }
0xd4: {  	[dreg:$0x0] =	wrdreg $0xFFFFFFFF;
	(pc) =	sbr.abs _section_cstart, $3  }
0xd5: {  	[dreg:$0x1] =	wrdreg $0xFFFFFFFF  }
0xd6: {  	_ =	task.clear_ibuf [dreg:s22], $0x2FFFF;
	_ =	strace $0x9FFFFFFF  }
0xd7: {  	(tm) =	ssettm $0x7FFFFFFF  }
tec
execute0_lowered:
.L_overlay_start_1:
0x0: {  	(tag) =	ssettag $0x1  }
0x1: {  	s0 =	rddreg [dreg:$0x0]  }
0x2: {  	s1 =	rddreg [dreg:$0x1];
	s2 =	simm.s32 $0x0  }
0x3: {  	s3 =	srdreg.scid;
	s4 =	stileid.u32;
	s12 =	simm.s32 $0x2  }
0x4: {  	p0 =	por $0x0, $0x0;
	s3 =	sand.u32 $0x1, s3;
	s4 =	sshll.u32 s4, $0x1  }
0x5: {  	[smem:$0x7FF] =	sst s2;
	s4 =	sor.u32 s3, s4;
	s3 =	ssub.s32 $0x2, s3  }
0x6: {  	s6 =	sadd.s32 $0x18A600, s0;
	_ =	strace $0x8000004A;
	s9 =	sshrl.u32 s3, $0x1  }
0x7: {  	s5 =	sshll.u32 s4, $0x9;
	s7 =	smul.u32 $0x2800, s4;
	s3 =	ssub.s32 s3, s9  }
0x8: {  	s4 =	smul.u32 $0x14000, s4;
	s8 =	sadd.s32 s5, s0;
	s31 =	smax.u32 s3, $0x1  }
0x9: {  	s0 =	sadd.s32 $0x57C00, s0;
	s1 =	sadd.s32 s1, s5;
	p1 =	sne.s32 s31, $0x1  }
.Ltmp0:
0xa: {  	[dreg:$0x3] =	wrdreg s1;
	s29 =	sadd.s32 s0, s7;
	(pc) =	sbr.rel @!p1 .LBB2_4-.Ltmp0, $4  }
0xb: {  	s4 =	sshrl.u32 s4, $0x3;
	s30 =	sadd.s32 $0x53C00, s8;
	[dreg:$0x4] =	wrdreg s29  }
0xc: {  	s5 =	simm.s32 $0x1;
	s0 =	sadd.s32 s0, s4;
	[dreg:$0x5] =	wrdreg s30  }
0xd: {  	s7 =	simm.s32 $0x14;
	s21 =	rddreg [dreg:$0x3];
	s0 =	sadd.s32 $0x50000, s0  }
0xe: {  	s4 =	simm.s32 $0x1000;
	[dreg:$0x6] =	wrdreg s0;
	s0 =	sadd.s32 $0xFFFFFFFF, s31  }
0xf: {  	[tilespmem:s2], [sflag:$0x2] =	stream.linear.gather [hbm4b:s21+s2], $0x1000, $0x38;
	[tilespmem:$0x15000] =	vst v63  }
0x10: {  	_ =	swait.ge [sflag:s12], $0x1000  }
0x11: {  	[sflag:s12] =	ssyncset.done $0x0  }
0x12: {  	[sflag:s12] =	ssyncadd.s32 $0xFFFFF000  }
0x13: {  	[tilespmem:s4], [sflag:$0x1] =	stream.indirect.gather [hbm4b:s6+s7], $0x80, s2, s7, $0xb8;
	[tilespmem:$0x15000] =	vst v63  }
0x14: {  	s1 =	simm.s32 $0x80;
	s13 =	simm.s32 $0x1A00  }
0x15: {  	[tilespmem:s13], [sflag:$0x1] =	stream.indirect.gather [hbm4b:s6+s7], $0x80, s1, s7, $0xb8;
	[tilespmem:$0x15000] =	vst v63  }
0x16: {  	s14 =	simm.s32 $0x100;
	s15 =	simm.s32 $0x2400  }
0x17: {  	[tilespmem:s15], [sflag:$0x1] =	stream.indirect.gather [hbm4b:s6+s7], $0x80, s14, s7, $0xb8;
	[tilespmem:$0x15000] =	vst v63  }
0x18: {  	s16 =	simm.s32 $0x180;
	s17 =	simm.s32 $0x2E00  }
0x19: {  	[tilespmem:s17], [sflag:$0x1] =	stream.indirect.gather [hbm4b:s6+s7], $0x80, s16, s7, $0xb8;
	[tilespmem:$0x15000] =	vst v63  }
0x1a: {  	s18 =	simm.s32 $0x200;
	s19 =	simm.s32 $0x3800  }
0x1b: {  	[tilespmem:s19], [sflag:$0x1] =	stream.indirect.gather [hbm4b:s6+s7], $0x80, s18, s7, $0xb8;
	[tilespmem:$0x15000] =	vst v63  }
0x1c: {  	s20 =	simm.s32 $0x280;
	s21 =	simm.s32 $0x4200  }
0x1d: {  	[tilespmem:s21], [sflag:$0x1] =	stream.indirect.gather [hbm4b:s6+s7], $0x80, s20, s7, $0xb8;
	[tilespmem:$0x15000] =	vst v63  }
0x1e: {  	s22 =	simm.s32 $0x300;
	s23 =	simm.s32 $0x4C00  }
0x1f: {  	[tilespmem:s23], [sflag:$0x1] =	stream.indirect.gather [hbm4b:s6+s7], $0x80, s22, s7, $0xb8;
	[tilespmem:$0x15000] =	vst v63  }
0x20: {  	s24 =	simm.s32 $0x380;
	s25 =	simm.s32 $0x5600  }
0x21: {  	[tilespmem:s25], [sflag:$0x1] =	stream.indirect.gather [hbm4b:s6+s7], $0x80, s24, s7, $0xb8;
	[tilespmem:$0x15000] =	vst v63  }
0x22: {  	s26 =	simm.s32 $0x400;
	s30 =	simm.s32 $0x6000  }
0x23: {  	[tilespmem:s30], [sflag:$0x1] =	stream.indirect.gather [hbm4b:s6+s7], $0x80, s26, s7, $0xb8;
	[tilespmem:$0x15000] =	vst v63  }
0x24: {  	s28 =	simm.s32 $0x480;
	s25 =	simm.s32 $0x6A00  }
0x25: {  	[tilespmem:s25], [sflag:$0x1] =	stream.indirect.gather [hbm4b:s6+s7], $0x80, s28, s7, $0xb8;
	[tilespmem:$0x15000] =	vst v63  }
0x26: {  	s19 =	simm.s32 $0x7400;
	s28 =	simm.s32 $0x500  }
0x27: {  	[tilespmem:s19], [sflag:$0x1] =	stream.indirect.gather [hbm4b:s6+s7], $0x80, s28, s7, $0xb8;
	[tilespmem:$0x15000] =	vst v63  }
0x28: {  	s15 =	simm.s32 $0x7E00;
	s23 =	simm.s32 $0x580  }
0x29: {  	[tilespmem:s15], [sflag:$0x1] =	stream.indirect.gather [hbm4b:s6+s7], $0x80, s23, s7, $0xb8;
	[tilespmem:$0x15000] =	vst v63  }
0x2a: {  	s4 =	simm.s32 $0x8800;
	s17 =	simm.s32 $0x600  }
0x2b: {  	[tilespmem:s4], [sflag:$0x1] =	stream.indirect.gather [hbm4b:s6+s7], $0x80, s17, s7, $0xb8;
	[tilespmem:$0x15000] =	vst v63  }
0x2c: {  	s3 =	simm.s32 $0x680;
	s9 =	simm.s32 $0x9200  }
0x2d: {  	[tilespmem:s9], [sflag:$0x1] =	stream.indirect.gather [hbm4b:s6+s7], $0x80, s3, s7, $0xb8;
	[tilespmem:$0x15000] =	vst v63  }
0x2e: {  	s8 =	simm.s32 $0x700;
	s11 =	simm.s32 $0x9C00  }
0x2f: {  	[tilespmem:s11], [sflag:$0x1] =	stream.indirect.gather [hbm4b:s6+s7], $0x80, s8, s7, $0xb8;
	[tilespmem:$0x15000] =	vst v63  }
0x30: {  	s10 =	simm.s32 $0x780;
	s16 =	simm.s32 $0xA600  }
0x31: {  	[tilespmem:s16], [sflag:$0x1] =	stream.indirect.gather [hbm4b:s6+s7], $0x80, s10, s7, $0xb8;
	[tilespmem:$0x15000] =	vst v63  }
0x32: {  	s13 =	simm.s32 $0x800;
	s22 =	simm.s32 $0xB000  }
0x33: {  	[tilespmem:s22], [sflag:$0x1] =	stream.indirect.gather [hbm4b:s6+s7], $0x80, s13, s7, $0xb8;
	[tilespmem:$0x15000] =	vst v63  }
0x34: {  	s14 =	simm.s32 $0x880;
	s26 =	simm.s32 $0xBA00  }
0x35: {  	[tilespmem:s26], [sflag:$0x1] =	stream.indirect.gather [hbm4b:s6+s7], $0x80, s14, s7, $0xb8;
	[tilespmem:$0x15000] =	vst v63  }
0x36: {  	s31 =	simm.s32 $0xC400;
	s18 =	simm.s32 $0x900  }
0x37: {  	[tilespmem:s31], [sflag:$0x1] =	stream.indirect.gather [hbm4b:s6+s7], $0x80, s18, s7, $0xb8;
	[tilespmem:$0x15000] =	vst v63  }
0x38: {  	s29 =	simm.s32 $0xCE00;
	s24 =	simm.s32 $0x980  }
0x39: {  	[tilespmem:s29], [sflag:$0x1] =	stream.indirect.gather [hbm4b:s6+s7], $0x80, s24, s7, $0xb8;
	[tilespmem:$0x15000] =	vst v63  }
0x3a: {  	s21 =	simm.s32 $0xD800;
	s29 =	simm.s32 $0xA00  }
0x3b: {  	[tilespmem:s21], [sflag:$0x1] =	stream.indirect.gather [hbm4b:s6+s7], $0x80, s29, s7, $0xb8;
	[tilespmem:$0x15000] =	vst v63  }
0x3c: {  	s1 =	smov.u32 s0;
	s0 =	simm.s32 $0xE200;
	s21 =	simm.s32 $0xA80  }
0x3d: {  	[tilespmem:s0], [sflag:$0x1] =	stream.indirect.gather [hbm4b:s6+s7], $0x80, s21, s7, $0xb8;
	[tilespmem:$0x15000] =	vst v63  }
0x3e: {  	s21 =	simm.s32 $0xB00;
	s0 =	simm.s32 $0xEC00  }
0x3f: {  	[tilespmem:s0], [sflag:$0x1] =	stream.indirect.gather [hbm4b:s6+s7], $0x80, s21, s7, $0xb8;
	[tilespmem:$0x15000] =	vst v63  }
0x40: {  	s21 =	simm.s32 $0xB80;
	s0 =	simm.s32 $0xF600  }
0x41: {  	[tilespmem:s0], [sflag:$0x1] =	stream.indirect.gather [hbm4b:s6+s7], $0x80, s21, s7, $0xb8;
	[tilespmem:$0x15000] =	vst v63  }
0x42: {  	s21 =	simm.s32 $0xC00;
	s0 =	simm.s32 $0x10000  }
0x43: {  	[tilespmem:s0], [sflag:$0x1] =	stream.indirect.gather [hbm4b:s6+s7], $0x80, s21, s7, $0xb8;
	[tilespmem:$0x15000] =	vst v63  }
0x44: {  	s21 =	simm.s32 $0xC80;
	s0 =	simm.s32 $0x10A00  }
0x45: {  	[tilespmem:s0], [sflag:$0x1] =	stream.indirect.gather [hbm4b:s6+s7], $0x80, s21, s7, $0xb8;
	[tilespmem:$0x15000] =	vst v63  }
0x46: {  	s21 =	simm.s32 $0xD00;
	s0 =	simm.s32 $0x11400  }
0x47: {  	[tilespmem:s0], [sflag:$0x1] =	stream.indirect.gather [hbm4b:s6+s7], $0x80, s21, s7, $0xb8;
	[tilespmem:$0x15000] =	vst v63  }
0x48: {  	s21 =	simm.s32 $0xD80;
	s0 =	simm.s32 $0x11E00  }
0x49: {  	[tilespmem:s0], [sflag:$0x1] =	stream.indirect.gather [hbm4b:s6+s7], $0x80, s21, s7, $0xb8;
	[tilespmem:$0x15000] =	vst v63  }
0x4a: {  	s21 =	simm.s32 $0xE00;
	s0 =	simm.s32 $0x12800  }
0x4b: {  	[tilespmem:s0], [sflag:$0x1] =	stream.indirect.gather [hbm4b:s6+s7], $0x80, s21, s7, $0xb8;
	[tilespmem:$0x15000] =	vst v63  }
0x4c: {  	s0 =	simm.s32 $0xE80;
	s21 =	simm.s32 $0x13200  }
0x4d: {  	[tilespmem:s21], [sflag:$0x1] =	stream.indirect.gather [hbm4b:s6+s7], $0x80, s0, s7, $0xb8;
	[tilespmem:$0x15000] =	vst v63  }
0x4e: {  	s0 =	simm.s32 $0xF00;
	s21 =	simm.s32 $0x13C00  }
0x4f: {  	[tilespmem:s21], [sflag:$0x1] =	stream.indirect.gather [hbm4b:s6+s7], $0x80, s0, s7, $0xb8;
	[tilespmem:$0x15000] =	vst v63  }
0x50: {  	s0 =	simm.s32 $0xF80;
	s21 =	simm.s32 $0x14600  }
0x51: {  	[tilespmem:s21], [sflag:$0x1] =	stream.indirect.gather [hbm4b:s6+s7], $0x80, s0, s7, $0xb8;
	[tilespmem:$0x15000] =	vst v63  }
0x52: {  	_ =	swait.ge [sflag:s5], $0xA00  }
0x53: {  	[sflag:s5] =	ssyncset.done $0x0  }
0x54: {  	[sflag:s5] =	ssyncadd.s32 $0xFFFFF600  }
0x55: {  	_ =	swait.ge [sflag:s5], $0xA00  }
0x56: {  	[sflag:s5] =	ssyncset.done $0x0  }
0x57: {  	[sflag:s5] =	ssyncadd.s32 $0xFFFFF600  }
0x58: {  	_ =	swait.ge [sflag:s5], $0xA00  }
0x59: {  	[sflag:s5] =	ssyncset.done $0x0  }
0x5a: {  	[sflag:s5] =	ssyncadd.s32 $0xFFFFF600  }
0x5b: {  	_ =	swait.ge [sflag:s5], $0xA00  }
0x5c: {  	[sflag:s5] =	ssyncset.done $0x0  }
0x5d: {  	[sflag:s5] =	ssyncadd.s32 $0xFFFFF600  }
0x5e: {  	_ =	swait.ge [sflag:s5], $0xA00  }
0x5f: {  	[sflag:s5] =	ssyncset.done $0x0  }
0x60: {  	[sflag:s5] =	ssyncadd.s32 $0xFFFFF600  }
0x61: {  	_ =	swait.ge [sflag:s5], $0xA00  }
0x62: {  	[sflag:s5] =	ssyncset.done $0x0  }
0x63: {  	[sflag:s5] =	ssyncadd.s32 $0xFFFFF600  }
0x64: {  	_ =	swait.ge [sflag:s5], $0xA00  }
0x65: {  	[sflag:s5] =	ssyncset.done $0x0  }
0x66: {  	[sflag:s5] =	ssyncadd.s32 $0xFFFFF600  }
0x67: {  	_ =	swait.ge [sflag:s5], $0xA00  }
0x68: {  	[sflag:s5] =	ssyncset.done $0x0  }
0x69: {  	[sflag:s5] =	ssyncadd.s32 $0xFFFFF600  }
0x6a: {  	_ =	swait.ge [sflag:s5], $0xA00  }
0x6b: {  	[sflag:s5] =	ssyncset.done $0x0  }
0x6c: {  	[sflag:s5] =	ssyncadd.s32 $0xFFFFF600  }
0x6d: {  	_ =	swait.ge [sflag:s5], $0xA00  }
0x6e: {  	[sflag:s5] =	ssyncset.done $0x0  }
0x6f: {  	[sflag:s5] =	ssyncadd.s32 $0xFFFFF600  }
0x70: {  	_ =	swait.ge [sflag:s5], $0xA00  }
0x71: {  	[sflag:s5] =	ssyncset.done $0x0  }
0x72: {  	[sflag:s5] =	ssyncadd.s32 $0xFFFFF600  }
0x73: {  	_ =	swait.ge [sflag:s5], $0xA00  }
0x74: {  	[sflag:s5] =	ssyncset.done $0x0  }
0x75: {  	[sflag:s5] =	ssyncadd.s32 $0xFFFFF600  }
0x76: {  	_ =	swait.ge [sflag:s5], $0xA00  }
0x77: {  	[sflag:s5] =	ssyncset.done $0x0  }
0x78: {  	[sflag:s5] =	ssyncadd.s32 $0xFFFFF600  }
0x79: {  	_ =	swait.ge [sflag:s5], $0xA00  }
0x7a: {  	[sflag:s5] =	ssyncset.done $0x0  }
0x7b: {  	[sflag:s5] =	ssyncadd.s32 $0xFFFFF600  }
0x7c: {  	_ =	swait.ge [sflag:s5], $0xA00  }
0x7d: {  	[sflag:s5] =	ssyncset.done $0x0  }
0x7e: {  	[sflag:s5] =	ssyncadd.s32 $0xFFFFF600  }
0x7f: {  	_ =	swait.ge [sflag:s5], $0xA00  }
0x80: {  	[sflag:s5] =	ssyncset.done $0x0  }
0x81: {  	[sflag:s5] =	ssyncadd.s32 $0xFFFFF600  }
0x82: {  	_ =	swait.ge [sflag:s5], $0xA00  }
0x83: {  	[sflag:s5] =	ssyncset.done $0x0  }
0x84: {  	[sflag:s5] =	ssyncadd.s32 $0xFFFFF600  }
0x85: {  	_ =	swait.ge [sflag:s5], $0xA00  }
0x86: {  	[sflag:s5] =	ssyncset.done $0x0  }
0x87: {  	[sflag:s5] =	ssyncadd.s32 $0xFFFFF600  }
0x88: {  	_ =	swait.ge [sflag:s5], $0xA00  }
0x89: {  	[sflag:s5] =	ssyncset.done $0x0  }
0x8a: {  	[sflag:s5] =	ssyncadd.s32 $0xFFFFF600  }
0x8b: {  	_ =	swait.ge [sflag:s5], $0xA00  }
0x8c: {  	[sflag:s5] =	ssyncset.done $0x0  }
0x8d: {  	[sflag:s5] =	ssyncadd.s32 $0xFFFFF600  }
0x8e: {  	_ =	swait.ge [sflag:s5], $0xA00  }
0x8f: {  	[sflag:s5] =	ssyncset.done $0x0  }
0x90: {  	[sflag:s5] =	ssyncadd.s32 $0xFFFFF600  }
0x91: {  	_ =	swait.ge [sflag:s5], $0xA00  }
0x92: {  	[sflag:s5] =	ssyncset.done $0x0  }
0x93: {  	[sflag:s5] =	ssyncadd.s32 $0xFFFFF600  }
0x94: {  	_ =	swait.ge [sflag:s5], $0xA00  }
0x95: {  	[sflag:s5] =	ssyncset.done $0x0  }
0x96: {  	[sflag:s5] =	ssyncadd.s32 $0xFFFFF600  }
0x97: {  	_ =	swait.ge [sflag:s5], $0xA00  }
0x98: {  	[sflag:s5] =	ssyncset.done $0x0  }
0x99: {  	[sflag:s5] =	ssyncadd.s32 $0xFFFFF600  }
0x9a: {  	_ =	swait.ge [sflag:s5], $0xA00  }
0x9b: {  	[sflag:s5] =	ssyncset.done $0x0  }
0x9c: {  	[sflag:s5] =	ssyncadd.s32 $0xFFFFF600  }
0x9d: {  	_ =	swait.ge [sflag:s5], $0xA00  }
0x9e: {  	[sflag:s5] =	ssyncset.done $0x0  }
0x9f: {  	[sflag:s5] =	ssyncadd.s32 $0xFFFFF600  }
0xa0: {  	_ =	swait.ge [sflag:s5], $0xA00  }
0xa1: {  	[sflag:s5] =	ssyncset.done $0x0  }
0xa2: {  	[sflag:s5] =	ssyncadd.s32 $0xFFFFF600  }
0xa3: {  	_ =	swait.ge [sflag:s5], $0xA00  }
0xa4: {  	[sflag:s5] =	ssyncset.done $0x0  }
0xa5: {  	[sflag:s5] =	ssyncadd.s32 $0xFFFFF600  }
0xa6: {  	_ =	swait.ge [sflag:s5], $0xA00  }
0xa7: {  	[sflag:s5] =	ssyncset.done $0x0  }
0xa8: {  	[sflag:s5] =	ssyncadd.s32 $0xFFFFF600  }
0xa9: {  	_ =	swait.ge [sflag:s5], $0xA00  }
0xaa: {  	[sflag:s5] =	ssyncset.done $0x0  }
0xab: {  	[sflag:s5] =	ssyncadd.s32 $0xFFFFF600  }
0xac: {  	_ =	swait.ge [sflag:s5], $0xA00  }
0xad: {  	[sflag:s5] =	ssyncset.done $0x0  }
0xae: {  	[sflag:s5] =	ssyncadd.s32 $0xFFFFF600  }
0xaf: {  	_ =	swait.ge [sflag:s5], $0xA00  }
0xb0: {  	s2 =	simm.s32 $0x1000;
	[sflag:s5] =	ssyncset.done $0x0  }
0xb1: {  	s20 =	simm.s32 $0x0;
	s0 =	rddreg [dreg:$0x4];
	[sflag:s5] =	ssyncadd.s32 $0xFFFFF600  }
0xb2: {  	[hbm4b:s0+s20] =	stream.linear.scatter [tilespmem:s2], [sflag:$0x2], $0x14000, $0x38;
	[tilespmem:$0x15000] =	vst v63  }
0xb3: {  	_ =	swait.ge [sflag:s12], $0x14000  }
0xb4: {  	[sflag:s12] =	ssyncset.done $0x0  }
0xb5: {  	s0 =	rddreg [dreg:$0x5];
	[sflag:s12] =	ssyncadd.s32 $0xFFFEC000  }
0xb6: {  	[tilespmem:s20], [sflag:$0x2] =	stream.linear.gather [hbm4b:s0+s20], $0x1000, $0x38;
	[tilespmem:$0x15000] =	vst v63  }
0xb7: {  	_ =	swait.ge [sflag:s12], $0x1000  }
0xb8: {  	[sflag:s12] =	ssyncset.done $0x0  }
0xb9: {  	[sflag:s12] =	ssyncadd.s32 $0xFFFFF000  }
0xba: {  	[tilespmem:s2], [sflag:$0x1] =	stream.indirect.gather [hbm4b:s6+s7], $0x80, s20, s7, $0xb8;
	[tilespmem:$0x15000] =	vst v63  }
0xbb: {  	s21 =	simm.s32 $0x80;
	s20 =	simm.s32 $0x1A00  }
0xbc: {  	[tilespmem:s20], [sflag:$0x1] =	stream.indirect.gather [hbm4b:s6+s7], $0x80, s21, s7, $0xb8;
	[tilespmem:$0x15000] =	vst v63  }
0xbd: {  	s20 =	simm.s32 $0x100;
	s21 =	simm.s32 $0x2400  }
0xbe: {  	[tilespmem:s21], [sflag:$0x1] =	stream.indirect.gather [hbm4b:s6+s7], $0x80, s20, s7, $0xb8;
	[tilespmem:$0x15000] =	vst v63  }
0xbf: {  	s20 =	simm.s32 $0x180;
	s21 =	simm.s32 $0x2E00  }
0xc0: {  	[tilespmem:s21], [sflag:$0x1] =	stream.indirect.gather [hbm4b:s6+s7], $0x80, s20, s7, $0xb8;
	[tilespmem:$0x15000] =	vst v63  }
0xc1: {  	s20 =	simm.s32 $0x3800;
	s21 =	simm.s32 $0x200  }
0xc2: {  	[tilespmem:s20], [sflag:$0x1] =	stream.indirect.gather [hbm4b:s6+s7], $0x80, s21, s7, $0xb8;
	[tilespmem:$0x15000] =	vst v63  }
0xc3: {  	s20 =	simm.s32 $0x4200;
	s21 =	simm.s32 $0x280  }
0xc4: {  	[tilespmem:s20], [sflag:$0x1] =	stream.indirect.gather [hbm4b:s6+s7], $0x80, s21, s7, $0xb8;
	[tilespmem:$0x15000] =	vst v63  }
0xc5: {  	s20 =	simm.s32 $0x4C00;
	s21 =	simm.s32 $0x300  }
0xc6: {  	[tilespmem:s20], [sflag:$0x1] =	stream.indirect.gather [hbm4b:s6+s7], $0x80, s21, s7, $0xb8;
	[tilespmem:$0x15000] =	vst v63  }
0xc7: {  	s20 =	simm.s32 $0x5600;
	s21 =	simm.s32 $0x380  }
0xc8: {  	[tilespmem:s20], [sflag:$0x1] =	stream.indirect.gather [hbm4b:s6+s7], $0x80, s21, s7, $0xb8;
	[tilespmem:$0x15000] =	vst v63  }
0xc9: {  	s20 =	simm.s32 $0x400  }
0xca: {  	[tilespmem:s30], [sflag:$0x1] =	stream.indirect.gather [hbm4b:s6+s7], $0x80, s20, s7, $0xb8;
	[tilespmem:$0x15000] =	vst v63  }
0xcb: {  	s21 =	simm.s32 $0x480  }
0xcc: {  	[tilespmem:s25], [sflag:$0x1] =	stream.indirect.gather [hbm4b:s6+s7], $0x80, s21, s7, $0xb8;
	[tilespmem:$0x15000] =	vst v63  }
0xcd: {  	_ = 	snop  }
0xce: {  	[tilespmem:s19], [sflag:$0x1] =	stream.indirect.gather [hbm4b:s6+s7], $0x80, s28, s7, $0xb8;
	[tilespmem:$0x15000] =	vst v63  }
0xcf: {  	_ = 	snop  }
0xd0: {  	[tilespmem:s15], [sflag:$0x1] =	stream.indirect.gather [hbm4b:s6+s7], $0x80, s23, s7, $0xb8;
	[tilespmem:$0x15000] =	vst v63  }
0xd1: {  	_ = 	snop  }
0xd2: {  	[tilespmem:s4], [sflag:$0x1] =	stream.indirect.gather [hbm4b:s6+s7], $0x80, s17, s7, $0xb8;
	[tilespmem:$0x15000] =	vst v63  }
0xd3: {  	_ = 	snop  }
0xd4: {  	[tilespmem:s9], [sflag:$0x1] =	stream.indirect.gather [hbm4b:s6+s7], $0x80, s3, s7, $0xb8;
	[tilespmem:$0x15000] =	vst v63  }
0xd5: {  	_ = 	snop  }
0xd6: {  	[tilespmem:s11], [sflag:$0x1] =	stream.indirect.gather [hbm4b:s6+s7], $0x80, s8, s7, $0xb8;
	[tilespmem:$0x15000] =	vst v63  }
0xd7: {  	_ = 	snop  }
0xd8: {  	[tilespmem:s16], [sflag:$0x1] =	stream.indirect.gather [hbm4b:s6+s7], $0x80, s10, s7, $0xb8;
	[tilespmem:$0x15000] =	vst v63  }
0xd9: {  	_ = 	snop  }
0xda: {  	[tilespmem:s22], [sflag:$0x1] =	stream.indirect.gather [hbm4b:s6+s7], $0x80, s13, s7, $0xb8;
	[tilespmem:$0x15000] =	vst v63  }
0xdb: {  	_ = 	snop  }
0xdc: {  	[tilespmem:s26], [sflag:$0x1] =	stream.indirect.gather [hbm4b:s6+s7], $0x80, s14, s7, $0xb8;
	[tilespmem:$0x15000] =	vst v63  }
0xdd: {  	_ = 	snop  }
0xde: {  	[tilespmem:s31], [sflag:$0x1] =	stream.indirect.gather [hbm4b:s6+s7], $0x80, s18, s7, $0xb8;
	[tilespmem:$0x15000] =	vst v63  }
0xdf: {  	s30 =	simm.s32 $0xCE00  }
0xe0: {  	[tilespmem:s30], [sflag:$0x1] =	stream.indirect.gather [hbm4b:s6+s7], $0x80, s24, s7, $0xb8;
	[tilespmem:$0x15000] =	vst v63  }
0xe1: {  	s31 =	simm.s32 $0xD800  }
0xe2: {  	[tilespmem:s31], [sflag:$0x1] =	stream.indirect.gather [hbm4b:s6+s7], $0x80, s29, s7, $0xb8;
	[tilespmem:$0x15000] =	vst v63  }
0xe3: {  	s3 =	simm.s32 $0xA80;
	s8 =	simm.s32 $0xE200  }
0xe4: {  	[tilespmem:s8], [sflag:$0x1] =	stream.indirect.gather [hbm4b:s6+s7], $0x80, s3, s7, $0xb8;
	[tilespmem:$0x15000] =	vst v63  }
0xe5: {  	s9 =	simm.s32 $0xB00;
	s10 =	simm.s32 $0xEC00  }
0xe6: {  	[tilespmem:s10], [sflag:$0x1] =	stream.indirect.gather [hbm4b:s6+s7], $0x80, s9, s7, $0xb8;
	[tilespmem:$0x15000] =	vst v63  }
0xe7: {  	s11 =	simm.s32 $0xB80;
	s13 =	simm.s32 $0xF600  }
0xe8: {  	[tilespmem:s13], [sflag:$0x1] =	stream.indirect.gather [hbm4b:s6+s7], $0x80, s11, s7, $0xb8;
	[tilespmem:$0x15000] =	vst v63  }
0xe9: {  	s15 =	simm.s32 $0x10000;
	s14 =	simm.s32 $0xC00  }
0xea: {  	[tilespmem:s15], [sflag:$0x1] =	stream.indirect.gather [hbm4b:s6+s7], $0x80, s14, s7, $0xb8;
	[tilespmem:$0x15000] =	vst v63  }
0xeb: {  	s17 =	simm.s32 $0xC80;
	s16 =	simm.s32 $0x10A00  }
0xec: {  	[tilespmem:s16], [sflag:$0x1] =	stream.indirect.gather [hbm4b:s6+s7], $0x80, s17, s7, $0xb8;
	[tilespmem:$0x15000] =	vst v63  }
0xed: {  	s19 =	simm.s32 $0xD00;
	s18 =	simm.s32 $0x11400  }
0xee: {  	[tilespmem:s18], [sflag:$0x1] =	stream.indirect.gather [hbm4b:s6+s7], $0x80, s19, s7, $0xb8;
	[tilespmem:$0x15000] =	vst v63  }
0xef: {  	s20 =	simm.s32 $0x11E00;
	s21 =	simm.s32 $0xD80  }
0xf0: {  	[tilespmem:s20], [sflag:$0x1] =	stream.indirect.gather [hbm4b:s6+s7], $0x80, s21, s7, $0xb8;
	[tilespmem:$0x15000] =	vst v63  }
0xf1: {  	s23 =	simm.s32 $0xE00;
	s22 =	simm.s32 $0x12800  }
0xf2: {  	[tilespmem:s22], [sflag:$0x1] =	stream.indirect.gather [hbm4b:s6+s7], $0x80, s23, s7, $0xb8;
	[tilespmem:$0x15000] =	vst v63  }
0xf3: {  	s25 =	simm.s32 $0xE80;
	s24 =	simm.s32 $0x13200  }
0xf4: {  	[tilespmem:s24], [sflag:$0x1] =	stream.indirect.gather [hbm4b:s6+s7], $0x80, s25, s7, $0xb8;
	[tilespmem:$0x15000] =	vst v63  }
0xf5: {  	s28 =	simm.s32 $0xF00;
	s26 =	simm.s32 $0x13C00  }
0xf6: {  	[tilespmem:s26], [sflag:$0x1] =	stream.indirect.gather [hbm4b:s6+s7], $0x80, s28, s7, $0xb8;
	[tilespmem:$0x15000] =	vst v63  }
0xf7: {  	s30 =	simm.s32 $0xF80;
	s29 =	simm.s32 $0x14600  }
0xf8: {  	[tilespmem:s29], [sflag:$0x1] =	stream.indirect.gather [hbm4b:s6+s7], $0x80, s30, s7, $0xb8;
	[tilespmem:$0x15000] =	vst v63  }
0xf9: {  	_ =	swait.ge [sflag:s5], $0xA00  }
0xfa: {  	[sflag:s5] =	ssyncset.done $0x0  }
0xfb: {  	[sflag:s5] =	ssyncadd.s32 $0xFFFFF600  }
0xfc: {  	_ =	swait.ge [sflag:s5], $0xA00  }
0xfd: {  	[sflag:s5] =	ssyncset.done $0x0  }
0xfe: {  	[sflag:s5] =	ssyncadd.s32 $0xFFFFF600  }
0xff: {  	_ =	swait.ge [sflag:s5], $0xA00  }
0x100: {  	[sflag:s5] =	ssyncset.done $0x0  }
0x101: {  	[sflag:s5] =	ssyncadd.s32 $0xFFFFF600  }
0x102: {  	_ =	swait.ge [sflag:s5], $0xA00  }
0x103: {  	[sflag:s5] =	ssyncset.done $0x0  }
0x104: {  	[sflag:s5] =	ssyncadd.s32 $0xFFFFF600  }
0x105: {  	_ =	swait.ge [sflag:s5], $0xA00  }
0x106: {  	[sflag:s5] =	ssyncset.done $0x0  }
0x107: {  	[sflag:s5] =	ssyncadd.s32 $0xFFFFF600  }
0x108: {  	_ =	swait.ge [sflag:s5], $0xA00  }
0x109: {  	[sflag:s5] =	ssyncset.done $0x0  }
0x10a: {  	[sflag:s5] =	ssyncadd.s32 $0xFFFFF600  }
0x10b: {  	_ =	swait.ge [sflag:s5], $0xA00  }
0x10c: {  	[sflag:s5] =	ssyncset.done $0x0  }
0x10d: {  	[sflag:s5] =	ssyncadd.s32 $0xFFFFF600  }
0x10e: {  	_ =	swait.ge [sflag:s5], $0xA00  }
0x10f: {  	[sflag:s5] =	ssyncset.done $0x0  }
0x110: {  	[sflag:s5] =	ssyncadd.s32 $0xFFFFF600  }
0x111: {  	_ =	swait.ge [sflag:s5], $0xA00  }
0x112: {  	[sflag:s5] =	ssyncset.done $0x0  }
0x113: {  	[sflag:s5] =	ssyncadd.s32 $0xFFFFF600  }
0x114: {  	_ =	swait.ge [sflag:s5], $0xA00  }
0x115: {  	[sflag:s5] =	ssyncset.done $0x0  }
0x116: {  	[sflag:s5] =	ssyncadd.s32 $0xFFFFF600  }
0x117: {  	_ =	swait.ge [sflag:s5], $0xA00  }
0x118: {  	[sflag:s5] =	ssyncset.done $0x0  }
0x119: {  	[sflag:s5] =	ssyncadd.s32 $0xFFFFF600  }
0x11a: {  	_ =	swait.ge [sflag:s5], $0xA00  }
0x11b: {  	[sflag:s5] =	ssyncset.done $0x0  }
0x11c: {  	[sflag:s5] =	ssyncadd.s32 $0xFFFFF600  }
0x11d: {  	_ =	swait.ge [sflag:s5], $0xA00  }
0x11e: {  	[sflag:s5] =	ssyncset.done $0x0  }
0x11f: {  	[sflag:s5] =	ssyncadd.s32 $0xFFFFF600  }
0x120: {  	_ =	swait.ge [sflag:s5], $0xA00  }
0x121: {  	[sflag:s5] =	ssyncset.done $0x0  }
0x122: {  	[sflag:s5] =	ssyncadd.s32 $0xFFFFF600  }
0x123: {  	_ =	swait.ge [sflag:s5], $0xA00  }
0x124: {  	[sflag:s5] =	ssyncset.done $0x0  }
0x125: {  	[sflag:s5] =	ssyncadd.s32 $0xFFFFF600  }
0x126: {  	_ =	swait.ge [sflag:s5], $0xA00  }
0x127: {  	[sflag:s5] =	ssyncset.done $0x0  }
0x128: {  	[sflag:s5] =	ssyncadd.s32 $0xFFFFF600  }
0x129: {  	_ =	swait.ge [sflag:s5], $0xA00  }
0x12a: {  	[sflag:s5] =	ssyncset.done $0x0  }
0x12b: {  	[sflag:s5] =	ssyncadd.s32 $0xFFFFF600  }
0x12c: {  	_ =	swait.ge [sflag:s5], $0xA00  }
0x12d: {  	[sflag:s5] =	ssyncset.done $0x0  }
0x12e: {  	[sflag:s5] =	ssyncadd.s32 $0xFFFFF600  }
0x12f: {  	_ =	swait.ge [sflag:s5], $0xA00  }
0x130: {  	[sflag:s5] =	ssyncset.done $0x0  }
0x131: {  	[sflag:s5] =	ssyncadd.s32 $0xFFFFF600  }
0x132: {  	_ =	swait.ge [sflag:s5], $0xA00  }
0x133: {  	[sflag:s5] =	ssyncset.done $0x0  }
0x134: {  	[sflag:s5] =	ssyncadd.s32 $0xFFFFF600  }
0x135: {  	_ =	swait.ge [sflag:s5], $0xA00  }
0x136: {  	[sflag:s5] =	ssyncset.done $0x0  }
0x137: {  	[sflag:s5] =	ssyncadd.s32 $0xFFFFF600  }
0x138: {  	_ =	swait.ge [sflag:s5], $0xA00  }
0x139: {  	[sflag:s5] =	ssyncset.done $0x0  }
0x13a: {  	[sflag:s5] =	ssyncadd.s32 $0xFFFFF600  }
0x13b: {  	_ =	swait.ge [sflag:s5], $0xA00  }
0x13c: {  	[sflag:s5] =	ssyncset.done $0x0  }
0x13d: {  	[sflag:s5] =	ssyncadd.s32 $0xFFFFF600  }
0x13e: {  	_ =	swait.ge [sflag:s5], $0xA00  }
0x13f: {  	[sflag:s5] =	ssyncset.done $0x0  }
0x140: {  	[sflag:s5] =	ssyncadd.s32 $0xFFFFF600  }
0x141: {  	_ =	swait.ge [sflag:s5], $0xA00  }
0x142: {  	[sflag:s5] =	ssyncset.done $0x0  }
0x143: {  	[sflag:s5] =	ssyncadd.s32 $0xFFFFF600  }
0x144: {  	_ =	swait.ge [sflag:s5], $0xA00  }
0x145: {  	[sflag:s5] =	ssyncset.done $0x0  }
0x146: {  	[sflag:s5] =	ssyncadd.s32 $0xFFFFF600  }
0x147: {  	_ =	swait.ge [sflag:s5], $0xA00  }
0x148: {  	[sflag:s5] =	ssyncset.done $0x0  }
0x149: {  	[sflag:s5] =	ssyncadd.s32 $0xFFFFF600  }
0x14a: {  	_ =	swait.ge [sflag:s5], $0xA00  }
0x14b: {  	[sflag:s5] =	ssyncset.done $0x0  }
0x14c: {  	[sflag:s5] =	ssyncadd.s32 $0xFFFFF600  }
0x14d: {  	_ =	swait.ge [sflag:s5], $0xA00  }
0x14e: {  	[sflag:s5] =	ssyncset.done $0x0  }
0x14f: {  	[sflag:s5] =	ssyncadd.s32 $0xFFFFF600  }
0x150: {  	_ =	swait.ge [sflag:s5], $0xA00  }
0x151: {  	[sflag:s5] =	ssyncset.done $0x0  }
0x152: {  	[sflag:s5] =	ssyncadd.s32 $0xFFFFF600  }
0x153: {  	_ =	swait.ge [sflag:s5], $0xA00  }
0x154: {  	[sflag:s5] =	ssyncset.done $0x0  }
0x155: {  	[sflag:s5] =	ssyncadd.s32 $0xFFFFF600  }
0x156: {  	p1 =	sne.s32 s1, $0x1;
	_ =	swait.ge [sflag:s5], $0xA00  }
.Ltmp1:
0x157: {  	s2 =	simm.s32 $0x0;
	[sflag:s5] =	ssyncset.done $0x0;
	(pc) =	sbr.rel @!p1 .LBB2_4-.Ltmp1, $4  }
0x158: {  	s4 =	simm.s32 $0x1000;
	s31 =	rddreg [dreg:$0x6];
	[sflag:s5] =	ssyncadd.s32 $0xFFFFF600  }
0x159: {  	[hbm4b:s31+s2] =	stream.linear.scatter [tilespmem:s4], [sflag:$0x2], $0x14000, $0x38;
	[tilespmem:$0x15000] =	vst v63  }
0x15a: {  	p0 =	por $0x1, $0x1;
	_ =	swait.ge [sflag:s12], $0x14000  }
0x15b: {  	s20 =	sadd.s32 $0xFFFFFFFF, s1;
	s21 =	rddreg [dreg:$0x3];
	[sflag:s12] =	ssyncset.done $0x0  }
0x15c: {  	s13 =	simm.s32 $0x80;
	s14 =	simm.s32 $0x1A00;
	s15 =	simm.s32 $0x100  }
0x15d: {  	s16 =	simm.s32 $0x2400;
	s17 =	simm.s32 $0x180;
	s18 =	simm.s32 $0x2E00  }
0x15e: {  	s19 =	simm.s32 $0x200;
	s22 =	simm.s32 $0x3800;
	s23 =	simm.s32 $0x280  }
0x15f: {  	s24 =	simm.s32 $0x4200;
	s25 =	simm.s32 $0x300;
	s26 =	simm.s32 $0x4C00  }
0x160: {  	s28 =	simm.s32 $0x380;
	s29 =	simm.s32 $0x5600;
	s30 =	simm.s32 $0x400  }
0x161: {  	s31 =	simm.s32 $0x480;
	s8 =	simm.s32 $0x500;
	s9 =	simm.s32 $0x7400  }
0x162: {  	s10 =	simm.s32 $0x580;
	s11 =	simm.s32 $0x7E00;
	s3 =	simm.s32 $0x0  }
.LBB2_3:
0x163: {  	[sflag:s12] =	ssyncadd.s32 $0xFFFEC000  }
0x164: {  	[tilespmem:s2], [sflag:$0x2] =	stream.linear.gather [hbm4b:s21+s2], $0x1000, $0x38;
	[tilespmem:$0x15000] =	vst v63  }
0x165: {  	_ =	swait.ge [sflag:s12], $0x1000  }
0x166: {  	[sflag:s12] =	ssyncset.done $0x0  }
0x167: {  	[sflag:s12] =	ssyncadd.s32 $0xFFFFF000  }
0x168: {  	[tilespmem:s4], [sflag:$0x1] =	stream.indirect.gather [hbm4b:s6+s7], $0x80, s2, s7, $0xb8;
	[tilespmem:$0x15000] =	vst v63  }
0x169: {  	_ = 	snop  }
0x16a: {  	[tilespmem:s14], [sflag:$0x1] =	stream.indirect.gather [hbm4b:s6+s7], $0x80, s13, s7, $0xb8;
	[tilespmem:$0x15000] =	vst v63  }
0x16b: {  	_ = 	snop  }
0x16c: {  	[tilespmem:s16], [sflag:$0x1] =	stream.indirect.gather [hbm4b:s6+s7], $0x80, s15, s7, $0xb8;
	[tilespmem:$0x15000] =	vst v63  }
0x16d: {  	_ = 	snop  }
0x16e: {  	[tilespmem:s18], [sflag:$0x1] =	stream.indirect.gather [hbm4b:s6+s7], $0x80, s17, s7, $0xb8;
	[tilespmem:$0x15000] =	vst v63  }
0x16f: {  	_ = 	snop  }
0x170: {  	[tilespmem:s22], [sflag:$0x1] =	stream.indirect.gather [hbm4b:s6+s7], $0x80, s19, s7, $0xb8;
	[tilespmem:$0x15000] =	vst v63  }
0x171: {  	_ = 	snop  }
0x172: {  	[tilespmem:s24], [sflag:$0x1] =	stream.indirect.gather [hbm4b:s6+s7], $0x80, s23, s7, $0xb8;
	[tilespmem:$0x15000] =	vst v63  }
0x173: {  	_ = 	snop  }
0x174: {  	[tilespmem:s26], [sflag:$0x1] =	stream.indirect.gather [hbm4b:s6+s7], $0x80, s25, s7, $0xb8;
	[tilespmem:$0x15000] =	vst v63  }
0x175: {  	_ = 	snop  }
0x176: {  	[tilespmem:s29], [sflag:$0x1] =	stream.indirect.gather [hbm4b:s6+s7], $0x80, s28, s7, $0xb8;
	[tilespmem:$0x15000] =	vst v63  }
0x177: {  	s0 =	simm.s32 $0x6000  }
0x178: {  	[tilespmem:s0], [sflag:$0x1] =	stream.indirect.gather [hbm4b:s6+s7], $0x80, s30, s7, $0xb8;
	[tilespmem:$0x15000] =	vst v63  }
0x179: {  	s1 =	simm.s32 $0x6A00  }
0x17a: {  	[tilespmem:s1], [sflag:$0x1] =	stream.indirect.gather [hbm4b:s6+s7], $0x80, s31, s7, $0xb8;
	[tilespmem:$0x15000] =	vst v63  }
0x17b: {  	_ = 	snop  }
0x17c: {  	[tilespmem:s9], [sflag:$0x1] =	stream.indirect.gather [hbm4b:s6+s7], $0x80, s8, s7, $0xb8;
	[tilespmem:$0x15000] =	vst v63  }
0x17d: {  	_ = 	snop  }
0x17e: {  	[tilespmem:s11], [sflag:$0x1] =	stream.indirect.gather [hbm4b:s6+s7], $0x80, s10, s7, $0xb8;
	[tilespmem:$0x15000] =	vst v63  }
0x17f: {  	s21 =	simm.s32 $0x8800;
	s4 =	simm.s32 $0x600  }
0x180: {  	[tilespmem:s21], [sflag:$0x1] =	stream.indirect.gather [hbm4b:s6+s7], $0x80, s4, s7, $0xb8;
	[tilespmem:$0x15000] =	vst v63  }
0x181: {  	s4 =	simm.s32 $0x680;
	s21 =	simm.s32 $0x9200  }
0x182: {  	[tilespmem:s21], [sflag:$0x1] =	stream.indirect.gather [hbm4b:s6+s7], $0x80, s4, s7, $0xb8;
	[tilespmem:$0x15000] =	vst v63  }
0x183: {  	s4 =	simm.s32 $0x700;
	s21 =	simm.s32 $0x9C00  }
0x184: {  	[tilespmem:s21], [sflag:$0x1] =	stream.indirect.gather [hbm4b:s6+s7], $0x80, s4, s7, $0xb8;
	[tilespmem:$0x15000] =	vst v63  }
0x185: {  	s4 =	simm.s32 $0x780;
	s21 =	simm.s32 $0xA600  }
0x186: {  	[tilespmem:s21], [sflag:$0x1] =	stream.indirect.gather [hbm4b:s6+s7], $0x80, s4, s7, $0xb8;
	[tilespmem:$0x15000] =	vst v63  }
0x187: {  	s4 =	simm.s32 $0x800;
	s21 =	simm.s32 $0xB000  }
0x188: {  	[tilespmem:s21], [sflag:$0x1] =	stream.indirect.gather [hbm4b:s6+s7], $0x80, s4, s7, $0xb8;
	[tilespmem:$0x15000] =	vst v63  }
0x189: {  	s4 =	simm.s32 $0x880;
	s21 =	simm.s32 $0xBA00  }
0x18a: {  	[tilespmem:s21], [sflag:$0x1] =	stream.indirect.gather [hbm4b:s6+s7], $0x80, s4, s7, $0xb8;
	[tilespmem:$0x15000] =	vst v63  }
0x18b: {  	s4 =	simm.s32 $0x900;
	s21 =	simm.s32 $0xC400  }
0x18c: {  	[tilespmem:s21], [sflag:$0x1] =	stream.indirect.gather [hbm4b:s6+s7], $0x80, s4, s7, $0xb8;
	[tilespmem:$0x15000] =	vst v63  }
0x18d: {  	s4 =	simm.s32 $0x980;
	s21 =	simm.s32 $0xCE00  }
0x18e: {  	[tilespmem:s21], [sflag:$0x1] =	stream.indirect.gather [hbm4b:s6+s7], $0x80, s4, s7, $0xb8;
	[tilespmem:$0x15000] =	vst v63  }
0x18f: {  	s4 =	simm.s32 $0xA00;
	s21 =	simm.s32 $0xD800  }
0x190: {  	[tilespmem:s21], [sflag:$0x1] =	stream.indirect.gather [hbm4b:s6+s7], $0x80, s4, s7, $0xb8;
	[tilespmem:$0x15000] =	vst v63  }
0x191: {  	s4 =	simm.s32 $0xA80;
	s21 =	simm.s32 $0xE200  }
0x192: {  	[tilespmem:s21], [sflag:$0x1] =	stream.indirect.gather [hbm4b:s6+s7], $0x80, s4, s7, $0xb8;
	[tilespmem:$0x15000] =	vst v63  }
0x193: {  	s4 =	simm.s32 $0xB00;
	s21 =	simm.s32 $0xEC00  }
0x194: {  	[tilespmem:s21], [sflag:$0x1] =	stream.indirect.gather [hbm4b:s6+s7], $0x80, s4, s7, $0xb8;
	[tilespmem:$0x15000] =	vst v63  }
0x195: {  	s4 =	simm.s32 $0xB80;
	s21 =	simm.s32 $0xF600  }
0x196: {  	[tilespmem:s21], [sflag:$0x1] =	stream.indirect.gather [hbm4b:s6+s7], $0x80, s4, s7, $0xb8;
	[tilespmem:$0x15000] =	vst v63  }
0x197: {  	s4 =	simm.s32 $0xC00;
	s21 =	simm.s32 $0x10000  }
0x198: {  	[tilespmem:s21], [sflag:$0x1] =	stream.indirect.gather [hbm4b:s6+s7], $0x80, s4, s7, $0xb8;
	[tilespmem:$0x15000] =	vst v63  }
0x199: {  	s4 =	simm.s32 $0xC80;
	s21 =	simm.s32 $0x10A00  }
0x19a: {  	[tilespmem:s21], [sflag:$0x1] =	stream.indirect.gather [hbm4b:s6+s7], $0x80, s4, s7, $0xb8;
	[tilespmem:$0x15000] =	vst v63  }
0x19b: {  	s4 =	simm.s32 $0xD00;
	s21 =	simm.s32 $0x11400  }
0x19c: {  	[tilespmem:s21], [sflag:$0x1] =	stream.indirect.gather [hbm4b:s6+s7], $0x80, s4, s7, $0xb8;
	[tilespmem:$0x15000] =	vst v63  }
0x19d: {  	s4 =	simm.s32 $0xD80;
	s21 =	simm.s32 $0x11E00  }
0x19e: {  	[tilespmem:s21], [sflag:$0x1] =	stream.indirect.gather [hbm4b:s6+s7], $0x80, s4, s7, $0xb8;
	[tilespmem:$0x15000] =	vst v63  }
0x19f: {  	s4 =	simm.s32 $0xE00;
	s21 =	simm.s32 $0x12800  }
0x1a0: {  	[tilespmem:s21], [sflag:$0x1] =	stream.indirect.gather [hbm4b:s6+s7], $0x80, s4, s7, $0xb8;
	[tilespmem:$0x15000] =	vst v63  }
0x1a1: {  	s4 =	simm.s32 $0xE80;
	s21 =	simm.s32 $0x13200  }
0x1a2: {  	[tilespmem:s21], [sflag:$0x1] =	stream.indirect.gather [hbm4b:s6+s7], $0x80, s4, s7, $0xb8;
	[tilespmem:$0x15000] =	vst v63  }
0x1a3: {  	s21 =	simm.s32 $0xF00;
	s4 =	simm.s32 $0x13C00  }
0x1a4: {  	[tilespmem:s4], [sflag:$0x1] =	stream.indirect.gather [hbm4b:s6+s7], $0x80, s21, s7, $0xb8;
	[tilespmem:$0x15000] =	vst v63  }
0x1a5: {  	s21 =	simm.s32 $0xF80;
	s4 =	simm.s32 $0x14600  }
0x1a6: {  	[tilespmem:s4], [sflag:$0x1] =	stream.indirect.gather [hbm4b:s6+s7], $0x80, s21, s7, $0xb8;
	[tilespmem:$0x15000] =	vst v63  }
0x1a7: {  	_ =	swait.ge [sflag:s5], $0xA00  }
0x1a8: {  	[sflag:s5] =	ssyncset.done $0x0  }
0x1a9: {  	[sflag:s5] =	ssyncadd.s32 $0xFFFFF600  }
0x1aa: {  	_ =	swait.ge [sflag:s5], $0xA00  }
0x1ab: {  	[sflag:s5] =	ssyncset.done $0x0  }
0x1ac: {  	[sflag:s5] =	ssyncadd.s32 $0xFFFFF600  }
0x1ad: {  	_ =	swait.ge [sflag:s5], $0xA00  }
0x1ae: {  	[sflag:s5] =	ssyncset.done $0x0  }
0x1af: {  	[sflag:s5] =	ssyncadd.s32 $0xFFFFF600  }
0x1b0: {  	_ =	swait.ge [sflag:s5], $0xA00  }
0x1b1: {  	[sflag:s5] =	ssyncset.done $0x0  }
0x1b2: {  	[sflag:s5] =	ssyncadd.s32 $0xFFFFF600  }
0x1b3: {  	_ =	swait.ge [sflag:s5], $0xA00  }
0x1b4: {  	[sflag:s5] =	ssyncset.done $0x0  }
0x1b5: {  	[sflag:s5] =	ssyncadd.s32 $0xFFFFF600  }
0x1b6: {  	_ =	swait.ge [sflag:s5], $0xA00  }
0x1b7: {  	[sflag:s5] =	ssyncset.done $0x0  }
0x1b8: {  	[sflag:s5] =	ssyncadd.s32 $0xFFFFF600  }
0x1b9: {  	_ =	swait.ge [sflag:s5], $0xA00  }
0x1ba: {  	[sflag:s5] =	ssyncset.done $0x0  }
0x1bb: {  	[sflag:s5] =	ssyncadd.s32 $0xFFFFF600  }
0x1bc: {  	_ =	swait.ge [sflag:s5], $0xA00  }
0x1bd: {  	[sflag:s5] =	ssyncset.done $0x0  }
0x1be: {  	[sflag:s5] =	ssyncadd.s32 $0xFFFFF600  }
0x1bf: {  	_ =	swait.ge [sflag:s5], $0xA00  }
0x1c0: {  	[sflag:s5] =	ssyncset.done $0x0  }
0x1c1: {  	[sflag:s5] =	ssyncadd.s32 $0xFFFFF600  }
0x1c2: {  	_ =	swait.ge [sflag:s5], $0xA00  }
0x1c3: {  	[sflag:s5] =	ssyncset.done $0x0  }
0x1c4: {  	[sflag:s5] =	ssyncadd.s32 $0xFFFFF600  }
0x1c5: {  	_ =	swait.ge [sflag:s5], $0xA00  }
0x1c6: {  	[sflag:s5] =	ssyncset.done $0x0  }
0x1c7: {  	[sflag:s5] =	ssyncadd.s32 $0xFFFFF600  }
0x1c8: {  	_ =	swait.ge [sflag:s5], $0xA00  }
0x1c9: {  	[sflag:s5] =	ssyncset.done $0x0  }
0x1ca: {  	[sflag:s5] =	ssyncadd.s32 $0xFFFFF600  }
0x1cb: {  	_ =	swait.ge [sflag:s5], $0xA00  }
0x1cc: {  	[sflag:s5] =	ssyncset.done $0x0  }
0x1cd: {  	[sflag:s5] =	ssyncadd.s32 $0xFFFFF600  }
0x1ce: {  	_ =	swait.ge [sflag:s5], $0xA00  }
0x1cf: {  	[sflag:s5] =	ssyncset.done $0x0  }
0x1d0: {  	[sflag:s5] =	ssyncadd.s32 $0xFFFFF600  }
0x1d1: {  	_ =	swait.ge [sflag:s5], $0xA00  }
0x1d2: {  	[sflag:s5] =	ssyncset.done $0x0  }
0x1d3: {  	[sflag:s5] =	ssyncadd.s32 $0xFFFFF600  }
0x1d4: {  	_ =	swait.ge [sflag:s5], $0xA00  }
0x1d5: {  	[sflag:s5] =	ssyncset.done $0x0  }
0x1d6: {  	[sflag:s5] =	ssyncadd.s32 $0xFFFFF600  }
0x1d7: {  	_ =	swait.ge [sflag:s5], $0xA00  }
0x1d8: {  	[sflag:s5] =	ssyncset.done $0x0  }
0x1d9: {  	[sflag:s5] =	ssyncadd.s32 $0xFFFFF600  }
0x1da: {  	_ =	swait.ge [sflag:s5], $0xA00  }
0x1db: {  	[sflag:s5] =	ssyncset.done $0x0  }
0x1dc: {  	[sflag:s5] =	ssyncadd.s32 $0xFFFFF600  }
0x1dd: {  	_ =	swait.ge [sflag:s5], $0xA00  }
0x1de: {  	[sflag:s5] =	ssyncset.done $0x0  }
0x1df: {  	[sflag:s5] =	ssyncadd.s32 $0xFFFFF600  }
0x1e0: {  	_ =	swait.ge [sflag:s5], $0xA00  }
0x1e1: {  	[sflag:s5] =	ssyncset.done $0x0  }
0x1e2: {  	[sflag:s5] =	ssyncadd.s32 $0xFFFFF600  }
0x1e3: {  	_ =	swait.ge [sflag:s5], $0xA00  }
0x1e4: {  	[sflag:s5] =	ssyncset.done $0x0  }
0x1e5: {  	[sflag:s5] =	ssyncadd.s32 $0xFFFFF600  }
0x1e6: {  	_ =	swait.ge [sflag:s5], $0xA00  }
0x1e7: {  	[sflag:s5] =	ssyncset.done $0x0  }
0x1e8: {  	[sflag:s5] =	ssyncadd.s32 $0xFFFFF600  }
0x1e9: {  	_ =	swait.ge [sflag:s5], $0xA00  }
0x1ea: {  	[sflag:s5] =	ssyncset.done $0x0  }
0x1eb: {  	[sflag:s5] =	ssyncadd.s32 $0xFFFFF600  }
0x1ec: {  	_ =	swait.ge [sflag:s5], $0xA00  }
0x1ed: {  	[sflag:s5] =	ssyncset.done $0x0  }
0x1ee: {  	[sflag:s5] =	ssyncadd.s32 $0xFFFFF600  }
0x1ef: {  	_ =	swait.ge [sflag:s5], $0xA00  }
0x1f0: {  	[sflag:s5] =	ssyncset.done $0x0  }
0x1f1: {  	[sflag:s5] =	ssyncadd.s32 $0xFFFFF600  }
0x1f2: {  	_ =	swait.ge [sflag:s5], $0xA00  }
0x1f3: {  	[sflag:s5] =	ssyncset.done $0x0  }
0x1f4: {  	[sflag:s5] =	ssyncadd.s32 $0xFFFFF600  }
0x1f5: {  	_ =	swait.ge [sflag:s5], $0xA00  }
0x1f6: {  	[sflag:s5] =	ssyncset.done $0x0  }
0x1f7: {  	[sflag:s5] =	ssyncadd.s32 $0xFFFFF600  }
0x1f8: {  	_ =	swait.ge [sflag:s5], $0xA00  }
0x1f9: {  	[sflag:s5] =	ssyncset.done $0x0  }
0x1fa: {  	[sflag:s5] =	ssyncadd.s32 $0xFFFFF600  }
0x1fb: {  	_ =	swait.ge [sflag:s5], $0xA00  }
0x1fc: {  	[sflag:s5] =	ssyncset.done $0x0  }
0x1fd: {  	[sflag:s5] =	ssyncadd.s32 $0xFFFFF600  }
0x1fe: {  	_ =	swait.ge [sflag:s5], $0xA00  }
0x1ff: {  	[sflag:s5] =	ssyncset.done $0x0  }
0x200: {  	[sflag:s5] =	ssyncadd.s32 $0xFFFFF600  }
0x201: {  	_ =	swait.ge [sflag:s5], $0xA00  }
0x202: {  	[sflag:s5] =	ssyncset.done $0x0  }
0x203: {  	[sflag:s5] =	ssyncadd.s32 $0xFFFFF600  }
0x204: {  	_ =	swait.ge [sflag:s5], $0xA00  }
0x205: {  	[sflag:s5] =	ssyncset.done $0x0  }
0x206: {  	s2 =	simm.s32 $0x1000;
	s4 =	rddreg [dreg:$0x4];
	[sflag:s5] =	ssyncadd.s32 $0xFFFFF600  }
0x207: {  	[hbm4b:s4+s3] =	stream.linear.scatter [tilespmem:s2], [sflag:$0x2], $0x14000, $0x38;
	[tilespmem:$0x15000] =	vst v63  }
0x208: {  	_ =	swait.ge [sflag:s12], $0x14000  }
0x209: {  	[sflag:s12] =	ssyncset.done $0x0  }
0x20a: {  	s4 =	rddreg [dreg:$0x5];
	[sflag:s12] =	ssyncadd.s32 $0xFFFEC000  }
0x20b: {  	[tilespmem:s3], [sflag:$0x2] =	stream.linear.gather [hbm4b:s4+s3], $0x1000, $0x38;
	[tilespmem:$0x15000] =	vst v63  }
0x20c: {  	_ =	swait.ge [sflag:s12], $0x1000  }
0x20d: {  	[sflag:s12] =	ssyncset.done $0x0  }
0x20e: {  	[sflag:s12] =	ssyncadd.s32 $0xFFFFF000  }
0x20f: {  	[tilespmem:s2], [sflag:$0x1] =	stream.indirect.gather [hbm4b:s6+s7], $0x80, s3, s7, $0xb8;
	[tilespmem:$0x15000] =	vst v63  }
0x210: {  	_ = 	snop  }
0x211: {  	[tilespmem:s14], [sflag:$0x1] =	stream.indirect.gather [hbm4b:s6+s7], $0x80, s13, s7, $0xb8;
	[tilespmem:$0x15000] =	vst v63  }
0x212: {  	_ = 	snop  }
0x213: {  	[tilespmem:s16], [sflag:$0x1] =	stream.indirect.gather [hbm4b:s6+s7], $0x80, s15, s7, $0xb8;
	[tilespmem:$0x15000] =	vst v63  }
0x214: {  	_ = 	snop  }
0x215: {  	[tilespmem:s18], [sflag:$0x1] =	stream.indirect.gather [hbm4b:s6+s7], $0x80, s17, s7, $0xb8;
	[tilespmem:$0x15000] =	vst v63  }
0x216: {  	_ = 	snop  }
0x217: {  	[tilespmem:s22], [sflag:$0x1] =	stream.indirect.gather [hbm4b:s6+s7], $0x80, s19, s7, $0xb8;
	[tilespmem:$0x15000] =	vst v63  }
0x218: {  	_ = 	snop  }
0x219: {  	[tilespmem:s24], [sflag:$0x1] =	stream.indirect.gather [hbm4b:s6+s7], $0x80, s23, s7, $0xb8;
	[tilespmem:$0x15000] =	vst v63  }
0x21a: {  	_ = 	snop  }
0x21b: {  	[tilespmem:s26], [sflag:$0x1] =	stream.indirect.gather [hbm4b:s6+s7], $0x80, s25, s7, $0xb8;
	[tilespmem:$0x15000] =	vst v63  }
0x21c: {  	_ = 	snop  }
0x21d: {  	[tilespmem:s29], [sflag:$0x1] =	stream.indirect.gather [hbm4b:s6+s7], $0x80, s28, s7, $0xb8;
	[tilespmem:$0x15000] =	vst v63  }
0x21e: {  	_ = 	snop  }
0x21f: {  	[tilespmem:s0], [sflag:$0x1] =	stream.indirect.gather [hbm4b:s6+s7], $0x80, s30, s7, $0xb8;
	[tilespmem:$0x15000] =	vst v63  }
0x220: {  	_ = 	snop  }
0x221: {  	[tilespmem:s1], [sflag:$0x1] =	stream.indirect.gather [hbm4b:s6+s7], $0x80, s31, s7, $0xb8;
	[tilespmem:$0x15000] =	vst v63  }
0x222: {  	_ = 	snop  }
0x223: {  	[tilespmem:s9], [sflag:$0x1] =	stream.indirect.gather [hbm4b:s6+s7], $0x80, s8, s7, $0xb8;
	[tilespmem:$0x15000] =	vst v63  }
0x224: {  	_ = 	snop  }
0x225: {  	[tilespmem:s11], [sflag:$0x1] =	stream.indirect.gather [hbm4b:s6+s7], $0x80, s10, s7, $0xb8;
	[tilespmem:$0x15000] =	vst v63  }
0x226: {  	s21 =	simm.s32 $0x8800;
	s4 =	simm.s32 $0x600  }
0x227: {  	[tilespmem:s21], [sflag:$0x1] =	stream.indirect.gather [hbm4b:s6+s7], $0x80, s4, s7, $0xb8;
	[tilespmem:$0x15000] =	vst v63  }
0x228: {  	s1 =	simm.s32 $0x680;
	s21 =	simm.s32 $0x9200  }
0x229: {  	[tilespmem:s21], [sflag:$0x1] =	stream.indirect.gather [hbm4b:s6+s7], $0x80, s1, s7, $0xb8;
	[tilespmem:$0x15000] =	vst v63  }
0x22a: {  	s1 =	simm.s32 $0x700;
	s21 =	simm.s32 $0x9C00  }
0x22b: {  	[tilespmem:s21], [sflag:$0x1] =	stream.indirect.gather [hbm4b:s6+s7], $0x80, s1, s7, $0xb8;
	[tilespmem:$0x15000] =	vst v63  }
0x22c: {  	s1 =	simm.s32 $0x780;
	s21 =	simm.s32 $0xA600  }
0x22d: {  	[tilespmem:s21], [sflag:$0x1] =	stream.indirect.gather [hbm4b:s6+s7], $0x80, s1, s7, $0xb8;
	[tilespmem:$0x15000] =	vst v63  }
0x22e: {  	s1 =	simm.s32 $0x800;
	s21 =	simm.s32 $0xB000  }
0x22f: {  	[tilespmem:s21], [sflag:$0x1] =	stream.indirect.gather [hbm4b:s6+s7], $0x80, s1, s7, $0xb8;
	[tilespmem:$0x15000] =	vst v63  }
0x230: {  	s1 =	simm.s32 $0x880;
	s21 =	simm.s32 $0xBA00  }
0x231: {  	[tilespmem:s21], [sflag:$0x1] =	stream.indirect.gather [hbm4b:s6+s7], $0x80, s1, s7, $0xb8;
	[tilespmem:$0x15000] =	vst v63  }
0x232: {  	s1 =	simm.s32 $0x900;
	s21 =	simm.s32 $0xC400  }
0x233: {  	[tilespmem:s21], [sflag:$0x1] =	stream.indirect.gather [hbm4b:s6+s7], $0x80, s1, s7, $0xb8;
	[tilespmem:$0x15000] =	vst v63  }
0x234: {  	s1 =	simm.s32 $0x980;
	s21 =	simm.s32 $0xCE00  }
0x235: {  	[tilespmem:s21], [sflag:$0x1] =	stream.indirect.gather [hbm4b:s6+s7], $0x80, s1, s7, $0xb8;
	[tilespmem:$0x15000] =	vst v63  }
0x236: {  	s1 =	simm.s32 $0xA00;
	s21 =	simm.s32 $0xD800  }
0x237: {  	[tilespmem:s21], [sflag:$0x1] =	stream.indirect.gather [hbm4b:s6+s7], $0x80, s1, s7, $0xb8;
	[tilespmem:$0x15000] =	vst v63  }
0x238: {  	s1 =	simm.s32 $0xA80;
	s21 =	simm.s32 $0xE200  }
0x239: {  	[tilespmem:s21], [sflag:$0x1] =	stream.indirect.gather [hbm4b:s6+s7], $0x80, s1, s7, $0xb8;
	[tilespmem:$0x15000] =	vst v63  }
0x23a: {  	s1 =	simm.s32 $0xB00;
	s21 =	simm.s32 $0xEC00  }
0x23b: {  	[tilespmem:s21], [sflag:$0x1] =	stream.indirect.gather [hbm4b:s6+s7], $0x80, s1, s7, $0xb8;
	[tilespmem:$0x15000] =	vst v63  }
0x23c: {  	s1 =	simm.s32 $0xB80;
	s21 =	simm.s32 $0xF600  }
0x23d: {  	[tilespmem:s21], [sflag:$0x1] =	stream.indirect.gather [hbm4b:s6+s7], $0x80, s1, s7, $0xb8;
	[tilespmem:$0x15000] =	vst v63  }
0x23e: {  	s1 =	simm.s32 $0xC00;
	s21 =	simm.s32 $0x10000  }
0x23f: {  	[tilespmem:s21], [sflag:$0x1] =	stream.indirect.gather [hbm4b:s6+s7], $0x80, s1, s7, $0xb8;
	[tilespmem:$0x15000] =	vst v63  }
0x240: {  	s1 =	simm.s32 $0xC80;
	s21 =	simm.s32 $0x10A00  }
0x241: {  	[tilespmem:s21], [sflag:$0x1] =	stream.indirect.gather [hbm4b:s6+s7], $0x80, s1, s7, $0xb8;
	[tilespmem:$0x15000] =	vst v63  }
0x242: {  	s1 =	simm.s32 $0xD00;
	s21 =	simm.s32 $0x11400  }
0x243: {  	[tilespmem:s21], [sflag:$0x1] =	stream.indirect.gather [hbm4b:s6+s7], $0x80, s1, s7, $0xb8;
	[tilespmem:$0x15000] =	vst v63  }
0x244: {  	s1 =	simm.s32 $0xD80;
	s21 =	simm.s32 $0x11E00  }
0x245: {  	[tilespmem:s21], [sflag:$0x1] =	stream.indirect.gather [hbm4b:s6+s7], $0x80, s1, s7, $0xb8;
	[tilespmem:$0x15000] =	vst v63  }
0x246: {  	s1 =	simm.s32 $0xE00;
	s21 =	simm.s32 $0x12800  }
0x247: {  	[tilespmem:s21], [sflag:$0x1] =	stream.indirect.gather [hbm4b:s6+s7], $0x80, s1, s7, $0xb8;
	[tilespmem:$0x15000] =	vst v63  }
0x248: {  	s1 =	simm.s32 $0xE80;
	s21 =	simm.s32 $0x13200  }
0x249: {  	[tilespmem:s21], [sflag:$0x1] =	stream.indirect.gather [hbm4b:s6+s7], $0x80, s1, s7, $0xb8;
	[tilespmem:$0x15000] =	vst v63  }
0x24a: {  	s1 =	simm.s32 $0x13C00;
	s21 =	simm.s32 $0xF00  }
0x24b: {  	[tilespmem:s1], [sflag:$0x1] =	stream.indirect.gather [hbm4b:s6+s7], $0x80, s21, s7, $0xb8;
	[tilespmem:$0x15000] =	vst v63  }
0x24c: {  	s1 =	simm.s32 $0x14600;
	s21 =	simm.s32 $0xF80  }
0x24d: {  	[tilespmem:s1], [sflag:$0x1] =	stream.indirect.gather [hbm4b:s6+s7], $0x80, s21, s7, $0xb8;
	[tilespmem:$0x15000] =	vst v63  }
0x24e: {  	_ =	swait.ge [sflag:s5], $0xA00  }
0x24f: {  	[sflag:s5] =	ssyncset.done $0x0  }
0x250: {  	[sflag:s5] =	ssyncadd.s32 $0xFFFFF600  }
0x251: {  	_ =	swait.ge [sflag:s5], $0xA00  }
0x252: {  	[sflag:s5] =	ssyncset.done $0x0  }
0x253: {  	[sflag:s5] =	ssyncadd.s32 $0xFFFFF600  }
0x254: {  	_ =	swait.ge [sflag:s5], $0xA00  }
0x255: {  	[sflag:s5] =	ssyncset.done $0x0  }
0x256: {  	[sflag:s5] =	ssyncadd.s32 $0xFFFFF600  }
0x257: {  	_ =	swait.ge [sflag:s5], $0xA00  }
0x258: {  	[sflag:s5] =	ssyncset.done $0x0  }
0x259: {  	[sflag:s5] =	ssyncadd.s32 $0xFFFFF600  }
0x25a: {  	_ =	swait.ge [sflag:s5], $0xA00  }
0x25b: {  	[sflag:s5] =	ssyncset.done $0x0  }
0x25c: {  	[sflag:s5] =	ssyncadd.s32 $0xFFFFF600  }
0x25d: {  	_ =	swait.ge [sflag:s5], $0xA00  }
0x25e: {  	[sflag:s5] =	ssyncset.done $0x0  }
0x25f: {  	[sflag:s5] =	ssyncadd.s32 $0xFFFFF600  }
0x260: {  	_ =	swait.ge [sflag:s5], $0xA00  }
0x261: {  	[sflag:s5] =	ssyncset.done $0x0  }
0x262: {  	[sflag:s5] =	ssyncadd.s32 $0xFFFFF600  }
0x263: {  	_ =	swait.ge [sflag:s5], $0xA00  }
0x264: {  	[sflag:s5] =	ssyncset.done $0x0  }
0x265: {  	[sflag:s5] =	ssyncadd.s32 $0xFFFFF600  }
0x266: {  	_ =	swait.ge [sflag:s5], $0xA00  }
0x267: {  	[sflag:s5] =	ssyncset.done $0x0  }
0x268: {  	[sflag:s5] =	ssyncadd.s32 $0xFFFFF600  }
0x269: {  	_ =	swait.ge [sflag:s5], $0xA00  }
0x26a: {  	[sflag:s5] =	ssyncset.done $0x0  }
0x26b: {  	[sflag:s5] =	ssyncadd.s32 $0xFFFFF600  }
0x26c: {  	_ =	swait.ge [sflag:s5], $0xA00  }
0x26d: {  	[sflag:s5] =	ssyncset.done $0x0  }
0x26e: {  	[sflag:s5] =	ssyncadd.s32 $0xFFFFF600  }
0x26f: {  	_ =	swait.ge [sflag:s5], $0xA00  }
0x270: {  	[sflag:s5] =	ssyncset.done $0x0  }
0x271: {  	[sflag:s5] =	ssyncadd.s32 $0xFFFFF600  }
0x272: {  	_ =	swait.ge [sflag:s5], $0xA00  }
0x273: {  	[sflag:s5] =	ssyncset.done $0x0  }
0x274: {  	[sflag:s5] =	ssyncadd.s32 $0xFFFFF600  }
0x275: {  	_ =	swait.ge [sflag:s5], $0xA00  }
0x276: {  	[sflag:s5] =	ssyncset.done $0x0  }
0x277: {  	[sflag:s5] =	ssyncadd.s32 $0xFFFFF600  }
0x278: {  	_ =	swait.ge [sflag:s5], $0xA00  }
0x279: {  	[sflag:s5] =	ssyncset.done $0x0  }
0x27a: {  	[sflag:s5] =	ssyncadd.s32 $0xFFFFF600  }
0x27b: {  	_ =	swait.ge [sflag:s5], $0xA00  }
0x27c: {  	[sflag:s5] =	ssyncset.done $0x0  }
0x27d: {  	[sflag:s5] =	ssyncadd.s32 $0xFFFFF600  }
0x27e: {  	_ =	swait.ge [sflag:s5], $0xA00  }
0x27f: {  	[sflag:s5] =	ssyncset.done $0x0  }
0x280: {  	[sflag:s5] =	ssyncadd.s32 $0xFFFFF600  }
0x281: {  	_ =	swait.ge [sflag:s5], $0xA00  }
0x282: {  	[sflag:s5] =	ssyncset.done $0x0  }
0x283: {  	[sflag:s5] =	ssyncadd.s32 $0xFFFFF600  }
0x284: {  	_ =	swait.ge [sflag:s5], $0xA00  }
0x285: {  	[sflag:s5] =	ssyncset.done $0x0  }
0x286: {  	[sflag:s5] =	ssyncadd.s32 $0xFFFFF600  }
0x287: {  	_ =	swait.ge [sflag:s5], $0xA00  }
0x288: {  	[sflag:s5] =	ssyncset.done $0x0  }
0x289: {  	[sflag:s5] =	ssyncadd.s32 $0xFFFFF600  }
0x28a: {  	_ =	swait.ge [sflag:s5], $0xA00  }
0x28b: {  	[sflag:s5] =	ssyncset.done $0x0  }
0x28c: {  	[sflag:s5] =	ssyncadd.s32 $0xFFFFF600  }
0x28d: {  	_ =	swait.ge [sflag:s5], $0xA00  }
0x28e: {  	[sflag:s5] =	ssyncset.done $0x0  }
0x28f: {  	[sflag:s5] =	ssyncadd.s32 $0xFFFFF600  }
0x290: {  	_ =	swait.ge [sflag:s5], $0xA00  }
0x291: {  	[sflag:s5] =	ssyncset.done $0x0  }
0x292: {  	[sflag:s5] =	ssyncadd.s32 $0xFFFFF600  }
0x293: {  	_ =	swait.ge [sflag:s5], $0xA00  }
0x294: {  	[sflag:s5] =	ssyncset.done $0x0  }
0x295: {  	[sflag:s5] =	ssyncadd.s32 $0xFFFFF600  }
0x296: {  	_ =	swait.ge [sflag:s5], $0xA00  }
0x297: {  	[sflag:s5] =	ssyncset.done $0x0  }
0x298: {  	[sflag:s5] =	ssyncadd.s32 $0xFFFFF600  }
0x299: {  	_ =	swait.ge [sflag:s5], $0xA00  }
0x29a: {  	[sflag:s5] =	ssyncset.done $0x0  }
0x29b: {  	[sflag:s5] =	ssyncadd.s32 $0xFFFFF600  }
0x29c: {  	_ =	swait.ge [sflag:s5], $0xA00  }
0x29d: {  	[sflag:s5] =	ssyncset.done $0x0  }
0x29e: {  	[sflag:s5] =	ssyncadd.s32 $0xFFFFF600  }
0x29f: {  	_ =	swait.ge [sflag:s5], $0xA00  }
0x2a0: {  	[sflag:s5] =	ssyncset.done $0x0  }
0x2a1: {  	[sflag:s5] =	ssyncadd.s32 $0xFFFFF600  }
0x2a2: {  	_ =	swait.ge [sflag:s5], $0xA00  }
0x2a3: {  	[sflag:s5] =	ssyncset.done $0x0  }
0x2a4: {  	[sflag:s5] =	ssyncadd.s32 $0xFFFFF600  }
0x2a5: {  	_ =	swait.ge [sflag:s5], $0xA00  }
0x2a6: {  	[sflag:s5] =	ssyncset.done $0x0  }
0x2a7: {  	[sflag:s5] =	ssyncadd.s32 $0xFFFFF600  }
0x2a8: {  	_ =	swait.ge [sflag:s5], $0xA00  }
0x2a9: {  	[sflag:s5] =	ssyncset.done $0x0  }
0x2aa: {  	[sflag:s5] =	ssyncadd.s32 $0xFFFFF600  }
0x2ab: {  	p1 =	sne.s32 s20, $0x1;
	_ =	swait.ge [sflag:s5], $0xA00  }
.Ltmp2:
0x2ac: {  	s2 =	simm.s32 $0x0;
	[sflag:s5] =	ssyncset.done $0x0;
	(pc) =	sbr.rel @p1 .LBB2_3-.Ltmp2, $4  }
0x2ad: {  	s4 =	simm.s32 $0x1000;
	s1 =	rddreg [dreg:$0x6];
	[sflag:s5] =	ssyncadd.s32 $0xFFFFF600  }
0x2ae: {  	[hbm4b:s1+s2] =	stream.linear.scatter [tilespmem:s4], [sflag:$0x2], $0x14000, $0x38;
	[tilespmem:$0x15000] =	vst v63  }
0x2af: {  	_ =	swait.ge [sflag:s12], $0x14000  }
0x2b0: {  	s20 =	sadd.s32 $0xFFFFFFFF, s20;
	s21 =	rddreg [dreg:$0x3];
	[sflag:s12] =	ssyncset.done $0x0  }
.LBB2_4:
0x2b1: {  	[sflag:s12] =	ssyncadd.s32 @p0 $0xFFFEC000  }
0x2b2: {  	[tilespmem:s2], [sflag:$0x2] =	stream.linear.gather [hbm4b:s21+s2], $0x1000, $0x38;
	[tilespmem:$0x15000] =	vst v63  }
0x2b3: {  	_ =	swait.ge [sflag:s12], $0x1000  }
0x2b4: {  	[sflag:s12] =	ssyncset.done $0x0  }
0x2b5: {  	[sflag:s12] =	ssyncadd.s32 $0xFFFFF000  }
0x2b6: {  	[tilespmem:s4], [sflag:$0x1] =	stream.indirect.gather [hbm4b:s6+s7], $0x80, s2, s7, $0xb8;
	[tilespmem:$0x15000] =	vst v63  }
0x2b7: {  	s0 =	simm.s32 $0x80;
	s1 =	simm.s32 $0x1A00  }
0x2b8: {  	[tilespmem:s1], [sflag:$0x1] =	stream.indirect.gather [hbm4b:s6+s7], $0x80, s0, s7, $0xb8;
	[tilespmem:$0x15000] =	vst v63  }
0x2b9: {  	s15 =	simm.s32 $0x100;
	s16 =	simm.s32 $0x2400  }
0x2ba: {  	[tilespmem:s16], [sflag:$0x1] =	stream.indirect.gather [hbm4b:s6+s7], $0x80, s15, s7, $0xb8;
	[tilespmem:$0x15000] =	vst v63  }
0x2bb: {  	s17 =	simm.s32 $0x180;
	s18 =	simm.s32 $0x2E00  }
0x2bc: {  	[tilespmem:s18], [sflag:$0x1] =	stream.indirect.gather [hbm4b:s6+s7], $0x80, s17, s7, $0xb8;
	[tilespmem:$0x15000] =	vst v63  }
0x2bd: {  	s19 =	simm.s32 $0x200;
	s20 =	simm.s32 $0x3800  }
0x2be: {  	[tilespmem:s20], [sflag:$0x1] =	stream.indirect.gather [hbm4b:s6+s7], $0x80, s19, s7, $0xb8;
	[tilespmem:$0x15000] =	vst v63  }
0x2bf: {  	s22 =	simm.s32 $0x4200;
	s21 =	simm.s32 $0x280  }
0x2c0: {  	[tilespmem:s22], [sflag:$0x1] =	stream.indirect.gather [hbm4b:s6+s7], $0x80, s21, s7, $0xb8;
	[tilespmem:$0x15000] =	vst v63  }
0x2c1: {  	s23 =	simm.s32 $0x300;
	s24 =	simm.s32 $0x4C00  }
0x2c2: {  	[tilespmem:s24], [sflag:$0x1] =	stream.indirect.gather [hbm4b:s6+s7], $0x80, s23, s7, $0xb8;
	[tilespmem:$0x15000] =	vst v63  }
0x2c3: {  	s25 =	simm.s32 $0x380;
	s26 =	simm.s32 $0x5600  }
0x2c4: {  	[tilespmem:s26], [sflag:$0x1] =	stream.indirect.gather [hbm4b:s6+s7], $0x80, s25, s7, $0xb8;
	[tilespmem:$0x15000] =	vst v63  }
0x2c5: {  	s28 =	simm.s32 $0x400;
	s29 =	simm.s32 $0x6000  }
0x2c6: {  	[tilespmem:s29], [sflag:$0x1] =	stream.indirect.gather [hbm4b:s6+s7], $0x80, s28, s7, $0xb8;
	[tilespmem:$0x15000] =	vst v63  }
0x2c7: {  	s30 =	simm.s32 $0x480;
	s31 =	simm.s32 $0x6A00  }
0x2c8: {  	[tilespmem:s31], [sflag:$0x1] =	stream.indirect.gather [hbm4b:s6+s7], $0x80, s30, s7, $0xb8;
	[tilespmem:$0x15000] =	vst v63  }
0x2c9: {  	s3 =	simm.s32 $0x500;
	s8 =	simm.s32 $0x7400  }
0x2ca: {  	[tilespmem:s8], [sflag:$0x1] =	stream.indirect.gather [hbm4b:s6+s7], $0x80, s3, s7, $0xb8;
	[tilespmem:$0x15000] =	vst v63  }
0x2cb: {  	s9 =	simm.s32 $0x580;
	s10 =	simm.s32 $0x7E00  }
0x2cc: {  	[tilespmem:s10], [sflag:$0x1] =	stream.indirect.gather [hbm4b:s6+s7], $0x80, s9, s7, $0xb8;
	[tilespmem:$0x15000] =	vst v63  }
0x2cd: {  	s11 =	simm.s32 $0x600;
	s13 =	simm.s32 $0x8800  }
0x2ce: {  	[tilespmem:s13], [sflag:$0x1] =	stream.indirect.gather [hbm4b:s6+s7], $0x80, s11, s7, $0xb8;
	[tilespmem:$0x15000] =	vst v63  }
0x2cf: {  	s14 =	simm.s32 $0x680;
	s15 =	simm.s32 $0x9200  }
0x2d0: {  	[tilespmem:s15], [sflag:$0x1] =	stream.indirect.gather [hbm4b:s6+s7], $0x80, s14, s7, $0xb8;
	[tilespmem:$0x15000] =	vst v63  }
0x2d1: {  	s16 =	simm.s32 $0x700;
	s17 =	simm.s32 $0x9C00  }
0x2d2: {  	[tilespmem:s17], [sflag:$0x1] =	stream.indirect.gather [hbm4b:s6+s7], $0x80, s16, s7, $0xb8;
	[tilespmem:$0x15000] =	vst v63  }
0x2d3: {  	s18 =	simm.s32 $0x780;
	s19 =	simm.s32 $0xA600  }
0x2d4: {  	[tilespmem:s19], [sflag:$0x1] =	stream.indirect.gather [hbm4b:s6+s7], $0x80, s18, s7, $0xb8;
	[tilespmem:$0x15000] =	vst v63  }
0x2d5: {  	s20 =	simm.s32 $0x800;
	s21 =	simm.s32 $0xB000  }
0x2d6: {  	[tilespmem:s21], [sflag:$0x1] =	stream.indirect.gather [hbm4b:s6+s7], $0x80, s20, s7, $0xb8;
	[tilespmem:$0x15000] =	vst v63  }
0x2d7: {  	s22 =	simm.s32 $0x880;
	s23 =	simm.s32 $0xBA00  }
0x2d8: {  	[tilespmem:s23], [sflag:$0x1] =	stream.indirect.gather [hbm4b:s6+s7], $0x80, s22, s7, $0xb8;
	[tilespmem:$0x15000] =	vst v63  }
0x2d9: {  	s24 =	simm.s32 $0x900;
	s25 =	simm.s32 $0xC400  }
0x2da: {  	[tilespmem:s25], [sflag:$0x1] =	stream.indirect.gather [hbm4b:s6+s7], $0x80, s24, s7, $0xb8;
	[tilespmem:$0x15000] =	vst v63  }
0x2db: {  	s26 =	simm.s32 $0x980;
	s28 =	simm.s32 $0xCE00  }
0x2dc: {  	[tilespmem:s28], [sflag:$0x1] =	stream.indirect.gather [hbm4b:s6+s7], $0x80, s26, s7, $0xb8;
	[tilespmem:$0x15000] =	vst v63  }
0x2dd: {  	s29 =	simm.s32 $0xA00;
	s30 =	simm.s32 $0xD800  }
0x2de: {  	[tilespmem:s30], [sflag:$0x1] =	stream.indirect.gather [hbm4b:s6+s7], $0x80, s29, s7, $0xb8;
	[tilespmem:$0x15000] =	vst v63  }
0x2df: {  	s28 =	simm.s32 $0xE200;
	s29 =	simm.s32 $0xA80  }
0x2e0: {  	[tilespmem:s28], [sflag:$0x1] =	stream.indirect.gather [hbm4b:s6+s7], $0x80, s29, s7, $0xb8;
	[tilespmem:$0x15000] =	vst v63  }
0x2e1: {  	s25 =	simm.s32 $0xEC00;
	s26 =	simm.s32 $0xB00  }
0x2e2: {  	[tilespmem:s25], [sflag:$0x1] =	stream.indirect.gather [hbm4b:s6+s7], $0x80, s26, s7, $0xb8;
	[tilespmem:$0x15000] =	vst v63  }
0x2e3: {  	s23 =	simm.s32 $0xF600;
	s24 =	simm.s32 $0xB80  }
0x2e4: {  	[tilespmem:s23], [sflag:$0x1] =	stream.indirect.gather [hbm4b:s6+s7], $0x80, s24, s7, $0xb8;
	[tilespmem:$0x15000] =	vst v63  }
0x2e5: {  	s21 =	simm.s32 $0x10000;
	s22 =	simm.s32 $0xC00  }
0x2e6: {  	[tilespmem:s21], [sflag:$0x1] =	stream.indirect.gather [hbm4b:s6+s7], $0x80, s22, s7, $0xb8;
	[tilespmem:$0x15000] =	vst v63  }
0x2e7: {  	s19 =	simm.s32 $0xC80;
	s18 =	simm.s32 $0x10A00  }
0x2e8: {  	[tilespmem:s18], [sflag:$0x1] =	stream.indirect.gather [hbm4b:s6+s7], $0x80, s19, s7, $0xb8;
	[tilespmem:$0x15000] =	vst v63  }
0x2e9: {  	s17 =	simm.s32 $0xD00;
	s16 =	simm.s32 $0x11400  }
0x2ea: {  	[tilespmem:s16], [sflag:$0x1] =	stream.indirect.gather [hbm4b:s6+s7], $0x80, s17, s7, $0xb8;
	[tilespmem:$0x15000] =	vst v63  }
0x2eb: {  	s15 =	simm.s32 $0xD80;
	s14 =	simm.s32 $0x11E00  }
0x2ec: {  	[tilespmem:s14], [sflag:$0x1] =	stream.indirect.gather [hbm4b:s6+s7], $0x80, s15, s7, $0xb8;
	[tilespmem:$0x15000] =	vst v63  }
0x2ed: {  	s3 =	simm.s32 $0x12800;
	s13 =	simm.s32 $0xE00  }
0x2ee: {  	[tilespmem:s3], [sflag:$0x1] =	stream.indirect.gather [hbm4b:s6+s7], $0x80, s13, s7, $0xb8;
	[tilespmem:$0x15000] =	vst v63  }
0x2ef: {  	s10 =	simm.s32 $0x13200;
	s11 =	simm.s32 $0xE80  }
0x2f0: {  	[tilespmem:s10], [sflag:$0x1] =	stream.indirect.gather [hbm4b:s6+s7], $0x80, s11, s7, $0xb8;
	[tilespmem:$0x15000] =	vst v63  }
0x2f1: {  	s8 =	simm.s32 $0x13C00;
	s9 =	simm.s32 $0xF00  }
0x2f2: {  	[tilespmem:s8], [sflag:$0x1] =	stream.indirect.gather [hbm4b:s6+s7], $0x80, s9, s7, $0xb8;
	[tilespmem:$0x15000] =	vst v63  }
0x2f3: {  	s1 =	simm.s32 $0xF80;
	s0 =	simm.s32 $0x14600  }
0x2f4: {  	[tilespmem:s0], [sflag:$0x1] =	stream.indirect.gather [hbm4b:s6+s7], $0x80, s1, s7, $0xb8;
	[tilespmem:$0x15000] =	vst v63  }
0x2f5: {  	_ =	swait.ge [sflag:s5], $0xA00  }
0x2f6: {  	[sflag:s5] =	ssyncset.done $0x0  }
0x2f7: {  	[sflag:s5] =	ssyncadd.s32 $0xFFFFF600  }
0x2f8: {  	_ =	swait.ge [sflag:s5], $0xA00  }
0x2f9: {  	[sflag:s5] =	ssyncset.done $0x0  }
0x2fa: {  	[sflag:s5] =	ssyncadd.s32 $0xFFFFF600  }
0x2fb: {  	_ =	swait.ge [sflag:s5], $0xA00  }
0x2fc: {  	[sflag:s5] =	ssyncset.done $0x0  }
0x2fd: {  	[sflag:s5] =	ssyncadd.s32 $0xFFFFF600  }
0x2fe: {  	_ =	swait.ge [sflag:s5], $0xA00  }
0x2ff: {  	[sflag:s5] =	ssyncset.done $0x0  }
0x300: {  	[sflag:s5] =	ssyncadd.s32 $0xFFFFF600  }
0x301: {  	_ =	swait.ge [sflag:s5], $0xA00  }
0x302: {  	[sflag:s5] =	ssyncset.done $0x0  }
0x303: {  	[sflag:s5] =	ssyncadd.s32 $0xFFFFF600  }
0x304: {  	_ =	swait.ge [sflag:s5], $0xA00  }
0x305: {  	[sflag:s5] =	ssyncset.done $0x0  }
0x306: {  	[sflag:s5] =	ssyncadd.s32 $0xFFFFF600  }
0x307: {  	_ =	swait.ge [sflag:s5], $0xA00  }
0x308: {  	[sflag:s5] =	ssyncset.done $0x0  }
0x309: {  	[sflag:s5] =	ssyncadd.s32 $0xFFFFF600  }
0x30a: {  	_ =	swait.ge [sflag:s5], $0xA00  }
0x30b: {  	[sflag:s5] =	ssyncset.done $0x0  }
0x30c: {  	[sflag:s5] =	ssyncadd.s32 $0xFFFFF600  }
0x30d: {  	_ =	swait.ge [sflag:s5], $0xA00  }
0x30e: {  	[sflag:s5] =	ssyncset.done $0x0  }
0x30f: {  	[sflag:s5] =	ssyncadd.s32 $0xFFFFF600  }
0x310: {  	_ =	swait.ge [sflag:s5], $0xA00  }
0x311: {  	[sflag:s5] =	ssyncset.done $0x0  }
0x312: {  	[sflag:s5] =	ssyncadd.s32 $0xFFFFF600  }
0x313: {  	_ =	swait.ge [sflag:s5], $0xA00  }
0x314: {  	[sflag:s5] =	ssyncset.done $0x0  }
0x315: {  	[sflag:s5] =	ssyncadd.s32 $0xFFFFF600  }
0x316: {  	_ =	swait.ge [sflag:s5], $0xA00  }
0x317: {  	[sflag:s5] =	ssyncset.done $0x0  }
0x318: {  	[sflag:s5] =	ssyncadd.s32 $0xFFFFF600  }
0x319: {  	_ =	swait.ge [sflag:s5], $0xA00  }
0x31a: {  	[sflag:s5] =	ssyncset.done $0x0  }
0x31b: {  	[sflag:s5] =	ssyncadd.s32 $0xFFFFF600  }
0x31c: {  	_ =	swait.ge [sflag:s5], $0xA00  }
0x31d: {  	[sflag:s5] =	ssyncset.done $0x0  }
0x31e: {  	[sflag:s5] =	ssyncadd.s32 $0xFFFFF600  }
0x31f: {  	_ =	swait.ge [sflag:s5], $0xA00  }
0x320: {  	[sflag:s5] =	ssyncset.done $0x0  }
0x321: {  	[sflag:s5] =	ssyncadd.s32 $0xFFFFF600  }
0x322: {  	_ =	swait.ge [sflag:s5], $0xA00  }
0x323: {  	[sflag:s5] =	ssyncset.done $0x0  }
0x324: {  	[sflag:s5] =	ssyncadd.s32 $0xFFFFF600  }
0x325: {  	_ =	swait.ge [sflag:s5], $0xA00  }
0x326: {  	[sflag:s5] =	ssyncset.done $0x0  }
0x327: {  	[sflag:s5] =	ssyncadd.s32 $0xFFFFF600  }
0x328: {  	_ =	swait.ge [sflag:s5], $0xA00  }
0x329: {  	[sflag:s5] =	ssyncset.done $0x0  }
0x32a: {  	[sflag:s5] =	ssyncadd.s32 $0xFFFFF600  }
0x32b: {  	_ =	swait.ge [sflag:s5], $0xA00  }
0x32c: {  	[sflag:s5] =	ssyncset.done $0x0  }
0x32d: {  	[sflag:s5] =	ssyncadd.s32 $0xFFFFF600  }
0x32e: {  	_ =	swait.ge [sflag:s5], $0xA00  }
0x32f: {  	[sflag:s5] =	ssyncset.done $0x0  }
0x330: {  	[sflag:s5] =	ssyncadd.s32 $0xFFFFF600  }
0x331: {  	_ =	swait.ge [sflag:s5], $0xA00  }
0x332: {  	[sflag:s5] =	ssyncset.done $0x0  }
0x333: {  	[sflag:s5] =	ssyncadd.s32 $0xFFFFF600  }
0x334: {  	_ =	swait.ge [sflag:s5], $0xA00  }
0x335: {  	[sflag:s5] =	ssyncset.done $0x0  }
0x336: {  	[sflag:s5] =	ssyncadd.s32 $0xFFFFF600  }
0x337: {  	_ =	swait.ge [sflag:s5], $0xA00  }
0x338: {  	[sflag:s5] =	ssyncset.done $0x0  }
0x339: {  	[sflag:s5] =	ssyncadd.s32 $0xFFFFF600  }
0x33a: {  	_ =	swait.ge [sflag:s5], $0xA00  }
0x33b: {  	[sflag:s5] =	ssyncset.done $0x0  }
0x33c: {  	[sflag:s5] =	ssyncadd.s32 $0xFFFFF600  }
0x33d: {  	_ =	swait.ge [sflag:s5], $0xA00  }
0x33e: {  	[sflag:s5] =	ssyncset.done $0x0  }
0x33f: {  	[sflag:s5] =	ssyncadd.s32 $0xFFFFF600  }
0x340: {  	_ =	swait.ge [sflag:s5], $0xA00  }
0x341: {  	[sflag:s5] =	ssyncset.done $0x0  }
0x342: {  	[sflag:s5] =	ssyncadd.s32 $0xFFFFF600  }
0x343: {  	_ =	swait.ge [sflag:s5], $0xA00  }
0x344: {  	[sflag:s5] =	ssyncset.done $0x0  }
0x345: {  	[sflag:s5] =	ssyncadd.s32 $0xFFFFF600  }
0x346: {  	_ =	swait.ge [sflag:s5], $0xA00  }
0x347: {  	[sflag:s5] =	ssyncset.done $0x0  }
0x348: {  	[sflag:s5] =	ssyncadd.s32 $0xFFFFF600  }
0x349: {  	_ =	swait.ge [sflag:s5], $0xA00  }
0x34a: {  	[sflag:s5] =	ssyncset.done $0x0  }
0x34b: {  	[sflag:s5] =	ssyncadd.s32 $0xFFFFF600  }
0x34c: {  	_ =	swait.ge [sflag:s5], $0xA00  }
0x34d: {  	[sflag:s5] =	ssyncset.done $0x0  }
0x34e: {  	[sflag:s5] =	ssyncadd.s32 $0xFFFFF600  }
0x34f: {  	_ =	swait.ge [sflag:s5], $0xA00  }
0x350: {  	[sflag:s5] =	ssyncset.done $0x0  }
0x351: {  	[sflag:s5] =	ssyncadd.s32 $0xFFFFF600  }
0x352: {  	_ =	swait.ge [sflag:s5], $0xA00  }
0x353: {  	[sflag:s5] =	ssyncset.done $0x0  }
0x354: {  	s20 =	rddreg [dreg:$0x4];
	[sflag:s5] =	ssyncadd.s32 $0xFFFFF600  }
0x355: {  	[hbm4b:s20+s2] =	stream.linear.scatter [tilespmem:s4], [sflag:$0x2], $0x14000, $0x38;
	[tilespmem:$0x15000] =	vst v63  }
0x356: {  	_ =	swait.ge [sflag:s12], $0x14000  }
0x357: {  	[sflag:s12] =	ssyncset.done $0x0  }
0x358: {  	s31 =	rddreg [dreg:$0x5];
	[sflag:s12] =	ssyncadd.s32 $0xFFFEC000  }
0x359: {  	[tilespmem:s2], [sflag:$0x2] =	stream.linear.gather [hbm4b:s31+s2], $0x1000, $0x38;
	[tilespmem:$0x15000] =	vst v63  }
0x35a: {  	_ =	swait.ge [sflag:s12], $0x1000  }
0x35b: {  	[sflag:s12] =	ssyncset.done $0x0  }
0x35c: {  	[sflag:s12] =	ssyncadd.s32 $0xFFFFF000  }
0x35d: {  	[tilespmem:s4], [sflag:$0x1] =	stream.indirect.gather [hbm4b:s6+s7], $0x80, s2, s7, $0xb8;
	[tilespmem:$0x15000] =	vst v63  }
0x35e: {  	s20 =	simm.s32 $0x80;
	s31 =	simm.s32 $0x1A00  }
0x35f: {  	[tilespmem:s31], [sflag:$0x1] =	stream.indirect.gather [hbm4b:s6+s7], $0x80, s20, s7, $0xb8;
	[tilespmem:$0x15000] =	vst v63  }
0x360: {  	s20 =	simm.s32 $0x100;
	s31 =	simm.s32 $0x2400  }
0x361: {  	[tilespmem:s31], [sflag:$0x1] =	stream.indirect.gather [hbm4b:s6+s7], $0x80, s20, s7, $0xb8;
	[tilespmem:$0x15000] =	vst v63  }
0x362: {  	s20 =	simm.s32 $0x180;
	s31 =	simm.s32 $0x2E00  }
0x363: {  	[tilespmem:s31], [sflag:$0x1] =	stream.indirect.gather [hbm4b:s6+s7], $0x80, s20, s7, $0xb8;
	[tilespmem:$0x15000] =	vst v63  }
0x364: {  	s20 =	simm.s32 $0x200;
	s31 =	simm.s32 $0x3800  }
0x365: {  	[tilespmem:s31], [sflag:$0x1] =	stream.indirect.gather [hbm4b:s6+s7], $0x80, s20, s7, $0xb8;
	[tilespmem:$0x15000] =	vst v63  }
0x366: {  	s20 =	simm.s32 $0x280;
	s31 =	simm.s32 $0x4200  }
0x367: {  	[tilespmem:s31], [sflag:$0x1] =	stream.indirect.gather [hbm4b:s6+s7], $0x80, s20, s7, $0xb8;
	[tilespmem:$0x15000] =	vst v63  }
0x368: {  	s20 =	simm.s32 $0x300;
	s31 =	simm.s32 $0x4C00  }
0x369: {  	[tilespmem:s31], [sflag:$0x1] =	stream.indirect.gather [hbm4b:s6+s7], $0x80, s20, s7, $0xb8;
	[tilespmem:$0x15000] =	vst v63  }
0x36a: {  	s20 =	simm.s32 $0x380;
	s31 =	simm.s32 $0x5600  }
0x36b: {  	[tilespmem:s31], [sflag:$0x1] =	stream.indirect.gather [hbm4b:s6+s7], $0x80, s20, s7, $0xb8;
	[tilespmem:$0x15000] =	vst v63  }
0x36c: {  	s20 =	simm.s32 $0x400;
	s31 =	simm.s32 $0x6000  }
0x36d: {  	[tilespmem:s31], [sflag:$0x1] =	stream.indirect.gather [hbm4b:s6+s7], $0x80, s20, s7, $0xb8;
	[tilespmem:$0x15000] =	vst v63  }
0x36e: {  	s20 =	simm.s32 $0x480;
	s31 =	simm.s32 $0x6A00  }
0x36f: {  	[tilespmem:s31], [sflag:$0x1] =	stream.indirect.gather [hbm4b:s6+s7], $0x80, s20, s7, $0xb8;
	[tilespmem:$0x15000] =	vst v63  }
0x370: {  	s20 =	simm.s32 $0x500;
	s31 =	simm.s32 $0x7400  }
0x371: {  	[tilespmem:s31], [sflag:$0x1] =	stream.indirect.gather [hbm4b:s6+s7], $0x80, s20, s7, $0xb8;
	[tilespmem:$0x15000] =	vst v63  }
0x372: {  	s20 =	simm.s32 $0x580;
	s31 =	simm.s32 $0x7E00  }
0x373: {  	[tilespmem:s31], [sflag:$0x1] =	stream.indirect.gather [hbm4b:s6+s7], $0x80, s20, s7, $0xb8;
	[tilespmem:$0x15000] =	vst v63  }
0x374: {  	s20 =	simm.s32 $0x600;
	s31 =	simm.s32 $0x8800  }
0x375: {  	[tilespmem:s31], [sflag:$0x1] =	stream.indirect.gather [hbm4b:s6+s7], $0x80, s20, s7, $0xb8;
	[tilespmem:$0x15000] =	vst v63  }
0x376: {  	s20 =	simm.s32 $0x680;
	s31 =	simm.s32 $0x9200  }
0x377: {  	[tilespmem:s31], [sflag:$0x1] =	stream.indirect.gather [hbm4b:s6+s7], $0x80, s20, s7, $0xb8;
	[tilespmem:$0x15000] =	vst v63  }
0x378: {  	s20 =	simm.s32 $0x700;
	s31 =	simm.s32 $0x9C00  }
0x379: {  	[tilespmem:s31], [sflag:$0x1] =	stream.indirect.gather [hbm4b:s6+s7], $0x80, s20, s7, $0xb8;
	[tilespmem:$0x15000] =	vst v63  }
0x37a: {  	s20 =	simm.s32 $0x780;
	s31 =	simm.s32 $0xA600  }
0x37b: {  	[tilespmem:s31], [sflag:$0x1] =	stream.indirect.gather [hbm4b:s6+s7], $0x80, s20, s7, $0xb8;
	[tilespmem:$0x15000] =	vst v63  }
0x37c: {  	s20 =	simm.s32 $0x800;
	s31 =	simm.s32 $0xB000  }
0x37d: {  	[tilespmem:s31], [sflag:$0x1] =	stream.indirect.gather [hbm4b:s6+s7], $0x80, s20, s7, $0xb8;
	[tilespmem:$0x15000] =	vst v63  }
0x37e: {  	s20 =	simm.s32 $0xBA00;
	s31 =	simm.s32 $0x880  }
0x37f: {  	[tilespmem:s20], [sflag:$0x1] =	stream.indirect.gather [hbm4b:s6+s7], $0x80, s31, s7, $0xb8;
	[tilespmem:$0x15000] =	vst v63  }
0x380: {  	s20 =	simm.s32 $0xC400;
	s31 =	simm.s32 $0x900  }
0x381: {  	[tilespmem:s20], [sflag:$0x1] =	stream.indirect.gather [hbm4b:s6+s7], $0x80, s31, s7, $0xb8;
	[tilespmem:$0x15000] =	vst v63  }
0x382: {  	s20 =	simm.s32 $0xCE00;
	s31 =	simm.s32 $0x980  }
0x383: {  	[tilespmem:s20], [sflag:$0x1] =	stream.indirect.gather [hbm4b:s6+s7], $0x80, s31, s7, $0xb8;
	[tilespmem:$0x15000] =	vst v63  }
0x384: {  	s31 =	simm.s32 $0xA00  }
0x385: {  	[tilespmem:s30], [sflag:$0x1] =	stream.indirect.gather [hbm4b:s6+s7], $0x80, s31, s7, $0xb8;
	[tilespmem:$0x15000] =	vst v63  }
0x386: {  	_ = 	snop  }
0x387: {  	[tilespmem:s28], [sflag:$0x1] =	stream.indirect.gather [hbm4b:s6+s7], $0x80, s29, s7, $0xb8;
	[tilespmem:$0x15000] =	vst v63  }
0x388: {  	_ = 	snop  }
0x389: {  	[tilespmem:s25], [sflag:$0x1] =	stream.indirect.gather [hbm4b:s6+s7], $0x80, s26, s7, $0xb8;
	[tilespmem:$0x15000] =	vst v63  }
0x38a: {  	_ = 	snop  }
0x38b: {  	[tilespmem:s23], [sflag:$0x1] =	stream.indirect.gather [hbm4b:s6+s7], $0x80, s24, s7, $0xb8;
	[tilespmem:$0x15000] =	vst v63  }
0x38c: {  	_ = 	snop  }
0x38d: {  	[tilespmem:s21], [sflag:$0x1] =	stream.indirect.gather [hbm4b:s6+s7], $0x80, s22, s7, $0xb8;
	[tilespmem:$0x15000] =	vst v63  }
0x38e: {  	_ = 	snop  }
0x38f: {  	[tilespmem:s18], [sflag:$0x1] =	stream.indirect.gather [hbm4b:s6+s7], $0x80, s19, s7, $0xb8;
	[tilespmem:$0x15000] =	vst v63  }
0x390: {  	_ = 	snop  }
0x391: {  	[tilespmem:s16], [sflag:$0x1] =	stream.indirect.gather [hbm4b:s6+s7], $0x80, s17, s7, $0xb8;
	[tilespmem:$0x15000] =	vst v63  }
0x392: {  	_ = 	snop  }
0x393: {  	[tilespmem:s14], [sflag:$0x1] =	stream.indirect.gather [hbm4b:s6+s7], $0x80, s15, s7, $0xb8;
	[tilespmem:$0x15000] =	vst v63  }
0x394: {  	_ = 	snop  }
0x395: {  	[tilespmem:s3], [sflag:$0x1] =	stream.indirect.gather [hbm4b:s6+s7], $0x80, s13, s7, $0xb8;
	[tilespmem:$0x15000] =	vst v63  }
0x396: {  	_ = 	snop  }
0x397: {  	[tilespmem:s10], [sflag:$0x1] =	stream.indirect.gather [hbm4b:s6+s7], $0x80, s11, s7, $0xb8;
	[tilespmem:$0x15000] =	vst v63  }
0x398: {  	_ = 	snop  }
0x399: {  	[tilespmem:s8], [sflag:$0x1] =	stream.indirect.gather [hbm4b:s6+s7], $0x80, s9, s7, $0xb8;
	[tilespmem:$0x15000] =	vst v63  }
0x39a: {  	_ = 	snop  }
0x39b: {  	[tilespmem:s0], [sflag:$0x1] =	stream.indirect.gather [hbm4b:s6+s7], $0x80, s1, s7, $0xb8;
	[tilespmem:$0x15000] =	vst v63  }
0x39c: {  	_ =	swait.ge [sflag:s5], $0xA00  }
0x39d: {  	[sflag:s5] =	ssyncset.done $0x0  }
0x39e: {  	[sflag:s5] =	ssyncadd.s32 $0xFFFFF600  }
0x39f: {  	_ =	swait.ge [sflag:s5], $0xA00  }
0x3a0: {  	[sflag:s5] =	ssyncset.done $0x0  }
0x3a1: {  	[sflag:s5] =	ssyncadd.s32 $0xFFFFF600  }
0x3a2: {  	_ =	swait.ge [sflag:s5], $0xA00  }
0x3a3: {  	[sflag:s5] =	ssyncset.done $0x0  }
0x3a4: {  	[sflag:s5] =	ssyncadd.s32 $0xFFFFF600  }
0x3a5: {  	_ =	swait.ge [sflag:s5], $0xA00  }
0x3a6: {  	[sflag:s5] =	ssyncset.done $0x0  }
0x3a7: {  	[sflag:s5] =	ssyncadd.s32 $0xFFFFF600  }
0x3a8: {  	_ =	swait.ge [sflag:s5], $0xA00  }
0x3a9: {  	[sflag:s5] =	ssyncset.done $0x0  }
0x3aa: {  	[sflag:s5] =	ssyncadd.s32 $0xFFFFF600  }
0x3ab: {  	_ =	swait.ge [sflag:s5], $0xA00  }
0x3ac: {  	[sflag:s5] =	ssyncset.done $0x0  }
0x3ad: {  	[sflag:s5] =	ssyncadd.s32 $0xFFFFF600  }
0x3ae: {  	_ =	swait.ge [sflag:s5], $0xA00  }
0x3af: {  	[sflag:s5] =	ssyncset.done $0x0  }
0x3b0: {  	[sflag:s5] =	ssyncadd.s32 $0xFFFFF600  }
0x3b1: {  	_ =	swait.ge [sflag:s5], $0xA00  }
0x3b2: {  	[sflag:s5] =	ssyncset.done $0x0  }
0x3b3: {  	[sflag:s5] =	ssyncadd.s32 $0xFFFFF600  }
0x3b4: {  	_ =	swait.ge [sflag:s5], $0xA00  }
0x3b5: {  	[sflag:s5] =	ssyncset.done $0x0  }
0x3b6: {  	[sflag:s5] =	ssyncadd.s32 $0xFFFFF600  }
0x3b7: {  	_ =	swait.ge [sflag:s5], $0xA00  }
0x3b8: {  	[sflag:s5] =	ssyncset.done $0x0  }
0x3b9: {  	[sflag:s5] =	ssyncadd.s32 $0xFFFFF600  }
0x3ba: {  	_ =	swait.ge [sflag:s5], $0xA00  }
0x3bb: {  	[sflag:s5] =	ssyncset.done $0x0  }
0x3bc: {  	[sflag:s5] =	ssyncadd.s32 $0xFFFFF600  }
0x3bd: {  	_ =	swait.ge [sflag:s5], $0xA00  }
0x3be: {  	[sflag:s5] =	ssyncset.done $0x0  }
0x3bf: {  	[sflag:s5] =	ssyncadd.s32 $0xFFFFF600  }
0x3c0: {  	_ =	swait.ge [sflag:s5], $0xA00  }
0x3c1: {  	[sflag:s5] =	ssyncset.done $0x0  }
0x3c2: {  	[sflag:s5] =	ssyncadd.s32 $0xFFFFF600  }
0x3c3: {  	_ =	swait.ge [sflag:s5], $0xA00  }
0x3c4: {  	[sflag:s5] =	ssyncset.done $0x0  }
0x3c5: {  	[sflag:s5] =	ssyncadd.s32 $0xFFFFF600  }
0x3c6: {  	_ =	swait.ge [sflag:s5], $0xA00  }
0x3c7: {  	[sflag:s5] =	ssyncset.done $0x0  }
0x3c8: {  	[sflag:s5] =	ssyncadd.s32 $0xFFFFF600  }
0x3c9: {  	_ =	swait.ge [sflag:s5], $0xA00  }
0x3ca: {  	[sflag:s5] =	ssyncset.done $0x0  }
0x3cb: {  	[sflag:s5] =	ssyncadd.s32 $0xFFFFF600  }
0x3cc: {  	_ =	swait.ge [sflag:s5], $0xA00  }
0x3cd: {  	[sflag:s5] =	ssyncset.done $0x0  }
0x3ce: {  	[sflag:s5] =	ssyncadd.s32 $0xFFFFF600  }
0x3cf: {  	_ =	swait.ge [sflag:s5], $0xA00  }
0x3d0: {  	[sflag:s5] =	ssyncset.done $0x0  }
0x3d1: {  	[sflag:s5] =	ssyncadd.s32 $0xFFFFF600  }
0x3d2: {  	_ =	swait.ge [sflag:s5], $0xA00  }
0x3d3: {  	[sflag:s5] =	ssyncset.done $0x0  }
0x3d4: {  	[sflag:s5] =	ssyncadd.s32 $0xFFFFF600  }
0x3d5: {  	_ =	swait.ge [sflag:s5], $0xA00  }
0x3d6: {  	[sflag:s5] =	ssyncset.done $0x0  }
0x3d7: {  	[sflag:s5] =	ssyncadd.s32 $0xFFFFF600  }
0x3d8: {  	_ =	swait.ge [sflag:s5], $0xA00  }
0x3d9: {  	[sflag:s5] =	ssyncset.done $0x0  }
0x3da: {  	[sflag:s5] =	ssyncadd.s32 $0xFFFFF600  }
0x3db: {  	_ =	swait.ge [sflag:s5], $0xA00  }
0x3dc: {  	[sflag:s5] =	ssyncset.done $0x0  }
0x3dd: {  	[sflag:s5] =	ssyncadd.s32 $0xFFFFF600  }
0x3de: {  	_ =	swait.ge [sflag:s5], $0xA00  }
0x3df: {  	[sflag:s5] =	ssyncset.done $0x0  }
0x3e0: {  	[sflag:s5] =	ssyncadd.s32 $0xFFFFF600  }
0x3e1: {  	_ =	swait.ge [sflag:s5], $0xA00  }
0x3e2: {  	[sflag:s5] =	ssyncset.done $0x0  }
0x3e3: {  	[sflag:s5] =	ssyncadd.s32 $0xFFFFF600  }
0x3e4: {  	_ =	swait.ge [sflag:s5], $0xA00  }
0x3e5: {  	[sflag:s5] =	ssyncset.done $0x0  }
0x3e6: {  	[sflag:s5] =	ssyncadd.s32 $0xFFFFF600  }
0x3e7: {  	_ =	swait.ge [sflag:s5], $0xA00  }
0x3e8: {  	[sflag:s5] =	ssyncset.done $0x0  }
0x3e9: {  	[sflag:s5] =	ssyncadd.s32 $0xFFFFF600  }
0x3ea: {  	_ =	swait.ge [sflag:s5], $0xA00  }
0x3eb: {  	[sflag:s5] =	ssyncset.done $0x0  }
0x3ec: {  	[sflag:s5] =	ssyncadd.s32 $0xFFFFF600  }
0x3ed: {  	_ =	swait.ge [sflag:s5], $0xA00  }
0x3ee: {  	[sflag:s5] =	ssyncset.done $0x0  }
0x3ef: {  	[sflag:s5] =	ssyncadd.s32 $0xFFFFF600  }
0x3f0: {  	_ =	swait.ge [sflag:s5], $0xA00  }
0x3f1: {  	[sflag:s5] =	ssyncset.done $0x0  }
0x3f2: {  	[sflag:s5] =	ssyncadd.s32 $0xFFFFF600  }
0x3f3: {  	_ =	swait.ge [sflag:s5], $0xA00  }
0x3f4: {  	[sflag:s5] =	ssyncset.done $0x0  }
0x3f5: {  	[sflag:s5] =	ssyncadd.s32 $0xFFFFF600  }
0x3f6: {  	_ =	swait.ge [sflag:s5], $0xA00  }
0x3f7: {  	[sflag:s5] =	ssyncset.done $0x0  }
0x3f8: {  	[sflag:s5] =	ssyncadd.s32 $0xFFFFF600  }
0x3f9: {  	_ =	swait.ge [sflag:s5], $0xA00  }
0x3fa: {  	[sflag:s5] =	ssyncset.done $0x0  }
0x3fb: {  	s30 =	rddreg [dreg:$0x6];
	[sflag:s5] =	ssyncadd.s32 $0xFFFFF600  }
0x3fc: {  	[hbm4b:s30+s2] =	stream.linear.scatter [tilespmem:s4], [sflag:$0x2], $0x14000, $0x38;
	[tilespmem:$0x15000] =	vst v63  }
0x3fd: {  	_ =	swait.ge [sflag:s12], $0x14000  }
0x3fe: {  	[sflag:s12] =	ssyncset.done $0x0  }
0x3ff: {  	[sflag:s12] =	ssyncadd.s32 $0xFFFEC000  }
0x400: {  	_ =	sfence.sel $0x180000  }
0x401: {  	[bflag:$0x0] =	sbarrier.arrive $0xFFFF  }
0x402: {  	_ =	strace $0x9000004A  }
0x403: {  	s31 =	stileid.u32;
	[bflag:$0x2] =	sbarrier.arrive $0xFFFF  }
0x404: {  	p0 =	sne.s32 s31, $0x0;
	s0 =	rddreg [dreg:$0x2]  }
0x405: {  	s0 =	sadd.s32 @!p0 $0x100000, s0  }
0x406: {  	[sflag:s0] =	ssyncadd.tile.s32 @!p0 $0x1;
	_ =	shalt  }
.Lfunc_end2:
_tile_overlayer_lowered:
.L_overlay_start_2:
0x407: {  	(tag) =	ssettag $0x2  }
0x408: {  	s0 =	rddreg [dreg:$0x0];
	s2 =	stileid.u32  }
0x409: {  	s1 =	rddreg [dreg:$0x1];
	p0 =	sne.s32 s2, $0x0  }
0x40a: {  	s3 =	rddreg [dreg:$0x2];
	[bflag:$0x3] =	sbarrier.arrive $0xFFFF;
	s2 =	simm.s32 @!p0 $0x1C02  }
0x40b: {  	[timem:s3], [sflag:s2] =	dma.local @!p0 [hbm:s0], s1  }
0x40c: {  	s0 =	simm.s32 @!p0 $0x2  }
0x40d: {  	_ =	swait.ge @!p0 [sflag:s0], s1  }
0x40e: {  	s1 =	ssub.s32 @!p0 $0x0, s1;
	[sflag:s0] =	ssyncset.done @!p0 $0x0  }
0x40f: {  	[sflag:s0] =	ssyncadd.s32 @!p0 s1  }
0x410: {  	[bflag:$0x3] =	sbarrier.arrive $0xFFFF  }
0x411: {  	_ =	shalt  }

// kernel: kernel.7.cloned.1.call-start
scs
__scs_entry_jumppad:
0x0: {  	(pc) =	sbr.rel $0x88, $3  }
0x1: {  	(tag) =	ssettag $0x0;
	lr =	simm.s32 $0x1  }
0x2: {  	[smem:$0x3F8E] =	sst lr;
	_ =	strace $0xD0000000  }
0x3: {  	_ = 	snop  }
0x4: {  	_ = 	snop  }
0x5: {  	_ = 	snop  }
0x6: {  	_ = 	snop  }
0x7: {  	_ = 	snop  }
__scs_overlays_trampoline_lowered:
0x8: {  	[smem:$0x3F9D] =	sst s0  }
0x9: {  	[smem:$0x3F9E] =	sst s1  }
0xa: {  	[smem:$0x3F9F] =	sst s2  }
0xb: {  	[smem:$0x3FA0] =	sst s3  }
0xc: {  	[smem:$0x3FA1] =	sst s4  }
0xd: {  	[smem:$0x3FA2] =	sst s5  }
0xe: {  	[smem:$0x3FA3] =	sst s6  }
0xf: {  	[smem:$0x3FA4] =	sst s7  }
0x10: {  	[smem:$0x3FA5] =	sst s8  }
0x11: {  	[smem:$0x3FA6] =	sst s9;
	s0 =	simm.s32 @!p0 $0x0  }
0x12: {  	s1 =	sld [smem:$0x3F8C];
	s0 =	simm.s32 @p0 $0x1  }
0x13: {  	[smem:$0x3FA7] =	sst s0;
	s0 =	simm.s32 @!p1 $0x0  }
0x14: {  	s2 =	sld [smem:$0x3F8B];
	s0 =	simm.s32 @p1 $0x1  }
0x15: {  	[smem:$0x3FA8] =	sst s0;
	s0 =	simm.s32 @!p2 $0x0  }
0x16: {  	s3 =	sld [smem:$0x3FDB];
	s0 =	simm.s32 @p2 $0x1  }
0x17: {  	s4 =	simm.s32 $0x1BF5;
	[smem:$0x3FAA] =	sst s0  }
0x18: {  	s0 =	sld [smem:$0x3F8D];
	_ =	swait.ge [sflag:s4], $0x0  }
0x19: {  	s7 =	sld [smem:$0x3F8E]  }
0x1a: {  	s8 =	sadd.s32 $0xFFFFE003, lr  }
0x1b: {  	s9 =	sadd.s32 $0xFFFFFEF7, lr;
	s5 =	simm.s32 $0xFFFFFFFF;
	p2 =	slt.u32 s8, $0xFFFFF086  }
0x1c: {  	p1 =	slt.u32 s9, $0xF7A;
	s5 =	simm.s32 @!p2 $0x0  }
0x1d: {  	s5 =	simm.s32 @p1 $0x1;
	p0 =	seq.s32 s7, s2  }
0x1e: {  	s7 =	smul.u32 @!p0 $0xF7A, s2;
	p2 =	seq.s32 @!p0 s5, $0x0  }
0x1f: {  	s9 =	smul.u32 $0xF7A, s1;
	s8 =	simm.s32 @!p0 $0x1BF5;
	p2 =	por !p2, p0  }
0x20: {  	[sflag:s8] =	ssyncset.s32 @!p0 $0xFFFFF086;
	s6 =	sadd.s32 @!p0 s3, s7;
	s7 =	simm.s32 @!p0 $0x108  }
0x21: {  	s3 =	sadd.s32 s3, s9;
	s6 =	sadd.s32 @!p0 $0x88, s6;
	s7 =	simm.s32 @p2 $0x1082  }
0x22: {  	[simem:s7], [sflag:s8] =	dma.local @!p0 [hbm:s6], $0xF7A  }
0x23: {  	s9 =	sor.u32 $0xD0000000, s2;
	s6 =	simm.s32 $0x108;
	_ =	swait.ge @!p0 [sflag:s8], $0x0  }
0x24: {  	s3 =	sadd.s32 $0x88, s3;
	s6 =	simm.s32 @!p1 $0x1082;
	[sflag:s4] =	ssyncset.s32 $0xFFFFF086  }
0x25: {  	[simem:s6], [sflag:s4] =	dma.local [hbm:s3], $0xF7A  }
0x26: {  	[smem:$0x3F8E] =	sst s1;
	(tag) =	ssettag s2;
	_ =	strace s9  }
0x27: {  	s1 =	sld [smem:$0x3F9E]  }
0x28: {  	s2 =	sld [smem:$0x3F9F]  }
0x29: {  	s4 =	sld [smem:$0x3FA1]  }
0x2a: {  	p0 =	seq.s32 s5, $0x0;
	s5 =	sld [smem:$0x3FA2]  }
0x2b: {  	s6 =	sld [smem:$0x3FA3]  }
0x2c: {  	s7 =	sld [smem:$0x3FA4]  }
0x2d: {  	s3 =	simm.s32 $0x108;
	s8 =	sld [smem:$0x3FA5]  }
0x2e: {  	s3 =	simm.s32 @!p0 $0x1082;
	s9 =	sld [smem:$0x3FA6]  }
0x2f: {  	lr =	sadd.s32 s0, s3;
	s0 =	sld [smem:$0x3F9D]  }
0x30: {  	s3 =	sld [smem:$0x3FA0]  }
0x31: {  	[smem:$0x3FA9] =	sst s10  }
0x32: {  	s10 =	sld [smem:$0x3FA7];
	_ =	sdelay $0x3  }
0x33: {  	p0 =	seq.s32 s10, $0x1;
	s10 =	sld [smem:$0x3FA9];
	_ =	sdelay $0x3  }
0x34: {  	[smem:$0x3FA9] =	sst s10  }
0x35: {  	s10 =	sld [smem:$0x3FA8];
	_ =	sdelay $0x3  }
0x36: {  	p1 =	seq.s32 s10, $0x1;
	s10 =	sld [smem:$0x3FA9];
	_ =	sdelay $0x3  }
0x37: {  	[smem:$0x3FA9] =	sst s10  }
0x38: {  	s10 =	sld [smem:$0x3FAA]  }
0x39: {  	_ = 	snop;
	(pc) =	sbr.ind lr, $3  }
0x3a: {  	_ = 	snop  }
0x3b: {  	_ = 	snop  }
0x3c: {  	p2 =	seq.s32 s10, $0x1;
	s10 =	sld [smem:$0x3FA9]  }
0x3d: {  	_ =	shalt  }
0x3e: {  	_ =	shalt  }
0x3f: {  	_ =	shalt  }
0x40: {  	_ =	shalt  }
0x41: {  	_ =	shalt  }
0x42: {  	_ =	shalt  }
0x43: {  	_ =	shalt  }
0x44: {  	_ =	shalt  }
0x45: {  	_ =	shalt  }
0x46: {  	_ =	shalt  }
0x47: {  	_ =	shalt  }
0x48: {  	_ =	shalt  }
0x49: {  	_ =	shalt  }
0x4a: {  	_ =	shalt  }
0x4b: {  	_ =	shalt  }
0x4c: {  	_ =	shalt  }
0x4d: {  	_ =	shalt  }
0x4e: {  	_ =	shalt  }
0x4f: {  	_ =	shalt  }
0x50: {  	_ =	shalt  }
0x51: {  	_ =	shalt  }
0x52: {  	_ =	shalt  }
0x53: {  	_ =	shalt  }
0x54: {  	_ =	shalt  }
0x55: {  	_ =	shalt  }
0x56: {  	_ =	shalt  }
0x57: {  	_ =	shalt  }
0x58: {  	_ =	shalt  }
0x59: {  	_ =	shalt  }
0x5a: {  	_ =	shalt  }
0x5b: {  	_ =	shalt  }
0x5c: {  	_ =	shalt  }
0x5d: {  	_ =	shalt  }
0x5e: {  	_ =	shalt  }
0x5f: {  	_ =	shalt  }
0x60: {  	_ =	shalt  }
0x61: {  	_ =	shalt  }
0x62: {  	_ =	shalt  }
0x63: {  	_ =	shalt  }
0x64: {  	_ =	shalt  }
0x65: {  	_ =	shalt  }
0x66: {  	_ =	shalt  }
0x67: {  	_ =	shalt  }
0x68: {  	_ =	shalt  }
0x69: {  	_ =	shalt  }
0x6a: {  	_ =	shalt  }
0x6b: {  	_ =	shalt  }
0x6c: {  	_ =	shalt  }
0x6d: {  	_ =	shalt  }
0x6e: {  	_ =	shalt  }
0x6f: {  	_ =	shalt  }
0x70: {  	_ =	shalt  }
0x71: {  	_ =	shalt  }
0x72: {  	_ =	shalt  }
0x73: {  	_ =	shalt  }
0x74: {  	_ =	shalt  }
0x75: {  	_ =	shalt  }
0x76: {  	_ =	shalt  }
0x77: {  	_ =	shalt  }
0x78: {  	_ =	shalt  }
0x79: {  	_ =	shalt  }
0x7a: {  	_ =	shalt  }
0x7b: {  	_ =	shalt  }
0x7c: {  	_ =	shalt  }
0x7d: {  	_ =	shalt  }
0x7e: {  	_ =	shalt  }
0x7f: {  	_ =	shalt  }
0x80: {  	_ =	shalt  }
0x81: {  	_ =	shalt  }
0x82: {  	_ =	shalt  }
0x83: {  	_ =	shalt  }
0x84: {  	_ =	shalt  }
0x85: {  	_ =	shalt  }
0x86: {  	_ =	shalt  }
0x87: {  	_ =	shalt  }
.Lfunc_end0:
.L_simem_size_0:
called_computation_lowered:
.L_overlay_start_0:
0x88: {  	s2 =	sld [smem:$0x3FD9]  }
0x89: {  	s3 =	sld [smem:$0x3FFE];
	_ =	sdelay $0x1  }
0x8a: {  	s1 =	srdreg.scid  }
0x8b: {  	s0 =	sand.u32 $0x1, s1  }
0x8c: {  	s14 =	sshll.u32 s0, $0xA;
	s2 =	sadd.s32 s3, s2  }
0x8d: {  	s2 =	sadd.s32 s2, s14  }
0x8e: {  	[smem:$0x3FB5] =	sst s2  }
0x8f: {  	_ = 	snop  }
0x90: {  	s2 =	sld [smem:$0x3FD0];
	_ =	sdelay $0x2  }
0x91: {  	s15 =	simm.s32 $0xB;
	s4 =	simm.s32 $0x10  }
0x92: {  	[smem:s4], [sflag:s15] =	dma.local [hbm:s2], $0x1  }
0x93: {  	_ =	swait.eq [sflag:s15], $0x1  }
0x94: {  	[sflag:s15] =	ssyncset.done $0x0  }
0x95: {  	[sflag:s15] =	ssyncadd.s32 $0xFFFFFFFF  }
0x96: {  	s16 =	sld [smem:$0x12];
	(tm) =	ssettm $0x1  }
0x97: {  	s17 =	sld [smem:$0x3FFB];
	_ =	sdelay $0x3  }
0x98: {  	_ =	strace s17  }
0x99: {  	s3 =	sld [smem:$0x3FFC];
	_ =	sdelay $0x3  }
0x9a: {  	_ =	strace s3  }
0x9b: {  	s3 =	sld [smem:$0x3FFD];
	_ =	sdelay $0x3  }
0x9c: {  	_ =	strace s3  }
0x9d: {  	_ =	strace $0x8FFFFFFF  }
0x9e: {  	s18 =	sld [smem:$0x3FDB];
	_ =	sdelay $0x1  }
0x9f: {  	s19 =	simm.s32 $_scs_section_size  }
0xa0: {  	s5 =	simm.s32 $_size__tile_overlayer_lowered;
	s6 =	simm.s32 $_tile_overlayer_lowered  }
0xa1: {  	s22 =	simm.s32 $0x1BFF;
	s21 =	sshll.u32 s6, $0x1;
	s3 =	sadd.s32 s19, s18  }
0xa2: {  	s7 =	simm.s32 $0x0;
	s20 =	sshll.u32 s5, $0x1;
	s5 =	sadd.s32 s21, s3  }
0xa3: {  	[timem:s7], [sflag:s22] =	dma.local [hbm:s5], s20  }
0xa4: {  	_ =	swait.ge [sflag:s22], s20  }
0xa5: {  	s4 =	ssub.s32 $0x0, s20;
	[sflag:s22] =	ssyncset.done $0x0  }
0xa6: {  	[sflag:s22] =	ssyncadd.s32 s4;
	_ =	sdelay $0x1  }
0xa7: {  	s23 =	simm.s32 $0x1B8B  }
0xa8: {  	_ =	swait.ge [sflag:s23], $0x1  }
0xa9: {  	[sflag:s23] =	ssyncset.done $0x0  }
0xaa: {  	s25 =	simm.s32 $0x1B8E;
	s24 =	sld [smem:$0x3FFE];
	[sflag:s23] =	ssyncadd.s32 $0xFFFFFFFF  }
0xab: {  	s26 =	simm.s32 $execute0_lowered;
	[smem:$0x3FD2] =	sst s25  }
0xac: {  	s5 =	sshll.u32 s26, $0x1;
	_ =	strace $0x80000046;
	[dreg:$0x1] =	wrdreg $0xFFFFFFFF  }
0xad: {  	s28 =	simm.s32 $_size_execute0_lowered;
	s3 =	sadd.s32 s3, s5;
	[dreg:$0x0] =	wrdreg $0x0  }
0xae: {  	s5 =	sshll.u32 s28, $0x1;
	[dreg:$0x2] =	wrdreg s3  }
0xaf: {  	[dreg:$0x3] =	wrdreg s5  }
0xb0: {  	[dreg:$0x4] =	wrdreg $0xC0  }
0xb1: {  	_ =	task [dreg:s7], $0x5FFFF  }
0xb2: {  	[dreg:$0x1] =	wrdreg $0xFFFFFFFF  }
0xb3: {  	[dreg:$0x0] =	wrdreg $0x60  }
0xb4: {  	[dreg:$0x2] =	wrdreg s24  }
0xb5: {  	[dreg:$0x3] =	wrdreg s16  }
0xb6: {  	[dreg:$0x4] =	wrdreg $0x9  }
0xb7: {  	_ =	task.clear_ibuf [dreg:s7], $0x5FFFF;
	_ =	strace $0x90000046  }
0xb8: {  	s29 =	simm.s32 $0x9;
	_ =	strace $0x80000048  }
0xb9: {  	_ =	swait.ge [sflag:s29], $0x1  }
0xba: {  	[sflag:s29] =	ssyncadd.s32 $0xFFFFFFFF  }
0xbb: {  	_ =	strace $0x90000048  }
0xbc: {  	_ =	sfence  }
0xbd: {  	s30 =	sld [smem:$0x0];
	_ =	sdelay $0x2  }
0xbe: {  	s31 =	sshll.u32 s1, $0xD;
	s1 =	sshrl.u32 s1, $0x2  }
0xbf: {  	s3 =	sand.u32 $0x4000, s31;
	s1 =	sadd.s32 s1, s30  }
0xc0: {  	s0 =	sor.u32 s3, s0;
	s1 =	sshll.u32 s1, $0x11  }
0xc1: {  	s0 =	sor.u32 s1, s0  }
0xc2: {  	s0 =	sadd.s32 $0x8F2B, s0  }
0xc3: {  	[sflag:s0] =	ssyncadd.remote.s32 $0x1  }
0xc4: {  	_ =	sfence.sel $0xFFFF  }
0xc5: {  	[dreg:$0x0] =	wrdreg $0xFFFFFFFF;
	(pc) =	sbr.abs _section_cstart, $3  }
0xc6: {  	[dreg:$0x1] =	wrdreg $0xFFFFFFFF  }
0xc7: {  	_ =	task.clear_ibuf [dreg:s7], $0x2FFFF;
	_ =	strace $0x9FFFFFFF  }
0xc8: {  	(tm) =	ssettm $0x7FFFFFFF  }
0xc9: {  	_ =	shalt  }
tec
execute0_lowered:
.L_overlay_start_1:
0x0: {  	(tag) =	ssettag $0x1  }
0x1: {  	s1 =	srdreg.scid;
	s2 =	stileid.u32  }
0x2: {  	s0 =	rddreg [dreg:$0x0];
	s1 =	sand.u32 $0x1, s1;
	s2 =	sshll.u32 s2, $0x1  }
0x3: {  	s3 =	rddreg [dreg:$0x1];
	s4 =	sor.u32 s1, s2;
	s2 =	simm.s32 $0x0  }
0x4: {  	s9 =	simm.s32 $0x80;
	[smem:$0x7FF] =	sst s2  }
0x5: {  	s10 =	simm.s32 $0x1A00;
	_ =	strace $0x80000047;
	[dreg:$0x5] =	wrdreg s9  }
0x6: {  	s11 =	simm.s32 $0x100;
	[dreg:$0x6] =	wrdreg s10  }
0x7: {  	s12 =	simm.s32 $0x2400;
	[dreg:$0x7] =	wrdreg s11  }
0x8: {  	s13 =	simm.s32 $0x180;
	[dreg:$0x8] =	wrdreg s12  }
0x9: {  	s14 =	simm.s32 $0x2E00;
	[dreg:$0x9] =	wrdreg s13  }
0xa: {  	s15 =	simm.s32 $0x200;
	[dreg:$0xa] =	wrdreg s14  }
0xb: {  	s16 =	simm.s32 $0x3800;
	[dreg:$0xb] =	wrdreg s15  }
0xc: {  	s17 =	simm.s32 $0x280;
	[dreg:$0xc] =	wrdreg s16  }
0xd: {  	s18 =	simm.s32 $0x4200;
	[dreg:$0xd] =	wrdreg s17  }
0xe: {  	s19 =	simm.s32 $0x300;
	[dreg:$0xe] =	wrdreg s18  }
0xf: {  	s20 =	simm.s32 $0x4C00;
	[dreg:$0xf] =	wrdreg s19  }
0x10: {  	s21 =	simm.s32 $0x380;
	[dreg:$0x10] =	wrdreg s20  }
0x11: {  	s22 =	simm.s32 $0x5600;
	[dreg:$0x11] =	wrdreg s21  }
0x12: {  	s23 =	simm.s32 $0x400;
	[dreg:$0x12] =	wrdreg s22  }
0x13: {  	s24 =	simm.s32 $0x6000;
	[dreg:$0x13] =	wrdreg s23  }
0x14: {  	s25 =	simm.s32 $0x480;
	[dreg:$0x14] =	wrdreg s24  }
0x15: {  	s26 =	simm.s32 $0x6A00;
	[dreg:$0x15] =	wrdreg s25  }
0x16: {  	s28 =	simm.s32 $0x500;
	[dreg:$0x16] =	wrdreg s26  }
0x17: {  	s6 =	simm.s32 $0x7E00;
	s7 =	simm.s32 $0x600;
	[dreg:$0x17] =	wrdreg s28  }
0x18: {  	s5 =	smul.u32 $0x2800, s4;
	s4 =	sshll.u32 s4, $0x9;
	[dreg:$0x1a] =	wrdreg s6  }
0x19: {  	s3 =	sadd.s32 s3, s4;
	[dreg:$0x1b] =	wrdreg s7  }
0x1a: {  	s4 =	simm.s32 $0x7400;
	[dreg:$0x3] =	wrdreg s3  }
0x1b: {  	s9 =	simm.s32 $0x680;
	[dreg:$0x18] =	wrdreg s4  }
0x1c: {  	s10 =	simm.s32 $0x9200;
	[dreg:$0x1d] =	wrdreg s9  }
0x1d: {  	s11 =	simm.s32 $0x700;
	[dreg:$0x1e] =	wrdreg s10  }
0x1e: {  	s12 =	simm.s32 $0x9C00;
	[dreg:$0x1f] =	wrdreg s11  }
0x1f: {  	s13 =	simm.s32 $0x780;
	[smem:$0x7F7] =	sst s12  }
0x20: {  	s14 =	simm.s32 $0xA600;
	[smem:$0x7F8] =	sst s13  }
0x21: {  	s15 =	simm.s32 $0x800;
	[smem:$0x7F6] =	sst s14  }
0x22: {  	s16 =	simm.s32 $0xB000;
	[smem:$0x7F9] =	sst s15  }
0x23: {  	s17 =	simm.s32 $0x880;
	[smem:$0x7F5] =	sst s16  }
0x24: {  	s18 =	simm.s32 $0xBA00;
	[smem:$0x7FA] =	sst s17  }
0x25: {  	s19 =	simm.s32 $0x900;
	[smem:$0x7F4] =	sst s18  }
0x26: {  	s20 =	simm.s32 $0xC400;
	[smem:$0x7FB] =	sst s19  }
0x27: {  	s21 =	simm.s32 $0x980;
	[smem:$0x7F3] =	sst s20  }
0x28: {  	s22 =	simm.s32 $0xCE00;
	[smem:$0x7FC] =	sst s21  }
0x29: {  	s24 =	simm.s32 $0xA00;
	[smem:$0x7F2] =	sst s22  }
0x2a: {  	s5 =	sadd.s32 s5, s0;
	[smem:$0x7FD] =	sst s24  }
0x2b: {  	s8 =	sadd.s32 $0x3C00, s5;
	s23 =	rddreg [dreg:$0x3]  }
0x2c: {  	s5 =	simm.s32 $0x580;
	[dreg:$0x4] =	wrdreg s8  }
0x2d: {  	[dreg:$0x19] =	wrdreg s5;
	s8 =	simm.s32 $0x8800  }
0x2e: {  	[tilespmem:s2], [sflag:$0x2] =	stream.linear.gather [hbm4b:s23+s2], $0x1000, $0x38;
	[tilespmem:$0x15000] =	vst v63  }
0x2f: {  	s3 =	simm.s32 $0x2;
	[dreg:$0x1c] =	wrdreg s8  }
0x30: {  	_ =	swait.ge [sflag:s3], $0x1000  }
0x31: {  	s7 =	sld [smem:$0x7F2]  }
0x32: {  	s8 =	sld [smem:$0x7F3]  }
0x33: {  	s9 =	sld [smem:$0x7F4]  }
0x34: {  	s10 =	sld [smem:$0x7F5]  }
0x35: {  	s11 =	sld [smem:$0x7F6]  }
0x36: {  	s12 =	sld [smem:$0x7F7]  }
0x37: {  	s13 =	rddreg [dreg:$0x1e]  }
0x38: {  	s14 =	rddreg [dreg:$0x1c]  }
0x39: {  	s15 =	rddreg [dreg:$0x1a]  }
0x3a: {  	s16 =	rddreg [dreg:$0x18]  }
0x3b: {  	s17 =	rddreg [dreg:$0x16]  }
0x3c: {  	s18 =	rddreg [dreg:$0x14]  }
0x3d: {  	s19 =	rddreg [dreg:$0x12]  }
0x3e: {  	s20 =	rddreg [dreg:$0x10]  }
0x3f: {  	s25 =	rddreg [dreg:$0x7]  }
0x40: {  	s21 =	rddreg [dreg:$0x5]  }
0x41: {  	s22 =	rddreg [dreg:$0x6]  }
0x42: {  	s6 =	simm.s32 $0x14;
	s23 =	rddreg [dreg:$0x8]  }
0x43: {  	s4 =	simm.s32 $0x1000;
	[sflag:s3] =	ssyncset.done $0x0;
	s26 =	rddreg [dreg:$0x9]  }
0x44: {  	s5 =	sadd.s32 $0x18A600, s0;
	s28 =	rddreg [dreg:$0xa];
	[sflag:s3] =	ssyncadd.s32 $0xFFFFF000  }
0x45: {  	[tilespmem:s4], [sflag:$0x1] =	stream.indirect.gather [hbm4b:s5+s6], $0x80, s2, s6, $0xb8;
	[tilespmem:$0x15000] =	vst v63  }
0x46: {  	s24 =	rddreg [dreg:$0xb]  }
0x47: {  	[tilespmem:s22], [sflag:$0x1] =	stream.indirect.gather [hbm4b:s5+s6], $0x80, s21, s6, $0xb8;
	[tilespmem:$0x15000] =	vst v63  }
0x48: {  	s21 =	sld [smem:$0x7F8]  }
0x49: {  	[tilespmem:s23], [sflag:$0x1] =	stream.indirect.gather [hbm4b:s5+s6], $0x80, s25, s6, $0xb8;
	[tilespmem:$0x15000] =	vst v63  }
0x4a: {  	s23 =	rddreg [dreg:$0xc]  }
0x4b: {  	[tilespmem:s28], [sflag:$0x1] =	stream.indirect.gather [hbm4b:s5+s6], $0x80, s26, s6, $0xb8;
	[tilespmem:$0x15000] =	vst v63  }
0x4c: {  	s25 =	rddreg [dreg:$0xe]  }
0x4d: {  	[tilespmem:s23], [sflag:$0x1] =	stream.indirect.gather [hbm4b:s5+s6], $0x80, s24, s6, $0xb8;
	[tilespmem:$0x15000] =	vst v63  }
0x4e: {  	s26 =	rddreg [dreg:$0xd]  }
0x4f: {  	[tilespmem:s25], [sflag:$0x1] =	stream.indirect.gather [hbm4b:s5+s6], $0x80, s26, s6, $0xb8;
	[tilespmem:$0x15000] =	vst v63  }
0x50: {  	s28 =	rddreg [dreg:$0xf]  }
0x51: {  	[tilespmem:s20], [sflag:$0x1] =	stream.indirect.gather [hbm4b:s5+s6], $0x80, s28, s6, $0xb8;
	[tilespmem:$0x15000] =	vst v63  }
0x52: {  	s23 =	rddreg [dreg:$0x11]  }
0x53: {  	[tilespmem:s19], [sflag:$0x1] =	stream.indirect.gather [hbm4b:s5+s6], $0x80, s23, s6, $0xb8;
	[tilespmem:$0x15000] =	vst v63  }
0x54: {  	s24 =	rddreg [dreg:$0x13]  }
0x55: {  	[tilespmem:s18], [sflag:$0x1] =	stream.indirect.gather [hbm4b:s5+s6], $0x80, s24, s6, $0xb8;
	[tilespmem:$0x15000] =	vst v63  }
0x56: {  	s25 =	rddreg [dreg:$0x15]  }
0x57: {  	[tilespmem:s17], [sflag:$0x1] =	stream.indirect.gather [hbm4b:s5+s6], $0x80, s25, s6, $0xb8;
	[tilespmem:$0x15000] =	vst v63  }
0x58: {  	s26 =	rddreg [dreg:$0x17]  }
0x59: {  	[tilespmem:s16], [sflag:$0x1] =	stream.indirect.gather [hbm4b:s5+s6], $0x80, s26, s6, $0xb8;
	[tilespmem:$0x15000] =	vst v63  }
0x5a: {  	s28 =	rddreg [dreg:$0x19]  }
0x5b: {  	[tilespmem:s15], [sflag:$0x1] =	stream.indirect.gather [hbm4b:s5+s6], $0x80, s28, s6, $0xb8;
	[tilespmem:$0x15000] =	vst v63  }
0x5c: {  	s18 =	rddreg [dreg:$0x1b]  }
0x5d: {  	[tilespmem:s14], [sflag:$0x1] =	stream.indirect.gather [hbm4b:s5+s6], $0x80, s18, s6, $0xb8;
	[tilespmem:$0x15000] =	vst v63  }
0x5e: {  	s19 =	rddreg [dreg:$0x1d]  }
0x5f: {  	[tilespmem:s13], [sflag:$0x1] =	stream.indirect.gather [hbm4b:s5+s6], $0x80, s19, s6, $0xb8;
	[tilespmem:$0x15000] =	vst v63  }
0x60: {  	s20 =	rddreg [dreg:$0x1f]  }
0x61: {  	[tilespmem:s12], [sflag:$0x1] =	stream.indirect.gather [hbm4b:s5+s6], $0x80, s20, s6, $0xb8;
	[tilespmem:$0x15000] =	vst v63  }
0x62: {  	s22 =	sld [smem:$0x7F9]  }
0x63: {  	[tilespmem:s11], [sflag:$0x1] =	stream.indirect.gather [hbm4b:s5+s6], $0x80, s21, s6, $0xb8;
	[tilespmem:$0x15000] =	vst v63  }
0x64: {  	s23 =	sld [smem:$0x7FA]  }
0x65: {  	[tilespmem:s10], [sflag:$0x1] =	stream.indirect.gather [hbm4b:s5+s6], $0x80, s22, s6, $0xb8;
	[tilespmem:$0x15000] =	vst v63  }
0x66: {  	s24 =	sld [smem:$0x7FB]  }
0x67: {  	[tilespmem:s9], [sflag:$0x1] =	stream.indirect.gather [hbm4b:s5+s6], $0x80, s23, s6, $0xb8;
	[tilespmem:$0x15000] =	vst v63  }
0x68: {  	s25 =	sld [smem:$0x7FC]  }
0x69: {  	[tilespmem:s8], [sflag:$0x1] =	stream.indirect.gather [hbm4b:s5+s6], $0x80, s24, s6, $0xb8;
	[tilespmem:$0x15000] =	vst v63  }
0x6a: {  	s26 =	sld [smem:$0x7FD]  }
0x6b: {  	[tilespmem:s7], [sflag:$0x1] =	stream.indirect.gather [hbm4b:s5+s6], $0x80, s25, s6, $0xb8;
	[tilespmem:$0x15000] =	vst v63  }
0x6c: {  	s28 =	simm.s32 $0xD800  }
0x6d: {  	[tilespmem:s28], [sflag:$0x1] =	stream.indirect.gather [hbm4b:s5+s6], $0x80, s26, s6, $0xb8;
	[tilespmem:$0x15000] =	vst v63  }
0x6e: {  	s8 =	simm.s32 $0xE200;
	s7 =	simm.s32 $0xA80  }
0x6f: {  	[tilespmem:s8], [sflag:$0x1] =	stream.indirect.gather [hbm4b:s5+s6], $0x80, s7, s6, $0xb8;
	[tilespmem:$0x15000] =	vst v63  }
0x70: {  	s10 =	simm.s32 $0xEC00;
	s9 =	simm.s32 $0xB00  }
0x71: {  	[tilespmem:s10], [sflag:$0x1] =	stream.indirect.gather [hbm4b:s5+s6], $0x80, s9, s6, $0xb8;
	[tilespmem:$0x15000] =	vst v63  }
0x72: {  	s12 =	simm.s32 $0xF600;
	s11 =	simm.s32 $0xB80  }
0x73: {  	[tilespmem:s12], [sflag:$0x1] =	stream.indirect.gather [hbm4b:s5+s6], $0x80, s11, s6, $0xb8;
	[tilespmem:$0x15000] =	vst v63  }
0x74: {  	s14 =	simm.s32 $0x10000;
	s13 =	simm.s32 $0xC00  }
0x75: {  	[tilespmem:s14], [sflag:$0x1] =	stream.indirect.gather [hbm4b:s5+s6], $0x80, s13, s6, $0xb8;
	[tilespmem:$0x15000] =	vst v63  }
0x76: {  	s16 =	simm.s32 $0x10A00;
	s15 =	simm.s32 $0xC80  }
0x77: {  	[tilespmem:s16], [sflag:$0x1] =	stream.indirect.gather [hbm4b:s5+s6], $0x80, s15, s6, $0xb8;
	[tilespmem:$0x15000] =	vst v63  }
0x78: {  	s17 =	simm.s32 $0xD00;
	s18 =	simm.s32 $0x11400  }
0x79: {  	[tilespmem:s18], [sflag:$0x1] =	stream.indirect.gather [hbm4b:s5+s6], $0x80, s17, s6, $0xb8;
	[tilespmem:$0x15000] =	vst v63  }
0x7a: {  	s19 =	simm.s32 $0xD80;
	s20 =	simm.s32 $0x11E00  }
0x7b: {  	[tilespmem:s20], [sflag:$0x1] =	stream.indirect.gather [hbm4b:s5+s6], $0x80, s19, s6, $0xb8;
	[tilespmem:$0x15000] =	vst v63  }
0x7c: {  	s21 =	simm.s32 $0xE00;
	s22 =	simm.s32 $0x12800  }
0x7d: {  	[tilespmem:s22], [sflag:$0x1] =	stream.indirect.gather [hbm4b:s5+s6], $0x80, s21, s6, $0xb8;
	[tilespmem:$0x15000] =	vst v63  }
0x7e: {  	s23 =	simm.s32 $0xE80;
	s24 =	simm.s32 $0x13200  }
0x7f: {  	[tilespmem:s24], [sflag:$0x1] =	stream.indirect.gather [hbm4b:s5+s6], $0x80, s23, s6, $0xb8;
	[tilespmem:$0x15000] =	vst v63  }
0x80: {  	s25 =	simm.s32 $0xF00;
	s26 =	simm.s32 $0x13C00  }
0x81: {  	[tilespmem:s26], [sflag:$0x1] =	stream.indirect.gather [hbm4b:s5+s6], $0x80, s25, s6, $0xb8;
	[tilespmem:$0x15000] =	vst v63  }
0x82: {  	s30 =	simm.s32 $0xF80;
	s31 =	simm.s32 $0x14600;
	s20 =	simm.s32 $0x1  }
0x83: {  	[tilespmem:s31], [sflag:$0x1] =	stream.indirect.gather [hbm4b:s5+s6], $0x80, s30, s6, $0xb8;
	[tilespmem:$0x15000] =	vst v63  }
0x84: {  	_ =	swait.ge [sflag:s20], $0xA00  }
0x85: {  	[sflag:s20] =	ssyncset.done $0x0  }
0x86: {  	[sflag:s20] =	ssyncadd.s32 $0xFFFFF600  }
0x87: {  	_ =	swait.ge [sflag:s20], $0xA00  }
0x88: {  	[sflag:s20] =	ssyncset.done $0x0  }
0x89: {  	[sflag:s20] =	ssyncadd.s32 $0xFFFFF600  }
0x8a: {  	_ =	swait.ge [sflag:s20], $0xA00  }
0x8b: {  	[sflag:s20] =	ssyncset.done $0x0  }
0x8c: {  	[sflag:s20] =	ssyncadd.s32 $0xFFFFF600  }
0x8d: {  	_ =	swait.ge [sflag:s20], $0xA00  }
0x8e: {  	[sflag:s20] =	ssyncset.done $0x0  }
0x8f: {  	[sflag:s20] =	ssyncadd.s32 $0xFFFFF600  }
0x90: {  	_ =	swait.ge [sflag:s20], $0xA00  }
0x91: {  	[sflag:s20] =	ssyncset.done $0x0  }
0x92: {  	[sflag:s20] =	ssyncadd.s32 $0xFFFFF600  }
0x93: {  	_ =	swait.ge [sflag:s20], $0xA00  }
0x94: {  	[sflag:s20] =	ssyncset.done $0x0  }
0x95: {  	[sflag:s20] =	ssyncadd.s32 $0xFFFFF600  }
0x96: {  	_ =	swait.ge [sflag:s20], $0xA00  }
0x97: {  	[sflag:s20] =	ssyncset.done $0x0  }
0x98: {  	[sflag:s20] =	ssyncadd.s32 $0xFFFFF600  }
0x99: {  	_ =	swait.ge [sflag:s20], $0xA00  }
0x9a: {  	[sflag:s20] =	ssyncset.done $0x0  }
0x9b: {  	[sflag:s20] =	ssyncadd.s32 $0xFFFFF600  }
0x9c: {  	_ =	swait.ge [sflag:s20], $0xA00  }
0x9d: {  	[sflag:s20] =	ssyncset.done $0x0  }
0x9e: {  	[sflag:s20] =	ssyncadd.s32 $0xFFFFF600  }
0x9f: {  	_ =	swait.ge [sflag:s20], $0xA00  }
0xa0: {  	[sflag:s20] =	ssyncset.done $0x0  }
0xa1: {  	[sflag:s20] =	ssyncadd.s32 $0xFFFFF600  }
0xa2: {  	_ =	swait.ge [sflag:s20], $0xA00  }
0xa3: {  	[sflag:s20] =	ssyncset.done $0x0  }
0xa4: {  	[sflag:s20] =	ssyncadd.s32 $0xFFFFF600  }
0xa5: {  	_ =	swait.ge [sflag:s20], $0xA00  }
0xa6: {  	[sflag:s20] =	ssyncset.done $0x0  }
0xa7: {  	[sflag:s20] =	ssyncadd.s32 $0xFFFFF600  }
0xa8: {  	_ =	swait.ge [sflag:s20], $0xA00  }
0xa9: {  	[sflag:s20] =	ssyncset.done $0x0  }
0xaa: {  	[sflag:s20] =	ssyncadd.s32 $0xFFFFF600  }
0xab: {  	_ =	swait.ge [sflag:s20], $0xA00  }
0xac: {  	[sflag:s20] =	ssyncset.done $0x0  }
0xad: {  	[sflag:s20] =	ssyncadd.s32 $0xFFFFF600  }
0xae: {  	_ =	swait.ge [sflag:s20], $0xA00  }
0xaf: {  	[sflag:s20] =	ssyncset.done $0x0  }
0xb0: {  	[sflag:s20] =	ssyncadd.s32 $0xFFFFF600  }
0xb1: {  	_ =	swait.ge [sflag:s20], $0xA00  }
0xb2: {  	[sflag:s20] =	ssyncset.done $0x0  }
0xb3: {  	[sflag:s20] =	ssyncadd.s32 $0xFFFFF600  }
0xb4: {  	_ =	swait.ge [sflag:s20], $0xA00  }
0xb5: {  	[sflag:s20] =	ssyncset.done $0x0  }
0xb6: {  	[sflag:s20] =	ssyncadd.s32 $0xFFFFF600  }
0xb7: {  	_ =	swait.ge [sflag:s20], $0xA00  }
0xb8: {  	[sflag:s20] =	ssyncset.done $0x0  }
0xb9: {  	[sflag:s20] =	ssyncadd.s32 $0xFFFFF600  }
0xba: {  	_ =	swait.ge [sflag:s20], $0xA00  }
0xbb: {  	[sflag:s20] =	ssyncset.done $0x0  }
0xbc: {  	[sflag:s20] =	ssyncadd.s32 $0xFFFFF600  }
0xbd: {  	_ =	swait.ge [sflag:s20], $0xA00  }
0xbe: {  	[sflag:s20] =	ssyncset.done $0x0  }
0xbf: {  	[sflag:s20] =	ssyncadd.s32 $0xFFFFF600  }
0xc0: {  	_ =	swait.ge [sflag:s20], $0xA00  }
0xc1: {  	[sflag:s20] =	ssyncset.done $0x0  }
0xc2: {  	[sflag:s20] =	ssyncadd.s32 $0xFFFFF600  }
0xc3: {  	_ =	swait.ge [sflag:s20], $0xA00  }
0xc4: {  	[sflag:s20] =	ssyncset.done $0x0  }
0xc5: {  	[sflag:s20] =	ssyncadd.s32 $0xFFFFF600  }
0xc6: {  	_ =	swait.ge [sflag:s20], $0xA00  }
0xc7: {  	[sflag:s20] =	ssyncset.done $0x0  }
0xc8: {  	[sflag:s20] =	ssyncadd.s32 $0xFFFFF600  }
0xc9: {  	_ =	swait.ge [sflag:s20], $0xA00  }
0xca: {  	[sflag:s20] =	ssyncset.done $0x0  }
0xcb: {  	[sflag:s20] =	ssyncadd.s32 $0xFFFFF600  }
0xcc: {  	s28 =	ssub.s32 $0x2, s1;
	_ =	swait.ge [sflag:s20], $0xA00  }
0xcd: {  	s1 =	sshrl.u32 s28, $0x1;
	[sflag:s20] =	ssyncset.done $0x0  }
0xce: {  	s0 =	ssub.s32 s28, s1;
	[sflag:s20] =	ssyncadd.s32 $0xFFFFF600  }
0xcf: {  	s0 =	smax.u32 s0, $0x1;
	_ =	swait.ge [sflag:s20], $0xA00  }
0xd0: {  	p0 =	sne.s32 s0, $0x1;
	[sflag:s20] =	ssyncset.done $0x0  }
.Ltmp0:
0xd1: {  	[sflag:s20] =	ssyncadd.s32 $0xFFFFF600;
	(pc) =	sbr.rel @!p0 .LBB2_2-.Ltmp0, $4  }
0xd2: {  	_ =	swait.ge [sflag:s20], $0xA00  }
0xd3: {  	[sflag:s20] =	ssyncset.done $0x0  }
0xd4: {  	[sflag:s20] =	ssyncadd.s32 $0xFFFFF600  }
0xd5: {  	s29 =	simm.s32 $0x13C00;
	s1 =	sadd.s32 $0xFFFFFFFF, s0;
	_ =	swait.ge [sflag:s20], $0xA00  }
.LBB2_1:
0xd6: {  	[sflag:s20] =	ssyncset.done $0x0  }
0xd7: {  	[sflag:s20] =	ssyncadd.s32 $0xFFFFF600  }
0xd8: {  	_ =	swait.ge [sflag:s20], $0xA00  }
0xd9: {  	[sflag:s20] =	ssyncset.done $0x0  }
0xda: {  	[sflag:s20] =	ssyncadd.s32 $0xFFFFF600  }
0xdb: {  	_ =	swait.ge [sflag:s20], $0xA00  }
0xdc: {  	[sflag:s20] =	ssyncset.done $0x0  }
0xdd: {  	[sflag:s20] =	ssyncadd.s32 $0xFFFFF600  }
0xde: {  	_ =	swait.ge [sflag:s20], $0xA00  }
0xdf: {  	[sflag:s20] =	ssyncset.done $0x0  }
0xe0: {  	[sflag:s20] =	ssyncadd.s32 $0xFFFFF600  }
0xe1: {  	_ =	swait.ge [sflag:s20], $0xA00  }
0xe2: {  	[sflag:s20] =	ssyncset.done $0x0  }
0xe3: {  	s0 =	rddreg [dreg:$0x4];
	[sflag:s20] =	ssyncadd.s32 $0xFFFFF600  }
0xe4: {  	[hbm4b:s0+s2] =	stream.linear.scatter [tilespmem:s4], [sflag:$0x2], $0x14000, $0x38;
	[tilespmem:$0x15000] =	vst v63  }
0xe5: {  	_ =	swait.ge [sflag:s3], $0x14000  }
0xe6: {  	[sflag:s3] =	ssyncset.done $0x0  }
0xe7: {  	s25 =	rddreg [dreg:$0x3];
	[sflag:s3] =	ssyncadd.s32 $0xFFFEC000  }
0xe8: {  	[tilespmem:s2], [sflag:$0x2] =	stream.linear.gather [hbm4b:s25+s2], $0x1000, $0x38;
	[tilespmem:$0x15000] =	vst v63  }
0xe9: {  	_ =	swait.ge [sflag:s3], $0x1000  }
0xea: {  	s0 =	sld [smem:$0x7F2]  }
0xeb: {  	s7 =	sld [smem:$0x7F3]  }
0xec: {  	s8 =	sld [smem:$0x7F4]  }
0xed: {  	s9 =	sld [smem:$0x7F5]  }
0xee: {  	s10 =	sld [smem:$0x7F6]  }
0xef: {  	s11 =	sld [smem:$0x7F7]  }
0xf0: {  	s12 =	rddreg [dreg:$0x1e]  }
0xf1: {  	s13 =	rddreg [dreg:$0x1c]  }
0xf2: {  	s14 =	rddreg [dreg:$0x1a]  }
0xf3: {  	s15 =	rddreg [dreg:$0x18]  }
0xf4: {  	s16 =	rddreg [dreg:$0x16]  }
0xf5: {  	s17 =	rddreg [dreg:$0x14]  }
0xf6: {  	s18 =	rddreg [dreg:$0x12]  }
0xf7: {  	s19 =	rddreg [dreg:$0x10]  }
0xf8: {  	s21 =	rddreg [dreg:$0xe]  }
0xf9: {  	s22 =	rddreg [dreg:$0xc]  }
0xfa: {  	s23 =	rddreg [dreg:$0x9]  }
0xfb: {  	s24 =	rddreg [dreg:$0x7]  }
0xfc: {  	[sflag:s3] =	ssyncset.done $0x0;
	s25 =	rddreg [dreg:$0x5]  }
0xfd: {  	s26 =	rddreg [dreg:$0x6];
	[sflag:s3] =	ssyncadd.s32 $0xFFFFF000  }
0xfe: {  	[tilespmem:s4], [sflag:$0x1] =	stream.indirect.gather [hbm4b:s5+s6], $0x80, s2, s6, $0xb8;
	[tilespmem:$0x15000] =	vst v63  }
0xff: {  	s28 =	rddreg [dreg:$0x8]  }
0x100: {  	[tilespmem:s26], [sflag:$0x1] =	stream.indirect.gather [hbm4b:s5+s6], $0x80, s25, s6, $0xb8;
	[tilespmem:$0x15000] =	vst v63  }
0x101: {  	s26 =	rddreg [dreg:$0xa]  }
0x102: {  	[tilespmem:s28], [sflag:$0x1] =	stream.indirect.gather [hbm4b:s5+s6], $0x80, s24, s6, $0xb8;
	[tilespmem:$0x15000] =	vst v63  }
0x103: {  	s25 =	rddreg [dreg:$0x15]  }
0x104: {  	[tilespmem:s26], [sflag:$0x1] =	stream.indirect.gather [hbm4b:s5+s6], $0x80, s23, s6, $0xb8;
	[tilespmem:$0x15000] =	vst v63  }
0x105: {  	s28 =	rddreg [dreg:$0xb]  }
0x106: {  	[tilespmem:s22], [sflag:$0x1] =	stream.indirect.gather [hbm4b:s5+s6], $0x80, s28, s6, $0xb8;
	[tilespmem:$0x15000] =	vst v63  }
0x107: {  	s26 =	rddreg [dreg:$0xd]  }
0x108: {  	[tilespmem:s21], [sflag:$0x1] =	stream.indirect.gather [hbm4b:s5+s6], $0x80, s26, s6, $0xb8;
	[tilespmem:$0x15000] =	vst v63  }
0x109: {  	s28 =	rddreg [dreg:$0xf]  }
0x10a: {  	[tilespmem:s19], [sflag:$0x1] =	stream.indirect.gather [hbm4b:s5+s6], $0x80, s28, s6, $0xb8;
	[tilespmem:$0x15000] =	vst v63  }
0x10b: {  	s23 =	rddreg [dreg:$0x11]  }
0x10c: {  	[tilespmem:s18], [sflag:$0x1] =	stream.indirect.gather [hbm4b:s5+s6], $0x80, s23, s6, $0xb8;
	[tilespmem:$0x15000] =	vst v63  }
0x10d: {  	s24 =	rddreg [dreg:$0x13]  }
0x10e: {  	[tilespmem:s17], [sflag:$0x1] =	stream.indirect.gather [hbm4b:s5+s6], $0x80, s24, s6, $0xb8;
	[tilespmem:$0x15000] =	vst v63  }
0x10f: {  	s26 =	rddreg [dreg:$0x17]  }
0x110: {  	[tilespmem:s16], [sflag:$0x1] =	stream.indirect.gather [hbm4b:s5+s6], $0x80, s25, s6, $0xb8;
	[tilespmem:$0x15000] =	vst v63  }
0x111: {  	s21 =	sld [smem:$0x7F8]  }
0x112: {  	[tilespmem:s15], [sflag:$0x1] =	stream.indirect.gather [hbm4b:s5+s6], $0x80, s26, s6, $0xb8;
	[tilespmem:$0x15000] =	vst v63  }
0x113: {  	s28 =	rddreg [dreg:$0x19]  }
0x114: {  	[tilespmem:s14], [sflag:$0x1] =	stream.indirect.gather [hbm4b:s5+s6], $0x80, s28, s6, $0xb8;
	[tilespmem:$0x15000] =	vst v63  }
0x115: {  	s17 =	rddreg [dreg:$0x1b]  }
0x116: {  	[tilespmem:s13], [sflag:$0x1] =	stream.indirect.gather [hbm4b:s5+s6], $0x80, s17, s6, $0xb8;
	[tilespmem:$0x15000] =	vst v63  }
0x117: {  	s18 =	rddreg [dreg:$0x1d]  }
0x118: {  	[tilespmem:s12], [sflag:$0x1] =	stream.indirect.gather [hbm4b:s5+s6], $0x80, s18, s6, $0xb8;
	[tilespmem:$0x15000] =	vst v63  }
0x119: {  	s19 =	rddreg [dreg:$0x1f]  }
0x11a: {  	[tilespmem:s11], [sflag:$0x1] =	stream.indirect.gather [hbm4b:s5+s6], $0x80, s19, s6, $0xb8;
	[tilespmem:$0x15000] =	vst v63  }
0x11b: {  	s22 =	sld [smem:$0x7F9]  }
0x11c: {  	[tilespmem:s10], [sflag:$0x1] =	stream.indirect.gather [hbm4b:s5+s6], $0x80, s21, s6, $0xb8;
	[tilespmem:$0x15000] =	vst v63  }
0x11d: {  	s23 =	sld [smem:$0x7FA]  }
0x11e: {  	[tilespmem:s9], [sflag:$0x1] =	stream.indirect.gather [hbm4b:s5+s6], $0x80, s22, s6, $0xb8;
	[tilespmem:$0x15000] =	vst v63  }
0x11f: {  	s24 =	sld [smem:$0x7FB]  }
0x120: {  	[tilespmem:s8], [sflag:$0x1] =	stream.indirect.gather [hbm4b:s5+s6], $0x80, s23, s6, $0xb8;
	[tilespmem:$0x15000] =	vst v63  }
0x121: {  	s25 =	sld [smem:$0x7FC]  }
0x122: {  	[tilespmem:s7], [sflag:$0x1] =	stream.indirect.gather [hbm4b:s5+s6], $0x80, s24, s6, $0xb8;
	[tilespmem:$0x15000] =	vst v63  }
0x123: {  	s26 =	sld [smem:$0x7FD]  }
0x124: {  	[tilespmem:s0], [sflag:$0x1] =	stream.indirect.gather [hbm4b:s5+s6], $0x80, s25, s6, $0xb8;
	[tilespmem:$0x15000] =	vst v63  }
0x125: {  	s28 =	simm.s32 $0xD800  }
0x126: {  	[tilespmem:s28], [sflag:$0x1] =	stream.indirect.gather [hbm4b:s5+s6], $0x80, s26, s6, $0xb8;
	[tilespmem:$0x15000] =	vst v63  }
0x127: {  	s9 =	simm.s32 $0xE200;
	s8 =	simm.s32 $0xA80  }
0x128: {  	[tilespmem:s9], [sflag:$0x1] =	stream.indirect.gather [hbm4b:s5+s6], $0x80, s8, s6, $0xb8;
	[tilespmem:$0x15000] =	vst v63  }
0x129: {  	s11 =	simm.s32 $0xEC00;
	s10 =	simm.s32 $0xB00  }
0x12a: {  	[tilespmem:s11], [sflag:$0x1] =	stream.indirect.gather [hbm4b:s5+s6], $0x80, s10, s6, $0xb8;
	[tilespmem:$0x15000] =	vst v63  }
0x12b: {  	s13 =	simm.s32 $0xF600;
	s12 =	simm.s32 $0xB80  }
0x12c: {  	[tilespmem:s13], [sflag:$0x1] =	stream.indirect.gather [hbm4b:s5+s6], $0x80, s12, s6, $0xb8;
	[tilespmem:$0x15000] =	vst v63  }
0x12d: {  	s15 =	simm.s32 $0x10000;
	s14 =	simm.s32 $0xC00  }
0x12e: {  	[tilespmem:s15], [sflag:$0x1] =	stream.indirect.gather [hbm4b:s5+s6], $0x80, s14, s6, $0xb8;
	[tilespmem:$0x15000] =	vst v63  }
0x12f: {  	s16 =	simm.s32 $0xC80;
	s17 =	simm.s32 $0x10A00  }
0x130: {  	[tilespmem:s17], [sflag:$0x1] =	stream.indirect.gather [hbm4b:s5+s6], $0x80, s16, s6, $0xb8;
	[tilespmem:$0x15000] =	vst v63  }
0x131: {  	s18 =	simm.s32 $0xD00;
	s19 =	simm.s32 $0x11400  }
0x132: {  	[tilespmem:s19], [sflag:$0x1] =	stream.indirect.gather [hbm4b:s5+s6], $0x80, s18, s6, $0xb8;
	[tilespmem:$0x15000] =	vst v63  }
0x133: {  	s21 =	simm.s32 $0xD80;
	s22 =	simm.s32 $0x11E00  }
0x134: {  	[tilespmem:s22], [sflag:$0x1] =	stream.indirect.gather [hbm4b:s5+s6], $0x80, s21, s6, $0xb8;
	[tilespmem:$0x15000] =	vst v63  }
0x135: {  	s23 =	simm.s32 $0xE00;
	s24 =	simm.s32 $0x12800  }
0x136: {  	[tilespmem:s24], [sflag:$0x1] =	stream.indirect.gather [hbm4b:s5+s6], $0x80, s23, s6, $0xb8;
	[tilespmem:$0x15000] =	vst v63  }
0x137: {  	s25 =	simm.s32 $0xE80;
	s26 =	simm.s32 $0x13200  }
0x138: {  	[tilespmem:s26], [sflag:$0x1] =	stream.indirect.gather [hbm4b:s5+s6], $0x80, s25, s6, $0xb8;
	[tilespmem:$0x15000] =	vst v63  }
0x139: {  	s28 =	simm.s32 $0xF00  }
0x13a: {  	[tilespmem:s29], [sflag:$0x1] =	stream.indirect.gather [hbm4b:s5+s6], $0x80, s28, s6, $0xb8;
	[tilespmem:$0x15000] =	vst v63  }
0x13b: {  	_ = 	snop  }
0x13c: {  	[tilespmem:s31], [sflag:$0x1] =	stream.indirect.gather [hbm4b:s5+s6], $0x80, s30, s6, $0xb8;
	[tilespmem:$0x15000] =	vst v63  }
0x13d: {  	_ =	swait.ge [sflag:s20], $0xA00  }
0x13e: {  	[sflag:s20] =	ssyncset.done $0x0  }
0x13f: {  	[sflag:s20] =	ssyncadd.s32 $0xFFFFF600  }
0x140: {  	_ =	swait.ge [sflag:s20], $0xA00  }
0x141: {  	[sflag:s20] =	ssyncset.done $0x0  }
0x142: {  	[sflag:s20] =	ssyncadd.s32 $0xFFFFF600  }
0x143: {  	_ =	swait.ge [sflag:s20], $0xA00  }
0x144: {  	[sflag:s20] =	ssyncset.done $0x0  }
0x145: {  	[sflag:s20] =	ssyncadd.s32 $0xFFFFF600  }
0x146: {  	_ =	swait.ge [sflag:s20], $0xA00  }
0x147: {  	[sflag:s20] =	ssyncset.done $0x0  }
0x148: {  	[sflag:s20] =	ssyncadd.s32 $0xFFFFF600  }
0x149: {  	_ =	swait.ge [sflag:s20], $0xA00  }
0x14a: {  	[sflag:s20] =	ssyncset.done $0x0  }
0x14b: {  	[sflag:s20] =	ssyncadd.s32 $0xFFFFF600  }
0x14c: {  	_ =	swait.ge [sflag:s20], $0xA00  }
0x14d: {  	[sflag:s20] =	ssyncset.done $0x0  }
0x14e: {  	[sflag:s20] =	ssyncadd.s32 $0xFFFFF600  }
0x14f: {  	_ =	swait.ge [sflag:s20], $0xA00  }
0x150: {  	[sflag:s20] =	ssyncset.done $0x0  }
0x151: {  	[sflag:s20] =	ssyncadd.s32 $0xFFFFF600  }
0x152: {  	_ =	swait.ge [sflag:s20], $0xA00  }
0x153: {  	[sflag:s20] =	ssyncset.done $0x0  }
0x154: {  	[sflag:s20] =	ssyncadd.s32 $0xFFFFF600  }
0x155: {  	_ =	swait.ge [sflag:s20], $0xA00  }
0x156: {  	[sflag:s20] =	ssyncset.done $0x0  }
0x157: {  	[sflag:s20] =	ssyncadd.s32 $0xFFFFF600  }
0x158: {  	_ =	swait.ge [sflag:s20], $0xA00  }
0x159: {  	[sflag:s20] =	ssyncset.done $0x0  }
0x15a: {  	[sflag:s20] =	ssyncadd.s32 $0xFFFFF600  }
0x15b: {  	_ =	swait.ge [sflag:s20], $0xA00  }
0x15c: {  	[sflag:s20] =	ssyncset.done $0x0  }
0x15d: {  	[sflag:s20] =	ssyncadd.s32 $0xFFFFF600  }
0x15e: {  	_ =	swait.ge [sflag:s20], $0xA00  }
0x15f: {  	[sflag:s20] =	ssyncset.done $0x0  }
0x160: {  	[sflag:s20] =	ssyncadd.s32 $0xFFFFF600  }
0x161: {  	_ =	swait.ge [sflag:s20], $0xA00  }
0x162: {  	[sflag:s20] =	ssyncset.done $0x0  }
0x163: {  	[sflag:s20] =	ssyncadd.s32 $0xFFFFF600  }
0x164: {  	_ =	swait.ge [sflag:s20], $0xA00  }
0x165: {  	[sflag:s20] =	ssyncset.done $0x0  }
0x166: {  	[sflag:s20] =	ssyncadd.s32 $0xFFFFF600  }
0x167: {  	_ =	swait.ge [sflag:s20], $0xA00  }
0x168: {  	[sflag:s20] =	ssyncset.done $0x0  }
0x169: {  	[sflag:s20] =	ssyncadd.s32 $0xFFFFF600  }
0x16a: {  	_ =	swait.ge [sflag:s20], $0xA00  }
0x16b: {  	[sflag:s20] =	ssyncset.done $0x0  }
0x16c: {  	[sflag:s20] =	ssyncadd.s32 $0xFFFFF600  }
0x16d: {  	_ =	swait.ge [sflag:s20], $0xA00  }
0x16e: {  	[sflag:s20] =	ssyncset.done $0x0  }
0x16f: {  	[sflag:s20] =	ssyncadd.s32 $0xFFFFF600  }
0x170: {  	_ =	swait.ge [sflag:s20], $0xA00  }
0x171: {  	[sflag:s20] =	ssyncset.done $0x0  }
0x172: {  	[sflag:s20] =	ssyncadd.s32 $0xFFFFF600  }
0x173: {  	_ =	swait.ge [sflag:s20], $0xA00  }
0x174: {  	[sflag:s20] =	ssyncset.done $0x0  }
0x175: {  	[sflag:s20] =	ssyncadd.s32 $0xFFFFF600  }
0x176: {  	_ =	swait.ge [sflag:s20], $0xA00  }
0x177: {  	[sflag:s20] =	ssyncset.done $0x0  }
0x178: {  	[sflag:s20] =	ssyncadd.s32 $0xFFFFF600  }
0x179: {  	_ =	swait.ge [sflag:s20], $0xA00  }
0x17a: {  	[sflag:s20] =	ssyncset.done $0x0  }
0x17b: {  	[sflag:s20] =	ssyncadd.s32 $0xFFFFF600  }
0x17c: {  	_ =	swait.ge [sflag:s20], $0xA00  }
0x17d: {  	[sflag:s20] =	ssyncset.done $0x0  }
0x17e: {  	[sflag:s20] =	ssyncadd.s32 $0xFFFFF600  }
0x17f: {  	_ =	swait.ge [sflag:s20], $0xA00  }
0x180: {  	[sflag:s20] =	ssyncset.done $0x0  }
0x181: {  	[sflag:s20] =	ssyncadd.s32 $0xFFFFF600  }
0x182: {  	_ =	swait.ge [sflag:s20], $0xA00  }
0x183: {  	[sflag:s20] =	ssyncset.done $0x0  }
0x184: {  	[sflag:s20] =	ssyncadd.s32 $0xFFFFF600  }
0x185: {  	_ =	swait.ge [sflag:s20], $0xA00  }
0x186: {  	[sflag:s20] =	ssyncset.done $0x0  }
0x187: {  	[sflag:s20] =	ssyncadd.s32 $0xFFFFF600  }
0x188: {  	_ =	swait.ge [sflag:s20], $0xA00  }
0x189: {  	p0 =	sne.s32 s1, $0x1;
	[sflag:s20] =	ssyncset.done $0x0  }
.Ltmp1:
0x18a: {  	[sflag:s20] =	ssyncadd.s32 $0xFFFFF600;
	(pc) =	sbr.rel @p0 .LBB2_1-.Ltmp1, $4  }
0x18b: {  	_ =	swait.ge [sflag:s20], $0xA00  }
0x18c: {  	[sflag:s20] =	ssyncset.done $0x0  }
0x18d: {  	[sflag:s20] =	ssyncadd.s32 $0xFFFFF600  }
0x18e: {  	s1 =	sadd.s32 $0xFFFFFFFF, s1;
	_ =	swait.ge [sflag:s20], $0xA00  }
.LBB2_2:
0x18f: {  	[sflag:s20] =	ssyncset.done $0x0  }
0x190: {  	[sflag:s20] =	ssyncadd.s32 $0xFFFFF600  }
0x191: {  	_ =	swait.ge [sflag:s20], $0xA00  }
0x192: {  	[sflag:s20] =	ssyncset.done $0x0  }
0x193: {  	[sflag:s20] =	ssyncadd.s32 $0xFFFFF600  }
0x194: {  	_ =	swait.ge [sflag:s20], $0xA00  }
0x195: {  	[sflag:s20] =	ssyncset.done $0x0  }
0x196: {  	[sflag:s20] =	ssyncadd.s32 $0xFFFFF600  }
0x197: {  	_ =	swait.ge [sflag:s20], $0xA00  }
0x198: {  	[sflag:s20] =	ssyncset.done $0x0  }
0x199: {  	[sflag:s20] =	ssyncadd.s32 $0xFFFFF600  }
0x19a: {  	_ =	swait.ge [sflag:s20], $0xA00  }
0x19b: {  	[sflag:s20] =	ssyncset.done $0x0  }
0x19c: {  	s0 =	rddreg [dreg:$0x4];
	[sflag:s20] =	ssyncadd.s32 $0xFFFFF600  }
0x19d: {  	[hbm4b:s0+s2] =	stream.linear.scatter [tilespmem:s4], [sflag:$0x2], $0x14000, $0x38;
	[tilespmem:$0x15000] =	vst v63  }
0x19e: {  	_ =	swait.ge [sflag:s3], $0x14000  }
0x19f: {  	[sflag:s3] =	ssyncset.done $0x0  }
0x1a0: {  	[sflag:s3] =	ssyncadd.s32 $0xFFFEC000  }
0x1a1: {  	_ =	sfence.sel $0x180000  }
0x1a2: {  	[bflag:$0x0] =	sbarrier.arrive $0xFFFF  }
0x1a3: {  	_ =	strace $0x90000047  }
0x1a4: {  	s31 =	stileid.u32;
	[bflag:$0x2] =	sbarrier.arrive $0xFFFF  }
0x1a5: {  	p0 =	sne.s32 s31, $0x0;
	s0 =	rddreg [dreg:$0x2]  }
0x1a6: {  	s0 =	sadd.s32 @!p0 $0x100000, s0  }
0x1a7: {  	[sflag:s0] =	ssyncadd.tile.s32 @!p0 $0x1;
	_ =	shalt  }
.Lfunc_end2:
_tile_overlayer_lowered:
.L_overlay_start_2:
0x1a8: {  	(tag) =	ssettag $0x2  }
0x1a9: {  	s0 =	rddreg [dreg:$0x0];
	s2 =	stileid.u32  }
0x1aa: {  	s1 =	rddreg [dreg:$0x1];
	p0 =	sne.s32 s2, $0x0  }
0x1ab: {  	s3 =	rddreg [dreg:$0x2];
	[bflag:$0x3] =	sbarrier.arrive $0xFFFF;
	s2 =	simm.s32 @!p0 $0x1C02  }
0x1ac: {  	[timem:s3], [sflag:s2] =	dma.local @!p0 [hbm:s0], s1  }
0x1ad: {  	s0 =	simm.s32 @!p0 $0x2  }
0x1ae: {  	_ =	swait.ge @!p0 [sflag:s0], s1  }
0x1af: {  	s1 =	ssub.s32 @!p0 $0x0, s1;
	[sflag:s0] =	ssyncset.done @!p0 $0x0  }
0x1b0: {  	[sflag:s0] =	ssyncadd.s32 @!p0 s1  }
0x1b1: {  	[bflag:$0x3] =	sbarrier.arrive $0xFFFF  }
0x1b2: {  	_ =	shalt  }

</sc_bundles>
